<compile_context>
chip_gen: v7x
topology: tpu7x:2x2x1
jax: 0.10.2.dev20260603
libtpu: 0.0.44.dev20260713+nightly
codegen_flags: <defaults>
</compile_context>

<pallas_src>
import functools

import jax
import jax.numpy as jnp
from jax import lax
from jax.experimental import pallas as pl
from jax.experimental.pallas import tpu as pltpu
from jax.experimental.pallas import tpu_sc as plsc

QC = 900 * 91
QCP = 81920
NV = QCP // 16
NB1 = 512
NB2 = 128
CAP = 6144
KOUT = 300
KPAD = 304


def _sigmoid_body(x_ref, o_ref):
    o_ref[...] = jax.nn.sigmoid(x_ref[...])


NROW = QCP // 128


def _probs_tc(flat_pad):
    rows = flat_pad.shape[0]
    return pl.pallas_call(
        _sigmoid_body,
        out_shape=jax.ShapeDtypeStruct((rows, 128), jnp.float32),
        grid=(4,),
        in_specs=[pl.BlockSpec((rows // 4, 128), lambda i: (i, 0))],
        out_specs=pl.BlockSpec((rows // 4, 128), lambda i: (i, 0)),
    )(flat_pad)


def _make_sc_topk():
    mesh = plsc.VectorSubcoreMesh(core_axis_name="c", subcore_axis_name="s")

    @functools.partial(
        pl.kernel,
        out_type=[
            jax.ShapeDtypeStruct((32, KPAD), jnp.float32),
            jax.ShapeDtypeStruct((32, KPAD), jnp.int32),
            jax.ShapeDtypeStruct((32, 4 * KPAD), jnp.float32),
        ],
        mesh=mesh,
        compiler_params=pltpu.CompilerParams(needs_layout_passes=False,
                                             use_tc_tiling_on_sc=True),
        scratch_types=[
            pltpu.VMEM((QCP,), jnp.float32),
            pltpu.VMEM((3600,), jnp.float32),
            pltpu.VMEM((16 * NB1,), jnp.int32),
            pltpu.VMEM((NB1 + 16,), jnp.int32),
            pltpu.VMEM((640,), jnp.int32),
            pltpu.VMEM((320,), jnp.int32),
            pltpu.VMEM((CAP + 16,), jnp.int32),
            pltpu.VMEM((KPAD,), jnp.float32),
            pltpu.VMEM((KPAD,), jnp.int32),
            pltpu.VMEM((4 * KPAD,), jnp.float32),
            pltpu.SMEM((KPAD,), jnp.int32),
            pltpu.SMEM((KPAD,), jnp.int32),
        ],
    )
    def sc_topk(prob_hbm, boxes_hbm, scores_hbm, labels_hbm, boxout_hbm,
                data, boxv, hist, tot, selbuf, eqbuf, candbuf,
                st_s, st_l, st_b, skey, sidx):
        w = lax.axis_index("s") * 2 + lax.axis_index("c")
        lane = jnp.arange(16, dtype=jnp.int32)
        zeros_i = jnp.zeros((16,), jnp.int32)
        ones_i = jnp.ones((16,), jnp.int32)

        pltpu.sync_copy(prob_hbm.at[pl.ds(w * QCP, QCP)], data)
        pltpu.sync_copy(boxes_hbm.at[w], boxv)

        def keys_at(i):
            return plsc.bitcast(data[pl.ds(i * 16, 16)], jnp.uint32)

        def gather_keys(iv):
            return plsc.bitcast(plsc.load_gather(data, [iv]), jnp.uint32)

        def zero_hist(nbins):
            @plsc.parallel_loop(0, nbins, unroll=8)
            def _(i):
                hist[pl.ds(i * 16, 16)] = zeros_i

        def find(nbins, target):
            ngr = nbins // 16

            @plsc.parallel_loop(0, ngr, unroll=2)
            def _(g):
                acc = zeros_i
                for l in range(16):
                    acc = acc + hist[pl.ds(l * nbins + g * 16, 16)]
                tot[pl.ds(g * 16, 16)] = acc
            tot[pl.ds(nbins, 16)] = zeros_i

            def s(gg, carry):
                g = ngr - 1 - gg
                tv = tot[pl.ds(g * 16, 16)]
                cs = plsc.cumsum(jnp.flip(tv, 0))
                tot[pl.ds(g * 16, 16)] = jnp.flip(cs, 0) + carry
                return carry + cs[15]
            lax.fori_loop(0, ngr, s, jnp.int32(0))

            def fb(g, best):
                sv = tot[pl.ds(g * 16, 16)]
                cand = jnp.where(sv >= target, g * 16 + lane, -1)
                return jnp.maximum(best, jnp.max(cand))
            b = lax.fori_loop(0, ngr, fb, jnp.int32(-1))
            above = tot[pl.ds(b + 1, 16)][0]
            return b, above

        zero_hist(NB1)
        laneoff1 = lane * NB1

        @plsc.parallel_loop(0, NV, unroll=16)
        def _(i):
            bn = (keys_at(i) >> 21).astype(jnp.int32)
            plsc.addupdate_scatter(hist, [laneoff1 + bn], ones_i)

        b1, ab1 = find(NB1, jnp.int32(KOUT))
        t2 = KOUT - ab1
        b1u = b1.astype(jnp.uint32)
        count_b1 = tot[pl.ds(b1, 16)][0] - ab1

        fifteen = jnp.full((16,), 15, jnp.int32)
        GRP = 8
        CAPG = CAP - (GRP * 16 - 16)

        gdn = lax.GatherDimensionNumbers(offset_dims=(),
                                         collapsed_slice_dims=(0,),
                                         start_index_map=(0,))

        def splat_last(cs):
            return lax.gather(cs, fifteen[:, None], gdn, (1,),
                              mode=lax.GatherScatterMode.PROMISE_IN_BOUNDS)

        def coll1(ii, carry):
            hi_v, c_v = carry
            gate = c_v < CAPG
            csh, csc, mh, mc, iv = [], [], [], [], []
            for s in range(GRP):
                i = ii * GRP + s
                top = keys_at(i) >> 21
                m_hi = top > b1u
                m_c = (top == b1u) & gate
                csh.append(plsc.cumsum(m_hi.astype(jnp.int32)))
                csc.append(plsc.cumsum(m_c.astype(jnp.int32)))
                mh.append(m_hi)
                mc.append(m_c)
                iv.append(i * 16 + lane)
            for s in range(GRP):
                plsc.store_scatter(selbuf, [hi_v + csh[s] - 1], iv[s],
                                   mask=mh[s])
                plsc.store_scatter(candbuf, [c_v + csc[s] - 1], iv[s],
                                   mask=mc[s])
                hi_v = hi_v + splat_last(csh[s])
                c_v = c_v + splat_last(csc[s])
            return hi_v, c_v
        hi_v, c_v = lax.fori_loop(0, NV // GRP, coll1, (zeros_i, zeros_i))
        c_hi, cur_c = hi_v[0], c_v[0]
        candbuf[pl.ds(cur_c, 16)] = jnp.full((16,), QC, jnp.int32)

        laneoff2 = lane * NB2

        def cand_keys(j):
            iv = candbuf[pl.ds(j * 16, 16)]
            return gather_keys(iv), iv

        def mid_small(_):
            ncv = (count_b1 + 15) // 16

            def histo_c(shift, pfx_shift, pfx):
                zero_hist(NB2)

                def hc(j, cc):
                    kv, _ = cand_keys(j)
                    m = (j * 16 + lane) < count_b1
                    if pfx_shift is not None:
                        m = m & ((kv >> pfx_shift) == pfx)
                    bn = ((kv >> shift) & 0x7F).astype(jnp.int32)
                    plsc.addupdate_scatter(hist, [laneoff2 + bn], ones_i,
                                           mask=m)
                    return cc
                lax.fori_loop(0, ncv, hc, 0)

            histo_c(14, None, None)
            b2, ab2 = find(NB2, t2)
            t3 = t2 - ab2
            p14 = (b1u << 7) | b2.astype(jnp.uint32)
            histo_c(7, 14, p14)
            b3, ab3 = find(NB2, t3)
            t4 = t3 - ab3
            p7 = (p14 << 7) | b3.astype(jnp.uint32)
            histo_c(0, 7, p7)
            b4, ab4 = find(NB2, t4)
            thr = (p7 << 7) | b4.astype(jnp.uint32)

            def cl(j, carry):
                cur_gt, cur_eq = carry
                kv, iv = cand_keys(j)
                valid = (j * 16 + lane) < count_b1
                m_gt = valid & (kv > thr)
                m_eq = (valid & (kv == thr)
                        & (jnp.broadcast_to(cur_eq, (16,)) < KPAD))
                plsc.store_compressed(selbuf.at[pl.ds(cur_gt, 16)], iv,
                                      mask=m_gt)
                plsc.store_compressed(eqbuf.at[pl.ds(cur_eq, 16)], iv,
                                      mask=m_eq)
                pg = plsc.all_reduce_population_count(m_gt)[0]
                pe = plsc.all_reduce_population_count(m_eq)[0]
                return cur_gt + pg, cur_eq + pe
            lax.fori_loop(0, ncv, cl, (c_hi, jnp.int32(0)))
            return ab2 + ab3 + ab4

        def mid_big(_):
            def histo_f(shift, pfx_shift, pfx):
                zero_hist(NB2)

                def hf(i, cc):
                    kv = keys_at(i)
                    m = (kv >> pfx_shift) == pfx
                    bn = ((kv >> shift) & 0x7F).astype(jnp.int32)
                    plsc.addupdate_scatter(hist, [laneoff2 + bn], ones_i,
                                           mask=m)
                    return cc
                lax.fori_loop(0, NV, hf, 0)

            histo_f(14, 21, b1u)
            b2, ab2 = find(NB2, t2)
            t3 = t2 - ab2
            p14 = (b1u << 7) | b2.astype(jnp.uint32)
            histo_f(7, 14, p14)
            b3, ab3 = find(NB2, t3)
            t4 = t3 - ab3
            p7 = (p14 << 7) | b3.astype(jnp.uint32)
            histo_f(0, 7, p7)
            b4, ab4 = find(NB2, t4)
            thr = (p7 << 7) | b4.astype(jnp.uint32)

            def cl(i, carry):
                cur_gt, cur_eq = carry
                kv = keys_at(i)
                iv = i * 16 + lane
                in_b1 = (kv >> 21) == b1u
                m_gt = in_b1 & (kv > thr)
                m_eq = (in_b1 & (kv == thr)
                        & (jnp.broadcast_to(cur_eq, (16,)) < KPAD))
                plsc.store_compressed(selbuf.at[pl.ds(cur_gt, 16)], iv,
                                      mask=m_gt)
                plsc.store_compressed(eqbuf.at[pl.ds(cur_eq, 16)], iv,
                                      mask=m_eq)
                pg = plsc.all_reduce_population_count(m_gt)[0]
                pe = plsc.all_reduce_population_count(m_eq)[0]
                return cur_gt + pg, cur_eq + pe
            lax.fori_loop(0, NV, cl, (c_hi, jnp.int32(0)))
            return ab2 + ab3 + ab4

        ab234 = lax.cond(count_b1 <= CAPG, mid_small, mid_big, 0)
        c = ab1 + ab234

        @plsc.parallel_loop(0, KPAD // 16, unroll=1)
        def _(t):
            selbuf[pl.ds(c + t * 16, 16)] = eqbuf[pl.ds(t * 16, 16)]
        selbuf[pl.ds(KOUT, 16)] = QC + lane

        @plsc.parallel_loop(0, KPAD // 16, unroll=1)
        def _(t):
            iv = selbuf[pl.ds(t * 16, 16)]
            kv = plsc.bitcast(gather_keys(iv), jnp.int32)
            for l in range(16):
                skey[t * 16 + l] = kv[l]
                sidx[t * 16 + l] = iv[l]

        @plsc.parallel_loop(0, KPAD // 16, unroll=1)
        def _(t):
            qi = selbuf[pl.ds(t * 16, 16)]
            qk = plsc.bitcast(gather_keys(qi), jnp.int32)

            def d(j, r):
                jj = j * 4
                for u in range(4):
                    dk = skey[jj + u]
                    di = sidx[jj + u]
                    beat = (dk > qk) | ((dk == qk) & (di < qi))
                    r = r + beat.astype(jnp.int32)
                return r
            rank = lax.fori_loop(0, KPAD // 4, d, zeros_i)

            score = plsc.bitcast(qk, jnp.float32)
            row = ((qi.astype(jnp.float32) + 0.5)
                   * jnp.float32(1.0 / 91.0)).astype(jnp.int32)
            row = jnp.minimum(row, 899)
            lab = qi - row * 91
            plsc.store_scatter(st_s, [rank], score)
            plsc.store_scatter(st_l, [rank], lab)
            for jb in range(4):
                bv = plsc.load_gather(boxv, [row * 4 + jb])
                plsc.store_scatter(st_b, [jb * KPAD + rank], bv)

        pltpu.sync_copy(st_s, scores_hbm.at[w])
        pltpu.sync_copy(st_l, labels_hbm.at[w])
        pltpu.sync_copy(st_b, boxout_hbm.at[w])

    return sc_topk


_sc_topk = _make_sc_topk()


def kernel(pred_logits, pred_boxes, target_sizes):
    del target_sizes
    b, q, cc = pred_logits.shape
    flat = pred_logits.reshape(b, q * cc)
    flat_pad = jnp.pad(flat, ((0, 0), (0, QCP - QC)),
                       constant_values=jnp.float32(-1e30))
    prob = _probs_tc(flat_pad.reshape(b * NROW, 128)).reshape(b * QCP)
    boxes_flat = pred_boxes.reshape(b, q * 4)
    scores_p, labels_p, boxes_p = _sc_topk(prob, boxes_flat)
    scores = scores_p[:, :KOUT]
    labels = labels_p[:, :KOUT]
    boxes = boxes_p.reshape(b, 4, KPAD)[:, :, :KOUT].transpose(0, 2, 1)
    return scores, labels, boxes

# --- scband reference (transcript-rebuilt; emitter-appended) ---
"""Pipeline reference for scband-post-processor-74466142978117 (READ-ONLY COPY).

The authoritative reference and input builder live on the scoring server;
editing this copy changes nothing except your own understanding.
"""

import jax, jax.numpy as jnp
import numpy as np

TOPK = 300

def setup_inputs(seed: int = 0) -> dict:
    key = jax.random.key(seed)
    k1, k2, k3 = jax.random.split(key, 3)
    pred_logits = jax.random.normal(k1, (32, 900, 91), dtype=jnp.float32)
    pred_boxes = jax.random.uniform(k2, (32, 900, 4), dtype=jnp.float32)
    target_sizes = jax.random.randint(k3, (32, 2), 0, 1333).astype(jnp.int64)
    return {"pred_logits": pred_logits, "pred_boxes": pred_boxes, "target_sizes": target_sizes}

def reference(pred_logits, pred_boxes, target_sizes):
    B, Q, C = pred_logits.shape
    prob = jax.nn.sigmoid(pred_logits)
    flat = prob.reshape(B, -1)
    topk_values, topk_indexes = jax.lax.top_k(flat, TOPK)
    scores = topk_values
    topk_boxes = topk_indexes // C
    labels = topk_indexes % C
    gather_idx = jnp.broadcast_to(topk_boxes[:, :, None], (B, TOPK, 4))
    boxes = jnp.take_along_axis(pred_boxes, gather_idx, axis=1)
    # original returns list of per-image dicts {scores, labels, boxes}; we return the stacked tensors
    return scores, labels, boxes

if __name__ == "__main__":
    import jax
    _d = setup_inputs()
    print(jax.jit(kernel)(*tuple(_d.values())))

</pallas_src>

<mosaic_0001>
#map = affine_map<(d0, d1) -> (0)>
#map1 = affine_map<(d0, d1) -> (0, 0)>
module attributes {stable_mosaic.version = 14 : i64} {
  func.func @sc_topk(%arg0: i32, %arg1: i32, %arg2: memref<2621440xf32, #tpu.memory_space<hbm>>, %arg3: memref<32x3600xf32, #tpu.memory_space<hbm>>, %arg4: memref<32x304xf32, #tpu.memory_space<hbm>>, %arg5: memref<32x304xi32, #tpu.memory_space<hbm>>, %arg6: memref<32x1216xf32, #tpu.memory_space<hbm>>, %arg7: memref<81920xf32, #tpu.memory_space<vmem>>, %arg8: memref<3600xf32, #tpu.memory_space<vmem>>, %arg9: memref<8192xi32, #tpu.memory_space<vmem>>, %arg10: memref<528xi32, #tpu.memory_space<vmem>>, %arg11: memref<640xi32, #tpu.memory_space<vmem>>, %arg12: memref<320xi32, #tpu.memory_space<vmem>>, %arg13: memref<6160xi32, #tpu.memory_space<vmem>>, %arg14: memref<304xf32, #tpu.memory_space<vmem>>, %arg15: memref<304xi32, #tpu.memory_space<vmem>>, %arg16: memref<1216xf32, #tpu.memory_space<vmem>>, %arg17: memref<304xi32, #tpu.memory_space<smem>>, %arg18: memref<304xi32, #tpu.memory_space<smem>>) attributes {dimension_semantics = [#tpu.dimension_semantics<core_parallel>, #tpu.dimension_semantics<subcore_parallel>], iteration_bounds = array<i64: 2, 16>, scalar_prefetch = 0 : i64, scratch_operands = 12 : i64, tpu.core_type = #tpu.core_type<sc_vector_subcore>, window_params = [{transform_indices = #map}, {transform_indices = #map1}, {transform_indices = #map1}, {transform_indices = #map1}, {transform_indices = #map1}]} {
    %mul3A = arith.constant 2 : i32
    %mul3A_0 = arith.muli %arg1, %mul3A : i32
    %add3A = arith.addi %mul3A_0, %arg0 : i32
    %iota3A = tpu.iota {dimensions = array<i32: 0>} : vector<16xi32>
    %broadcast_in_dim3A = arith.constant 0 : i32
    %broadcast_in_dim3A_1 = vector.broadcast %broadcast_in_dim3A : i32 to vector<16xi32>
    %broadcast_in_dim3A_2 = arith.constant 1 : i32
    %broadcast_in_dim3A_3 = vector.broadcast %broadcast_in_dim3A_2 : i32 to vector<16xi32>
    %mul3A_4 = arith.constant 81920 : i32
    %mul3A_5 = arith.muli %add3A, %mul3A_4 : i32
    "tpu.region"() ({
      %run_scoped3A = tpu.sem_alloc : memref<!tpu.dma_semaphore, #tpu.memory_space<semaphore_mem>>
      %dma_start3A = tpu.memref_slice %arg2[%mul3A_5] : memref<2621440xf32, #tpu.memory_space<hbm>> -> memref<81920xf32, #tpu.memory_space<hbm>>
      %dma_start3A_79 = tpu.memref_slice %arg2[%mul3A_5] : memref<2621440xf32, #tpu.memory_space<hbm>> -> memref<81920xf32, #tpu.memory_space<hbm>>
      tpu.enqueue_dma source(%dma_start3A_79 : memref<81920xf32, #tpu.memory_space<hbm>>) target(%arg7 : memref<81920xf32, #tpu.memory_space<vmem>>) target_semaphore(%run_scoped3A : memref<!tpu.dma_semaphore, #tpu.memory_space<semaphore_mem>>)
      %dma_wait3A = tpu.memref_slice %arg2[%mul3A_5] : memref<2621440xf32, #tpu.memory_space<hbm>> -> memref<81920xf32, #tpu.memory_space<hbm>>
      %dma_wait3A_80 = tpu.memref_slice %arg2[%mul3A_5] : memref<2621440xf32, #tpu.memory_space<hbm>> -> memref<81920xf32, #tpu.memory_space<hbm>>
      tpu.wait_dma2 semaphore(%run_scoped3A : memref<!tpu.dma_semaphore, #tpu.memory_space<semaphore_mem>>) src(%dma_wait3A_80 : memref<81920xf32, #tpu.memory_space<hbm>>) dst(%arg7 : memref<81920xf32, #tpu.memory_space<vmem>>)
      tpu.yield
    }) : () -> ()
    "tpu.region"() ({
      %run_scoped3A = tpu.sem_alloc : memref<!tpu.dma_semaphore, #tpu.memory_space<semaphore_mem>>
      %dma_start3A = arith.constant 0 : i32
      %dma_start3A_79 = tpu.memref_slice %arg3[%add3A, %dma_start3A] : memref<32x3600xf32, #tpu.memory_space<hbm>> -> memref<1x3600xf32, #tpu.memory_space<hbm>>
      %dma_start3A_80 = tpu.memref_squeeze %dma_start3A_79 : memref<1x3600xf32, #tpu.memory_space<hbm>> -> memref<3600xf32, #tpu.memory_space<hbm>>
      %dma_start3A_81 = arith.constant 0 : i32
      %dma_start3A_82 = tpu.memref_slice %arg3[%add3A, %dma_start3A_81] : memref<32x3600xf32, #tpu.memory_space<hbm>> -> memref<1x3600xf32, #tpu.memory_space<hbm>>
      %dma_start3A_83 = tpu.memref_squeeze %dma_start3A_82 : memref<1x3600xf32, #tpu.memory_space<hbm>> -> memref<3600xf32, #tpu.memory_space<hbm>>
      tpu.enqueue_dma source(%dma_start3A_83 : memref<3600xf32, #tpu.memory_space<hbm>>) target(%arg8 : memref<3600xf32, #tpu.memory_space<vmem>>) target_semaphore(%run_scoped3A : memref<!tpu.dma_semaphore, #tpu.memory_space<semaphore_mem>>)
      %dma_wait3A = arith.constant 0 : i32
      %dma_wait3A_84 = tpu.memref_slice %arg3[%add3A, %dma_wait3A] : memref<32x3600xf32, #tpu.memory_space<hbm>> -> memref<1x3600xf32, #tpu.memory_space<hbm>>
      %dma_wait3A_85 = tpu.memref_squeeze %dma_wait3A_84 : memref<1x3600xf32, #tpu.memory_space<hbm>> -> memref<3600xf32, #tpu.memory_space<hbm>>
      %dma_wait3A_86 = arith.constant 0 : i32
      %dma_wait3A_87 = tpu.memref_slice %arg3[%add3A, %dma_wait3A_86] : memref<32x3600xf32, #tpu.memory_space<hbm>> -> memref<1x3600xf32, #tpu.memory_space<hbm>>
      %dma_wait3A_88 = tpu.memref_squeeze %dma_wait3A_87 : memref<1x3600xf32, #tpu.memory_space<hbm>> -> memref<3600xf32, #tpu.memory_space<hbm>>
      tpu.wait_dma2 semaphore(%run_scoped3A : memref<!tpu.dma_semaphore, #tpu.memory_space<semaphore_mem>>) src(%dma_wait3A_88 : memref<3600xf32, #tpu.memory_space<hbm>>) dst(%arg8 : memref<3600xf32, #tpu.memory_space<vmem>>)
      tpu.yield
    }) : () -> ()
    %parallel_loop3A = arith.constant 0 : i32
    %parallel_loop3A_6 = arith.constant 512 : i32
    %parallel_loop3A_7 = arith.constant 1 : i32
    scf.for %parallel_loop3A_79 = %parallel_loop3A to %parallel_loop3A_6 step %parallel_loop3A_7  : i32 {
      %parallel_loop3A_80 = arith.constant 16 : i32
      %parallel_loop3A_81 = arith.muli %parallel_loop3A_79, %parallel_loop3A_80 : i32
      %parallel_loop3A_82 = arith.index_cast %parallel_loop3A_81 : i32 to index
      %parallel_loop3A_83 = tpu.vector_load %arg9[%parallel_loop3A_82] {strides = array<i32>} : memref<8192xi32, #tpu.memory_space<vmem>>, vector<16xi32>,
      tpu.vector_store %arg9[%parallel_loop3A_82], %broadcast_in_dim3A_1 {strides = array<i32>} : memref<8192xi32, #tpu.memory_space<vmem>>, vector<16xi32>,
    } {sc.loop_unroll_factor = 8 : i64, sc.parallel_access}
    %mul3A_8 = arith.constant 512 : i32
    %mul3A_9 = vector.broadcast %mul3A_8 : i32 to vector<16xi32>
    %mul3A_10 = arith.muli %iota3A, %mul3A_9 : vector<16xi32>
    %parallel_loop3A_11 = arith.constant 0 : i32
    %parallel_loop3A_12 = arith.constant 5120 : i32
    %parallel_loop3A_13 = arith.constant 1 : i32
    scf.for %parallel_loop3A_79 = %parallel_loop3A_11 to %parallel_loop3A_12 step %parallel_loop3A_13  : i32 {
      %parallel_loop3A_80 = arith.constant 16 : i32
      %parallel_loop3A_81 = arith.muli %parallel_loop3A_79, %parallel_loop3A_80 : i32
      %parallel_loop3A_82 = arith.index_cast %parallel_loop3A_81 : i32 to index
      %parallel_loop3A_83 = tpu.vector_load %arg7[%parallel_loop3A_82] {strides = array<i32>} : memref<81920xf32, #tpu.memory_space<vmem>>, vector<16xf32>,
      %parallel_loop3A_84 = vector.bitcast %parallel_loop3A_83 : vector<16xf32> to vector<16xi32>
      %parallel_loop3A_85 = arith.constant 21 : i32
      %parallel_loop3A_86 = vector.broadcast %parallel_loop3A_85 : i32 to vector<16xi32>
      %parallel_loop3A_87 = arith.shrui %parallel_loop3A_84, %parallel_loop3A_86 : vector<16xi32>
      %parallel_loop3A_88 = arith.addi %mul3A_10, %parallel_loop3A_87 : vector<16xi32>
      tpu.vector_store_idx %arg9[%parallel_loop3A_88], %broadcast_in_dim3A_3 {add = true} : memref<8192xi32, #tpu.memory_space<vmem>>[vector<16xi32>], vector<16xi32>,
    } {sc.loop_unroll_factor = 16 : i64, sc.parallel_access}
    %parallel_loop3A_14 = arith.constant 0 : i32
    %parallel_loop3A_15 = arith.constant 32 : i32
    %parallel_loop3A_16 = arith.constant 1 : i32
    scf.for %parallel_loop3A_79 = %parallel_loop3A_14 to %parallel_loop3A_15 step %parallel_loop3A_16  : i32 {
      %parallel_loop3A_80 = arith.constant 16 : i32
      %parallel_loop3A_81 = arith.muli %parallel_loop3A_79, %parallel_loop3A_80 : i32
      %parallel_loop3A_82 = arith.constant 0 : i32
      %parallel_loop3A_83 = arith.addi %parallel_loop3A_82, %parallel_loop3A_81 : i32
      %parallel_loop3A_84 = arith.index_cast %parallel_loop3A_83 : i32 to index
      %parallel_loop3A_85 = tpu.vector_load %arg9[%parallel_loop3A_84] {strides = array<i32>} : memref<8192xi32, #tpu.memory_space<vmem>>, vector<16xi32>,
      %parallel_loop3A_86 = arith.addi %broadcast_in_dim3A_1, %parallel_loop3A_85 : vector<16xi32>
      %parallel_loop3A_87 = arith.constant 16 : i32
      %parallel_loop3A_88 = arith.muli %parallel_loop3A_79, %parallel_loop3A_87 : i32
      %parallel_loop3A_89 = arith.constant 512 : i32
      %parallel_loop3A_90 = arith.addi %parallel_loop3A_89, %parallel_loop3A_88 : i32
      %parallel_loop3A_91 = arith.index_cast %parallel_loop3A_90 : i32 to index
      %parallel_loop3A_92 = tpu.vector_load %arg9[%parallel_loop3A_91] {strides = array<i32>} : memref<8192xi32, #tpu.memory_space<vmem>>, vector<16xi32>,
      %parallel_loop3A_93 = arith.addi %parallel_loop3A_86, %parallel_loop3A_92 : vector<16xi32>
      %parallel_loop3A_94 = arith.constant 16 : i32
      %parallel_loop3A_95 = arith.muli %parallel_loop3A_79, %parallel_loop3A_94 : i32
      %parallel_loop3A_96 = arith.constant 1024 : i32
      %parallel_loop3A_97 = arith.addi %parallel_loop3A_96, %parallel_loop3A_95 : i32
      %parallel_loop3A_98 = arith.index_cast %parallel_loop3A_97 : i32 to index
      %parallel_loop3A_99 = tpu.vector_load %arg9[%parallel_loop3A_98] {strides = array<i32>} : memref<8192xi32, #tpu.memory_space<vmem>>, vector<16xi32>,
      %parallel_loop3A_100 = arith.addi %parallel_loop3A_93, %parallel_loop3A_99 : vector<16xi32>
      %parallel_loop3A_101 = arith.constant 16 : i32
      %parallel_loop3A_102 = arith.muli %parallel_loop3A_79, %parallel_loop3A_101 : i32
      %parallel_loop3A_103 = arith.constant 1536 : i32
      %parallel_loop3A_104 = arith.addi %parallel_loop3A_103, %parallel_loop3A_102 : i32
      %parallel_loop3A_105 = arith.index_cast %parallel_loop3A_104 : i32 to index
      %parallel_loop3A_106 = tpu.vector_load %arg9[%parallel_loop3A_105] {strides = array<i32>} : memref<8192xi32, #tpu.memory_space<vmem>>, vector<16xi32>,
      %parallel_loop3A_107 = arith.addi %parallel_loop3A_100, %parallel_loop3A_106 : vector<16xi32>
      %parallel_loop3A_108 = arith.constant 16 : i32
      %parallel_loop3A_109 = arith.muli %parallel_loop3A_79, %parallel_loop3A_108 : i32
      %parallel_loop3A_110 = arith.constant 2048 : i32
      %parallel_loop3A_111 = arith.addi %parallel_loop3A_110, %parallel_loop3A_109 : i32
      %parallel_loop3A_112 = arith.index_cast %parallel_loop3A_111 : i32 to index
      %parallel_loop3A_113 = tpu.vector_load %arg9[%parallel_loop3A_112] {strides = array<i32>} : memref<8192xi32, #tpu.memory_space<vmem>>, vector<16xi32>,
      %parallel_loop3A_114 = arith.addi %parallel_loop3A_107, %parallel_loop3A_113 : vector<16xi32>
      %parallel_loop3A_115 = arith.constant 16 : i32
      %parallel_loop3A_116 = arith.muli %parallel_loop3A_79, %parallel_loop3A_115 : i32
      %parallel_loop3A_117 = arith.constant 2560 : i32
      %parallel_loop3A_118 = arith.addi %parallel_loop3A_117, %parallel_loop3A_116 : i32
      %parallel_loop3A_119 = arith.index_cast %parallel_loop3A_118 : i32 to index
      %parallel_loop3A_120 = tpu.vector_load %arg9[%parallel_loop3A_119] {strides = array<i32>} : memref<8192xi32, #tpu.memory_space<vmem>>, vector<16xi32>,
      %parallel_loop3A_121 = arith.addi %parallel_loop3A_114, %parallel_loop3A_120 : vector<16xi32>
      %parallel_loop3A_122 = arith.constant 16 : i32
      %parallel_loop3A_123 = arith.muli %parallel_loop3A_79, %parallel_loop3A_122 : i32
      %parallel_loop3A_124 = arith.constant 3072 : i32
      %parallel_loop3A_125 = arith.addi %parallel_loop3A_124, %parallel_loop3A_123 : i32
      %parallel_loop3A_126 = arith.index_cast %parallel_loop3A_125 : i32 to index
      %parallel_loop3A_127 = tpu.vector_load %arg9[%parallel_loop3A_126] {strides = array<i32>} : memref<8192xi32, #tpu.memory_space<vmem>>, vector<16xi32>,
      %parallel_loop3A_128 = arith.addi %parallel_loop3A_121, %parallel_loop3A_127 : vector<16xi32>
      %parallel_loop3A_129 = arith.constant 16 : i32
      %parallel_loop3A_130 = arith.muli %parallel_loop3A_79, %parallel_loop3A_129 : i32
      %parallel_loop3A_131 = arith.constant 3584 : i32
      %parallel_loop3A_132 = arith.addi %parallel_loop3A_131, %parallel_loop3A_130 : i32
      %parallel_loop3A_133 = arith.index_cast %parallel_loop3A_132 : i32 to index
      %parallel_loop3A_134 = tpu.vector_load %arg9[%parallel_loop3A_133] {strides = array<i32>} : memref<8192xi32, #tpu.memory_space<vmem>>, vector<16xi32>,
      %parallel_loop3A_135 = arith.addi %parallel_loop3A_128, %parallel_loop3A_134 : vector<16xi32>
      %parallel_loop3A_136 = arith.constant 16 : i32
      %parallel_loop3A_137 = arith.muli %parallel_loop3A_79, %parallel_loop3A_136 : i32
      %parallel_loop3A_138 = arith.constant 4096 : i32
      %parallel_loop3A_139 = arith.addi %parallel_loop3A_138, %parallel_loop3A_137 : i32
      %parallel_loop3A_140 = arith.index_cast %parallel_loop3A_139 : i32 to index
      %parallel_loop3A_141 = tpu.vector_load %arg9[%parallel_loop3A_140] {strides = array<i32>} : memref<8192xi32, #tpu.memory_space<vmem>>, vector<16xi32>,
      %parallel_loop3A_142 = arith.addi %parallel_loop3A_135, %parallel_loop3A_141 : vector<16xi32>
      %parallel_loop3A_143 = arith.constant 16 : i32
      %parallel_loop3A_144 = arith.muli %parallel_loop3A_79, %parallel_loop3A_143 : i32
      %parallel_loop3A_145 = arith.constant 4608 : i32
      %parallel_loop3A_146 = arith.addi %parallel_loop3A_145, %parallel_loop3A_144 : i32
      %parallel_loop3A_147 = arith.index_cast %parallel_loop3A_146 : i32 to index
      %parallel_loop3A_148 = tpu.vector_load %arg9[%parallel_loop3A_147] {strides = array<i32>} : memref<8192xi32, #tpu.memory_space<vmem>>, vector<16xi32>,
      %parallel_loop3A_149 = arith.addi %parallel_loop3A_142, %parallel_loop3A_148 : vector<16xi32>
      %parallel_loop3A_150 = arith.constant 16 : i32
      %parallel_loop3A_151 = arith.muli %parallel_loop3A_79, %parallel_loop3A_150 : i32
      %parallel_loop3A_152 = arith.constant 5120 : i32
      %parallel_loop3A_153 = arith.addi %parallel_loop3A_152, %parallel_loop3A_151 : i32
      %parallel_loop3A_154 = arith.index_cast %parallel_loop3A_153 : i32 to index
      %parallel_loop3A_155 = tpu.vector_load %arg9[%parallel_loop3A_154] {strides = array<i32>} : memref<8192xi32, #tpu.memory_space<vmem>>, vector<16xi32>,
      %parallel_loop3A_156 = arith.addi %parallel_loop3A_149, %parallel_loop3A_155 : vector<16xi32>
      %parallel_loop3A_157 = arith.constant 16 : i32
      %parallel_loop3A_158 = arith.muli %parallel_loop3A_79, %parallel_loop3A_157 : i32
      %parallel_loop3A_159 = arith.constant 5632 : i32
      %parallel_loop3A_160 = arith.addi %parallel_loop3A_159, %parallel_loop3A_158 : i32
      %parallel_loop3A_161 = arith.index_cast %parallel_loop3A_160 : i32 to index
      %parallel_loop3A_162 = tpu.vector_load %arg9[%parallel_loop3A_161] {strides = array<i32>} : memref<8192xi32, #tpu.memory_space<vmem>>, vector<16xi32>,
      %parallel_loop3A_163 = arith.addi %parallel_loop3A_156, %parallel_loop3A_162 : vector<16xi32>
      %parallel_loop3A_164 = arith.constant 16 : i32
      %parallel_loop3A_165 = arith.muli %parallel_loop3A_79, %parallel_loop3A_164 : i32
      %parallel_loop3A_166 = arith.constant 6144 : i32
      %parallel_loop3A_167 = arith.addi %parallel_loop3A_166, %parallel_loop3A_165 : i32
      %parallel_loop3A_168 = arith.index_cast %parallel_loop3A_167 : i32 to index
      %parallel_loop3A_169 = tpu.vector_load %arg9[%parallel_loop3A_168] {strides = array<i32>} : memref<8192xi32, #tpu.memory_space<vmem>>, vector<16xi32>,
      %parallel_loop3A_170 = arith.addi %parallel_loop3A_163, %parallel_loop3A_169 : vector<16xi32>
      %parallel_loop3A_171 = arith.constant 16 : i32
      %parallel_loop3A_172 = arith.muli %parallel_loop3A_79, %parallel_loop3A_171 : i32
      %parallel_loop3A_173 = arith.constant 6656 : i32
      %parallel_loop3A_174 = arith.addi %parallel_loop3A_173, %parallel_loop3A_172 : i32
      %parallel_loop3A_175 = arith.index_cast %parallel_loop3A_174 : i32 to index
      %parallel_loop3A_176 = tpu.vector_load %arg9[%parallel_loop3A_175] {strides = array<i32>} : memref<8192xi32, #tpu.memory_space<vmem>>, vector<16xi32>,
      %parallel_loop3A_177 = arith.addi %parallel_loop3A_170, %parallel_loop3A_176 : vector<16xi32>
      %parallel_loop3A_178 = arith.constant 16 : i32
      %parallel_loop3A_179 = arith.muli %parallel_loop3A_79, %parallel_loop3A_178 : i32
      %parallel_loop3A_180 = arith.constant 7168 : i32
      %parallel_loop3A_181 = arith.addi %parallel_loop3A_180, %parallel_loop3A_179 : i32
      %parallel_loop3A_182 = arith.index_cast %parallel_loop3A_181 : i32 to index
      %parallel_loop3A_183 = tpu.vector_load %arg9[%parallel_loop3A_182] {strides = array<i32>} : memref<8192xi32, #tpu.memory_space<vmem>>, vector<16xi32>,
      %parallel_loop3A_184 = arith.addi %parallel_loop3A_177, %parallel_loop3A_183 : vector<16xi32>
      %parallel_loop3A_185 = arith.constant 16 : i32
      %parallel_loop3A_186 = arith.muli %parallel_loop3A_79, %parallel_loop3A_185 : i32
      %parallel_loop3A_187 = arith.constant 7680 : i32
      %parallel_loop3A_188 = arith.addi %parallel_loop3A_187, %parallel_loop3A_186 : i32
      %parallel_loop3A_189 = arith.index_cast %parallel_loop3A_188 : i32 to index
      %parallel_loop3A_190 = tpu.vector_load %arg9[%parallel_loop3A_189] {strides = array<i32>} : memref<8192xi32, #tpu.memory_space<vmem>>, vector<16xi32>,
      %parallel_loop3A_191 = arith.addi %parallel_loop3A_184, %parallel_loop3A_190 : vector<16xi32>
      %parallel_loop3A_192 = arith.constant 16 : i32
      %parallel_loop3A_193 = arith.muli %parallel_loop3A_79, %parallel_loop3A_192 : i32
      %parallel_loop3A_194 = arith.index_cast %parallel_loop3A_193 : i32 to index
      %parallel_loop3A_195 = tpu.vector_load %arg10[%parallel_loop3A_194] {strides = array<i32>} : memref<528xi32, #tpu.memory_space<vmem>>, vector<16xi32>,
      tpu.vector_store %arg10[%parallel_loop3A_194], %parallel_loop3A_191 {strides = array<i32>} : memref<528xi32, #tpu.memory_space<vmem>>, vector<16xi32>,
    } {sc.loop_unroll_factor = 2 : i64, sc.parallel_access}
    %swap3A = arith.constant 512 : index
    %swap3A_17 = tpu.vector_load %arg10[%swap3A] {strides = array<i32>} : memref<528xi32, #tpu.memory_space<vmem>>, vector<16xi32>,
    tpu.vector_store %arg10[%swap3A], %broadcast_in_dim3A_1 {strides = array<i32>} : memref<528xi32, #tpu.memory_space<vmem>>, vector<16xi32>,
    %scan3A = arith.constant 0 : i32
    %scan3A_18 = arith.constant 0 : i32
    %scan3A_19 = arith.constant 32 : i32
    %scan3A_20 = arith.addi %scan3A_18, %scan3A_19 : i32
    %scan3A_21 = arith.constant 1 : i32
    %scan3A_22 = scf.for %scan3A_79 = %scan3A_18 to %scan3A_20 step %scan3A_21 iter_args(%scan3A_80 = %scan3A) -> (i32)  : i32 {
      %sub3A_81 = arith.constant 31 : i32
      %sub3A_82 = arith.subi %sub3A_81, %scan3A_79 : i32
      %mul3A_83 = arith.constant 16 : i32
      %mul3A_84 = arith.muli %sub3A_82, %mul3A_83 : i32
      %get3A_85 = arith.index_cast %mul3A_84 : i32 to index
      %get3A_86 = tpu.vector_load %arg10[%get3A_85] {strides = array<i32>} : memref<528xi32, #tpu.memory_space<vmem>>, vector<16xi32>,
      %rev3A = arith.constant 15 : i32
      %rev3A_87 = vector.broadcast %rev3A : i32 to vector<16xi32>
      %rev3A_88 = tpu.iota {dimensions = array<i32: 0>} : vector<16xi32>
      %rev3A_89 = arith.subi %rev3A_87, %rev3A_88 : vector<16xi32>
      %rev3A_90 = tpu.dynamic_gather %get3A_86[%rev3A_89] in [0] : vector<16xi32>, vector<16xi32> -> vector<16xi32>
      %broadcast_in_dim3A_91 = arith.constant true
      %broadcast_in_dim3A_92 = vector.broadcast %broadcast_in_dim3A_91 : i1 to vector<16xi1>
      %masked_cumsum3A = tpu.scan <sum>, %rev3A_90 masked %broadcast_in_dim3A_92 : vector<16xi32>, vector<16xi1> -> vector<16xi32>
      %rev3A_93 = arith.constant 15 : i32
      %rev3A_94 = vector.broadcast %rev3A_93 : i32 to vector<16xi32>
      %rev3A_95 = tpu.iota {dimensions = array<i32: 0>} : vector<16xi32>
      %rev3A_96 = arith.subi %rev3A_94, %rev3A_95 : vector<16xi32>
      %rev3A_97 = tpu.dynamic_gather %masked_cumsum3A[%rev3A_96] in [0] : vector<16xi32>, vector<16xi32> -> vector<16xi32>
      %add3A_98 = vector.broadcast %scan3A_80 : i32 to vector<16xi32>
      %add3A_99 = arith.addi %rev3A_97, %add3A_98 : vector<16xi32>
      %mul3A_100 = arith.constant 16 : i32
      %mul3A_101 = arith.muli %sub3A_82, %mul3A_100 : i32
      %swap3A_102 = arith.index_cast %mul3A_101 : i32 to index
      %swap3A_103 = tpu.vector_load %arg10[%swap3A_102] {strides = array<i32>} : memref<528xi32, #tpu.memory_space<vmem>>, vector<16xi32>,
      tpu.vector_store %arg10[%swap3A_102], %add3A_99 {strides = array<i32>} : memref<528xi32, #tpu.memory_space<vmem>>, vector<16xi32>,
      %slice3A_104 = vector.extract_strided_slice %masked_cumsum3A {offsets = [15], sizes = [1], strides = [1]} : vector<16xi32> to vector<1xi32>
      %squeeze3A_105 = vector.extract %slice3A_104[0] : i32 from vector<1xi32>
      %add3A_106 = arith.addi %scan3A_80, %squeeze3A_105 : i32
      scf.yield %add3A_106 : i32
    }
    %scan3A_23 = arith.constant 32 : i32
    %scan3A_24 = arith.constant 300 : i32
    %scan3A_25 = arith.constant -1 : i32
    %scan3A_26 = arith.constant 0 : i32
    %scan3A_27 = arith.constant 32 : i32
    %scan3A_28 = arith.addi %scan3A_26, %scan3A_27 : i32
    %scan3A_29 = arith.constant 1 : i32
    %scan3A_30 = scf.for %scan3A_79 = %scan3A_26 to %scan3A_28 step %scan3A_29 iter_args(%scan3A_80 = %scan3A_25) -> (i32)  : i32 {
      %mul3A_81 = arith.constant 16 : i32
      %mul3A_82 = arith.muli %scan3A_79, %mul3A_81 : i32
      %get3A_83 = arith.index_cast %mul3A_82 : i32 to index
      %get3A_84 = tpu.vector_load %arg10[%get3A_83] {strides = array<i32>} : memref<528xi32, #tpu.memory_space<vmem>>, vector<16xi32>,
      %ge3A = vector.broadcast %scan3A_24 : i32 to vector<16xi32>
      %ge3A_85 = arith.cmpi sge, %get3A_84, %ge3A : vector<16xi32>
      %mul3A_86 = arith.constant 16 : i32
      %mul3A_87 = arith.muli %scan3A_79, %mul3A_86 : i32
      %add3A_88 = vector.broadcast %mul3A_87 : i32 to vector<16xi32>
      %add3A_89 = arith.addi %add3A_88, %iota3A : vector<16xi32>
      %jit3A = arith.constant -1 : i32
      %broadcast_in_dim3A_90 = vector.broadcast %jit3A : i32 to vector<16xi32>
      %select_n3A = arith.select %ge3A_85, %add3A_89, %broadcast_in_dim3A_90 : vector<16xi1>, vector<16xi32>
      %reduce_max3A = arith.constant true
      %reduce_max3A_91 = vector.broadcast %reduce_max3A : i1 to vector<16xi1>
      %reduce_max3A_92 = arith.constant -2147483648 : i32
      %reduce_max3A_93 = vector.broadcast %reduce_max3A_92 : i32 to vector<16xi32>
      %reduce_max3A_94 = arith.xori %select_n3A, %reduce_max3A_93 : vector<16xi32>
      %reduce_max3A_95 = tpu.scan <max>, %reduce_max3A_94 masked %reduce_max3A_91 : vector<16xi32>, vector<16xi1> -> vector<16xi32>
      %reduce_max3A_96 = arith.xori %reduce_max3A_95, %reduce_max3A_93 : vector<16xi32>
      %reduce_max3A_97 = vector.extract %reduce_max3A_96[15] : i32 from vector<16xi32>
      %max3A = arith.maxsi %scan3A_80, %reduce_max3A_97 : i32
      scf.yield %max3A : i32
    }
    %scan3A_31 = arith.constant 32 : i32
    %add3A_32 = arith.constant 1 : i32
    %add3A_33 = arith.addi %scan3A_30, %add3A_32 : i32
    %get3A = arith.index_cast %add3A_33 : i32 to index
    %get3A_34 = tpu.vector_load %arg10[%get3A] {strides = array<i32>} : memref<528xi32, #tpu.memory_space<vmem>>, vector<16xi32>,
    %slice3A = vector.extract_strided_slice %get3A_34 {offsets = [0], sizes = [1], strides = [1]} : vector<16xi32> to vector<1xi32>
    %squeeze3A = vector.extract %slice3A[0] : i32 from vector<1xi32>
    %sub3A = arith.constant 300 : i32
    %sub3A_35 = arith.subi %sub3A, %squeeze3A : i32
    %get3A_36 = arith.index_cast %scan3A_30 : i32 to index
    %get3A_37 = tpu.vector_load %arg10[%get3A_36] {strides = array<i32>} : memref<528xi32, #tpu.memory_space<vmem>>, vector<16xi32>,
    %slice3A_38 = vector.extract_strided_slice %get3A_37 {offsets = [0], sizes = [1], strides = [1]} : vector<16xi32> to vector<1xi32>
    %squeeze3A_39 = vector.extract %slice3A_38[0] : i32 from vector<1xi32>
    %sub3A_40 = arith.subi %squeeze3A_39, %squeeze3A : i32
    %broadcast_in_dim3A_41 = arith.constant 15 : i32
    %broadcast_in_dim3A_42 = vector.broadcast %broadcast_in_dim3A_41 : i32 to vector<16xi32>
    %scan3A_43 = arith.constant 0 : i32
    %scan3A_44 = arith.constant 640 : i32
    %scan3A_45 = arith.addi %scan3A_43, %scan3A_44 : i32
    %scan3A_46 = arith.constant 1 : i32
    %scan3A_47:2 = scf.for %scan3A_79 = %scan3A_43 to %scan3A_45 step %scan3A_46 iter_args(%scan3A_80 = %broadcast_in_dim3A_1, %scan3A_81 = %broadcast_in_dim3A_1) -> (vector<16xi32>, vector<16xi32>)  : i32 {
      %lt3A = arith.constant 6032 : i32
      %lt3A_82 = vector.broadcast %lt3A : i32 to vector<16xi32>
      %lt3A_83 = arith.cmpi slt, %scan3A_81, %lt3A_82 : vector<16xi32>
      %mul3A_84 = arith.constant 8 : i32
      %mul3A_85 = arith.muli %scan3A_79, %mul3A_84 : i32
      %add3A_86 = arith.constant 0 : i32
      %add3A_87 = arith.addi %mul3A_85, %add3A_86 : i32
      %mul3A_88 = arith.constant 16 : i32
      %mul3A_89 = arith.muli %add3A_87, %mul3A_88 : i32
      %get3A_90 = arith.index_cast %mul3A_89 : i32 to index
      %get3A_91 = tpu.vector_load %arg7[%get3A_90] {strides = array<i32>} : memref<81920xf32, #tpu.memory_space<vmem>>, vector<16xf32>,
      %bitcast3A = vector.bitcast %get3A_91 : vector<16xf32> to vector<16xi32>
      %shift_right_logical3A = arith.constant 21 : i32
      %shift_right_logical3A_92 = vector.broadcast %shift_right_logical3A : i32 to vector<16xi32>
      %shift_right_logical3A_93 = arith.shrui %bitcast3A, %shift_right_logical3A_92 : vector<16xi32>
      %gt3A = vector.broadcast %scan3A_30 : i32 to vector<16xi32>
      %gt3A_94 = arith.cmpi ugt, %shift_right_logical3A_93, %gt3A : vector<16xi32>
      %eq3A = vector.broadcast %scan3A_30 : i32 to vector<16xi32>
      %eq3A_95 = arith.cmpi eq, %shift_right_logical3A_93, %eq3A : vector<16xi32>
      %and3A = arith.andi %eq3A_95, %lt3A_83 : vector<16xi1>
      %convert_element_type3A_96 = arith.extui %gt3A_94 : vector<16xi1> to vector<16xi32>
      %broadcast_in_dim3A_97 = arith.constant true
      %broadcast_in_dim3A_98 = vector.broadcast %broadcast_in_dim3A_97 : i1 to vector<16xi1>
      %masked_cumsum3A = tpu.scan <sum>, %convert_element_type3A_96 masked %broadcast_in_dim3A_98 : vector<16xi32>, vector<16xi1> -> vector<16xi32>
      %convert_element_type3A_99 = arith.extui %and3A : vector<16xi1> to vector<16xi32>
      %broadcast_in_dim3A_100 = arith.constant true
      %broadcast_in_dim3A_101 = vector.broadcast %broadcast_in_dim3A_100 : i1 to vector<16xi1>
      %masked_cumsum3A_102 = tpu.scan <sum>, %convert_element_type3A_99 masked %broadcast_in_dim3A_101 : vector<16xi32>, vector<16xi1> -> vector<16xi32>
      %mul3A_103 = arith.constant 16 : i32
      %mul3A_104 = arith.muli %add3A_87, %mul3A_103 : i32
      %add3A_105 = vector.broadcast %mul3A_104 : i32 to vector<16xi32>
      %add3A_106 = arith.addi %add3A_105, %iota3A : vector<16xi32>
      %mul3A_107 = arith.constant 8 : i32
      %mul3A_108 = arith.muli %scan3A_79, %mul3A_107 : i32
      %add3A_109 = arith.constant 1 : i32
      %add3A_110 = arith.addi %mul3A_108, %add3A_109 : i32
      %mul3A_111 = arith.constant 16 : i32
      %mul3A_112 = arith.muli %add3A_110, %mul3A_111 : i32
      %get3A_113 = arith.index_cast %mul3A_112 : i32 to index
      %get3A_114 = tpu.vector_load %arg7[%get3A_113] {strides = array<i32>} : memref<81920xf32, #tpu.memory_space<vmem>>, vector<16xf32>,
      %bitcast3A_115 = vector.bitcast %get3A_114 : vector<16xf32> to vector<16xi32>
      %shift_right_logical3A_116 = arith.constant 21 : i32
      %shift_right_logical3A_117 = vector.broadcast %shift_right_logical3A_116 : i32 to vector<16xi32>
      %shift_right_logical3A_118 = arith.shrui %bitcast3A_115, %shift_right_logical3A_117 : vector<16xi32>
      %gt3A_119 = vector.broadcast %scan3A_30 : i32 to vector<16xi32>
      %gt3A_120 = arith.cmpi ugt, %shift_right_logical3A_118, %gt3A_119 : vector<16xi32>
      %eq3A_121 = vector.broadcast %scan3A_30 : i32 to vector<16xi32>
      %eq3A_122 = arith.cmpi eq, %shift_right_logical3A_118, %eq3A_121 : vector<16xi32>
      %and3A_123 = arith.andi %eq3A_122, %lt3A_83 : vector<16xi1>
      %convert_element_type3A_124 = arith.extui %gt3A_120 : vector<16xi1> to vector<16xi32>
      %broadcast_in_dim3A_125 = arith.constant true
      %broadcast_in_dim3A_126 = vector.broadcast %broadcast_in_dim3A_125 : i1 to vector<16xi1>
      %masked_cumsum3A_127 = tpu.scan <sum>, %convert_element_type3A_124 masked %broadcast_in_dim3A_126 : vector<16xi32>, vector<16xi1> -> vector<16xi32>
      %convert_element_type3A_128 = arith.extui %and3A_123 : vector<16xi1> to vector<16xi32>
      %broadcast_in_dim3A_129 = arith.constant true
      %broadcast_in_dim3A_130 = vector.broadcast %broadcast_in_dim3A_129 : i1 to vector<16xi1>
      %masked_cumsum3A_131 = tpu.scan <sum>, %convert_element_type3A_128 masked %broadcast_in_dim3A_130 : vector<16xi32>, vector<16xi1> -> vector<16xi32>
      %mul3A_132 = arith.constant 16 : i32
      %mul3A_133 = arith.muli %add3A_110, %mul3A_132 : i32
      %add3A_134 = vector.broadcast %mul3A_133 : i32 to vector<16xi32>
      %add3A_135 = arith.addi %add3A_134, %iota3A : vector<16xi32>
      %mul3A_136 = arith.constant 8 : i32
      %mul3A_137 = arith.muli %scan3A_79, %mul3A_136 : i32
      %add3A_138 = arith.constant 2 : i32
      %add3A_139 = arith.addi %mul3A_137, %add3A_138 : i32
      %mul3A_140 = arith.constant 16 : i32
      %mul3A_141 = arith.muli %add3A_139, %mul3A_140 : i32
      %get3A_142 = arith.index_cast %mul3A_141 : i32 to index
      %get3A_143 = tpu.vector_load %arg7[%get3A_142] {strides = array<i32>} : memref<81920xf32, #tpu.memory_space<vmem>>, vector<16xf32>,
      %bitcast3A_144 = vector.bitcast %get3A_143 : vector<16xf32> to vector<16xi32>
      %shift_right_logical3A_145 = arith.constant 21 : i32
      %shift_right_logical3A_146 = vector.broadcast %shift_right_logical3A_145 : i32 to vector<16xi32>
      %shift_right_logical3A_147 = arith.shrui %bitcast3A_144, %shift_right_logical3A_146 : vector<16xi32>
      %gt3A_148 = vector.broadcast %scan3A_30 : i32 to vector<16xi32>
      %gt3A_149 = arith.cmpi ugt, %shift_right_logical3A_147, %gt3A_148 : vector<16xi32>
      %eq3A_150 = vector.broadcast %scan3A_30 : i32 to vector<16xi32>
      %eq3A_151 = arith.cmpi eq, %shift_right_logical3A_147, %eq3A_150 : vector<16xi32>
      %and3A_152 = arith.andi %eq3A_151, %lt3A_83 : vector<16xi1>
      %convert_element_type3A_153 = arith.extui %gt3A_149 : vector<16xi1> to vector<16xi32>
      %broadcast_in_dim3A_154 = arith.constant true
      %broadcast_in_dim3A_155 = vector.broadcast %broadcast_in_dim3A_154 : i1 to vector<16xi1>
      %masked_cumsum3A_156 = tpu.scan <sum>, %convert_element_type3A_153 masked %broadcast_in_dim3A_155 : vector<16xi32>, vector<16xi1> -> vector<16xi32>
      %convert_element_type3A_157 = arith.extui %and3A_152 : vector<16xi1> to vector<16xi32>
      %broadcast_in_dim3A_158 = arith.constant true
      %broadcast_in_dim3A_159 = vector.broadcast %broadcast_in_dim3A_158 : i1 to vector<16xi1>
      %masked_cumsum3A_160 = tpu.scan <sum>, %convert_element_type3A_157 masked %broadcast_in_dim3A_159 : vector<16xi32>, vector<16xi1> -> vector<16xi32>
      %mul3A_161 = arith.constant 16 : i32
      %mul3A_162 = arith.muli %add3A_139, %mul3A_161 : i32
      %add3A_163 = vector.broadcast %mul3A_162 : i32 to vector<16xi32>
      %add3A_164 = arith.addi %add3A_163, %iota3A : vector<16xi32>
      %mul3A_165 = arith.constant 8 : i32
      %mul3A_166 = arith.muli %scan3A_79, %mul3A_165 : i32
      %add3A_167 = arith.constant 3 : i32
      %add3A_168 = arith.addi %mul3A_166, %add3A_167 : i32
      %mul3A_169 = arith.constant 16 : i32
      %mul3A_170 = arith.muli %add3A_168, %mul3A_169 : i32
      %get3A_171 = arith.index_cast %mul3A_170 : i32 to index
      %get3A_172 = tpu.vector_load %arg7[%get3A_171] {strides = array<i32>} : memref<81920xf32, #tpu.memory_space<vmem>>, vector<16xf32>,
      %bitcast3A_173 = vector.bitcast %get3A_172 : vector<16xf32> to vector<16xi32>
      %shift_right_logical3A_174 = arith.constant 21 : i32
      %shift_right_logical3A_175 = vector.broadcast %shift_right_logical3A_174 : i32 to vector<16xi32>
      %shift_right_logical3A_176 = arith.shrui %bitcast3A_173, %shift_right_logical3A_175 : vector<16xi32>
      %gt3A_177 = vector.broadcast %scan3A_30 : i32 to vector<16xi32>
      %gt3A_178 = arith.cmpi ugt, %shift_right_logical3A_176, %gt3A_177 : vector<16xi32>
      %eq3A_179 = vector.broadcast %scan3A_30 : i32 to vector<16xi32>
      %eq3A_180 = arith.cmpi eq, %shift_right_logical3A_176, %eq3A_179 : vector<16xi32>
      %and3A_181 = arith.andi %eq3A_180, %lt3A_83 : vector<16xi1>
      %convert_element_type3A_182 = arith.extui %gt3A_178 : vector<16xi1> to vector<16xi32>
      %broadcast_in_dim3A_183 = arith.constant true
      %broadcast_in_dim3A_184 = vector.broadcast %broadcast_in_dim3A_183 : i1 to vector<16xi1>
      %masked_cumsum3A_185 = tpu.scan <sum>, %convert_element_type3A_182 masked %broadcast_in_dim3A_184 : vector<16xi32>, vector<16xi1> -> vector<16xi32>
      %convert_element_type3A_186 = arith.extui %and3A_181 : vector<16xi1> to vector<16xi32>
      %broadcast_in_dim3A_187 = arith.constant true
      %broadcast_in_dim3A_188 = vector.broadcast %broadcast_in_dim3A_187 : i1 to vector<16xi1>
      %masked_cumsum3A_189 = tpu.scan <sum>, %convert_element_type3A_186 masked %broadcast_in_dim3A_188 : vector<16xi32>, vector<16xi1> -> vector<16xi32>
      %mul3A_190 = arith.constant 16 : i32
      %mul3A_191 = arith.muli %add3A_168, %mul3A_190 : i32
      %add3A_192 = vector.broadcast %mul3A_191 : i32 to vector<16xi32>
      %add3A_193 = arith.addi %add3A_192, %iota3A : vector<16xi32>
      %mul3A_194 = arith.constant 8 : i32
      %mul3A_195 = arith.muli %scan3A_79, %mul3A_194 : i32
      %add3A_196 = arith.constant 4 : i32
      %add3A_197 = arith.addi %mul3A_195, %add3A_196 : i32
      %mul3A_198 = arith.constant 16 : i32
      %mul3A_199 = arith.muli %add3A_197, %mul3A_198 : i32
      %get3A_200 = arith.index_cast %mul3A_199 : i32 to index
      %get3A_201 = tpu.vector_load %arg7[%get3A_200] {strides = array<i32>} : memref<81920xf32, #tpu.memory_space<vmem>>, vector<16xf32>,
      %bitcast3A_202 = vector.bitcast %get3A_201 : vector<16xf32> to vector<16xi32>
      %shift_right_logical3A_203 = arith.constant 21 : i32
      %shift_right_logical3A_204 = vector.broadcast %shift_right_logical3A_203 : i32 to vector<16xi32>
      %shift_right_logical3A_205 = arith.shrui %bitcast3A_202, %shift_right_logical3A_204 : vector<16xi32>
      %gt3A_206 = vector.broadcast %scan3A_30 : i32 to vector<16xi32>
      %gt3A_207 = arith.cmpi ugt, %shift_right_logical3A_205, %gt3A_206 : vector<16xi32>
      %eq3A_208 = vector.broadcast %scan3A_30 : i32 to vector<16xi32>
      %eq3A_209 = arith.cmpi eq, %shift_right_logical3A_205, %eq3A_208 : vector<16xi32>
      %and3A_210 = arith.andi %eq3A_209, %lt3A_83 : vector<16xi1>
      %convert_element_type3A_211 = arith.extui %gt3A_207 : vector<16xi1> to vector<16xi32>
      %broadcast_in_dim3A_212 = arith.constant true
      %broadcast_in_dim3A_213 = vector.broadcast %broadcast_in_dim3A_212 : i1 to vector<16xi1>
      %masked_cumsum3A_214 = tpu.scan <sum>, %convert_element_type3A_211 masked %broadcast_in_dim3A_213 : vector<16xi32>, vector<16xi1> -> vector<16xi32>
      %convert_element_type3A_215 = arith.extui %and3A_210 : vector<16xi1> to vector<16xi32>
      %broadcast_in_dim3A_216 = arith.constant true
      %broadcast_in_dim3A_217 = vector.broadcast %broadcast_in_dim3A_216 : i1 to vector<16xi1>
      %masked_cumsum3A_218 = tpu.scan <sum>, %convert_element_type3A_215 masked %broadcast_in_dim3A_217 : vector<16xi32>, vector<16xi1> -> vector<16xi32>
      %mul3A_219 = arith.constant 16 : i32
      %mul3A_220 = arith.muli %add3A_197, %mul3A_219 : i32
      %add3A_221 = vector.broadcast %mul3A_220 : i32 to vector<16xi32>
      %add3A_222 = arith.addi %add3A_221, %iota3A : vector<16xi32>
      %mul3A_223 = arith.constant 8 : i32
      %mul3A_224 = arith.muli %scan3A_79, %mul3A_223 : i32
      %add3A_225 = arith.constant 5 : i32
      %add3A_226 = arith.addi %mul3A_224, %add3A_225 : i32
      %mul3A_227 = arith.constant 16 : i32
      %mul3A_228 = arith.muli %add3A_226, %mul3A_227 : i32
      %get3A_229 = arith.index_cast %mul3A_228 : i32 to index
      %get3A_230 = tpu.vector_load %arg7[%get3A_229] {strides = array<i32>} : memref<81920xf32, #tpu.memory_space<vmem>>, vector<16xf32>,
      %bitcast3A_231 = vector.bitcast %get3A_230 : vector<16xf32> to vector<16xi32>
      %shift_right_logical3A_232 = arith.constant 21 : i32
      %shift_right_logical3A_233 = vector.broadcast %shift_right_logical3A_232 : i32 to vector<16xi32>
      %shift_right_logical3A_234 = arith.shrui %bitcast3A_231, %shift_right_logical3A_233 : vector<16xi32>
      %gt3A_235 = vector.broadcast %scan3A_30 : i32 to vector<16xi32>
      %gt3A_236 = arith.cmpi ugt, %shift_right_logical3A_234, %gt3A_235 : vector<16xi32>
      %eq3A_237 = vector.broadcast %scan3A_30 : i32 to vector<16xi32>
      %eq3A_238 = arith.cmpi eq, %shift_right_logical3A_234, %eq3A_237 : vector<16xi32>
      %and3A_239 = arith.andi %eq3A_238, %lt3A_83 : vector<16xi1>
      %convert_element_type3A_240 = arith.extui %gt3A_236 : vector<16xi1> to vector<16xi32>
      %broadcast_in_dim3A_241 = arith.constant true
      %broadcast_in_dim3A_242 = vector.broadcast %broadcast_in_dim3A_241 : i1 to vector<16xi1>
      %masked_cumsum3A_243 = tpu.scan <sum>, %convert_element_type3A_240 masked %broadcast_in_dim3A_242 : vector<16xi32>, vector<16xi1> -> vector<16xi32>
      %convert_element_type3A_244 = arith.extui %and3A_239 : vector<16xi1> to vector<16xi32>
      %broadcast_in_dim3A_245 = arith.constant true
      %broadcast_in_dim3A_246 = vector.broadcast %broadcast_in_dim3A_245 : i1 to vector<16xi1>
      %masked_cumsum3A_247 = tpu.scan <sum>, %convert_element_type3A_244 masked %broadcast_in_dim3A_246 : vector<16xi32>, vector<16xi1> -> vector<16xi32>
      %mul3A_248 = arith.constant 16 : i32
      %mul3A_249 = arith.muli %add3A_226, %mul3A_248 : i32
      %add3A_250 = vector.broadcast %mul3A_249 : i32 to vector<16xi32>
      %add3A_251 = arith.addi %add3A_250, %iota3A : vector<16xi32>
      %mul3A_252 = arith.constant 8 : i32
      %mul3A_253 = arith.muli %scan3A_79, %mul3A_252 : i32
      %add3A_254 = arith.constant 6 : i32
      %add3A_255 = arith.addi %mul3A_253, %add3A_254 : i32
      %mul3A_256 = arith.constant 16 : i32
      %mul3A_257 = arith.muli %add3A_255, %mul3A_256 : i32
      %get3A_258 = arith.index_cast %mul3A_257 : i32 to index
      %get3A_259 = tpu.vector_load %arg7[%get3A_258] {strides = array<i32>} : memref<81920xf32, #tpu.memory_space<vmem>>, vector<16xf32>,
      %bitcast3A_260 = vector.bitcast %get3A_259 : vector<16xf32> to vector<16xi32>
      %shift_right_logical3A_261 = arith.constant 21 : i32
      %shift_right_logical3A_262 = vector.broadcast %shift_right_logical3A_261 : i32 to vector<16xi32>
      %shift_right_logical3A_263 = arith.shrui %bitcast3A_260, %shift_right_logical3A_262 : vector<16xi32>
      %gt3A_264 = vector.broadcast %scan3A_30 : i32 to vector<16xi32>
      %gt3A_265 = arith.cmpi ugt, %shift_right_logical3A_263, %gt3A_264 : vector<16xi32>
      %eq3A_266 = vector.broadcast %scan3A_30 : i32 to vector<16xi32>
      %eq3A_267 = arith.cmpi eq, %shift_right_logical3A_263, %eq3A_266 : vector<16xi32>
      %and3A_268 = arith.andi %eq3A_267, %lt3A_83 : vector<16xi1>
      %convert_element_type3A_269 = arith.extui %gt3A_265 : vector<16xi1> to vector<16xi32>
      %broadcast_in_dim3A_270 = arith.constant true
      %broadcast_in_dim3A_271 = vector.broadcast %broadcast_in_dim3A_270 : i1 to vector<16xi1>
      %masked_cumsum3A_272 = tpu.scan <sum>, %convert_element_type3A_269 masked %broadcast_in_dim3A_271 : vector<16xi32>, vector<16xi1> -> vector<16xi32>
      %convert_element_type3A_273 = arith.extui %and3A_268 : vector<16xi1> to vector<16xi32>
      %broadcast_in_dim3A_274 = arith.constant true
      %broadcast_in_dim3A_275 = vector.broadcast %broadcast_in_dim3A_274 : i1 to vector<16xi1>
      %masked_cumsum3A_276 = tpu.scan <sum>, %convert_element_type3A_273 masked %broadcast_in_dim3A_275 : vector<16xi32>, vector<16xi1> -> vector<16xi32>
      %mul3A_277 = arith.constant 16 : i32
      %mul3A_278 = arith.muli %add3A_255, %mul3A_277 : i32
      %add3A_279 = vector.broadcast %mul3A_278 : i32 to vector<16xi32>
      %add3A_280 = arith.addi %add3A_279, %iota3A : vector<16xi32>
      %mul3A_281 = arith.constant 8 : i32
      %mul3A_282 = arith.muli %scan3A_79, %mul3A_281 : i32
      %add3A_283 = arith.constant 7 : i32
      %add3A_284 = arith.addi %mul3A_282, %add3A_283 : i32
      %mul3A_285 = arith.constant 16 : i32
      %mul3A_286 = arith.muli %add3A_284, %mul3A_285 : i32
      %get3A_287 = arith.index_cast %mul3A_286 : i32 to index
      %get3A_288 = tpu.vector_load %arg7[%get3A_287] {strides = array<i32>} : memref<81920xf32, #tpu.memory_space<vmem>>, vector<16xf32>,
      %bitcast3A_289 = vector.bitcast %get3A_288 : vector<16xf32> to vector<16xi32>
      %shift_right_logical3A_290 = arith.constant 21 : i32
      %shift_right_logical3A_291 = vector.broadcast %shift_right_logical3A_290 : i32 to vector<16xi32>
      %shift_right_logical3A_292 = arith.shrui %bitcast3A_289, %shift_right_logical3A_291 : vector<16xi32>
      %gt3A_293 = vector.broadcast %scan3A_30 : i32 to vector<16xi32>
      %gt3A_294 = arith.cmpi ugt, %shift_right_logical3A_292, %gt3A_293 : vector<16xi32>
      %eq3A_295 = vector.broadcast %scan3A_30 : i32 to vector<16xi32>
      %eq3A_296 = arith.cmpi eq, %shift_right_logical3A_292, %eq3A_295 : vector<16xi32>
      %and3A_297 = arith.andi %eq3A_296, %lt3A_83 : vector<16xi1>
      %convert_element_type3A_298 = arith.extui %gt3A_294 : vector<16xi1> to vector<16xi32>
      %broadcast_in_dim3A_299 = arith.constant true
      %broadcast_in_dim3A_300 = vector.broadcast %broadcast_in_dim3A_299 : i1 to vector<16xi1>
      %masked_cumsum3A_301 = tpu.scan <sum>, %convert_element_type3A_298 masked %broadcast_in_dim3A_300 : vector<16xi32>, vector<16xi1> -> vector<16xi32>
      %convert_element_type3A_302 = arith.extui %and3A_297 : vector<16xi1> to vector<16xi32>
      %broadcast_in_dim3A_303 = arith.constant true
      %broadcast_in_dim3A_304 = vector.broadcast %broadcast_in_dim3A_303 : i1 to vector<16xi1>
      %masked_cumsum3A_305 = tpu.scan <sum>, %convert_element_type3A_302 masked %broadcast_in_dim3A_304 : vector<16xi32>, vector<16xi1> -> vector<16xi32>
      %mul3A_306 = arith.constant 16 : i32
      %mul3A_307 = arith.muli %add3A_284, %mul3A_306 : i32
      %add3A_308 = vector.broadcast %mul3A_307 : i32 to vector<16xi32>
      %add3A_309 = arith.addi %add3A_308, %iota3A : vector<16xi32>
      %add3A_310 = arith.addi %scan3A_80, %masked_cumsum3A : vector<16xi32>
      %sub3A_311 = arith.constant 1 : i32
      %sub3A_312 = vector.broadcast %sub3A_311 : i32 to vector<16xi32>
      %sub3A_313 = arith.subi %add3A_310, %sub3A_312 : vector<16xi32>
      tpu.vector_store_idx %arg11[%sub3A_313], %add3A_106 masked %gt3A_94 : memref<640xi32, #tpu.memory_space<vmem>>[vector<16xi32>], vector<16xi32>, vector<16xi1>
      %add3A_314 = arith.addi %scan3A_81, %masked_cumsum3A_102 : vector<16xi32>
      %sub3A_315 = arith.constant 1 : i32
      %sub3A_316 = vector.broadcast %sub3A_315 : i32 to vector<16xi32>
      %sub3A_317 = arith.subi %add3A_314, %sub3A_316 : vector<16xi32>
      tpu.vector_store_idx %arg13[%sub3A_317], %add3A_106 masked %and3A : memref<6160xi32, #tpu.memory_space<vmem>>[vector<16xi32>], vector<16xi32>, vector<16xi1>
      %broadcast_in_dim3A_318 = vector.shape_cast %broadcast_in_dim3A_42 : vector<16xi32> to vector<16x1xi32>
      %gather3A = vector.shape_cast %broadcast_in_dim3A_318 : vector<16x1xi32> to vector<16xi32>
      %gather3A_319 = tpu.dynamic_gather %masked_cumsum3A[%gather3A] in [0] : vector<16xi32>, vector<16xi32> -> vector<16xi32>
      %add3A_320 = arith.addi %scan3A_80, %gather3A_319 : vector<16xi32>
      %broadcast_in_dim3A_321 = vector.shape_cast %broadcast_in_dim3A_42 : vector<16xi32> to vector<16x1xi32>
      %gather3A_322 = vector.shape_cast %broadcast_in_dim3A_321 : vector<16x1xi32> to vector<16xi32>
      %gather3A_323 = tpu.dynamic_gather %masked_cumsum3A_102[%gather3A_322] in [0] : vector<16xi32>, vector<16xi32> -> vector<16xi32>
      %add3A_324 = arith.addi %scan3A_81, %gather3A_323 : vector<16xi32>
      %add3A_325 = arith.addi %add3A_320, %masked_cumsum3A_127 : vector<16xi32>
      %sub3A_326 = arith.constant 1 : i32
      %sub3A_327 = vector.broadcast %sub3A_326 : i32 to vector<16xi32>
      %sub3A_328 = arith.subi %add3A_325, %sub3A_327 : vector<16xi32>
      tpu.vector_store_idx %arg11[%sub3A_328], %add3A_135 masked %gt3A_120 : memref<640xi32, #tpu.memory_space<vmem>>[vector<16xi32>], vector<16xi32>, vector<16xi1>
      %add3A_329 = arith.addi %add3A_324, %masked_cumsum3A_131 : vector<16xi32>
      %sub3A_330 = arith.constant 1 : i32
      %sub3A_331 = vector.broadcast %sub3A_330 : i32 to vector<16xi32>
      %sub3A_332 = arith.subi %add3A_329, %sub3A_331 : vector<16xi32>
      tpu.vector_store_idx %arg13[%sub3A_332], %add3A_135 masked %and3A_123 : memref<6160xi32, #tpu.memory_space<vmem>>[vector<16xi32>], vector<16xi32>, vector<16xi1>
      %broadcast_in_dim3A_333 = vector.shape_cast %broadcast_in_dim3A_42 : vector<16xi32> to vector<16x1xi32>
      %gather3A_334 = vector.shape_cast %broadcast_in_dim3A_333 : vector<16x1xi32> to vector<16xi32>
      %gather3A_335 = tpu.dynamic_gather %masked_cumsum3A_127[%gather3A_334] in [0] : vector<16xi32>, vector<16xi32> -> vector<16xi32>
      %add3A_336 = arith.addi %add3A_320, %gather3A_335 : vector<16xi32>
      %broadcast_in_dim3A_337 = vector.shape_cast %broadcast_in_dim3A_42 : vector<16xi32> to vector<16x1xi32>
      %gather3A_338 = vector.shape_cast %broadcast_in_dim3A_337 : vector<16x1xi32> to vector<16xi32>
      %gather3A_339 = tpu.dynamic_gather %masked_cumsum3A_131[%gather3A_338] in [0] : vector<16xi32>, vector<16xi32> -> vector<16xi32>
      %add3A_340 = arith.addi %add3A_324, %gather3A_339 : vector<16xi32>
      %add3A_341 = arith.addi %add3A_336, %masked_cumsum3A_156 : vector<16xi32>
      %sub3A_342 = arith.constant 1 : i32
      %sub3A_343 = vector.broadcast %sub3A_342 : i32 to vector<16xi32>
      %sub3A_344 = arith.subi %add3A_341, %sub3A_343 : vector<16xi32>
      tpu.vector_store_idx %arg11[%sub3A_344], %add3A_164 masked %gt3A_149 : memref<640xi32, #tpu.memory_space<vmem>>[vector<16xi32>], vector<16xi32>, vector<16xi1>
      %add3A_345 = arith.addi %add3A_340, %masked_cumsum3A_160 : vector<16xi32>
      %sub3A_346 = arith.constant 1 : i32
      %sub3A_347 = vector.broadcast %sub3A_346 : i32 to vector<16xi32>
      %sub3A_348 = arith.subi %add3A_345, %sub3A_347 : vector<16xi32>
      tpu.vector_store_idx %arg13[%sub3A_348], %add3A_164 masked %and3A_152 : memref<6160xi32, #tpu.memory_space<vmem>>[vector<16xi32>], vector<16xi32>, vector<16xi1>
      %broadcast_in_dim3A_349 = vector.shape_cast %broadcast_in_dim3A_42 : vector<16xi32> to vector<16x1xi32>
      %gather3A_350 = vector.shape_cast %broadcast_in_dim3A_349 : vector<16x1xi32> to vector<16xi32>
      %gather3A_351 = tpu.dynamic_gather %masked_cumsum3A_156[%gather3A_350] in [0] : vector<16xi32>, vector<16xi32> -> vector<16xi32>
      %add3A_352 = arith.addi %add3A_336, %gather3A_351 : vector<16xi32>
      %broadcast_in_dim3A_353 = vector.shape_cast %broadcast_in_dim3A_42 : vector<16xi32> to vector<16x1xi32>
      %gather3A_354 = vector.shape_cast %broadcast_in_dim3A_353 : vector<16x1xi32> to vector<16xi32>
      %gather3A_355 = tpu.dynamic_gather %masked_cumsum3A_160[%gather3A_354] in [0] : vector<16xi32>, vector<16xi32> -> vector<16xi32>
      %add3A_356 = arith.addi %add3A_340, %gather3A_355 : vector<16xi32>
      %add3A_357 = arith.addi %add3A_352, %masked_cumsum3A_185 : vector<16xi32>
      %sub3A_358 = arith.constant 1 : i32
      %sub3A_359 = vector.broadcast %sub3A_358 : i32 to vector<16xi32>
      %sub3A_360 = arith.subi %add3A_357, %sub3A_359 : vector<16xi32>
      tpu.vector_store_idx %arg11[%sub3A_360], %add3A_193 masked %gt3A_178 : memref<640xi32, #tpu.memory_space<vmem>>[vector<16xi32>], vector<16xi32>, vector<16xi1>
      %add3A_361 = arith.addi %add3A_356, %masked_cumsum3A_189 : vector<16xi32>
      %sub3A_362 = arith.constant 1 : i32
      %sub3A_363 = vector.broadcast %sub3A_362 : i32 to vector<16xi32>
      %sub3A_364 = arith.subi %add3A_361, %sub3A_363 : vector<16xi32>
      tpu.vector_store_idx %arg13[%sub3A_364], %add3A_193 masked %and3A_181 : memref<6160xi32, #tpu.memory_space<vmem>>[vector<16xi32>], vector<16xi32>, vector<16xi1>
      %broadcast_in_dim3A_365 = vector.shape_cast %broadcast_in_dim3A_42 : vector<16xi32> to vector<16x1xi32>
      %gather3A_366 = vector.shape_cast %broadcast_in_dim3A_365 : vector<16x1xi32> to vector<16xi32>
      %gather3A_367 = tpu.dynamic_gather %masked_cumsum3A_185[%gather3A_366] in [0] : vector<16xi32>, vector<16xi32> -> vector<16xi32>
      %add3A_368 = arith.addi %add3A_352, %gather3A_367 : vector<16xi32>
      %broadcast_in_dim3A_369 = vector.shape_cast %broadcast_in_dim3A_42 : vector<16xi32> to vector<16x1xi32>
      %gather3A_370 = vector.shape_cast %broadcast_in_dim3A_369 : vector<16x1xi32> to vector<16xi32>
      %gather3A_371 = tpu.dynamic_gather %masked_cumsum3A_189[%gather3A_370] in [0] : vector<16xi32>, vector<16xi32> -> vector<16xi32>
      %add3A_372 = arith.addi %add3A_356, %gather3A_371 : vector<16xi32>
      %add3A_373 = arith.addi %add3A_368, %masked_cumsum3A_214 : vector<16xi32>
      %sub3A_374 = arith.constant 1 : i32
      %sub3A_375 = vector.broadcast %sub3A_374 : i32 to vector<16xi32>
      %sub3A_376 = arith.subi %add3A_373, %sub3A_375 : vector<16xi32>
      tpu.vector_store_idx %arg11[%sub3A_376], %add3A_222 masked %gt3A_207 : memref<640xi32, #tpu.memory_space<vmem>>[vector<16xi32>], vector<16xi32>, vector<16xi1>
      %add3A_377 = arith.addi %add3A_372, %masked_cumsum3A_218 : vector<16xi32>
      %sub3A_378 = arith.constant 1 : i32
      %sub3A_379 = vector.broadcast %sub3A_378 : i32 to vector<16xi32>
      %sub3A_380 = arith.subi %add3A_377, %sub3A_379 : vector<16xi32>
      tpu.vector_store_idx %arg13[%sub3A_380], %add3A_222 masked %and3A_210 : memref<6160xi32, #tpu.memory_space<vmem>>[vector<16xi32>], vector<16xi32>, vector<16xi1>
      %broadcast_in_dim3A_381 = vector.shape_cast %broadcast_in_dim3A_42 : vector<16xi32> to vector<16x1xi32>
      %gather3A_382 = vector.shape_cast %broadcast_in_dim3A_381 : vector<16x1xi32> to vector<16xi32>
      %gather3A_383 = tpu.dynamic_gather %masked_cumsum3A_214[%gather3A_382] in [0] : vector<16xi32>, vector<16xi32> -> vector<16xi32>
      %add3A_384 = arith.addi %add3A_368, %gather3A_383 : vector<16xi32>
      %broadcast_in_dim3A_385 = vector.shape_cast %broadcast_in_dim3A_42 : vector<16xi32> to vector<16x1xi32>
      %gather3A_386 = vector.shape_cast %broadcast_in_dim3A_385 : vector<16x1xi32> to vector<16xi32>
      %gather3A_387 = tpu.dynamic_gather %masked_cumsum3A_218[%gather3A_386] in [0] : vector<16xi32>, vector<16xi32> -> vector<16xi32>
      %add3A_388 = arith.addi %add3A_372, %gather3A_387 : vector<16xi32>
      %add3A_389 = arith.addi %add3A_384, %masked_cumsum3A_243 : vector<16xi32>
      %sub3A_390 = arith.constant 1 : i32
      %sub3A_391 = vector.broadcast %sub3A_390 : i32 to vector<16xi32>
      %sub3A_392 = arith.subi %add3A_389, %sub3A_391 : vector<16xi32>
      tpu.vector_store_idx %arg11[%sub3A_392], %add3A_251 masked %gt3A_236 : memref<640xi32, #tpu.memory_space<vmem>>[vector<16xi32>], vector<16xi32>, vector<16xi1>
      %add3A_393 = arith.addi %add3A_388, %masked_cumsum3A_247 : vector<16xi32>
      %sub3A_394 = arith.constant 1 : i32
      %sub3A_395 = vector.broadcast %sub3A_394 : i32 to vector<16xi32>
      %sub3A_396 = arith.subi %add3A_393, %sub3A_395 : vector<16xi32>
      tpu.vector_store_idx %arg13[%sub3A_396], %add3A_251 masked %and3A_239 : memref<6160xi32, #tpu.memory_space<vmem>>[vector<16xi32>], vector<16xi32>, vector<16xi1>
      %broadcast_in_dim3A_397 = vector.shape_cast %broadcast_in_dim3A_42 : vector<16xi32> to vector<16x1xi32>
      %gather3A_398 = vector.shape_cast %broadcast_in_dim3A_397 : vector<16x1xi32> to vector<16xi32>
      %gather3A_399 = tpu.dynamic_gather %masked_cumsum3A_243[%gather3A_398] in [0] : vector<16xi32>, vector<16xi32> -> vector<16xi32>
      %add3A_400 = arith.addi %add3A_384, %gather3A_399 : vector<16xi32>
      %broadcast_in_dim3A_401 = vector.shape_cast %broadcast_in_dim3A_42 : vector<16xi32> to vector<16x1xi32>
      %gather3A_402 = vector.shape_cast %broadcast_in_dim3A_401 : vector<16x1xi32> to vector<16xi32>
      %gather3A_403 = tpu.dynamic_gather %masked_cumsum3A_247[%gather3A_402] in [0] : vector<16xi32>, vector<16xi32> -> vector<16xi32>
      %add3A_404 = arith.addi %add3A_388, %gather3A_403 : vector<16xi32>
      %add3A_405 = arith.addi %add3A_400, %masked_cumsum3A_272 : vector<16xi32>
      %sub3A_406 = arith.constant 1 : i32
      %sub3A_407 = vector.broadcast %sub3A_406 : i32 to vector<16xi32>
      %sub3A_408 = arith.subi %add3A_405, %sub3A_407 : vector<16xi32>
      tpu.vector_store_idx %arg11[%sub3A_408], %add3A_280 masked %gt3A_265 : memref<640xi32, #tpu.memory_space<vmem>>[vector<16xi32>], vector<16xi32>, vector<16xi1>
      %add3A_409 = arith.addi %add3A_404, %masked_cumsum3A_276 : vector<16xi32>
      %sub3A_410 = arith.constant 1 : i32
      %sub3A_411 = vector.broadcast %sub3A_410 : i32 to vector<16xi32>
      %sub3A_412 = arith.subi %add3A_409, %sub3A_411 : vector<16xi32>
      tpu.vector_store_idx %arg13[%sub3A_412], %add3A_280 masked %and3A_268 : memref<6160xi32, #tpu.memory_space<vmem>>[vector<16xi32>], vector<16xi32>, vector<16xi1>
      %broadcast_in_dim3A_413 = vector.shape_cast %broadcast_in_dim3A_42 : vector<16xi32> to vector<16x1xi32>
      %gather3A_414 = vector.shape_cast %broadcast_in_dim3A_413 : vector<16x1xi32> to vector<16xi32>
      %gather3A_415 = tpu.dynamic_gather %masked_cumsum3A_272[%gather3A_414] in [0] : vector<16xi32>, vector<16xi32> -> vector<16xi32>
      %add3A_416 = arith.addi %add3A_400, %gather3A_415 : vector<16xi32>
      %broadcast_in_dim3A_417 = vector.shape_cast %broadcast_in_dim3A_42 : vector<16xi32> to vector<16x1xi32>
      %gather3A_418 = vector.shape_cast %broadcast_in_dim3A_417 : vector<16x1xi32> to vector<16xi32>
      %gather3A_419 = tpu.dynamic_gather %masked_cumsum3A_276[%gather3A_418] in [0] : vector<16xi32>, vector<16xi32> -> vector<16xi32>
      %add3A_420 = arith.addi %add3A_404, %gather3A_419 : vector<16xi32>
      %add3A_421 = arith.addi %add3A_416, %masked_cumsum3A_301 : vector<16xi32>
      %sub3A_422 = arith.constant 1 : i32
      %sub3A_423 = vector.broadcast %sub3A_422 : i32 to vector<16xi32>
      %sub3A_424 = arith.subi %add3A_421, %sub3A_423 : vector<16xi32>
      tpu.vector_store_idx %arg11[%sub3A_424], %add3A_309 masked %gt3A_294 : memref<640xi32, #tpu.memory_space<vmem>>[vector<16xi32>], vector<16xi32>, vector<16xi1>
      %add3A_425 = arith.addi %add3A_420, %masked_cumsum3A_305 : vector<16xi32>
      %sub3A_426 = arith.constant 1 : i32
      %sub3A_427 = vector.broadcast %sub3A_426 : i32 to vector<16xi32>
      %sub3A_428 = arith.subi %add3A_425, %sub3A_427 : vector<16xi32>
      tpu.vector_store_idx %arg13[%sub3A_428], %add3A_309 masked %and3A_297 : memref<6160xi32, #tpu.memory_space<vmem>>[vector<16xi32>], vector<16xi32>, vector<16xi1>
      %broadcast_in_dim3A_429 = vector.shape_cast %broadcast_in_dim3A_42 : vector<16xi32> to vector<16x1xi32>
      %gather3A_430 = vector.shape_cast %broadcast_in_dim3A_429 : vector<16x1xi32> to vector<16xi32>
      %gather3A_431 = tpu.dynamic_gather %masked_cumsum3A_301[%gather3A_430] in [0] : vector<16xi32>, vector<16xi32> -> vector<16xi32>
      %add3A_432 = arith.addi %add3A_416, %gather3A_431 : vector<16xi32>
      %broadcast_in_dim3A_433 = vector.shape_cast %broadcast_in_dim3A_42 : vector<16xi32> to vector<16x1xi32>
      %gather3A_434 = vector.shape_cast %broadcast_in_dim3A_433 : vector<16x1xi32> to vector<16xi32>
      %gather3A_435 = tpu.dynamic_gather %masked_cumsum3A_305[%gather3A_434] in [0] : vector<16xi32>, vector<16xi32> -> vector<16xi32>
      %add3A_436 = arith.addi %add3A_420, %gather3A_435 : vector<16xi32>
      scf.yield %add3A_432, %add3A_436 : vector<16xi32>, vector<16xi32>
    }
    %scan3A_48 = arith.constant 640 : i32
    %slice3A_49 = vector.extract_strided_slice %scan3A_47#0 {offsets = [0], sizes = [1], strides = [1]} : vector<16xi32> to vector<1xi32>
    %squeeze3A_50 = vector.extract %slice3A_49[0] : i32 from vector<1xi32>
    %slice3A_51 = vector.extract_strided_slice %scan3A_47#1 {offsets = [0], sizes = [1], strides = [1]} : vector<16xi32> to vector<1xi32>
    %squeeze3A_52 = vector.extract %slice3A_51[0] : i32 from vector<1xi32>
    %broadcast_in_dim3A_53 = arith.constant 81900 : i32
    %broadcast_in_dim3A_54 = vector.broadcast %broadcast_in_dim3A_53 : i32 to vector<16xi32>
    %swap3A_55 = arith.index_cast %squeeze3A_52 : i32 to index
    %swap3A_56 = tpu.vector_load %arg13[%swap3A_55] {strides = array<i32>} : memref<6160xi32, #tpu.memory_space<vmem>>, vector<16xi32>,
    tpu.vector_store %arg13[%swap3A_55], %broadcast_in_dim3A_54 {strides = array<i32>} : memref<6160xi32, #tpu.memory_space<vmem>>, vector<16xi32>,
    %mul3A_57 = arith.constant 128 : i32
    %mul3A_58 = vector.broadcast %mul3A_57 : i32 to vector<16xi32>
    %mul3A_59 = arith.muli %iota3A, %mul3A_58 : vector<16xi32>
    %le3A = arith.constant 6032 : i32
    %le3A_60 = arith.cmpi sle, %sub3A_40, %le3A : i32
    %convert_element_type3A = arith.extui %le3A_60 : i1 to i32
    %cond3A = arith.constant 0 : i32
    %cond3A_61 = arith.constant 0 : i32
    %cond3A_62 = arith.cmpi ne, %convert_element_type3A, %cond3A_61 : i32
    %cond3A_63 = scf.if %cond3A_62 -> (i32) {
      %add3A_79 = arith.constant 15 : i32
      %add3A_80 = arith.addi %sub3A_40, %add3A_79 : i32
      %jit3A = arith.constant 16 : i32
      %div3A = arith.divsi %add3A_80, %jit3A : i32
      %sign3A = arith.constant 0 : i32
      %sign3A_81 = arith.cmpi sgt, %add3A_80, %sign3A : i32
      %sign3A_82 = arith.extui %sign3A_81 : i1 to i32
      %sign3A_83 = arith.constant 0 : i32
      %sign3A_84 = arith.cmpi slt, %add3A_80, %sign3A_83 : i32
      %sign3A_85 = arith.extui %sign3A_84 : i1 to i32
      %sign3A_86 = arith.subi %sign3A_82, %sign3A_85 : i32
      %sign3A_87 = arith.constant 0 : i32
      %sign3A_88 = arith.cmpi sgt, %jit3A, %sign3A_87 : i32
      %sign3A_89 = arith.extui %sign3A_88 : i1 to i32
      %sign3A_90 = arith.constant 0 : i32
      %sign3A_91 = arith.cmpi slt, %jit3A, %sign3A_90 : i32
      %sign3A_92 = arith.extui %sign3A_91 : i1 to i32
      %sign3A_93 = arith.subi %sign3A_89, %sign3A_92 : i32
      %ne3A = arith.cmpi ne, %sign3A_86, %sign3A_93 : i32
      %rem3A = arith.remsi %add3A_80, %jit3A : i32
      %ne3A_94 = arith.constant 0 : i32
      %ne3A_95 = arith.cmpi ne, %rem3A, %ne3A_94 : i32
      %and3A = arith.andi %ne3A, %ne3A_95 : i1
      %sub3A_96 = arith.constant 1 : i32
      %sub3A_97 = arith.subi %div3A, %sub3A_96 : i32
      %select_n3A = arith.select %and3A, %sub3A_97, %div3A : i32
      %parallel_loop3A_98 = arith.constant 0 : i32
      %parallel_loop3A_99 = arith.constant 128 : i32
      %parallel_loop3A_100 = arith.constant 1 : i32
      scf.for %parallel_loop3A_234 = %parallel_loop3A_98 to %parallel_loop3A_99 step %parallel_loop3A_100  : i32 {
        %parallel_loop3A_235 = arith.constant 16 : i32
        %parallel_loop3A_236 = arith.muli %parallel_loop3A_234, %parallel_loop3A_235 : i32
        %parallel_loop3A_237 = arith.index_cast %parallel_loop3A_236 : i32 to index
        %parallel_loop3A_238 = tpu.vector_load %arg9[%parallel_loop3A_237] {strides = array<i32>} : memref<8192xi32, #tpu.memory_space<vmem>>, vector<16xi32>,
        tpu.vector_store %arg9[%parallel_loop3A_237], %broadcast_in_dim3A_1 {strides = array<i32>} : memref<8192xi32, #tpu.memory_space<vmem>>, vector<16xi32>,
      } {sc.loop_unroll_factor = 8 : i64, sc.parallel_access}
      %while3A = arith.constant 0 : i32
      %while3A_101 = arith.constant 0 : i32
      %while3A_102 = arith.subi %select_n3A, %while3A_101 : i32
      %while3A_103 = arith.addi %while3A_101, %while3A_102 : i32
      %while3A_104 = arith.constant 1 : i32
      %while3A_105 = arith.divsi %while3A_102, %while3A_104 : i32
      %while3A_106 = arith.muli %while3A_105, %while3A_104 : i32
      %while3A_107 = arith.addi %while3A_101, %while3A_106 : i32
      %while3A_108 = arith.constant 1 : i32
      scf.for %while3A_234 = %while3A_101 to %while3A_107 step %while3A_108  : i32 {
        %mul3A_235 = arith.constant 16 : i32
        %mul3A_236 = arith.muli %while3A_234, %mul3A_235 : i32
        %get3A_237 = arith.index_cast %mul3A_236 : i32 to index
        %get3A_238 = tpu.vector_load %arg13[%get3A_237] {strides = array<i32>} : memref<6160xi32, #tpu.memory_space<vmem>>, vector<16xi32>,
        %gather3A = tpu.vector_load_idx %arg7[%get3A_238] : memref<81920xf32, #tpu.memory_space<vmem>>[vector<16xi32>], vector<16xf32>,
        %bitcast3A = vector.bitcast %gather3A : vector<16xf32> to vector<16xi32>
        %mul3A_239 = arith.constant 16 : i32
        %mul3A_240 = arith.muli %while3A_234, %mul3A_239 : i32
        %add3A_241 = vector.broadcast %mul3A_240 : i32 to vector<16xi32>
        %add3A_242 = arith.addi %add3A_241, %iota3A : vector<16xi32>
        %lt3A = vector.broadcast %sub3A_40 : i32 to vector<16xi32>
        %lt3A_243 = arith.cmpi slt, %add3A_242, %lt3A : vector<16xi32>
        %shift_right_logical3A = arith.constant 14 : i32
        %shift_right_logical3A_244 = vector.broadcast %shift_right_logical3A : i32 to vector<16xi32>
        %shift_right_logical3A_245 = arith.shrui %bitcast3A, %shift_right_logical3A_244 : vector<16xi32>
        %and3A_246 = arith.constant 127 : i32
        %and3A_247 = vector.broadcast %and3A_246 : i32 to vector<16xi32>
        %and3A_248 = arith.andi %shift_right_logical3A_245, %and3A_247 : vector<16xi32>
        %add3A_249 = arith.addi %mul3A_59, %and3A_248 : vector<16xi32>
        tpu.vector_store_idx %arg9[%add3A_249], %broadcast_in_dim3A_3 masked %lt3A_243 {add = true} : memref<8192xi32, #tpu.memory_space<vmem>>[vector<16xi32>], vector<16xi32>, vector<16xi1>
      }
      %while3A_109 = arith.constant 1 : i32
      scf.for %while3A_234 = %while3A_107 to %while3A_103 step %while3A_109  : i32 {
        %mul3A_235 = arith.constant 16 : i32
        %mul3A_236 = arith.muli %while3A_234, %mul3A_235 : i32
        %get3A_237 = arith.index_cast %mul3A_236 : i32 to index
        %get3A_238 = tpu.vector_load %arg13[%get3A_237] {strides = array<i32>} : memref<6160xi32, #tpu.memory_space<vmem>>, vector<16xi32>,
        %gather3A = tpu.vector_load_idx %arg7[%get3A_238] : memref<81920xf32, #tpu.memory_space<vmem>>[vector<16xi32>], vector<16xf32>,
        %bitcast3A = vector.bitcast %gather3A : vector<16xf32> to vector<16xi32>
        %mul3A_239 = arith.constant 16 : i32
        %mul3A_240 = arith.muli %while3A_234, %mul3A_239 : i32
        %add3A_241 = vector.broadcast %mul3A_240 : i32 to vector<16xi32>
        %add3A_242 = arith.addi %add3A_241, %iota3A : vector<16xi32>
        %lt3A = vector.broadcast %sub3A_40 : i32 to vector<16xi32>
        %lt3A_243 = arith.cmpi slt, %add3A_242, %lt3A : vector<16xi32>
        %shift_right_logical3A = arith.constant 14 : i32
        %shift_right_logical3A_244 = vector.broadcast %shift_right_logical3A : i32 to vector<16xi32>
        %shift_right_logical3A_245 = arith.shrui %bitcast3A, %shift_right_logical3A_244 : vector<16xi32>
        %and3A_246 = arith.constant 127 : i32
        %and3A_247 = vector.broadcast %and3A_246 : i32 to vector<16xi32>
        %and3A_248 = arith.andi %shift_right_logical3A_245, %and3A_247 : vector<16xi32>
        %add3A_249 = arith.addi %mul3A_59, %and3A_248 : vector<16xi32>
        tpu.vector_store_idx %arg9[%add3A_249], %broadcast_in_dim3A_3 masked %lt3A_243 {add = true} : memref<8192xi32, #tpu.memory_space<vmem>>[vector<16xi32>], vector<16xi32>, vector<16xi1>
      }
      %parallel_loop3A_110 = arith.constant 0 : i32
      %parallel_loop3A_111 = arith.constant 8 : i32
      %parallel_loop3A_112 = arith.constant 1 : i32
      scf.for %parallel_loop3A_234 = %parallel_loop3A_110 to %parallel_loop3A_111 step %parallel_loop3A_112  : i32 {
        %parallel_loop3A_235 = arith.constant 16 : i32
        %parallel_loop3A_236 = arith.muli %parallel_loop3A_234, %parallel_loop3A_235 : i32
        %parallel_loop3A_237 = arith.constant 0 : i32
        %parallel_loop3A_238 = arith.addi %parallel_loop3A_237, %parallel_loop3A_236 : i32
        %parallel_loop3A_239 = arith.index_cast %parallel_loop3A_238 : i32 to index
        %parallel_loop3A_240 = tpu.vector_load %arg9[%parallel_loop3A_239] {strides = array<i32>} : memref<8192xi32, #tpu.memory_space<vmem>>, vector<16xi32>,
        %parallel_loop3A_241 = arith.addi %broadcast_in_dim3A_1, %parallel_loop3A_240 : vector<16xi32>
        %parallel_loop3A_242 = arith.constant 16 : i32
        %parallel_loop3A_243 = arith.muli %parallel_loop3A_234, %parallel_loop3A_242 : i32
        %parallel_loop3A_244 = arith.constant 128 : i32
        %parallel_loop3A_245 = arith.addi %parallel_loop3A_244, %parallel_loop3A_243 : i32
        %parallel_loop3A_246 = arith.index_cast %parallel_loop3A_245 : i32 to index
        %parallel_loop3A_247 = tpu.vector_load %arg9[%parallel_loop3A_246] {strides = array<i32>} : memref<8192xi32, #tpu.memory_space<vmem>>, vector<16xi32>,
        %parallel_loop3A_248 = arith.addi %parallel_loop3A_241, %parallel_loop3A_247 : vector<16xi32>
        %parallel_loop3A_249 = arith.constant 16 : i32
        %parallel_loop3A_250 = arith.muli %parallel_loop3A_234, %parallel_loop3A_249 : i32
        %parallel_loop3A_251 = arith.constant 256 : i32
        %parallel_loop3A_252 = arith.addi %parallel_loop3A_251, %parallel_loop3A_250 : i32
        %parallel_loop3A_253 = arith.index_cast %parallel_loop3A_252 : i32 to index
        %parallel_loop3A_254 = tpu.vector_load %arg9[%parallel_loop3A_253] {strides = array<i32>} : memref<8192xi32, #tpu.memory_space<vmem>>, vector<16xi32>,
        %parallel_loop3A_255 = arith.addi %parallel_loop3A_248, %parallel_loop3A_254 : vector<16xi32>
        %parallel_loop3A_256 = arith.constant 16 : i32
        %parallel_loop3A_257 = arith.muli %parallel_loop3A_234, %parallel_loop3A_256 : i32
        %parallel_loop3A_258 = arith.constant 384 : i32
        %parallel_loop3A_259 = arith.addi %parallel_loop3A_258, %parallel_loop3A_257 : i32
        %parallel_loop3A_260 = arith.index_cast %parallel_loop3A_259 : i32 to index
        %parallel_loop3A_261 = tpu.vector_load %arg9[%parallel_loop3A_260] {strides = array<i32>} : memref<8192xi32, #tpu.memory_space<vmem>>, vector<16xi32>,
        %parallel_loop3A_262 = arith.addi %parallel_loop3A_255, %parallel_loop3A_261 : vector<16xi32>
        %parallel_loop3A_263 = arith.constant 16 : i32
        %parallel_loop3A_264 = arith.muli %parallel_loop3A_234, %parallel_loop3A_263 : i32
        %parallel_loop3A_265 = arith.constant 512 : i32
        %parallel_loop3A_266 = arith.addi %parallel_loop3A_265, %parallel_loop3A_264 : i32
        %parallel_loop3A_267 = arith.index_cast %parallel_loop3A_266 : i32 to index
        %parallel_loop3A_268 = tpu.vector_load %arg9[%parallel_loop3A_267] {strides = array<i32>} : memref<8192xi32, #tpu.memory_space<vmem>>, vector<16xi32>,
        %parallel_loop3A_269 = arith.addi %parallel_loop3A_262, %parallel_loop3A_268 : vector<16xi32>
        %parallel_loop3A_270 = arith.constant 16 : i32
        %parallel_loop3A_271 = arith.muli %parallel_loop3A_234, %parallel_loop3A_270 : i32
        %parallel_loop3A_272 = arith.constant 640 : i32
        %parallel_loop3A_273 = arith.addi %parallel_loop3A_272, %parallel_loop3A_271 : i32
        %parallel_loop3A_274 = arith.index_cast %parallel_loop3A_273 : i32 to index
        %parallel_loop3A_275 = tpu.vector_load %arg9[%parallel_loop3A_274] {strides = array<i32>} : memref<8192xi32, #tpu.memory_space<vmem>>, vector<16xi32>,
        %parallel_loop3A_276 = arith.addi %parallel_loop3A_269, %parallel_loop3A_275 : vector<16xi32>
        %parallel_loop3A_277 = arith.constant 16 : i32
        %parallel_loop3A_278 = arith.muli %parallel_loop3A_234, %parallel_loop3A_277 : i32
        %parallel_loop3A_279 = arith.constant 768 : i32
        %parallel_loop3A_280 = arith.addi %parallel_loop3A_279, %parallel_loop3A_278 : i32
        %parallel_loop3A_281 = arith.index_cast %parallel_loop3A_280 : i32 to index
        %parallel_loop3A_282 = tpu.vector_load %arg9[%parallel_loop3A_281] {strides = array<i32>} : memref<8192xi32, #tpu.memory_space<vmem>>, vector<16xi32>,
        %parallel_loop3A_283 = arith.addi %parallel_loop3A_276, %parallel_loop3A_282 : vector<16xi32>
        %parallel_loop3A_284 = arith.constant 16 : i32
        %parallel_loop3A_285 = arith.muli %parallel_loop3A_234, %parallel_loop3A_284 : i32
        %parallel_loop3A_286 = arith.constant 896 : i32
        %parallel_loop3A_287 = arith.addi %parallel_loop3A_286, %parallel_loop3A_285 : i32
        %parallel_loop3A_288 = arith.index_cast %parallel_loop3A_287 : i32 to index
        %parallel_loop3A_289 = tpu.vector_load %arg9[%parallel_loop3A_288] {strides = array<i32>} : memref<8192xi32, #tpu.memory_space<vmem>>, vector<16xi32>,
        %parallel_loop3A_290 = arith.addi %parallel_loop3A_283, %parallel_loop3A_289 : vector<16xi32>
        %parallel_loop3A_291 = arith.constant 16 : i32
        %parallel_loop3A_292 = arith.muli %parallel_loop3A_234, %parallel_loop3A_291 : i32
        %parallel_loop3A_293 = arith.constant 1024 : i32
        %parallel_loop3A_294 = arith.addi %parallel_loop3A_293, %parallel_loop3A_292 : i32
        %parallel_loop3A_295 = arith.index_cast %parallel_loop3A_294 : i32 to index
        %parallel_loop3A_296 = tpu.vector_load %arg9[%parallel_loop3A_295] {strides = array<i32>} : memref<8192xi32, #tpu.memory_space<vmem>>, vector<16xi32>,
        %parallel_loop3A_297 = arith.addi %parallel_loop3A_290, %parallel_loop3A_296 : vector<16xi32>
        %parallel_loop3A_298 = arith.constant 16 : i32
        %parallel_loop3A_299 = arith.muli %parallel_loop3A_234, %parallel_loop3A_298 : i32
        %parallel_loop3A_300 = arith.constant 1152 : i32
        %parallel_loop3A_301 = arith.addi %parallel_loop3A_300, %parallel_loop3A_299 : i32
        %parallel_loop3A_302 = arith.index_cast %parallel_loop3A_301 : i32 to index
        %parallel_loop3A_303 = tpu.vector_load %arg9[%parallel_loop3A_302] {strides = array<i32>} : memref<8192xi32, #tpu.memory_space<vmem>>, vector<16xi32>,
        %parallel_loop3A_304 = arith.addi %parallel_loop3A_297, %parallel_loop3A_303 : vector<16xi32>
        %parallel_loop3A_305 = arith.constant 16 : i32
        %parallel_loop3A_306 = arith.muli %parallel_loop3A_234, %parallel_loop3A_305 : i32
        %parallel_loop3A_307 = arith.constant 1280 : i32
        %parallel_loop3A_308 = arith.addi %parallel_loop3A_307, %parallel_loop3A_306 : i32
        %parallel_loop3A_309 = arith.index_cast %parallel_loop3A_308 : i32 to index
        %parallel_loop3A_310 = tpu.vector_load %arg9[%parallel_loop3A_309] {strides = array<i32>} : memref<8192xi32, #tpu.memory_space<vmem>>, vector<16xi32>,
        %parallel_loop3A_311 = arith.addi %parallel_loop3A_304, %parallel_loop3A_310 : vector<16xi32>
        %parallel_loop3A_312 = arith.constant 16 : i32
        %parallel_loop3A_313 = arith.muli %parallel_loop3A_234, %parallel_loop3A_312 : i32
        %parallel_loop3A_314 = arith.constant 1408 : i32
        %parallel_loop3A_315 = arith.addi %parallel_loop3A_314, %parallel_loop3A_313 : i32
        %parallel_loop3A_316 = arith.index_cast %parallel_loop3A_315 : i32 to index
        %parallel_loop3A_317 = tpu.vector_load %arg9[%parallel_loop3A_316] {strides = array<i32>} : memref<8192xi32, #tpu.memory_space<vmem>>, vector<16xi32>,
        %parallel_loop3A_318 = arith.addi %parallel_loop3A_311, %parallel_loop3A_317 : vector<16xi32>
        %parallel_loop3A_319 = arith.constant 16 : i32
        %parallel_loop3A_320 = arith.muli %parallel_loop3A_234, %parallel_loop3A_319 : i32
        %parallel_loop3A_321 = arith.constant 1536 : i32
        %parallel_loop3A_322 = arith.addi %parallel_loop3A_321, %parallel_loop3A_320 : i32
        %parallel_loop3A_323 = arith.index_cast %parallel_loop3A_322 : i32 to index
        %parallel_loop3A_324 = tpu.vector_load %arg9[%parallel_loop3A_323] {strides = array<i32>} : memref<8192xi32, #tpu.memory_space<vmem>>, vector<16xi32>,
        %parallel_loop3A_325 = arith.addi %parallel_loop3A_318, %parallel_loop3A_324 : vector<16xi32>
        %parallel_loop3A_326 = arith.constant 16 : i32
        %parallel_loop3A_327 = arith.muli %parallel_loop3A_234, %parallel_loop3A_326 : i32
        %parallel_loop3A_328 = arith.constant 1664 : i32
        %parallel_loop3A_329 = arith.addi %parallel_loop3A_328, %parallel_loop3A_327 : i32
        %parallel_loop3A_330 = arith.index_cast %parallel_loop3A_329 : i32 to index
        %parallel_loop3A_331 = tpu.vector_load %arg9[%parallel_loop3A_330] {strides = array<i32>} : memref<8192xi32, #tpu.memory_space<vmem>>, vector<16xi32>,
        %parallel_loop3A_332 = arith.addi %parallel_loop3A_325, %parallel_loop3A_331 : vector<16xi32>
        %parallel_loop3A_333 = arith.constant 16 : i32
        %parallel_loop3A_334 = arith.muli %parallel_loop3A_234, %parallel_loop3A_333 : i32
        %parallel_loop3A_335 = arith.constant 1792 : i32
        %parallel_loop3A_336 = arith.addi %parallel_loop3A_335, %parallel_loop3A_334 : i32
        %parallel_loop3A_337 = arith.index_cast %parallel_loop3A_336 : i32 to index
        %parallel_loop3A_338 = tpu.vector_load %arg9[%parallel_loop3A_337] {strides = array<i32>} : memref<8192xi32, #tpu.memory_space<vmem>>, vector<16xi32>,
        %parallel_loop3A_339 = arith.addi %parallel_loop3A_332, %parallel_loop3A_338 : vector<16xi32>
        %parallel_loop3A_340 = arith.constant 16 : i32
        %parallel_loop3A_341 = arith.muli %parallel_loop3A_234, %parallel_loop3A_340 : i32
        %parallel_loop3A_342 = arith.constant 1920 : i32
        %parallel_loop3A_343 = arith.addi %parallel_loop3A_342, %parallel_loop3A_341 : i32
        %parallel_loop3A_344 = arith.index_cast %parallel_loop3A_343 : i32 to index
        %parallel_loop3A_345 = tpu.vector_load %arg9[%parallel_loop3A_344] {strides = array<i32>} : memref<8192xi32, #tpu.memory_space<vmem>>, vector<16xi32>,
        %parallel_loop3A_346 = arith.addi %parallel_loop3A_339, %parallel_loop3A_345 : vector<16xi32>
        %parallel_loop3A_347 = arith.constant 16 : i32
        %parallel_loop3A_348 = arith.muli %parallel_loop3A_234, %parallel_loop3A_347 : i32
        %parallel_loop3A_349 = arith.index_cast %parallel_loop3A_348 : i32 to index
        %parallel_loop3A_350 = tpu.vector_load %arg10[%parallel_loop3A_349] {strides = array<i32>} : memref<528xi32, #tpu.memory_space<vmem>>, vector<16xi32>,
        tpu.vector_store %arg10[%parallel_loop3A_349], %parallel_loop3A_346 {strides = array<i32>} : memref<528xi32, #tpu.memory_space<vmem>>, vector<16xi32>,
      } {sc.loop_unroll_factor = 2 : i64, sc.parallel_access}
      %swap3A_113 = arith.constant 128 : index
      %swap3A_114 = tpu.vector_load %arg10[%swap3A_113] {strides = array<i32>} : memref<528xi32, #tpu.memory_space<vmem>>, vector<16xi32>,
      tpu.vector_store %arg10[%swap3A_113], %broadcast_in_dim3A_1 {strides = array<i32>} : memref<528xi32, #tpu.memory_space<vmem>>, vector<16xi32>,
      %scan3A_115 = arith.constant 0 : i32
      %scan3A_116 = arith.constant 0 : i32
      %scan3A_117 = arith.constant 8 : i32
      %scan3A_118 = arith.addi %scan3A_116, %scan3A_117 : i32
      %scan3A_119 = arith.constant 1 : i32
      %scan3A_120 = scf.for %scan3A_234 = %scan3A_116 to %scan3A_118 step %scan3A_119 iter_args(%scan3A_235 = %scan3A_115) -> (i32)  : i32 {
        %sub3A_236 = arith.constant 7 : i32
        %sub3A_237 = arith.subi %sub3A_236, %scan3A_234 : i32
        %mul3A_238 = arith.constant 16 : i32
        %mul3A_239 = arith.muli %sub3A_237, %mul3A_238 : i32
        %get3A_240 = arith.index_cast %mul3A_239 : i32 to index
        %get3A_241 = tpu.vector_load %arg10[%get3A_240] {strides = array<i32>} : memref<528xi32, #tpu.memory_space<vmem>>, vector<16xi32>,
        %rev3A = arith.constant 15 : i32
        %rev3A_242 = vector.broadcast %rev3A : i32 to vector<16xi32>
        %rev3A_243 = tpu.iota {dimensions = array<i32: 0>} : vector<16xi32>
        %rev3A_244 = arith.subi %rev3A_242, %rev3A_243 : vector<16xi32>
        %rev3A_245 = tpu.dynamic_gather %get3A_241[%rev3A_244] in [0] : vector<16xi32>, vector<16xi32> -> vector<16xi32>
        %broadcast_in_dim3A_246 = arith.constant true
        %broadcast_in_dim3A_247 = vector.broadcast %broadcast_in_dim3A_246 : i1 to vector<16xi1>
        %masked_cumsum3A = tpu.scan <sum>, %rev3A_245 masked %broadcast_in_dim3A_247 : vector<16xi32>, vector<16xi1> -> vector<16xi32>
        %rev3A_248 = arith.constant 15 : i32
        %rev3A_249 = vector.broadcast %rev3A_248 : i32 to vector<16xi32>
        %rev3A_250 = tpu.iota {dimensions = array<i32: 0>} : vector<16xi32>
        %rev3A_251 = arith.subi %rev3A_249, %rev3A_250 : vector<16xi32>
        %rev3A_252 = tpu.dynamic_gather %masked_cumsum3A[%rev3A_251] in [0] : vector<16xi32>, vector<16xi32> -> vector<16xi32>
        %add3A_253 = vector.broadcast %scan3A_235 : i32 to vector<16xi32>
        %add3A_254 = arith.addi %rev3A_252, %add3A_253 : vector<16xi32>
        %mul3A_255 = arith.constant 16 : i32
        %mul3A_256 = arith.muli %sub3A_237, %mul3A_255 : i32
        %swap3A_257 = arith.index_cast %mul3A_256 : i32 to index
        %swap3A_258 = tpu.vector_load %arg10[%swap3A_257] {strides = array<i32>} : memref<528xi32, #tpu.memory_space<vmem>>, vector<16xi32>,
        tpu.vector_store %arg10[%swap3A_257], %add3A_254 {strides = array<i32>} : memref<528xi32, #tpu.memory_space<vmem>>, vector<16xi32>,
        %slice3A_259 = vector.extract_strided_slice %masked_cumsum3A {offsets = [15], sizes = [1], strides = [1]} : vector<16xi32> to vector<1xi32>
        %squeeze3A_260 = vector.extract %slice3A_259[0] : i32 from vector<1xi32>
        %add3A_261 = arith.addi %scan3A_235, %squeeze3A_260 : i32
        scf.yield %add3A_261 : i32
      }
      %scan3A_121 = arith.constant 8 : i32
      %scan3A_122 = arith.constant -1 : i32
      %scan3A_123 = arith.constant 0 : i32
      %scan3A_124 = arith.constant 8 : i32
      %scan3A_125 = arith.addi %scan3A_123, %scan3A_124 : i32
      %scan3A_126 = arith.constant 1 : i32
      %scan3A_127 = scf.for %scan3A_234 = %scan3A_123 to %scan3A_125 step %scan3A_126 iter_args(%scan3A_235 = %scan3A_122) -> (i32)  : i32 {
        %mul3A_236 = arith.constant 16 : i32
        %mul3A_237 = arith.muli %scan3A_234, %mul3A_236 : i32
        %get3A_238 = arith.index_cast %mul3A_237 : i32 to index
        %get3A_239 = tpu.vector_load %arg10[%get3A_238] {strides = array<i32>} : memref<528xi32, #tpu.memory_space<vmem>>, vector<16xi32>,
        %ge3A = vector.broadcast %sub3A_35 : i32 to vector<16xi32>
        %ge3A_240 = arith.cmpi sge, %get3A_239, %ge3A : vector<16xi32>
        %mul3A_241 = arith.constant 16 : i32
        %mul3A_242 = arith.muli %scan3A_234, %mul3A_241 : i32
        %add3A_243 = vector.broadcast %mul3A_242 : i32 to vector<16xi32>
        %add3A_244 = arith.addi %add3A_243, %iota3A : vector<16xi32>
        %jit3A_245 = arith.constant -1 : i32
        %broadcast_in_dim3A_246 = vector.broadcast %jit3A_245 : i32 to vector<16xi32>
        %select_n3A_247 = arith.select %ge3A_240, %add3A_244, %broadcast_in_dim3A_246 : vector<16xi1>, vector<16xi32>
        %reduce_max3A = arith.constant true
        %reduce_max3A_248 = vector.broadcast %reduce_max3A : i1 to vector<16xi1>
        %reduce_max3A_249 = arith.constant -2147483648 : i32
        %reduce_max3A_250 = vector.broadcast %reduce_max3A_249 : i32 to vector<16xi32>
        %reduce_max3A_251 = arith.xori %select_n3A_247, %reduce_max3A_250 : vector<16xi32>
        %reduce_max3A_252 = tpu.scan <max>, %reduce_max3A_251 masked %reduce_max3A_248 : vector<16xi32>, vector<16xi1> -> vector<16xi32>
        %reduce_max3A_253 = arith.xori %reduce_max3A_252, %reduce_max3A_250 : vector<16xi32>
        %reduce_max3A_254 = vector.extract %reduce_max3A_253[15] : i32 from vector<16xi32>
        %max3A = arith.maxsi %scan3A_235, %reduce_max3A_254 : i32
        scf.yield %max3A : i32
      }
      %scan3A_128 = arith.constant 8 : i32
      %add3A_129 = arith.constant 1 : i32
      %add3A_130 = arith.addi %scan3A_127, %add3A_129 : i32
      %get3A_131 = arith.index_cast %add3A_130 : i32 to index
      %get3A_132 = tpu.vector_load %arg10[%get3A_131] {strides = array<i32>} : memref<528xi32, #tpu.memory_space<vmem>>, vector<16xi32>,
      %slice3A_133 = vector.extract_strided_slice %get3A_132 {offsets = [0], sizes = [1], strides = [1]} : vector<16xi32> to vector<1xi32>
      %squeeze3A_134 = vector.extract %slice3A_133[0] : i32 from vector<1xi32>
      %sub3A_135 = arith.subi %sub3A_35, %squeeze3A_134 : i32
      %shift_left3A = arith.constant 7 : i32
      %shift_left3A_136 = arith.shli %scan3A_30, %shift_left3A : i32
      %or3A = arith.ori %shift_left3A_136, %scan3A_127 : i32
      %parallel_loop3A_137 = arith.constant 0 : i32
      %parallel_loop3A_138 = arith.constant 128 : i32
      %parallel_loop3A_139 = arith.constant 1 : i32
      scf.for %parallel_loop3A_234 = %parallel_loop3A_137 to %parallel_loop3A_138 step %parallel_loop3A_139  : i32 {
        %parallel_loop3A_235 = arith.constant 16 : i32
        %parallel_loop3A_236 = arith.muli %parallel_loop3A_234, %parallel_loop3A_235 : i32
        %parallel_loop3A_237 = arith.index_cast %parallel_loop3A_236 : i32 to index
        %parallel_loop3A_238 = tpu.vector_load %arg9[%parallel_loop3A_237] {strides = array<i32>} : memref<8192xi32, #tpu.memory_space<vmem>>, vector<16xi32>,
        tpu.vector_store %arg9[%parallel_loop3A_237], %broadcast_in_dim3A_1 {strides = array<i32>} : memref<8192xi32, #tpu.memory_space<vmem>>, vector<16xi32>,
      } {sc.loop_unroll_factor = 8 : i64, sc.parallel_access}
      %while3A_140 = arith.constant 0 : i32
      %while3A_141 = arith.constant 0 : i32
      %while3A_142 = arith.subi %select_n3A, %while3A_141 : i32
      %while3A_143 = arith.addi %while3A_141, %while3A_142 : i32
      %while3A_144 = arith.constant 1 : i32
      %while3A_145 = arith.divsi %while3A_142, %while3A_144 : i32
      %while3A_146 = arith.muli %while3A_145, %while3A_144 : i32
      %while3A_147 = arith.addi %while3A_141, %while3A_146 : i32
      %while3A_148 = arith.constant 1 : i32
      scf.for %while3A_234 = %while3A_141 to %while3A_147 step %while3A_148  : i32 {
        %mul3A_235 = arith.constant 16 : i32
        %mul3A_236 = arith.muli %while3A_234, %mul3A_235 : i32
        %get3A_237 = arith.index_cast %mul3A_236 : i32 to index
        %get3A_238 = tpu.vector_load %arg13[%get3A_237] {strides = array<i32>} : memref<6160xi32, #tpu.memory_space<vmem>>, vector<16xi32>,
        %gather3A = tpu.vector_load_idx %arg7[%get3A_238] : memref<81920xf32, #tpu.memory_space<vmem>>[vector<16xi32>], vector<16xf32>,
        %bitcast3A = vector.bitcast %gather3A : vector<16xf32> to vector<16xi32>
        %mul3A_239 = arith.constant 16 : i32
        %mul3A_240 = arith.muli %while3A_234, %mul3A_239 : i32
        %add3A_241 = vector.broadcast %mul3A_240 : i32 to vector<16xi32>
        %add3A_242 = arith.addi %add3A_241, %iota3A : vector<16xi32>
        %lt3A = vector.broadcast %sub3A_40 : i32 to vector<16xi32>
        %lt3A_243 = arith.cmpi slt, %add3A_242, %lt3A : vector<16xi32>
        %shift_right_logical3A = arith.constant 14 : i32
        %shift_right_logical3A_244 = vector.broadcast %shift_right_logical3A : i32 to vector<16xi32>
        %shift_right_logical3A_245 = arith.shrui %bitcast3A, %shift_right_logical3A_244 : vector<16xi32>
        %eq3A = vector.broadcast %or3A : i32 to vector<16xi32>
        %eq3A_246 = arith.cmpi eq, %shift_right_logical3A_245, %eq3A : vector<16xi32>
        %and3A_247 = arith.andi %lt3A_243, %eq3A_246 : vector<16xi1>
        %shift_right_logical3A_248 = arith.constant 7 : i32
        %shift_right_logical3A_249 = vector.broadcast %shift_right_logical3A_248 : i32 to vector<16xi32>
        %shift_right_logical3A_250 = arith.shrui %bitcast3A, %shift_right_logical3A_249 : vector<16xi32>
        %and3A_251 = arith.constant 127 : i32
        %and3A_252 = vector.broadcast %and3A_251 : i32 to vector<16xi32>
        %and3A_253 = arith.andi %shift_right_logical3A_250, %and3A_252 : vector<16xi32>
        %add3A_254 = arith.addi %mul3A_59, %and3A_253 : vector<16xi32>
        tpu.vector_store_idx %arg9[%add3A_254], %broadcast_in_dim3A_3 masked %and3A_247 {add = true} : memref<8192xi32, #tpu.memory_space<vmem>>[vector<16xi32>], vector<16xi32>, vector<16xi1>
      }
      %while3A_149 = arith.constant 1 : i32
      scf.for %while3A_234 = %while3A_147 to %while3A_143 step %while3A_149  : i32 {
        %mul3A_235 = arith.constant 16 : i32
        %mul3A_236 = arith.muli %while3A_234, %mul3A_235 : i32
        %get3A_237 = arith.index_cast %mul3A_236 : i32 to index
        %get3A_238 = tpu.vector_load %arg13[%get3A_237] {strides = array<i32>} : memref<6160xi32, #tpu.memory_space<vmem>>, vector<16xi32>,
        %gather3A = tpu.vector_load_idx %arg7[%get3A_238] : memref<81920xf32, #tpu.memory_space<vmem>>[vector<16xi32>], vector<16xf32>,
        %bitcast3A = vector.bitcast %gather3A : vector<16xf32> to vector<16xi32>
        %mul3A_239 = arith.constant 16 : i32
        %mul3A_240 = arith.muli %while3A_234, %mul3A_239 : i32
        %add3A_241 = vector.broadcast %mul3A_240 : i32 to vector<16xi32>
        %add3A_242 = arith.addi %add3A_241, %iota3A : vector<16xi32>
        %lt3A = vector.broadcast %sub3A_40 : i32 to vector<16xi32>
        %lt3A_243 = arith.cmpi slt, %add3A_242, %lt3A : vector<16xi32>
        %shift_right_logical3A = arith.constant 14 : i32
        %shift_right_logical3A_244 = vector.broadcast %shift_right_logical3A : i32 to vector<16xi32>
        %shift_right_logical3A_245 = arith.shrui %bitcast3A, %shift_right_logical3A_244 : vector<16xi32>
        %eq3A = vector.broadcast %or3A : i32 to vector<16xi32>
        %eq3A_246 = arith.cmpi eq, %shift_right_logical3A_245, %eq3A : vector<16xi32>
        %and3A_247 = arith.andi %lt3A_243, %eq3A_246 : vector<16xi1>
        %shift_right_logical3A_248 = arith.constant 7 : i32
        %shift_right_logical3A_249 = vector.broadcast %shift_right_logical3A_248 : i32 to vector<16xi32>
        %shift_right_logical3A_250 = arith.shrui %bitcast3A, %shift_right_logical3A_249 : vector<16xi32>
        %and3A_251 = arith.constant 127 : i32
        %and3A_252 = vector.broadcast %and3A_251 : i32 to vector<16xi32>
        %and3A_253 = arith.andi %shift_right_logical3A_250, %and3A_252 : vector<16xi32>
        %add3A_254 = arith.addi %mul3A_59, %and3A_253 : vector<16xi32>
        tpu.vector_store_idx %arg9[%add3A_254], %broadcast_in_dim3A_3 masked %and3A_247 {add = true} : memref<8192xi32, #tpu.memory_space<vmem>>[vector<16xi32>], vector<16xi32>, vector<16xi1>
      }
      %parallel_loop3A_150 = arith.constant 0 : i32
      %parallel_loop3A_151 = arith.constant 8 : i32
      %parallel_loop3A_152 = arith.constant 1 : i32
      scf.for %parallel_loop3A_234 = %parallel_loop3A_150 to %parallel_loop3A_151 step %parallel_loop3A_152  : i32 {
        %parallel_loop3A_235 = arith.constant 16 : i32
        %parallel_loop3A_236 = arith.muli %parallel_loop3A_234, %parallel_loop3A_235 : i32
        %parallel_loop3A_237 = arith.constant 0 : i32
        %parallel_loop3A_238 = arith.addi %parallel_loop3A_237, %parallel_loop3A_236 : i32
        %parallel_loop3A_239 = arith.index_cast %parallel_loop3A_238 : i32 to index
        %parallel_loop3A_240 = tpu.vector_load %arg9[%parallel_loop3A_239] {strides = array<i32>} : memref<8192xi32, #tpu.memory_space<vmem>>, vector<16xi32>,
        %parallel_loop3A_241 = arith.addi %broadcast_in_dim3A_1, %parallel_loop3A_240 : vector<16xi32>
        %parallel_loop3A_242 = arith.constant 16 : i32
        %parallel_loop3A_243 = arith.muli %parallel_loop3A_234, %parallel_loop3A_242 : i32
        %parallel_loop3A_244 = arith.constant 128 : i32
        %parallel_loop3A_245 = arith.addi %parallel_loop3A_244, %parallel_loop3A_243 : i32
        %parallel_loop3A_246 = arith.index_cast %parallel_loop3A_245 : i32 to index
        %parallel_loop3A_247 = tpu.vector_load %arg9[%parallel_loop3A_246] {strides = array<i32>} : memref<8192xi32, #tpu.memory_space<vmem>>, vector<16xi32>,
        %parallel_loop3A_248 = arith.addi %parallel_loop3A_241, %parallel_loop3A_247 : vector<16xi32>
        %parallel_loop3A_249 = arith.constant 16 : i32
        %parallel_loop3A_250 = arith.muli %parallel_loop3A_234, %parallel_loop3A_249 : i32
        %parallel_loop3A_251 = arith.constant 256 : i32
        %parallel_loop3A_252 = arith.addi %parallel_loop3A_251, %parallel_loop3A_250 : i32
        %parallel_loop3A_253 = arith.index_cast %parallel_loop3A_252 : i32 to index
        %parallel_loop3A_254 = tpu.vector_load %arg9[%parallel_loop3A_253] {strides = array<i32>} : memref<8192xi32, #tpu.memory_space<vmem>>, vector<16xi32>,
        %parallel_loop3A_255 = arith.addi %parallel_loop3A_248, %parallel_loop3A_254 : vector<16xi32>
        %parallel_loop3A_256 = arith.constant 16 : i32
        %parallel_loop3A_257 = arith.muli %parallel_loop3A_234, %parallel_loop3A_256 : i32
        %parallel_loop3A_258 = arith.constant 384 : i32
        %parallel_loop3A_259 = arith.addi %parallel_loop3A_258, %parallel_loop3A_257 : i32
        %parallel_loop3A_260 = arith.index_cast %parallel_loop3A_259 : i32 to index
        %parallel_loop3A_261 = tpu.vector_load %arg9[%parallel_loop3A_260] {strides = array<i32>} : memref<8192xi32, #tpu.memory_space<vmem>>, vector<16xi32>,
        %parallel_loop3A_262 = arith.addi %parallel_loop3A_255, %parallel_loop3A_261 : vector<16xi32>
        %parallel_loop3A_263 = arith.constant 16 : i32
        %parallel_loop3A_264 = arith.muli %parallel_loop3A_234, %parallel_loop3A_263 : i32
        %parallel_loop3A_265 = arith.constant 512 : i32
        %parallel_loop3A_266 = arith.addi %parallel_loop3A_265, %parallel_loop3A_264 : i32
        %parallel_loop3A_267 = arith.index_cast %parallel_loop3A_266 : i32 to index
        %parallel_loop3A_268 = tpu.vector_load %arg9[%parallel_loop3A_267] {strides = array<i32>} : memref<8192xi32, #tpu.memory_space<vmem>>, vector<16xi32>,
        %parallel_loop3A_269 = arith.addi %parallel_loop3A_262, %parallel_loop3A_268 : vector<16xi32>
        %parallel_loop3A_270 = arith.constant 16 : i32
        %parallel_loop3A_271 = arith.muli %parallel_loop3A_234, %parallel_loop3A_270 : i32
        %parallel_loop3A_272 = arith.constant 640 : i32
        %parallel_loop3A_273 = arith.addi %parallel_loop3A_272, %parallel_loop3A_271 : i32
        %parallel_loop3A_274 = arith.index_cast %parallel_loop3A_273 : i32 to index
        %parallel_loop3A_275 = tpu.vector_load %arg9[%parallel_loop3A_274] {strides = array<i32>} : memref<8192xi32, #tpu.memory_space<vmem>>, vector<16xi32>,
        %parallel_loop3A_276 = arith.addi %parallel_loop3A_269, %parallel_loop3A_275 : vector<16xi32>
        %parallel_loop3A_277 = arith.constant 16 : i32
        %parallel_loop3A_278 = arith.muli %parallel_loop3A_234, %parallel_loop3A_277 : i32
        %parallel_loop3A_279 = arith.constant 768 : i32
        %parallel_loop3A_280 = arith.addi %parallel_loop3A_279, %parallel_loop3A_278 : i32
        %parallel_loop3A_281 = arith.index_cast %parallel_loop3A_280 : i32 to index
        %parallel_loop3A_282 = tpu.vector_load %arg9[%parallel_loop3A_281] {strides = array<i32>} : memref<8192xi32, #tpu.memory_space<vmem>>, vector<16xi32>,
        %parallel_loop3A_283 = arith.addi %parallel_loop3A_276, %parallel_loop3A_282 : vector<16xi32>
        %parallel_loop3A_284 = arith.constant 16 : i32
        %parallel_loop3A_285 = arith.muli %parallel_loop3A_234, %parallel_loop3A_284 : i32
        %parallel_loop3A_286 = arith.constant 896 : i32
        %parallel_loop3A_287 = arith.addi %parallel_loop3A_286, %parallel_loop3A_285 : i32
        %parallel_loop3A_288 = arith.index_cast %parallel_loop3A_287 : i32 to index
        %parallel_loop3A_289 = tpu.vector_load %arg9[%parallel_loop3A_288] {strides = array<i32>} : memref<8192xi32, #tpu.memory_space<vmem>>, vector<16xi32>,
        %parallel_loop3A_290 = arith.addi %parallel_loop3A_283, %parallel_loop3A_289 : vector<16xi32>
        %parallel_loop3A_291 = arith.constant 16 : i32
        %parallel_loop3A_292 = arith.muli %parallel_loop3A_234, %parallel_loop3A_291 : i32
        %parallel_loop3A_293 = arith.constant 1024 : i32
        %parallel_loop3A_294 = arith.addi %parallel_loop3A_293, %parallel_loop3A_292 : i32
        %parallel_loop3A_295 = arith.index_cast %parallel_loop3A_294 : i32 to index
        %parallel_loop3A_296 = tpu.vector_load %arg9[%parallel_loop3A_295] {strides = array<i32>} : memref<8192xi32, #tpu.memory_space<vmem>>, vector<16xi32>,
        %parallel_loop3A_297 = arith.addi %parallel_loop3A_290, %parallel_loop3A_296 : vector<16xi32>
        %parallel_loop3A_298 = arith.constant 16 : i32
        %parallel_loop3A_299 = arith.muli %parallel_loop3A_234, %parallel_loop3A_298 : i32
        %parallel_loop3A_300 = arith.constant 1152 : i32
        %parallel_loop3A_301 = arith.addi %parallel_loop3A_300, %parallel_loop3A_299 : i32
        %parallel_loop3A_302 = arith.index_cast %parallel_loop3A_301 : i32 to index
        %parallel_loop3A_303 = tpu.vector_load %arg9[%parallel_loop3A_302] {strides = array<i32>} : memref<8192xi32, #tpu.memory_space<vmem>>, vector<16xi32>,
        %parallel_loop3A_304 = arith.addi %parallel_loop3A_297, %parallel_loop3A_303 : vector<16xi32>
        %parallel_loop3A_305 = arith.constant 16 : i32
        %parallel_loop3A_306 = arith.muli %parallel_loop3A_234, %parallel_loop3A_305 : i32
        %parallel_loop3A_307 = arith.constant 1280 : i32
        %parallel_loop3A_308 = arith.addi %parallel_loop3A_307, %parallel_loop3A_306 : i32
        %parallel_loop3A_309 = arith.index_cast %parallel_loop3A_308 : i32 to index
        %parallel_loop3A_310 = tpu.vector_load %arg9[%parallel_loop3A_309] {strides = array<i32>} : memref<8192xi32, #tpu.memory_space<vmem>>, vector<16xi32>,
        %parallel_loop3A_311 = arith.addi %parallel_loop3A_304, %parallel_loop3A_310 : vector<16xi32>
        %parallel_loop3A_312 = arith.constant 16 : i32
        %parallel_loop3A_313 = arith.muli %parallel_loop3A_234, %parallel_loop3A_312 : i32
        %parallel_loop3A_314 = arith.constant 1408 : i32
        %parallel_loop3A_315 = arith.addi %parallel_loop3A_314, %parallel_loop3A_313 : i32
        %parallel_loop3A_316 = arith.index_cast %parallel_loop3A_315 : i32 to index
        %parallel_loop3A_317 = tpu.vector_load %arg9[%parallel_loop3A_316] {strides = array<i32>} : memref<8192xi32, #tpu.memory_space<vmem>>, vector<16xi32>,
        %parallel_loop3A_318 = arith.addi %parallel_loop3A_311, %parallel_loop3A_317 : vector<16xi32>
        %parallel_loop3A_319 = arith.constant 16 : i32
        %parallel_loop3A_320 = arith.muli %parallel_loop3A_234, %parallel_loop3A_319 : i32
        %parallel_loop3A_321 = arith.constant 1536 : i32
        %parallel_loop3A_322 = arith.addi %parallel_loop3A_321, %parallel_loop3A_320 : i32
        %parallel_loop3A_323 = arith.index_cast %parallel_loop3A_322 : i32 to index
        %parallel_loop3A_324 = tpu.vector_load %arg9[%parallel_loop3A_323] {strides = array<i32>} : memref<8192xi32, #tpu.memory_space<vmem>>, vector<16xi32>,
        %parallel_loop3A_325 = arith.addi %parallel_loop3A_318, %parallel_loop3A_324 : vector<16xi32>
        %parallel_loop3A_326 = arith.constant 16 : i32
        %parallel_loop3A_327 = arith.muli %parallel_loop3A_234, %parallel_loop3A_326 : i32
        %parallel_loop3A_328 = arith.constant 1664 : i32
        %parallel_loop3A_329 = arith.addi %parallel_loop3A_328, %parallel_loop3A_327 : i32
        %parallel_loop3A_330 = arith.index_cast %parallel_loop3A_329 : i32 to index
        %parallel_loop3A_331 = tpu.vector_load %arg9[%parallel_loop3A_330] {strides = array<i32>} : memref<8192xi32, #tpu.memory_space<vmem>>, vector<16xi32>,
        %parallel_loop3A_332 = arith.addi %parallel_loop3A_325, %parallel_loop3A_331 : vector<16xi32>
        %parallel_loop3A_333 = arith.constant 16 : i32
        %parallel_loop3A_334 = arith.muli %parallel_loop3A_234, %parallel_loop3A_333 : i32
        %parallel_loop3A_335 = arith.constant 1792 : i32
        %parallel_loop3A_336 = arith.addi %parallel_loop3A_335, %parallel_loop3A_334 : i32
        %parallel_loop3A_337 = arith.index_cast %parallel_loop3A_336 : i32 to index
        %parallel_loop3A_338 = tpu.vector_load %arg9[%parallel_loop3A_337] {strides = array<i32>} : memref<8192xi32, #tpu.memory_space<vmem>>, vector<16xi32>,
        %parallel_loop3A_339 = arith.addi %parallel_loop3A_332, %parallel_loop3A_338 : vector<16xi32>
        %parallel_loop3A_340 = arith.constant 16 : i32
        %parallel_loop3A_341 = arith.muli %parallel_loop3A_234, %parallel_loop3A_340 : i32
        %parallel_loop3A_342 = arith.constant 1920 : i32
        %parallel_loop3A_343 = arith.addi %parallel_loop3A_342, %parallel_loop3A_341 : i32
        %parallel_loop3A_344 = arith.index_cast %parallel_loop3A_343 : i32 to index
        %parallel_loop3A_345 = tpu.vector_load %arg9[%parallel_loop3A_344] {strides = array<i32>} : memref<8192xi32, #tpu.memory_space<vmem>>, vector<16xi32>,
        %parallel_loop3A_346 = arith.addi %parallel_loop3A_339, %parallel_loop3A_345 : vector<16xi32>
        %parallel_loop3A_347 = arith.constant 16 : i32
        %parallel_loop3A_348 = arith.muli %parallel_loop3A_234, %parallel_loop3A_347 : i32
        %parallel_loop3A_349 = arith.index_cast %parallel_loop3A_348 : i32 to index
        %parallel_loop3A_350 = tpu.vector_load %arg10[%parallel_loop3A_349] {strides = array<i32>} : memref<528xi32, #tpu.memory_space<vmem>>, vector<16xi32>,
        tpu.vector_store %arg10[%parallel_loop3A_349], %parallel_loop3A_346 {strides = array<i32>} : memref<528xi32, #tpu.memory_space<vmem>>, vector<16xi32>,
      } {sc.loop_unroll_factor = 2 : i64, sc.parallel_access}
      %swap3A_153 = arith.constant 128 : index
      %swap3A_154 = tpu.vector_load %arg10[%swap3A_153] {strides = array<i32>} : memref<528xi32, #tpu.memory_space<vmem>>, vector<16xi32>,
      tpu.vector_store %arg10[%swap3A_153], %broadcast_in_dim3A_1 {strides = array<i32>} : memref<528xi32, #tpu.memory_space<vmem>>, vector<16xi32>,
      %scan3A_155 = arith.constant 0 : i32
      %scan3A_156 = arith.constant 0 : i32
      %scan3A_157 = arith.constant 8 : i32
      %scan3A_158 = arith.addi %scan3A_156, %scan3A_157 : i32
      %scan3A_159 = arith.constant 1 : i32
      %scan3A_160 = scf.for %scan3A_234 = %scan3A_156 to %scan3A_158 step %scan3A_159 iter_args(%scan3A_235 = %scan3A_155) -> (i32)  : i32 {
        %sub3A_236 = arith.constant 7 : i32
        %sub3A_237 = arith.subi %sub3A_236, %scan3A_234 : i32
        %mul3A_238 = arith.constant 16 : i32
        %mul3A_239 = arith.muli %sub3A_237, %mul3A_238 : i32
        %get3A_240 = arith.index_cast %mul3A_239 : i32 to index
        %get3A_241 = tpu.vector_load %arg10[%get3A_240] {strides = array<i32>} : memref<528xi32, #tpu.memory_space<vmem>>, vector<16xi32>,
        %rev3A = arith.constant 15 : i32
        %rev3A_242 = vector.broadcast %rev3A : i32 to vector<16xi32>
        %rev3A_243 = tpu.iota {dimensions = array<i32: 0>} : vector<16xi32>
        %rev3A_244 = arith.subi %rev3A_242, %rev3A_243 : vector<16xi32>
        %rev3A_245 = tpu.dynamic_gather %get3A_241[%rev3A_244] in [0] : vector<16xi32>, vector<16xi32> -> vector<16xi32>
        %broadcast_in_dim3A_246 = arith.constant true
        %broadcast_in_dim3A_247 = vector.broadcast %broadcast_in_dim3A_246 : i1 to vector<16xi1>
        %masked_cumsum3A = tpu.scan <sum>, %rev3A_245 masked %broadcast_in_dim3A_247 : vector<16xi32>, vector<16xi1> -> vector<16xi32>
        %rev3A_248 = arith.constant 15 : i32
        %rev3A_249 = vector.broadcast %rev3A_248 : i32 to vector<16xi32>
        %rev3A_250 = tpu.iota {dimensions = array<i32: 0>} : vector<16xi32>
        %rev3A_251 = arith.subi %rev3A_249, %rev3A_250 : vector<16xi32>
        %rev3A_252 = tpu.dynamic_gather %masked_cumsum3A[%rev3A_251] in [0] : vector<16xi32>, vector<16xi32> -> vector<16xi32>
        %add3A_253 = vector.broadcast %scan3A_235 : i32 to vector<16xi32>
        %add3A_254 = arith.addi %rev3A_252, %add3A_253 : vector<16xi32>
        %mul3A_255 = arith.constant 16 : i32
        %mul3A_256 = arith.muli %sub3A_237, %mul3A_255 : i32
        %swap3A_257 = arith.index_cast %mul3A_256 : i32 to index
        %swap3A_258 = tpu.vector_load %arg10[%swap3A_257] {strides = array<i32>} : memref<528xi32, #tpu.memory_space<vmem>>, vector<16xi32>,
        tpu.vector_store %arg10[%swap3A_257], %add3A_254 {strides = array<i32>} : memref<528xi32, #tpu.memory_space<vmem>>, vector<16xi32>,
        %slice3A_259 = vector.extract_strided_slice %masked_cumsum3A {offsets = [15], sizes = [1], strides = [1]} : vector<16xi32> to vector<1xi32>
        %squeeze3A_260 = vector.extract %slice3A_259[0] : i32 from vector<1xi32>
        %add3A_261 = arith.addi %scan3A_235, %squeeze3A_260 : i32
        scf.yield %add3A_261 : i32
      }
      %scan3A_161 = arith.constant 8 : i32
      %scan3A_162 = arith.constant -1 : i32
      %scan3A_163 = arith.constant 0 : i32
      %scan3A_164 = arith.constant 8 : i32
      %scan3A_165 = arith.addi %scan3A_163, %scan3A_164 : i32
      %scan3A_166 = arith.constant 1 : i32
      %scan3A_167 = scf.for %scan3A_234 = %scan3A_163 to %scan3A_165 step %scan3A_166 iter_args(%scan3A_235 = %scan3A_162) -> (i32)  : i32 {
        %mul3A_236 = arith.constant 16 : i32
        %mul3A_237 = arith.muli %scan3A_234, %mul3A_236 : i32
        %get3A_238 = arith.index_cast %mul3A_237 : i32 to index
        %get3A_239 = tpu.vector_load %arg10[%get3A_238] {strides = array<i32>} : memref<528xi32, #tpu.memory_space<vmem>>, vector<16xi32>,
        %ge3A = vector.broadcast %sub3A_135 : i32 to vector<16xi32>
        %ge3A_240 = arith.cmpi sge, %get3A_239, %ge3A : vector<16xi32>
        %mul3A_241 = arith.constant 16 : i32
        %mul3A_242 = arith.muli %scan3A_234, %mul3A_241 : i32
        %add3A_243 = vector.broadcast %mul3A_242 : i32 to vector<16xi32>
        %add3A_244 = arith.addi %add3A_243, %iota3A : vector<16xi32>
        %jit3A_245 = arith.constant -1 : i32
        %broadcast_in_dim3A_246 = vector.broadcast %jit3A_245 : i32 to vector<16xi32>
        %select_n3A_247 = arith.select %ge3A_240, %add3A_244, %broadcast_in_dim3A_246 : vector<16xi1>, vector<16xi32>
        %reduce_max3A = arith.constant true
        %reduce_max3A_248 = vector.broadcast %reduce_max3A : i1 to vector<16xi1>
        %reduce_max3A_249 = arith.constant -2147483648 : i32
        %reduce_max3A_250 = vector.broadcast %reduce_max3A_249 : i32 to vector<16xi32>
        %reduce_max3A_251 = arith.xori %select_n3A_247, %reduce_max3A_250 : vector<16xi32>
        %reduce_max3A_252 = tpu.scan <max>, %reduce_max3A_251 masked %reduce_max3A_248 : vector<16xi32>, vector<16xi1> -> vector<16xi32>
        %reduce_max3A_253 = arith.xori %reduce_max3A_252, %reduce_max3A_250 : vector<16xi32>
        %reduce_max3A_254 = vector.extract %reduce_max3A_253[15] : i32 from vector<16xi32>
        %max3A = arith.maxsi %scan3A_235, %reduce_max3A_254 : i32
        scf.yield %max3A : i32
      }
      %scan3A_168 = arith.constant 8 : i32
      %add3A_169 = arith.constant 1 : i32
      %add3A_170 = arith.addi %scan3A_167, %add3A_169 : i32
      %get3A_171 = arith.index_cast %add3A_170 : i32 to index
      %get3A_172 = tpu.vector_load %arg10[%get3A_171] {strides = array<i32>} : memref<528xi32, #tpu.memory_space<vmem>>, vector<16xi32>,
      %slice3A_173 = vector.extract_strided_slice %get3A_172 {offsets = [0], sizes = [1], strides = [1]} : vector<16xi32> to vector<1xi32>
      %squeeze3A_174 = vector.extract %slice3A_173[0] : i32 from vector<1xi32>
      %sub3A_175 = arith.subi %sub3A_135, %squeeze3A_174 : i32
      %shift_left3A_176 = arith.constant 7 : i32
      %shift_left3A_177 = arith.shli %or3A, %shift_left3A_176 : i32
      %or3A_178 = arith.ori %shift_left3A_177, %scan3A_167 : i32
      %parallel_loop3A_179 = arith.constant 0 : i32
      %parallel_loop3A_180 = arith.constant 128 : i32
      %parallel_loop3A_181 = arith.constant 1 : i32
      scf.for %parallel_loop3A_234 = %parallel_loop3A_179 to %parallel_loop3A_180 step %parallel_loop3A_181  : i32 {
        %parallel_loop3A_235 = arith.constant 16 : i32
        %parallel_loop3A_236 = arith.muli %parallel_loop3A_234, %parallel_loop3A_235 : i32
        %parallel_loop3A_237 = arith.index_cast %parallel_loop3A_236 : i32 to index
        %parallel_loop3A_238 = tpu.vector_load %arg9[%parallel_loop3A_237] {strides = array<i32>} : memref<8192xi32, #tpu.memory_space<vmem>>, vector<16xi32>,
        tpu.vector_store %arg9[%parallel_loop3A_237], %broadcast_in_dim3A_1 {strides = array<i32>} : memref<8192xi32, #tpu.memory_space<vmem>>, vector<16xi32>,
      } {sc.loop_unroll_factor = 8 : i64, sc.parallel_access}
      %while3A_182 = arith.constant 0 : i32
      %while3A_183 = arith.constant 0 : i32
      %while3A_184 = arith.subi %select_n3A, %while3A_183 : i32
      %while3A_185 = arith.addi %while3A_183, %while3A_184 : i32
      %while3A_186 = arith.constant 1 : i32
      %while3A_187 = arith.divsi %while3A_184, %while3A_186 : i32
      %while3A_188 = arith.muli %while3A_187, %while3A_186 : i32
      %while3A_189 = arith.addi %while3A_183, %while3A_188 : i32
      %while3A_190 = arith.constant 1 : i32
      scf.for %while3A_234 = %while3A_183 to %while3A_189 step %while3A_190  : i32 {
        %mul3A_235 = arith.constant 16 : i32
        %mul3A_236 = arith.muli %while3A_234, %mul3A_235 : i32
        %get3A_237 = arith.index_cast %mul3A_236 : i32 to index
        %get3A_238 = tpu.vector_load %arg13[%get3A_237] {strides = array<i32>} : memref<6160xi32, #tpu.memory_space<vmem>>, vector<16xi32>,
        %gather3A = tpu.vector_load_idx %arg7[%get3A_238] : memref<81920xf32, #tpu.memory_space<vmem>>[vector<16xi32>], vector<16xf32>,
        %bitcast3A = vector.bitcast %gather3A : vector<16xf32> to vector<16xi32>
        %mul3A_239 = arith.constant 16 : i32
        %mul3A_240 = arith.muli %while3A_234, %mul3A_239 : i32
        %add3A_241 = vector.broadcast %mul3A_240 : i32 to vector<16xi32>
        %add3A_242 = arith.addi %add3A_241, %iota3A : vector<16xi32>
        %lt3A = vector.broadcast %sub3A_40 : i32 to vector<16xi32>
        %lt3A_243 = arith.cmpi slt, %add3A_242, %lt3A : vector<16xi32>
        %shift_right_logical3A = arith.constant 7 : i32
        %shift_right_logical3A_244 = vector.broadcast %shift_right_logical3A : i32 to vector<16xi32>
        %shift_right_logical3A_245 = arith.shrui %bitcast3A, %shift_right_logical3A_244 : vector<16xi32>
        %eq3A = vector.broadcast %or3A_178 : i32 to vector<16xi32>
        %eq3A_246 = arith.cmpi eq, %shift_right_logical3A_245, %eq3A : vector<16xi32>
        %and3A_247 = arith.andi %lt3A_243, %eq3A_246 : vector<16xi1>
        %shift_right_logical3A_248 = arith.constant 0 : i32
        %shift_right_logical3A_249 = vector.broadcast %shift_right_logical3A_248 : i32 to vector<16xi32>
        %shift_right_logical3A_250 = arith.shrui %bitcast3A, %shift_right_logical3A_249 : vector<16xi32>
        %and3A_251 = arith.constant 127 : i32
        %and3A_252 = vector.broadcast %and3A_251 : i32 to vector<16xi32>
        %and3A_253 = arith.andi %shift_right_logical3A_250, %and3A_252 : vector<16xi32>
        %add3A_254 = arith.addi %mul3A_59, %and3A_253 : vector<16xi32>
        tpu.vector_store_idx %arg9[%add3A_254], %broadcast_in_dim3A_3 masked %and3A_247 {add = true} : memref<8192xi32, #tpu.memory_space<vmem>>[vector<16xi32>], vector<16xi32>, vector<16xi1>
      }
      %while3A_191 = arith.constant 1 : i32
      scf.for %while3A_234 = %while3A_189 to %while3A_185 step %while3A_191  : i32 {
        %mul3A_235 = arith.constant 16 : i32
        %mul3A_236 = arith.muli %while3A_234, %mul3A_235 : i32
        %get3A_237 = arith.index_cast %mul3A_236 : i32 to index
        %get3A_238 = tpu.vector_load %arg13[%get3A_237] {strides = array<i32>} : memref<6160xi32, #tpu.memory_space<vmem>>, vector<16xi32>,
        %gather3A = tpu.vector_load_idx %arg7[%get3A_238] : memref<81920xf32, #tpu.memory_space<vmem>>[vector<16xi32>], vector<16xf32>,
        %bitcast3A = vector.bitcast %gather3A : vector<16xf32> to vector<16xi32>
        %mul3A_239 = arith.constant 16 : i32
        %mul3A_240 = arith.muli %while3A_234, %mul3A_239 : i32
        %add3A_241 = vector.broadcast %mul3A_240 : i32 to vector<16xi32>
        %add3A_242 = arith.addi %add3A_241, %iota3A : vector<16xi32>
        %lt3A = vector.broadcast %sub3A_40 : i32 to vector<16xi32>
        %lt3A_243 = arith.cmpi slt, %add3A_242, %lt3A : vector<16xi32>
        %shift_right_logical3A = arith.constant 7 : i32
        %shift_right_logical3A_244 = vector.broadcast %shift_right_logical3A : i32 to vector<16xi32>
        %shift_right_logical3A_245 = arith.shrui %bitcast3A, %shift_right_logical3A_244 : vector<16xi32>
        %eq3A = vector.broadcast %or3A_178 : i32 to vector<16xi32>
        %eq3A_246 = arith.cmpi eq, %shift_right_logical3A_245, %eq3A : vector<16xi32>
        %and3A_247 = arith.andi %lt3A_243, %eq3A_246 : vector<16xi1>
        %shift_right_logical3A_248 = arith.constant 0 : i32
        %shift_right_logical3A_249 = vector.broadcast %shift_right_logical3A_248 : i32 to vector<16xi32>
        %shift_right_logical3A_250 = arith.shrui %bitcast3A, %shift_right_logical3A_249 : vector<16xi32>
        %and3A_251 = arith.constant 127 : i32
        %and3A_252 = vector.broadcast %and3A_251 : i32 to vector<16xi32>
        %and3A_253 = arith.andi %shift_right_logical3A_250, %and3A_252 : vector<16xi32>
        %add3A_254 = arith.addi %mul3A_59, %and3A_253 : vector<16xi32>
        tpu.vector_store_idx %arg9[%add3A_254], %broadcast_in_dim3A_3 masked %and3A_247 {add = true} : memref<8192xi32, #tpu.memory_space<vmem>>[vector<16xi32>], vector<16xi32>, vector<16xi1>
      }
      %parallel_loop3A_192 = arith.constant 0 : i32
      %parallel_loop3A_193 = arith.constant 8 : i32
      %parallel_loop3A_194 = arith.constant 1 : i32
      scf.for %parallel_loop3A_234 = %parallel_loop3A_192 to %parallel_loop3A_193 step %parallel_loop3A_194  : i32 {
        %parallel_loop3A_235 = arith.constant 16 : i32
        %parallel_loop3A_236 = arith.muli %parallel_loop3A_234, %parallel_loop3A_235 : i32
        %parallel_loop3A_237 = arith.constant 0 : i32
        %parallel_loop3A_238 = arith.addi %parallel_loop3A_237, %parallel_loop3A_236 : i32
        %parallel_loop3A_239 = arith.index_cast %parallel_loop3A_238 : i32 to index
        %parallel_loop3A_240 = tpu.vector_load %arg9[%parallel_loop3A_239] {strides = array<i32>} : memref<8192xi32, #tpu.memory_space<vmem>>, vector<16xi32>,
        %parallel_loop3A_241 = arith.addi %broadcast_in_dim3A_1, %parallel_loop3A_240 : vector<16xi32>
        %parallel_loop3A_242 = arith.constant 16 : i32
        %parallel_loop3A_243 = arith.muli %parallel_loop3A_234, %parallel_loop3A_242 : i32
        %parallel_loop3A_244 = arith.constant 128 : i32
        %parallel_loop3A_245 = arith.addi %parallel_loop3A_244, %parallel_loop3A_243 : i32
        %parallel_loop3A_246 = arith.index_cast %parallel_loop3A_245 : i32 to index
        %parallel_loop3A_247 = tpu.vector_load %arg9[%parallel_loop3A_246] {strides = array<i32>} : memref<8192xi32, #tpu.memory_space<vmem>>, vector<16xi32>,
        %parallel_loop3A_248 = arith.addi %parallel_loop3A_241, %parallel_loop3A_247 : vector<16xi32>
        %parallel_loop3A_249 = arith.constant 16 : i32
        %parallel_loop3A_250 = arith.muli %parallel_loop3A_234, %parallel_loop3A_249 : i32
        %parallel_loop3A_251 = arith.constant 256 : i32
        %parallel_loop3A_252 = arith.addi %parallel_loop3A_251, %parallel_loop3A_250 : i32
        %parallel_loop3A_253 = arith.index_cast %parallel_loop3A_252 : i32 to index
        %parallel_loop3A_254 = tpu.vector_load %arg9[%parallel_loop3A_253] {strides = array<i32>} : memref<8192xi32, #tpu.memory_space<vmem>>, vector<16xi32>,
        %parallel_loop3A_255 = arith.addi %parallel_loop3A_248, %parallel_loop3A_254 : vector<16xi32>
        %parallel_loop3A_256 = arith.constant 16 : i32
        %parallel_loop3A_257 = arith.muli %parallel_loop3A_234, %parallel_loop3A_256 : i32
        %parallel_loop3A_258 = arith.constant 384 : i32
        %parallel_loop3A_259 = arith.addi %parallel_loop3A_258, %parallel_loop3A_257 : i32
        %parallel_loop3A_260 = arith.index_cast %parallel_loop3A_259 : i32 to index
        %parallel_loop3A_261 = tpu.vector_load %arg9[%parallel_loop3A_260] {strides = array<i32>} : memref<8192xi32, #tpu.memory_space<vmem>>, vector<16xi32>,
        %parallel_loop3A_262 = arith.addi %parallel_loop3A_255, %parallel_loop3A_261 : vector<16xi32>
        %parallel_loop3A_263 = arith.constant 16 : i32
        %parallel_loop3A_264 = arith.muli %parallel_loop3A_234, %parallel_loop3A_263 : i32
        %parallel_loop3A_265 = arith.constant 512 : i32
        %parallel_loop3A_266 = arith.addi %parallel_loop3A_265, %parallel_loop3A_264 : i32
        %parallel_loop3A_267 = arith.index_cast %parallel_loop3A_266 : i32 to index
        %parallel_loop3A_268 = tpu.vector_load %arg9[%parallel_loop3A_267] {strides = array<i32>} : memref<8192xi32, #tpu.memory_space<vmem>>, vector<16xi32>,
        %parallel_loop3A_269 = arith.addi %parallel_loop3A_262, %parallel_loop3A_268 : vector<16xi32>
        %parallel_loop3A_270 = arith.constant 16 : i32
        %parallel_loop3A_271 = arith.muli %parallel_loop3A_234, %parallel_loop3A_270 : i32
        %parallel_loop3A_272 = arith.constant 640 : i32
        %parallel_loop3A_273 = arith.addi %parallel_loop3A_272, %parallel_loop3A_271 : i32
        %parallel_loop3A_274 = arith.index_cast %parallel_loop3A_273 : i32 to index
        %parallel_loop3A_275 = tpu.vector_load %arg9[%parallel_loop3A_274] {strides = array<i32>} : memref<8192xi32, #tpu.memory_space<vmem>>, vector<16xi32>,
        %parallel_loop3A_276 = arith.addi %parallel_loop3A_269, %parallel_loop3A_275 : vector<16xi32>
        %parallel_loop3A_277 = arith.constant 16 : i32
        %parallel_loop3A_278 = arith.muli %parallel_loop3A_234, %parallel_loop3A_277 : i32
        %parallel_loop3A_279 = arith.constant 768 : i32
        %parallel_loop3A_280 = arith.addi %parallel_loop3A_279, %parallel_loop3A_278 : i32
        %parallel_loop3A_281 = arith.index_cast %parallel_loop3A_280 : i32 to index
        %parallel_loop3A_282 = tpu.vector_load %arg9[%parallel_loop3A_281] {strides = array<i32>} : memref<8192xi32, #tpu.memory_space<vmem>>, vector<16xi32>,
        %parallel_loop3A_283 = arith.addi %parallel_loop3A_276, %parallel_loop3A_282 : vector<16xi32>
        %parallel_loop3A_284 = arith.constant 16 : i32
        %parallel_loop3A_285 = arith.muli %parallel_loop3A_234, %parallel_loop3A_284 : i32
        %parallel_loop3A_286 = arith.constant 896 : i32
        %parallel_loop3A_287 = arith.addi %parallel_loop3A_286, %parallel_loop3A_285 : i32
        %parallel_loop3A_288 = arith.index_cast %parallel_loop3A_287 : i32 to index
        %parallel_loop3A_289 = tpu.vector_load %arg9[%parallel_loop3A_288] {strides = array<i32>} : memref<8192xi32, #tpu.memory_space<vmem>>, vector<16xi32>,
        %parallel_loop3A_290 = arith.addi %parallel_loop3A_283, %parallel_loop3A_289 : vector<16xi32>
        %parallel_loop3A_291 = arith.constant 16 : i32
        %parallel_loop3A_292 = arith.muli %parallel_loop3A_234, %parallel_loop3A_291 : i32
        %parallel_loop3A_293 = arith.constant 1024 : i32
        %parallel_loop3A_294 = arith.addi %parallel_loop3A_293, %parallel_loop3A_292 : i32
        %parallel_loop3A_295 = arith.index_cast %parallel_loop3A_294 : i32 to index
        %parallel_loop3A_296 = tpu.vector_load %arg9[%parallel_loop3A_295] {strides = array<i32>} : memref<8192xi32, #tpu.memory_space<vmem>>, vector<16xi32>,
        %parallel_loop3A_297 = arith.addi %parallel_loop3A_290, %parallel_loop3A_296 : vector<16xi32>
        %parallel_loop3A_298 = arith.constant 16 : i32
        %parallel_loop3A_299 = arith.muli %parallel_loop3A_234, %parallel_loop3A_298 : i32
        %parallel_loop3A_300 = arith.constant 1152 : i32
        %parallel_loop3A_301 = arith.addi %parallel_loop3A_300, %parallel_loop3A_299 : i32
        %parallel_loop3A_302 = arith.index_cast %parallel_loop3A_301 : i32 to index
        %parallel_loop3A_303 = tpu.vector_load %arg9[%parallel_loop3A_302] {strides = array<i32>} : memref<8192xi32, #tpu.memory_space<vmem>>, vector<16xi32>,
        %parallel_loop3A_304 = arith.addi %parallel_loop3A_297, %parallel_loop3A_303 : vector<16xi32>
        %parallel_loop3A_305 = arith.constant 16 : i32
        %parallel_loop3A_306 = arith.muli %parallel_loop3A_234, %parallel_loop3A_305 : i32
        %parallel_loop3A_307 = arith.constant 1280 : i32
        %parallel_loop3A_308 = arith.addi %parallel_loop3A_307, %parallel_loop3A_306 : i32
        %parallel_loop3A_309 = arith.index_cast %parallel_loop3A_308 : i32 to index
        %parallel_loop3A_310 = tpu.vector_load %arg9[%parallel_loop3A_309] {strides = array<i32>} : memref<8192xi32, #tpu.memory_space<vmem>>, vector<16xi32>,
        %parallel_loop3A_311 = arith.addi %parallel_loop3A_304, %parallel_loop3A_310 : vector<16xi32>
        %parallel_loop3A_312 = arith.constant 16 : i32
        %parallel_loop3A_313 = arith.muli %parallel_loop3A_234, %parallel_loop3A_312 : i32
        %parallel_loop3A_314 = arith.constant 1408 : i32
        %parallel_loop3A_315 = arith.addi %parallel_loop3A_314, %parallel_loop3A_313 : i32
        %parallel_loop3A_316 = arith.index_cast %parallel_loop3A_315 : i32 to index
        %parallel_loop3A_317 = tpu.vector_load %arg9[%parallel_loop3A_316] {strides = array<i32>} : memref<8192xi32, #tpu.memory_space<vmem>>, vector<16xi32>,
        %parallel_loop3A_318 = arith.addi %parallel_loop3A_311, %parallel_loop3A_317 : vector<16xi32>
        %parallel_loop3A_319 = arith.constant 16 : i32
        %parallel_loop3A_320 = arith.muli %parallel_loop3A_234, %parallel_loop3A_319 : i32
        %parallel_loop3A_321 = arith.constant 1536 : i32
        %parallel_loop3A_322 = arith.addi %parallel_loop3A_321, %parallel_loop3A_320 : i32
        %parallel_loop3A_323 = arith.index_cast %parallel_loop3A_322 : i32 to index
        %parallel_loop3A_324 = tpu.vector_load %arg9[%parallel_loop3A_323] {strides = array<i32>} : memref<8192xi32, #tpu.memory_space<vmem>>, vector<16xi32>,
        %parallel_loop3A_325 = arith.addi %parallel_loop3A_318, %parallel_loop3A_324 : vector<16xi32>
        %parallel_loop3A_326 = arith.constant 16 : i32
        %parallel_loop3A_327 = arith.muli %parallel_loop3A_234, %parallel_loop3A_326 : i32
        %parallel_loop3A_328 = arith.constant 1664 : i32
        %parallel_loop3A_329 = arith.addi %parallel_loop3A_328, %parallel_loop3A_327 : i32
        %parallel_loop3A_330 = arith.index_cast %parallel_loop3A_329 : i32 to index
        %parallel_loop3A_331 = tpu.vector_load %arg9[%parallel_loop3A_330] {strides = array<i32>} : memref<8192xi32, #tpu.memory_space<vmem>>, vector<16xi32>,
        %parallel_loop3A_332 = arith.addi %parallel_loop3A_325, %parallel_loop3A_331 : vector<16xi32>
        %parallel_loop3A_333 = arith.constant 16 : i32
        %parallel_loop3A_334 = arith.muli %parallel_loop3A_234, %parallel_loop3A_333 : i32
        %parallel_loop3A_335 = arith.constant 1792 : i32
        %parallel_loop3A_336 = arith.addi %parallel_loop3A_335, %parallel_loop3A_334 : i32
        %parallel_loop3A_337 = arith.index_cast %parallel_loop3A_336 : i32 to index
        %parallel_loop3A_338 = tpu.vector_load %arg9[%parallel_loop3A_337] {strides = array<i32>} : memref<8192xi32, #tpu.memory_space<vmem>>, vector<16xi32>,
        %parallel_loop3A_339 = arith.addi %parallel_loop3A_332, %parallel_loop3A_338 : vector<16xi32>
        %parallel_loop3A_340 = arith.constant 16 : i32
        %parallel_loop3A_341 = arith.muli %parallel_loop3A_234, %parallel_loop3A_340 : i32
        %parallel_loop3A_342 = arith.constant 1920 : i32
        %parallel_loop3A_343 = arith.addi %parallel_loop3A_342, %parallel_loop3A_341 : i32
        %parallel_loop3A_344 = arith.index_cast %parallel_loop3A_343 : i32 to index
        %parallel_loop3A_345 = tpu.vector_load %arg9[%parallel_loop3A_344] {strides = array<i32>} : memref<8192xi32, #tpu.memory_space<vmem>>, vector<16xi32>,
        %parallel_loop3A_346 = arith.addi %parallel_loop3A_339, %parallel_loop3A_345 : vector<16xi32>
        %parallel_loop3A_347 = arith.constant 16 : i32
        %parallel_loop3A_348 = arith.muli %parallel_loop3A_234, %parallel_loop3A_347 : i32
        %parallel_loop3A_349 = arith.index_cast %parallel_loop3A_348 : i32 to index
        %parallel_loop3A_350 = tpu.vector_load %arg10[%parallel_loop3A_349] {strides = array<i32>} : memref<528xi32, #tpu.memory_space<vmem>>, vector<16xi32>,
        tpu.vector_store %arg10[%parallel_loop3A_349], %parallel_loop3A_346 {strides = array<i32>} : memref<528xi32, #tpu.memory_space<vmem>>, vector<16xi32>,
      } {sc.loop_unroll_factor = 2 : i64, sc.parallel_access}
      %swap3A_195 = arith.constant 128 : index
      %swap3A_196 = tpu.vector_load %arg10[%swap3A_195] {strides = array<i32>} : memref<528xi32, #tpu.memory_space<vmem>>, vector<16xi32>,
      tpu.vector_store %arg10[%swap3A_195], %broadcast_in_dim3A_1 {strides = array<i32>} : memref<528xi32, #tpu.memory_space<vmem>>, vector<16xi32>,
      %scan3A_197 = arith.constant 0 : i32
      %scan3A_198 = arith.constant 0 : i32
      %scan3A_199 = arith.constant 8 : i32
      %scan3A_200 = arith.addi %scan3A_198, %scan3A_199 : i32
      %scan3A_201 = arith.constant 1 : i32
      %scan3A_202 = scf.for %scan3A_234 = %scan3A_198 to %scan3A_200 step %scan3A_201 iter_args(%scan3A_235 = %scan3A_197) -> (i32)  : i32 {
        %sub3A_236 = arith.constant 7 : i32
        %sub3A_237 = arith.subi %sub3A_236, %scan3A_234 : i32
        %mul3A_238 = arith.constant 16 : i32
        %mul3A_239 = arith.muli %sub3A_237, %mul3A_238 : i32
        %get3A_240 = arith.index_cast %mul3A_239 : i32 to index
        %get3A_241 = tpu.vector_load %arg10[%get3A_240] {strides = array<i32>} : memref<528xi32, #tpu.memory_space<vmem>>, vector<16xi32>,
        %rev3A = arith.constant 15 : i32
        %rev3A_242 = vector.broadcast %rev3A : i32 to vector<16xi32>
        %rev3A_243 = tpu.iota {dimensions = array<i32: 0>} : vector<16xi32>
        %rev3A_244 = arith.subi %rev3A_242, %rev3A_243 : vector<16xi32>
        %rev3A_245 = tpu.dynamic_gather %get3A_241[%rev3A_244] in [0] : vector<16xi32>, vector<16xi32> -> vector<16xi32>
        %broadcast_in_dim3A_246 = arith.constant true
        %broadcast_in_dim3A_247 = vector.broadcast %broadcast_in_dim3A_246 : i1 to vector<16xi1>
        %masked_cumsum3A = tpu.scan <sum>, %rev3A_245 masked %broadcast_in_dim3A_247 : vector<16xi32>, vector<16xi1> -> vector<16xi32>
        %rev3A_248 = arith.constant 15 : i32
        %rev3A_249 = vector.broadcast %rev3A_248 : i32 to vector<16xi32>
        %rev3A_250 = tpu.iota {dimensions = array<i32: 0>} : vector<16xi32>
        %rev3A_251 = arith.subi %rev3A_249, %rev3A_250 : vector<16xi32>
        %rev3A_252 = tpu.dynamic_gather %masked_cumsum3A[%rev3A_251] in [0] : vector<16xi32>, vector<16xi32> -> vector<16xi32>
        %add3A_253 = vector.broadcast %scan3A_235 : i32 to vector<16xi32>
        %add3A_254 = arith.addi %rev3A_252, %add3A_253 : vector<16xi32>
        %mul3A_255 = arith.constant 16 : i32
        %mul3A_256 = arith.muli %sub3A_237, %mul3A_255 : i32
        %swap3A_257 = arith.index_cast %mul3A_256 : i32 to index
        %swap3A_258 = tpu.vector_load %arg10[%swap3A_257] {strides = array<i32>} : memref<528xi32, #tpu.memory_space<vmem>>, vector<16xi32>,
        tpu.vector_store %arg10[%swap3A_257], %add3A_254 {strides = array<i32>} : memref<528xi32, #tpu.memory_space<vmem>>, vector<16xi32>,
        %slice3A_259 = vector.extract_strided_slice %masked_cumsum3A {offsets = [15], sizes = [1], strides = [1]} : vector<16xi32> to vector<1xi32>
        %squeeze3A_260 = vector.extract %slice3A_259[0] : i32 from vector<1xi32>
        %add3A_261 = arith.addi %scan3A_235, %squeeze3A_260 : i32
        scf.yield %add3A_261 : i32
      }
      %scan3A_203 = arith.constant 8 : i32
      %scan3A_204 = arith.constant -1 : i32
      %scan3A_205 = arith.constant 0 : i32
      %scan3A_206 = arith.constant 8 : i32
      %scan3A_207 = arith.addi %scan3A_205, %scan3A_206 : i32
      %scan3A_208 = arith.constant 1 : i32
      %scan3A_209 = scf.for %scan3A_234 = %scan3A_205 to %scan3A_207 step %scan3A_208 iter_args(%scan3A_235 = %scan3A_204) -> (i32)  : i32 {
        %mul3A_236 = arith.constant 16 : i32
        %mul3A_237 = arith.muli %scan3A_234, %mul3A_236 : i32
        %get3A_238 = arith.index_cast %mul3A_237 : i32 to index
        %get3A_239 = tpu.vector_load %arg10[%get3A_238] {strides = array<i32>} : memref<528xi32, #tpu.memory_space<vmem>>, vector<16xi32>,
        %ge3A = vector.broadcast %sub3A_175 : i32 to vector<16xi32>
        %ge3A_240 = arith.cmpi sge, %get3A_239, %ge3A : vector<16xi32>
        %mul3A_241 = arith.constant 16 : i32
        %mul3A_242 = arith.muli %scan3A_234, %mul3A_241 : i32
        %add3A_243 = vector.broadcast %mul3A_242 : i32 to vector<16xi32>
        %add3A_244 = arith.addi %add3A_243, %iota3A : vector<16xi32>
        %jit3A_245 = arith.constant -1 : i32
        %broadcast_in_dim3A_246 = vector.broadcast %jit3A_245 : i32 to vector<16xi32>
        %select_n3A_247 = arith.select %ge3A_240, %add3A_244, %broadcast_in_dim3A_246 : vector<16xi1>, vector<16xi32>
        %reduce_max3A = arith.constant true
        %reduce_max3A_248 = vector.broadcast %reduce_max3A : i1 to vector<16xi1>
        %reduce_max3A_249 = arith.constant -2147483648 : i32
        %reduce_max3A_250 = vector.broadcast %reduce_max3A_249 : i32 to vector<16xi32>
        %reduce_max3A_251 = arith.xori %select_n3A_247, %reduce_max3A_250 : vector<16xi32>
        %reduce_max3A_252 = tpu.scan <max>, %reduce_max3A_251 masked %reduce_max3A_248 : vector<16xi32>, vector<16xi1> -> vector<16xi32>
        %reduce_max3A_253 = arith.xori %reduce_max3A_252, %reduce_max3A_250 : vector<16xi32>
        %reduce_max3A_254 = vector.extract %reduce_max3A_253[15] : i32 from vector<16xi32>
        %max3A = arith.maxsi %scan3A_235, %reduce_max3A_254 : i32
        scf.yield %max3A : i32
      }
      %scan3A_210 = arith.constant 8 : i32
      %add3A_211 = arith.constant 1 : i32
      %add3A_212 = arith.addi %scan3A_209, %add3A_211 : i32
      %get3A_213 = arith.index_cast %add3A_212 : i32 to index
      %get3A_214 = tpu.vector_load %arg10[%get3A_213] {strides = array<i32>} : memref<528xi32, #tpu.memory_space<vmem>>, vector<16xi32>,
      %slice3A_215 = vector.extract_strided_slice %get3A_214 {offsets = [0], sizes = [1], strides = [1]} : vector<16xi32> to vector<1xi32>
      %squeeze3A_216 = vector.extract %slice3A_215[0] : i32 from vector<1xi32>
      %shift_left3A_217 = arith.constant 7 : i32
      %shift_left3A_218 = arith.shli %or3A_178, %shift_left3A_217 : i32
      %or3A_219 = arith.ori %shift_left3A_218, %scan3A_209 : i32
      %while3A_220 = arith.constant 0 : i32
      %while3A_221 = arith.constant 0 : i32
      %while3A_222 = arith.subi %select_n3A, %while3A_220 : i32
      %while3A_223 = arith.addi %while3A_220, %while3A_222 : i32
      %while3A_224 = arith.constant 1 : i32
      %while3A_225 = arith.divsi %while3A_222, %while3A_224 : i32
      %while3A_226 = arith.muli %while3A_225, %while3A_224 : i32
      %while3A_227 = arith.addi %while3A_220, %while3A_226 : i32
      %while3A_228 = arith.constant 1 : i32
      %while3A_229:2 = scf.for %while3A_234 = %while3A_220 to %while3A_227 step %while3A_228 iter_args(%while3A_235 = %squeeze3A_50, %while3A_236 = %while3A_221) -> (i32, i32)  : i32 {
        %mul3A_237 = arith.constant 16 : i32
        %mul3A_238 = arith.muli %while3A_234, %mul3A_237 : i32
        %get3A_239 = arith.index_cast %mul3A_238 : i32 to index
        %get3A_240 = tpu.vector_load %arg13[%get3A_239] {strides = array<i32>} : memref<6160xi32, #tpu.memory_space<vmem>>, vector<16xi32>,
        %gather3A = tpu.vector_load_idx %arg7[%get3A_240] : memref<81920xf32, #tpu.memory_space<vmem>>[vector<16xi32>], vector<16xf32>,
        %bitcast3A = vector.bitcast %gather3A : vector<16xf32> to vector<16xi32>
        %mul3A_241 = arith.constant 16 : i32
        %mul3A_242 = arith.muli %while3A_234, %mul3A_241 : i32
        %add3A_243 = vector.broadcast %mul3A_242 : i32 to vector<16xi32>
        %add3A_244 = arith.addi %add3A_243, %iota3A : vector<16xi32>
        %lt3A = vector.broadcast %sub3A_40 : i32 to vector<16xi32>
        %lt3A_245 = arith.cmpi slt, %add3A_244, %lt3A : vector<16xi32>
        %gt3A = vector.broadcast %or3A_219 : i32 to vector<16xi32>
        %gt3A_246 = arith.cmpi ugt, %bitcast3A, %gt3A : vector<16xi32>
        %and3A_247 = arith.andi %lt3A_245, %gt3A_246 : vector<16xi1>
        %eq3A = vector.broadcast %or3A_219 : i32 to vector<16xi32>
        %eq3A_248 = arith.cmpi eq, %bitcast3A, %eq3A : vector<16xi32>
        %and3A_249 = arith.andi %lt3A_245, %eq3A_248 : vector<16xi1>
        %broadcast_in_dim3A_250 = vector.broadcast %while3A_236 : i32 to vector<16xi32>
        %lt3A_251 = arith.constant 304 : i32
        %lt3A_252 = vector.broadcast %lt3A_251 : i32 to vector<16xi32>
        %lt3A_253 = arith.cmpi slt, %broadcast_in_dim3A_250, %lt3A_252 : vector<16xi32>
        %and3A_254 = arith.andi %and3A_249, %lt3A_253 : vector<16xi1>
        %swap3A_255 = arith.index_cast %while3A_235 : i32 to index
        %swap3A_256 = tpu.vector_load %arg11[%swap3A_255] masked %and3A_247 {strides = array<i32>} : memref<640xi32, #tpu.memory_space<vmem>>, vector<16xi32>, vector<16xi1>
        tpu.vector_store %arg11[%swap3A_255], %get3A_240 masked %and3A_247 {strides = array<i32>} : memref<640xi32, #tpu.memory_space<vmem>>, vector<16xi32>, vector<16xi1>
        %swap3A_257 = arith.index_cast %while3A_236 : i32 to index
        %swap3A_258 = tpu.vector_load %arg12[%swap3A_257] masked %and3A_254 {strides = array<i32>} : memref<320xi32, #tpu.memory_space<vmem>>, vector<16xi32>, vector<16xi1>
        tpu.vector_store %arg12[%swap3A_257], %get3A_240 masked %and3A_254 {strides = array<i32>} : memref<320xi32, #tpu.memory_space<vmem>>, vector<16xi32>, vector<16xi1>
        %all_reduce_population_count3A = tpu.all_reduce %and3A_247 {dim = 0 : i64, kind = #tpu.reduction_kind<sum>} : vector<16xi1> -> vector<16xi32>
        %slice3A_259 = vector.extract_strided_slice %all_reduce_population_count3A {offsets = [0], sizes = [1], strides = [1]} : vector<16xi32> to vector<1xi32>
        %squeeze3A_260 = vector.extract %slice3A_259[0] : i32 from vector<1xi32>
        %all_reduce_population_count3A_261 = tpu.all_reduce %and3A_254 {dim = 0 : i64, kind = #tpu.reduction_kind<sum>} : vector<16xi1> -> vector<16xi32>
        %slice3A_262 = vector.extract_strided_slice %all_reduce_population_count3A_261 {offsets = [0], sizes = [1], strides = [1]} : vector<16xi32> to vector<1xi32>
        %squeeze3A_263 = vector.extract %slice3A_262[0] : i32 from vector<1xi32>
        %add3A_264 = arith.addi %while3A_235, %squeeze3A_260 : i32
        %add3A_265 = arith.addi %while3A_236, %squeeze3A_263 : i32
        scf.yield %add3A_264, %add3A_265 : i32, i32
      }
      %while3A_230 = arith.constant 1 : i32
      %while3A_231:2 = scf.for %while3A_234 = %while3A_227 to %while3A_223 step %while3A_230 iter_args(%while3A_235 = %while3A_229#0, %while3A_236 = %while3A_229#1) -> (i32, i32)  : i32 {
        %mul3A_237 = arith.constant 16 : i32
        %mul3A_238 = arith.muli %while3A_234, %mul3A_237 : i32
        %get3A_239 = arith.index_cast %mul3A_238 : i32 to index
        %get3A_240 = tpu.vector_load %arg13[%get3A_239] {strides = array<i32>} : memref<6160xi32, #tpu.memory_space<vmem>>, vector<16xi32>,
        %gather3A = tpu.vector_load_idx %arg7[%get3A_240] : memref<81920xf32, #tpu.memory_space<vmem>>[vector<16xi32>], vector<16xf32>,
        %bitcast3A = vector.bitcast %gather3A : vector<16xf32> to vector<16xi32>
        %mul3A_241 = arith.constant 16 : i32
        %mul3A_242 = arith.muli %while3A_234, %mul3A_241 : i32
        %add3A_243 = vector.broadcast %mul3A_242 : i32 to vector<16xi32>
        %add3A_244 = arith.addi %add3A_243, %iota3A : vector<16xi32>
        %lt3A = vector.broadcast %sub3A_40 : i32 to vector<16xi32>
        %lt3A_245 = arith.cmpi slt, %add3A_244, %lt3A : vector<16xi32>
        %gt3A = vector.broadcast %or3A_219 : i32 to vector<16xi32>
        %gt3A_246 = arith.cmpi ugt, %bitcast3A, %gt3A : vector<16xi32>
        %and3A_247 = arith.andi %lt3A_245, %gt3A_246 : vector<16xi1>
        %eq3A = vector.broadcast %or3A_219 : i32 to vector<16xi32>
        %eq3A_248 = arith.cmpi eq, %bitcast3A, %eq3A : vector<16xi32>
        %and3A_249 = arith.andi %lt3A_245, %eq3A_248 : vector<16xi1>
        %broadcast_in_dim3A_250 = vector.broadcast %while3A_236 : i32 to vector<16xi32>
        %lt3A_251 = arith.constant 304 : i32
        %lt3A_252 = vector.broadcast %lt3A_251 : i32 to vector<16xi32>
        %lt3A_253 = arith.cmpi slt, %broadcast_in_dim3A_250, %lt3A_252 : vector<16xi32>
        %and3A_254 = arith.andi %and3A_249, %lt3A_253 : vector<16xi1>
        %swap3A_255 = arith.index_cast %while3A_235 : i32 to index
        %swap3A_256 = tpu.vector_load %arg11[%swap3A_255] masked %and3A_247 {strides = array<i32>} : memref<640xi32, #tpu.memory_space<vmem>>, vector<16xi32>, vector<16xi1>
        tpu.vector_store %arg11[%swap3A_255], %get3A_240 masked %and3A_247 {strides = array<i32>} : memref<640xi32, #tpu.memory_space<vmem>>, vector<16xi32>, vector<16xi1>
        %swap3A_257 = arith.index_cast %while3A_236 : i32 to index
        %swap3A_258 = tpu.vector_load %arg12[%swap3A_257] masked %and3A_254 {strides = array<i32>} : memref<320xi32, #tpu.memory_space<vmem>>, vector<16xi32>, vector<16xi1>
        tpu.vector_store %arg12[%swap3A_257], %get3A_240 masked %and3A_254 {strides = array<i32>} : memref<320xi32, #tpu.memory_space<vmem>>, vector<16xi32>, vector<16xi1>
        %all_reduce_population_count3A = tpu.all_reduce %and3A_247 {dim = 0 : i64, kind = #tpu.reduction_kind<sum>} : vector<16xi1> -> vector<16xi32>
        %slice3A_259 = vector.extract_strided_slice %all_reduce_population_count3A {offsets = [0], sizes = [1], strides = [1]} : vector<16xi32> to vector<1xi32>
        %squeeze3A_260 = vector.extract %slice3A_259[0] : i32 from vector<1xi32>
        %all_reduce_population_count3A_261 = tpu.all_reduce %and3A_254 {dim = 0 : i64, kind = #tpu.reduction_kind<sum>} : vector<16xi1> -> vector<16xi32>
        %slice3A_262 = vector.extract_strided_slice %all_reduce_population_count3A_261 {offsets = [0], sizes = [1], strides = [1]} : vector<16xi32> to vector<1xi32>
        %squeeze3A_263 = vector.extract %slice3A_262[0] : i32 from vector<1xi32>
        %add3A_264 = arith.addi %while3A_235, %squeeze3A_260 : i32
        %add3A_265 = arith.addi %while3A_236, %squeeze3A_263 : i32
        scf.yield %add3A_264, %add3A_265 : i32, i32
      }
      %add3A_232 = arith.addi %squeeze3A_134, %squeeze3A_174 : i32
      %add3A_233 = arith.addi %add3A_232, %squeeze3A_216 : i32
      scf.yield %add3A_233 : i32
    } else {
      %parallel_loop3A_79 = arith.constant 0 : i32
      %parallel_loop3A_80 = arith.constant 128 : i32
      %parallel_loop3A_81 = arith.constant 1 : i32
      scf.for %parallel_loop3A_199 = %parallel_loop3A_79 to %parallel_loop3A_80 step %parallel_loop3A_81  : i32 {
        %parallel_loop3A_200 = arith.constant 16 : i32
        %parallel_loop3A_201 = arith.muli %parallel_loop3A_199, %parallel_loop3A_200 : i32
        %parallel_loop3A_202 = arith.index_cast %parallel_loop3A_201 : i32 to index
        %parallel_loop3A_203 = tpu.vector_load %arg9[%parallel_loop3A_202] {strides = array<i32>} : memref<8192xi32, #tpu.memory_space<vmem>>, vector<16xi32>,
        tpu.vector_store %arg9[%parallel_loop3A_202], %broadcast_in_dim3A_1 {strides = array<i32>} : memref<8192xi32, #tpu.memory_space<vmem>>, vector<16xi32>,
      } {sc.loop_unroll_factor = 8 : i64, sc.parallel_access}
      %scan3A_82 = arith.constant 0 : i32
      %scan3A_83 = arith.constant 0 : i32
      %scan3A_84 = arith.constant 5120 : i32
      %scan3A_85 = arith.addi %scan3A_83, %scan3A_84 : i32
      %scan3A_86 = arith.constant 1 : i32
      scf.for %scan3A_199 = %scan3A_83 to %scan3A_85 step %scan3A_86  : i32 {
        %mul3A_200 = arith.constant 16 : i32
        %mul3A_201 = arith.muli %scan3A_199, %mul3A_200 : i32
        %get3A_202 = arith.index_cast %mul3A_201 : i32 to index
        %get3A_203 = tpu.vector_load %arg7[%get3A_202] {strides = array<i32>} : memref<81920xf32, #tpu.memory_space<vmem>>, vector<16xf32>,
        %bitcast3A = vector.bitcast %get3A_203 : vector<16xf32> to vector<16xi32>
        %shift_right_logical3A = arith.constant 21 : i32
        %shift_right_logical3A_204 = vector.broadcast %shift_right_logical3A : i32 to vector<16xi32>
        %shift_right_logical3A_205 = arith.shrui %bitcast3A, %shift_right_logical3A_204 : vector<16xi32>
        %eq3A = vector.broadcast %scan3A_30 : i32 to vector<16xi32>
        %eq3A_206 = arith.cmpi eq, %shift_right_logical3A_205, %eq3A : vector<16xi32>
        %shift_right_logical3A_207 = arith.constant 14 : i32
        %shift_right_logical3A_208 = vector.broadcast %shift_right_logical3A_207 : i32 to vector<16xi32>
        %shift_right_logical3A_209 = arith.shrui %bitcast3A, %shift_right_logical3A_208 : vector<16xi32>
        %and3A = arith.constant 127 : i32
        %and3A_210 = vector.broadcast %and3A : i32 to vector<16xi32>
        %and3A_211 = arith.andi %shift_right_logical3A_209, %and3A_210 : vector<16xi32>
        %add3A_212 = arith.addi %mul3A_59, %and3A_211 : vector<16xi32>
        tpu.vector_store_idx %arg9[%add3A_212], %broadcast_in_dim3A_3 masked %eq3A_206 {add = true} : memref<8192xi32, #tpu.memory_space<vmem>>[vector<16xi32>], vector<16xi32>, vector<16xi1>
      }
      %scan3A_87 = arith.constant 5120 : i32
      %parallel_loop3A_88 = arith.constant 0 : i32
      %parallel_loop3A_89 = arith.constant 8 : i32
      %parallel_loop3A_90 = arith.constant 1 : i32
      scf.for %parallel_loop3A_199 = %parallel_loop3A_88 to %parallel_loop3A_89 step %parallel_loop3A_90  : i32 {
        %parallel_loop3A_200 = arith.constant 16 : i32
        %parallel_loop3A_201 = arith.muli %parallel_loop3A_199, %parallel_loop3A_200 : i32
        %parallel_loop3A_202 = arith.constant 0 : i32
        %parallel_loop3A_203 = arith.addi %parallel_loop3A_202, %parallel_loop3A_201 : i32
        %parallel_loop3A_204 = arith.index_cast %parallel_loop3A_203 : i32 to index
        %parallel_loop3A_205 = tpu.vector_load %arg9[%parallel_loop3A_204] {strides = array<i32>} : memref<8192xi32, #tpu.memory_space<vmem>>, vector<16xi32>,
        %parallel_loop3A_206 = arith.addi %broadcast_in_dim3A_1, %parallel_loop3A_205 : vector<16xi32>
        %parallel_loop3A_207 = arith.constant 16 : i32
        %parallel_loop3A_208 = arith.muli %parallel_loop3A_199, %parallel_loop3A_207 : i32
        %parallel_loop3A_209 = arith.constant 128 : i32
        %parallel_loop3A_210 = arith.addi %parallel_loop3A_209, %parallel_loop3A_208 : i32
        %parallel_loop3A_211 = arith.index_cast %parallel_loop3A_210 : i32 to index
        %parallel_loop3A_212 = tpu.vector_load %arg9[%parallel_loop3A_211] {strides = array<i32>} : memref<8192xi32, #tpu.memory_space<vmem>>, vector<16xi32>,
        %parallel_loop3A_213 = arith.addi %parallel_loop3A_206, %parallel_loop3A_212 : vector<16xi32>
        %parallel_loop3A_214 = arith.constant 16 : i32
        %parallel_loop3A_215 = arith.muli %parallel_loop3A_199, %parallel_loop3A_214 : i32
        %parallel_loop3A_216 = arith.constant 256 : i32
        %parallel_loop3A_217 = arith.addi %parallel_loop3A_216, %parallel_loop3A_215 : i32
        %parallel_loop3A_218 = arith.index_cast %parallel_loop3A_217 : i32 to index
        %parallel_loop3A_219 = tpu.vector_load %arg9[%parallel_loop3A_218] {strides = array<i32>} : memref<8192xi32, #tpu.memory_space<vmem>>, vector<16xi32>,
        %parallel_loop3A_220 = arith.addi %parallel_loop3A_213, %parallel_loop3A_219 : vector<16xi32>
        %parallel_loop3A_221 = arith.constant 16 : i32
        %parallel_loop3A_222 = arith.muli %parallel_loop3A_199, %parallel_loop3A_221 : i32
        %parallel_loop3A_223 = arith.constant 384 : i32
        %parallel_loop3A_224 = arith.addi %parallel_loop3A_223, %parallel_loop3A_222 : i32
        %parallel_loop3A_225 = arith.index_cast %parallel_loop3A_224 : i32 to index
        %parallel_loop3A_226 = tpu.vector_load %arg9[%parallel_loop3A_225] {strides = array<i32>} : memref<8192xi32, #tpu.memory_space<vmem>>, vector<16xi32>,
        %parallel_loop3A_227 = arith.addi %parallel_loop3A_220, %parallel_loop3A_226 : vector<16xi32>
        %parallel_loop3A_228 = arith.constant 16 : i32
        %parallel_loop3A_229 = arith.muli %parallel_loop3A_199, %parallel_loop3A_228 : i32
        %parallel_loop3A_230 = arith.constant 512 : i32
        %parallel_loop3A_231 = arith.addi %parallel_loop3A_230, %parallel_loop3A_229 : i32
        %parallel_loop3A_232 = arith.index_cast %parallel_loop3A_231 : i32 to index
        %parallel_loop3A_233 = tpu.vector_load %arg9[%parallel_loop3A_232] {strides = array<i32>} : memref<8192xi32, #tpu.memory_space<vmem>>, vector<16xi32>,
        %parallel_loop3A_234 = arith.addi %parallel_loop3A_227, %parallel_loop3A_233 : vector<16xi32>
        %parallel_loop3A_235 = arith.constant 16 : i32
        %parallel_loop3A_236 = arith.muli %parallel_loop3A_199, %parallel_loop3A_235 : i32
        %parallel_loop3A_237 = arith.constant 640 : i32
        %parallel_loop3A_238 = arith.addi %parallel_loop3A_237, %parallel_loop3A_236 : i32
        %parallel_loop3A_239 = arith.index_cast %parallel_loop3A_238 : i32 to index
        %parallel_loop3A_240 = tpu.vector_load %arg9[%parallel_loop3A_239] {strides = array<i32>} : memref<8192xi32, #tpu.memory_space<vmem>>, vector<16xi32>,
        %parallel_loop3A_241 = arith.addi %parallel_loop3A_234, %parallel_loop3A_240 : vector<16xi32>
        %parallel_loop3A_242 = arith.constant 16 : i32
        %parallel_loop3A_243 = arith.muli %parallel_loop3A_199, %parallel_loop3A_242 : i32
        %parallel_loop3A_244 = arith.constant 768 : i32
        %parallel_loop3A_245 = arith.addi %parallel_loop3A_244, %parallel_loop3A_243 : i32
        %parallel_loop3A_246 = arith.index_cast %parallel_loop3A_245 : i32 to index
        %parallel_loop3A_247 = tpu.vector_load %arg9[%parallel_loop3A_246] {strides = array<i32>} : memref<8192xi32, #tpu.memory_space<vmem>>, vector<16xi32>,
        %parallel_loop3A_248 = arith.addi %parallel_loop3A_241, %parallel_loop3A_247 : vector<16xi32>
        %parallel_loop3A_249 = arith.constant 16 : i32
        %parallel_loop3A_250 = arith.muli %parallel_loop3A_199, %parallel_loop3A_249 : i32
        %parallel_loop3A_251 = arith.constant 896 : i32
        %parallel_loop3A_252 = arith.addi %parallel_loop3A_251, %parallel_loop3A_250 : i32
        %parallel_loop3A_253 = arith.index_cast %parallel_loop3A_252 : i32 to index
        %parallel_loop3A_254 = tpu.vector_load %arg9[%parallel_loop3A_253] {strides = array<i32>} : memref<8192xi32, #tpu.memory_space<vmem>>, vector<16xi32>,
        %parallel_loop3A_255 = arith.addi %parallel_loop3A_248, %parallel_loop3A_254 : vector<16xi32>
        %parallel_loop3A_256 = arith.constant 16 : i32
        %parallel_loop3A_257 = arith.muli %parallel_loop3A_199, %parallel_loop3A_256 : i32
        %parallel_loop3A_258 = arith.constant 1024 : i32
        %parallel_loop3A_259 = arith.addi %parallel_loop3A_258, %parallel_loop3A_257 : i32
        %parallel_loop3A_260 = arith.index_cast %parallel_loop3A_259 : i32 to index
        %parallel_loop3A_261 = tpu.vector_load %arg9[%parallel_loop3A_260] {strides = array<i32>} : memref<8192xi32, #tpu.memory_space<vmem>>, vector<16xi32>,
        %parallel_loop3A_262 = arith.addi %parallel_loop3A_255, %parallel_loop3A_261 : vector<16xi32>
        %parallel_loop3A_263 = arith.constant 16 : i32
        %parallel_loop3A_264 = arith.muli %parallel_loop3A_199, %parallel_loop3A_263 : i32
        %parallel_loop3A_265 = arith.constant 1152 : i32
        %parallel_loop3A_266 = arith.addi %parallel_loop3A_265, %parallel_loop3A_264 : i32
        %parallel_loop3A_267 = arith.index_cast %parallel_loop3A_266 : i32 to index
        %parallel_loop3A_268 = tpu.vector_load %arg9[%parallel_loop3A_267] {strides = array<i32>} : memref<8192xi32, #tpu.memory_space<vmem>>, vector<16xi32>,
        %parallel_loop3A_269 = arith.addi %parallel_loop3A_262, %parallel_loop3A_268 : vector<16xi32>
        %parallel_loop3A_270 = arith.constant 16 : i32
        %parallel_loop3A_271 = arith.muli %parallel_loop3A_199, %parallel_loop3A_270 : i32
        %parallel_loop3A_272 = arith.constant 1280 : i32
        %parallel_loop3A_273 = arith.addi %parallel_loop3A_272, %parallel_loop3A_271 : i32
        %parallel_loop3A_274 = arith.index_cast %parallel_loop3A_273 : i32 to index
        %parallel_loop3A_275 = tpu.vector_load %arg9[%parallel_loop3A_274] {strides = array<i32>} : memref<8192xi32, #tpu.memory_space<vmem>>, vector<16xi32>,
        %parallel_loop3A_276 = arith.addi %parallel_loop3A_269, %parallel_loop3A_275 : vector<16xi32>
        %parallel_loop3A_277 = arith.constant 16 : i32
        %parallel_loop3A_278 = arith.muli %parallel_loop3A_199, %parallel_loop3A_277 : i32
        %parallel_loop3A_279 = arith.constant 1408 : i32
        %parallel_loop3A_280 = arith.addi %parallel_loop3A_279, %parallel_loop3A_278 : i32
        %parallel_loop3A_281 = arith.index_cast %parallel_loop3A_280 : i32 to index
        %parallel_loop3A_282 = tpu.vector_load %arg9[%parallel_loop3A_281] {strides = array<i32>} : memref<8192xi32, #tpu.memory_space<vmem>>, vector<16xi32>,
        %parallel_loop3A_283 = arith.addi %parallel_loop3A_276, %parallel_loop3A_282 : vector<16xi32>
        %parallel_loop3A_284 = arith.constant 16 : i32
        %parallel_loop3A_285 = arith.muli %parallel_loop3A_199, %parallel_loop3A_284 : i32
        %parallel_loop3A_286 = arith.constant 1536 : i32
        %parallel_loop3A_287 = arith.addi %parallel_loop3A_286, %parallel_loop3A_285 : i32
        %parallel_loop3A_288 = arith.index_cast %parallel_loop3A_287 : i32 to index
        %parallel_loop3A_289 = tpu.vector_load %arg9[%parallel_loop3A_288] {strides = array<i32>} : memref<8192xi32, #tpu.memory_space<vmem>>, vector<16xi32>,
        %parallel_loop3A_290 = arith.addi %parallel_loop3A_283, %parallel_loop3A_289 : vector<16xi32>
        %parallel_loop3A_291 = arith.constant 16 : i32
        %parallel_loop3A_292 = arith.muli %parallel_loop3A_199, %parallel_loop3A_291 : i32
        %parallel_loop3A_293 = arith.constant 1664 : i32
        %parallel_loop3A_294 = arith.addi %parallel_loop3A_293, %parallel_loop3A_292 : i32
        %parallel_loop3A_295 = arith.index_cast %parallel_loop3A_294 : i32 to index
        %parallel_loop3A_296 = tpu.vector_load %arg9[%parallel_loop3A_295] {strides = array<i32>} : memref<8192xi32, #tpu.memory_space<vmem>>, vector<16xi32>,
        %parallel_loop3A_297 = arith.addi %parallel_loop3A_290, %parallel_loop3A_296 : vector<16xi32>
        %parallel_loop3A_298 = arith.constant 16 : i32
        %parallel_loop3A_299 = arith.muli %parallel_loop3A_199, %parallel_loop3A_298 : i32
        %parallel_loop3A_300 = arith.constant 1792 : i32
        %parallel_loop3A_301 = arith.addi %parallel_loop3A_300, %parallel_loop3A_299 : i32
        %parallel_loop3A_302 = arith.index_cast %parallel_loop3A_301 : i32 to index
        %parallel_loop3A_303 = tpu.vector_load %arg9[%parallel_loop3A_302] {strides = array<i32>} : memref<8192xi32, #tpu.memory_space<vmem>>, vector<16xi32>,
        %parallel_loop3A_304 = arith.addi %parallel_loop3A_297, %parallel_loop3A_303 : vector<16xi32>
        %parallel_loop3A_305 = arith.constant 16 : i32
        %parallel_loop3A_306 = arith.muli %parallel_loop3A_199, %parallel_loop3A_305 : i32
        %parallel_loop3A_307 = arith.constant 1920 : i32
        %parallel_loop3A_308 = arith.addi %parallel_loop3A_307, %parallel_loop3A_306 : i32
        %parallel_loop3A_309 = arith.index_cast %parallel_loop3A_308 : i32 to index
        %parallel_loop3A_310 = tpu.vector_load %arg9[%parallel_loop3A_309] {strides = array<i32>} : memref<8192xi32, #tpu.memory_space<vmem>>, vector<16xi32>,
        %parallel_loop3A_311 = arith.addi %parallel_loop3A_304, %parallel_loop3A_310 : vector<16xi32>
        %parallel_loop3A_312 = arith.constant 16 : i32
        %parallel_loop3A_313 = arith.muli %parallel_loop3A_199, %parallel_loop3A_312 : i32
        %parallel_loop3A_314 = arith.index_cast %parallel_loop3A_313 : i32 to index
        %parallel_loop3A_315 = tpu.vector_load %arg10[%parallel_loop3A_314] {strides = array<i32>} : memref<528xi32, #tpu.memory_space<vmem>>, vector<16xi32>,
        tpu.vector_store %arg10[%parallel_loop3A_314], %parallel_loop3A_311 {strides = array<i32>} : memref<528xi32, #tpu.memory_space<vmem>>, vector<16xi32>,
      } {sc.loop_unroll_factor = 2 : i64, sc.parallel_access}
      %swap3A_91 = arith.constant 128 : index
      %swap3A_92 = tpu.vector_load %arg10[%swap3A_91] {strides = array<i32>} : memref<528xi32, #tpu.memory_space<vmem>>, vector<16xi32>,
      tpu.vector_store %arg10[%swap3A_91], %broadcast_in_dim3A_1 {strides = array<i32>} : memref<528xi32, #tpu.memory_space<vmem>>, vector<16xi32>,
      %scan3A_93 = arith.constant 0 : i32
      %scan3A_94 = arith.constant 0 : i32
      %scan3A_95 = arith.constant 8 : i32
      %scan3A_96 = arith.addi %scan3A_94, %scan3A_95 : i32
      %scan3A_97 = arith.constant 1 : i32
      %scan3A_98 = scf.for %scan3A_199 = %scan3A_94 to %scan3A_96 step %scan3A_97 iter_args(%scan3A_200 = %scan3A_93) -> (i32)  : i32 {
        %sub3A_201 = arith.constant 7 : i32
        %sub3A_202 = arith.subi %sub3A_201, %scan3A_199 : i32
        %mul3A_203 = arith.constant 16 : i32
        %mul3A_204 = arith.muli %sub3A_202, %mul3A_203 : i32
        %get3A_205 = arith.index_cast %mul3A_204 : i32 to index
        %get3A_206 = tpu.vector_load %arg10[%get3A_205] {strides = array<i32>} : memref<528xi32, #tpu.memory_space<vmem>>, vector<16xi32>,
        %rev3A = arith.constant 15 : i32
        %rev3A_207 = vector.broadcast %rev3A : i32 to vector<16xi32>
        %rev3A_208 = tpu.iota {dimensions = array<i32: 0>} : vector<16xi32>
        %rev3A_209 = arith.subi %rev3A_207, %rev3A_208 : vector<16xi32>
        %rev3A_210 = tpu.dynamic_gather %get3A_206[%rev3A_209] in [0] : vector<16xi32>, vector<16xi32> -> vector<16xi32>
        %broadcast_in_dim3A_211 = arith.constant true
        %broadcast_in_dim3A_212 = vector.broadcast %broadcast_in_dim3A_211 : i1 to vector<16xi1>
        %masked_cumsum3A = tpu.scan <sum>, %rev3A_210 masked %broadcast_in_dim3A_212 : vector<16xi32>, vector<16xi1> -> vector<16xi32>
        %rev3A_213 = arith.constant 15 : i32
        %rev3A_214 = vector.broadcast %rev3A_213 : i32 to vector<16xi32>
        %rev3A_215 = tpu.iota {dimensions = array<i32: 0>} : vector<16xi32>
        %rev3A_216 = arith.subi %rev3A_214, %rev3A_215 : vector<16xi32>
        %rev3A_217 = tpu.dynamic_gather %masked_cumsum3A[%rev3A_216] in [0] : vector<16xi32>, vector<16xi32> -> vector<16xi32>
        %add3A_218 = vector.broadcast %scan3A_200 : i32 to vector<16xi32>
        %add3A_219 = arith.addi %rev3A_217, %add3A_218 : vector<16xi32>
        %mul3A_220 = arith.constant 16 : i32
        %mul3A_221 = arith.muli %sub3A_202, %mul3A_220 : i32
        %swap3A_222 = arith.index_cast %mul3A_221 : i32 to index
        %swap3A_223 = tpu.vector_load %arg10[%swap3A_222] {strides = array<i32>} : memref<528xi32, #tpu.memory_space<vmem>>, vector<16xi32>,
        tpu.vector_store %arg10[%swap3A_222], %add3A_219 {strides = array<i32>} : memref<528xi32, #tpu.memory_space<vmem>>, vector<16xi32>,
        %slice3A_224 = vector.extract_strided_slice %masked_cumsum3A {offsets = [15], sizes = [1], strides = [1]} : vector<16xi32> to vector<1xi32>
        %squeeze3A_225 = vector.extract %slice3A_224[0] : i32 from vector<1xi32>
        %add3A_226 = arith.addi %scan3A_200, %squeeze3A_225 : i32
        scf.yield %add3A_226 : i32
      }
      %scan3A_99 = arith.constant 8 : i32
      %scan3A_100 = arith.constant -1 : i32
      %scan3A_101 = arith.constant 0 : i32
      %scan3A_102 = arith.constant 8 : i32
      %scan3A_103 = arith.addi %scan3A_101, %scan3A_102 : i32
      %scan3A_104 = arith.constant 1 : i32
      %scan3A_105 = scf.for %scan3A_199 = %scan3A_101 to %scan3A_103 step %scan3A_104 iter_args(%scan3A_200 = %scan3A_100) -> (i32)  : i32 {
        %mul3A_201 = arith.constant 16 : i32
        %mul3A_202 = arith.muli %scan3A_199, %mul3A_201 : i32
        %get3A_203 = arith.index_cast %mul3A_202 : i32 to index
        %get3A_204 = tpu.vector_load %arg10[%get3A_203] {strides = array<i32>} : memref<528xi32, #tpu.memory_space<vmem>>, vector<16xi32>,
        %ge3A = vector.broadcast %sub3A_35 : i32 to vector<16xi32>
        %ge3A_205 = arith.cmpi sge, %get3A_204, %ge3A : vector<16xi32>
        %mul3A_206 = arith.constant 16 : i32
        %mul3A_207 = arith.muli %scan3A_199, %mul3A_206 : i32
        %add3A_208 = vector.broadcast %mul3A_207 : i32 to vector<16xi32>
        %add3A_209 = arith.addi %add3A_208, %iota3A : vector<16xi32>
        %jit3A = arith.constant -1 : i32
        %broadcast_in_dim3A_210 = vector.broadcast %jit3A : i32 to vector<16xi32>
        %select_n3A = arith.select %ge3A_205, %add3A_209, %broadcast_in_dim3A_210 : vector<16xi1>, vector<16xi32>
        %reduce_max3A = arith.constant true
        %reduce_max3A_211 = vector.broadcast %reduce_max3A : i1 to vector<16xi1>
        %reduce_max3A_212 = arith.constant -2147483648 : i32
        %reduce_max3A_213 = vector.broadcast %reduce_max3A_212 : i32 to vector<16xi32>
        %reduce_max3A_214 = arith.xori %select_n3A, %reduce_max3A_213 : vector<16xi32>
        %reduce_max3A_215 = tpu.scan <max>, %reduce_max3A_214 masked %reduce_max3A_211 : vector<16xi32>, vector<16xi1> -> vector<16xi32>
        %reduce_max3A_216 = arith.xori %reduce_max3A_215, %reduce_max3A_213 : vector<16xi32>
        %reduce_max3A_217 = vector.extract %reduce_max3A_216[15] : i32 from vector<16xi32>
        %max3A = arith.maxsi %scan3A_200, %reduce_max3A_217 : i32
        scf.yield %max3A : i32
      }
      %scan3A_106 = arith.constant 8 : i32
      %add3A_107 = arith.constant 1 : i32
      %add3A_108 = arith.addi %scan3A_105, %add3A_107 : i32
      %get3A_109 = arith.index_cast %add3A_108 : i32 to index
      %get3A_110 = tpu.vector_load %arg10[%get3A_109] {strides = array<i32>} : memref<528xi32, #tpu.memory_space<vmem>>, vector<16xi32>,
      %slice3A_111 = vector.extract_strided_slice %get3A_110 {offsets = [0], sizes = [1], strides = [1]} : vector<16xi32> to vector<1xi32>
      %squeeze3A_112 = vector.extract %slice3A_111[0] : i32 from vector<1xi32>
      %sub3A_113 = arith.subi %sub3A_35, %squeeze3A_112 : i32
      %shift_left3A = arith.constant 7 : i32
      %shift_left3A_114 = arith.shli %scan3A_30, %shift_left3A : i32
      %or3A = arith.ori %shift_left3A_114, %scan3A_105 : i32
      %parallel_loop3A_115 = arith.constant 0 : i32
      %parallel_loop3A_116 = arith.constant 128 : i32
      %parallel_loop3A_117 = arith.constant 1 : i32
      scf.for %parallel_loop3A_199 = %parallel_loop3A_115 to %parallel_loop3A_116 step %parallel_loop3A_117  : i32 {
        %parallel_loop3A_200 = arith.constant 16 : i32
        %parallel_loop3A_201 = arith.muli %parallel_loop3A_199, %parallel_loop3A_200 : i32
        %parallel_loop3A_202 = arith.index_cast %parallel_loop3A_201 : i32 to index
        %parallel_loop3A_203 = tpu.vector_load %arg9[%parallel_loop3A_202] {strides = array<i32>} : memref<8192xi32, #tpu.memory_space<vmem>>, vector<16xi32>,
        tpu.vector_store %arg9[%parallel_loop3A_202], %broadcast_in_dim3A_1 {strides = array<i32>} : memref<8192xi32, #tpu.memory_space<vmem>>, vector<16xi32>,
      } {sc.loop_unroll_factor = 8 : i64, sc.parallel_access}
      %scan3A_118 = arith.constant 0 : i32
      %scan3A_119 = arith.constant 0 : i32
      %scan3A_120 = arith.constant 5120 : i32
      %scan3A_121 = arith.addi %scan3A_119, %scan3A_120 : i32
      %scan3A_122 = arith.constant 1 : i32
      scf.for %scan3A_199 = %scan3A_119 to %scan3A_121 step %scan3A_122  : i32 {
        %mul3A_200 = arith.constant 16 : i32
        %mul3A_201 = arith.muli %scan3A_199, %mul3A_200 : i32
        %get3A_202 = arith.index_cast %mul3A_201 : i32 to index
        %get3A_203 = tpu.vector_load %arg7[%get3A_202] {strides = array<i32>} : memref<81920xf32, #tpu.memory_space<vmem>>, vector<16xf32>,
        %bitcast3A = vector.bitcast %get3A_203 : vector<16xf32> to vector<16xi32>
        %shift_right_logical3A = arith.constant 14 : i32
        %shift_right_logical3A_204 = vector.broadcast %shift_right_logical3A : i32 to vector<16xi32>
        %shift_right_logical3A_205 = arith.shrui %bitcast3A, %shift_right_logical3A_204 : vector<16xi32>
        %eq3A = vector.broadcast %or3A : i32 to vector<16xi32>
        %eq3A_206 = arith.cmpi eq, %shift_right_logical3A_205, %eq3A : vector<16xi32>
        %shift_right_logical3A_207 = arith.constant 7 : i32
        %shift_right_logical3A_208 = vector.broadcast %shift_right_logical3A_207 : i32 to vector<16xi32>
        %shift_right_logical3A_209 = arith.shrui %bitcast3A, %shift_right_logical3A_208 : vector<16xi32>
        %and3A = arith.constant 127 : i32
        %and3A_210 = vector.broadcast %and3A : i32 to vector<16xi32>
        %and3A_211 = arith.andi %shift_right_logical3A_209, %and3A_210 : vector<16xi32>
        %add3A_212 = arith.addi %mul3A_59, %and3A_211 : vector<16xi32>
        tpu.vector_store_idx %arg9[%add3A_212], %broadcast_in_dim3A_3 masked %eq3A_206 {add = true} : memref<8192xi32, #tpu.memory_space<vmem>>[vector<16xi32>], vector<16xi32>, vector<16xi1>
      }
      %scan3A_123 = arith.constant 5120 : i32
      %parallel_loop3A_124 = arith.constant 0 : i32
      %parallel_loop3A_125 = arith.constant 8 : i32
      %parallel_loop3A_126 = arith.constant 1 : i32
      scf.for %parallel_loop3A_199 = %parallel_loop3A_124 to %parallel_loop3A_125 step %parallel_loop3A_126  : i32 {
        %parallel_loop3A_200 = arith.constant 16 : i32
        %parallel_loop3A_201 = arith.muli %parallel_loop3A_199, %parallel_loop3A_200 : i32
        %parallel_loop3A_202 = arith.constant 0 : i32
        %parallel_loop3A_203 = arith.addi %parallel_loop3A_202, %parallel_loop3A_201 : i32
        %parallel_loop3A_204 = arith.index_cast %parallel_loop3A_203 : i32 to index
        %parallel_loop3A_205 = tpu.vector_load %arg9[%parallel_loop3A_204] {strides = array<i32>} : memref<8192xi32, #tpu.memory_space<vmem>>, vector<16xi32>,
        %parallel_loop3A_206 = arith.addi %broadcast_in_dim3A_1, %parallel_loop3A_205 : vector<16xi32>
        %parallel_loop3A_207 = arith.constant 16 : i32
        %parallel_loop3A_208 = arith.muli %parallel_loop3A_199, %parallel_loop3A_207 : i32
        %parallel_loop3A_209 = arith.constant 128 : i32
        %parallel_loop3A_210 = arith.addi %parallel_loop3A_209, %parallel_loop3A_208 : i32
        %parallel_loop3A_211 = arith.index_cast %parallel_loop3A_210 : i32 to index
        %parallel_loop3A_212 = tpu.vector_load %arg9[%parallel_loop3A_211] {strides = array<i32>} : memref<8192xi32, #tpu.memory_space<vmem>>, vector<16xi32>,
        %parallel_loop3A_213 = arith.addi %parallel_loop3A_206, %parallel_loop3A_212 : vector<16xi32>
        %parallel_loop3A_214 = arith.constant 16 : i32
        %parallel_loop3A_215 = arith.muli %parallel_loop3A_199, %parallel_loop3A_214 : i32
        %parallel_loop3A_216 = arith.constant 256 : i32
        %parallel_loop3A_217 = arith.addi %parallel_loop3A_216, %parallel_loop3A_215 : i32
        %parallel_loop3A_218 = arith.index_cast %parallel_loop3A_217 : i32 to index
        %parallel_loop3A_219 = tpu.vector_load %arg9[%parallel_loop3A_218] {strides = array<i32>} : memref<8192xi32, #tpu.memory_space<vmem>>, vector<16xi32>,
        %parallel_loop3A_220 = arith.addi %parallel_loop3A_213, %parallel_loop3A_219 : vector<16xi32>
        %parallel_loop3A_221 = arith.constant 16 : i32
        %parallel_loop3A_222 = arith.muli %parallel_loop3A_199, %parallel_loop3A_221 : i32
        %parallel_loop3A_223 = arith.constant 384 : i32
        %parallel_loop3A_224 = arith.addi %parallel_loop3A_223, %parallel_loop3A_222 : i32
        %parallel_loop3A_225 = arith.index_cast %parallel_loop3A_224 : i32 to index
        %parallel_loop3A_226 = tpu.vector_load %arg9[%parallel_loop3A_225] {strides = array<i32>} : memref<8192xi32, #tpu.memory_space<vmem>>, vector<16xi32>,
        %parallel_loop3A_227 = arith.addi %parallel_loop3A_220, %parallel_loop3A_226 : vector<16xi32>
        %parallel_loop3A_228 = arith.constant 16 : i32
        %parallel_loop3A_229 = arith.muli %parallel_loop3A_199, %parallel_loop3A_228 : i32
        %parallel_loop3A_230 = arith.constant 512 : i32
        %parallel_loop3A_231 = arith.addi %parallel_loop3A_230, %parallel_loop3A_229 : i32
        %parallel_loop3A_232 = arith.index_cast %parallel_loop3A_231 : i32 to index
        %parallel_loop3A_233 = tpu.vector_load %arg9[%parallel_loop3A_232] {strides = array<i32>} : memref<8192xi32, #tpu.memory_space<vmem>>, vector<16xi32>,
        %parallel_loop3A_234 = arith.addi %parallel_loop3A_227, %parallel_loop3A_233 : vector<16xi32>
        %parallel_loop3A_235 = arith.constant 16 : i32
        %parallel_loop3A_236 = arith.muli %parallel_loop3A_199, %parallel_loop3A_235 : i32
        %parallel_loop3A_237 = arith.constant 640 : i32
        %parallel_loop3A_238 = arith.addi %parallel_loop3A_237, %parallel_loop3A_236 : i32
        %parallel_loop3A_239 = arith.index_cast %parallel_loop3A_238 : i32 to index
        %parallel_loop3A_240 = tpu.vector_load %arg9[%parallel_loop3A_239] {strides = array<i32>} : memref<8192xi32, #tpu.memory_space<vmem>>, vector<16xi32>,
        %parallel_loop3A_241 = arith.addi %parallel_loop3A_234, %parallel_loop3A_240 : vector<16xi32>
        %parallel_loop3A_242 = arith.constant 16 : i32
        %parallel_loop3A_243 = arith.muli %parallel_loop3A_199, %parallel_loop3A_242 : i32
        %parallel_loop3A_244 = arith.constant 768 : i32
        %parallel_loop3A_245 = arith.addi %parallel_loop3A_244, %parallel_loop3A_243 : i32
        %parallel_loop3A_246 = arith.index_cast %parallel_loop3A_245 : i32 to index
        %parallel_loop3A_247 = tpu.vector_load %arg9[%parallel_loop3A_246] {strides = array<i32>} : memref<8192xi32, #tpu.memory_space<vmem>>, vector<16xi32>,
        %parallel_loop3A_248 = arith.addi %parallel_loop3A_241, %parallel_loop3A_247 : vector<16xi32>
        %parallel_loop3A_249 = arith.constant 16 : i32
        %parallel_loop3A_250 = arith.muli %parallel_loop3A_199, %parallel_loop3A_249 : i32
        %parallel_loop3A_251 = arith.constant 896 : i32
        %parallel_loop3A_252 = arith.addi %parallel_loop3A_251, %parallel_loop3A_250 : i32
        %parallel_loop3A_253 = arith.index_cast %parallel_loop3A_252 : i32 to index
        %parallel_loop3A_254 = tpu.vector_load %arg9[%parallel_loop3A_253] {strides = array<i32>} : memref<8192xi32, #tpu.memory_space<vmem>>, vector<16xi32>,
        %parallel_loop3A_255 = arith.addi %parallel_loop3A_248, %parallel_loop3A_254 : vector<16xi32>
        %parallel_loop3A_256 = arith.constant 16 : i32
        %parallel_loop3A_257 = arith.muli %parallel_loop3A_199, %parallel_loop3A_256 : i32
        %parallel_loop3A_258 = arith.constant 1024 : i32
        %parallel_loop3A_259 = arith.addi %parallel_loop3A_258, %parallel_loop3A_257 : i32
        %parallel_loop3A_260 = arith.index_cast %parallel_loop3A_259 : i32 to index
        %parallel_loop3A_261 = tpu.vector_load %arg9[%parallel_loop3A_260] {strides = array<i32>} : memref<8192xi32, #tpu.memory_space<vmem>>, vector<16xi32>,
        %parallel_loop3A_262 = arith.addi %parallel_loop3A_255, %parallel_loop3A_261 : vector<16xi32>
        %parallel_loop3A_263 = arith.constant 16 : i32
        %parallel_loop3A_264 = arith.muli %parallel_loop3A_199, %parallel_loop3A_263 : i32
        %parallel_loop3A_265 = arith.constant 1152 : i32
        %parallel_loop3A_266 = arith.addi %parallel_loop3A_265, %parallel_loop3A_264 : i32
        %parallel_loop3A_267 = arith.index_cast %parallel_loop3A_266 : i32 to index
        %parallel_loop3A_268 = tpu.vector_load %arg9[%parallel_loop3A_267] {strides = array<i32>} : memref<8192xi32, #tpu.memory_space<vmem>>, vector<16xi32>,
        %parallel_loop3A_269 = arith.addi %parallel_loop3A_262, %parallel_loop3A_268 : vector<16xi32>
        %parallel_loop3A_270 = arith.constant 16 : i32
        %parallel_loop3A_271 = arith.muli %parallel_loop3A_199, %parallel_loop3A_270 : i32
        %parallel_loop3A_272 = arith.constant 1280 : i32
        %parallel_loop3A_273 = arith.addi %parallel_loop3A_272, %parallel_loop3A_271 : i32
        %parallel_loop3A_274 = arith.index_cast %parallel_loop3A_273 : i32 to index
        %parallel_loop3A_275 = tpu.vector_load %arg9[%parallel_loop3A_274] {strides = array<i32>} : memref<8192xi32, #tpu.memory_space<vmem>>, vector<16xi32>,
        %parallel_loop3A_276 = arith.addi %parallel_loop3A_269, %parallel_loop3A_275 : vector<16xi32>
        %parallel_loop3A_277 = arith.constant 16 : i32
        %parallel_loop3A_278 = arith.muli %parallel_loop3A_199, %parallel_loop3A_277 : i32
        %parallel_loop3A_279 = arith.constant 1408 : i32
        %parallel_loop3A_280 = arith.addi %parallel_loop3A_279, %parallel_loop3A_278 : i32
        %parallel_loop3A_281 = arith.index_cast %parallel_loop3A_280 : i32 to index
        %parallel_loop3A_282 = tpu.vector_load %arg9[%parallel_loop3A_281] {strides = array<i32>} : memref<8192xi32, #tpu.memory_space<vmem>>, vector<16xi32>,
        %parallel_loop3A_283 = arith.addi %parallel_loop3A_276, %parallel_loop3A_282 : vector<16xi32>
        %parallel_loop3A_284 = arith.constant 16 : i32
        %parallel_loop3A_285 = arith.muli %parallel_loop3A_199, %parallel_loop3A_284 : i32
        %parallel_loop3A_286 = arith.constant 1536 : i32
        %parallel_loop3A_287 = arith.addi %parallel_loop3A_286, %parallel_loop3A_285 : i32
        %parallel_loop3A_288 = arith.index_cast %parallel_loop3A_287 : i32 to index
        %parallel_loop3A_289 = tpu.vector_load %arg9[%parallel_loop3A_288] {strides = array<i32>} : memref<8192xi32, #tpu.memory_space<vmem>>, vector<16xi32>,
        %parallel_loop3A_290 = arith.addi %parallel_loop3A_283, %parallel_loop3A_289 : vector<16xi32>
        %parallel_loop3A_291 = arith.constant 16 : i32
        %parallel_loop3A_292 = arith.muli %parallel_loop3A_199, %parallel_loop3A_291 : i32
        %parallel_loop3A_293 = arith.constant 1664 : i32
        %parallel_loop3A_294 = arith.addi %parallel_loop3A_293, %parallel_loop3A_292 : i32
        %parallel_loop3A_295 = arith.index_cast %parallel_loop3A_294 : i32 to index
        %parallel_loop3A_296 = tpu.vector_load %arg9[%parallel_loop3A_295] {strides = array<i32>} : memref<8192xi32, #tpu.memory_space<vmem>>, vector<16xi32>,
        %parallel_loop3A_297 = arith.addi %parallel_loop3A_290, %parallel_loop3A_296 : vector<16xi32>
        %parallel_loop3A_298 = arith.constant 16 : i32
        %parallel_loop3A_299 = arith.muli %parallel_loop3A_199, %parallel_loop3A_298 : i32
        %parallel_loop3A_300 = arith.constant 1792 : i32
        %parallel_loop3A_301 = arith.addi %parallel_loop3A_300, %parallel_loop3A_299 : i32
        %parallel_loop3A_302 = arith.index_cast %parallel_loop3A_301 : i32 to index
        %parallel_loop3A_303 = tpu.vector_load %arg9[%parallel_loop3A_302] {strides = array<i32>} : memref<8192xi32, #tpu.memory_space<vmem>>, vector<16xi32>,
        %parallel_loop3A_304 = arith.addi %parallel_loop3A_297, %parallel_loop3A_303 : vector<16xi32>
        %parallel_loop3A_305 = arith.constant 16 : i32
        %parallel_loop3A_306 = arith.muli %parallel_loop3A_199, %parallel_loop3A_305 : i32
        %parallel_loop3A_307 = arith.constant 1920 : i32
        %parallel_loop3A_308 = arith.addi %parallel_loop3A_307, %parallel_loop3A_306 : i32
        %parallel_loop3A_309 = arith.index_cast %parallel_loop3A_308 : i32 to index
        %parallel_loop3A_310 = tpu.vector_load %arg9[%parallel_loop3A_309] {strides = array<i32>} : memref<8192xi32, #tpu.memory_space<vmem>>, vector<16xi32>,
        %parallel_loop3A_311 = arith.addi %parallel_loop3A_304, %parallel_loop3A_310 : vector<16xi32>
        %parallel_loop3A_312 = arith.constant 16 : i32
        %parallel_loop3A_313 = arith.muli %parallel_loop3A_199, %parallel_loop3A_312 : i32
        %parallel_loop3A_314 = arith.index_cast %parallel_loop3A_313 : i32 to index
        %parallel_loop3A_315 = tpu.vector_load %arg10[%parallel_loop3A_314] {strides = array<i32>} : memref<528xi32, #tpu.memory_space<vmem>>, vector<16xi32>,
        tpu.vector_store %arg10[%parallel_loop3A_314], %parallel_loop3A_311 {strides = array<i32>} : memref<528xi32, #tpu.memory_space<vmem>>, vector<16xi32>,
      } {sc.loop_unroll_factor = 2 : i64, sc.parallel_access}
      %swap3A_127 = arith.constant 128 : index
      %swap3A_128 = tpu.vector_load %arg10[%swap3A_127] {strides = array<i32>} : memref<528xi32, #tpu.memory_space<vmem>>, vector<16xi32>,
      tpu.vector_store %arg10[%swap3A_127], %broadcast_in_dim3A_1 {strides = array<i32>} : memref<528xi32, #tpu.memory_space<vmem>>, vector<16xi32>,
      %scan3A_129 = arith.constant 0 : i32
      %scan3A_130 = arith.constant 0 : i32
      %scan3A_131 = arith.constant 8 : i32
      %scan3A_132 = arith.addi %scan3A_130, %scan3A_131 : i32
      %scan3A_133 = arith.constant 1 : i32
      %scan3A_134 = scf.for %scan3A_199 = %scan3A_130 to %scan3A_132 step %scan3A_133 iter_args(%scan3A_200 = %scan3A_129) -> (i32)  : i32 {
        %sub3A_201 = arith.constant 7 : i32
        %sub3A_202 = arith.subi %sub3A_201, %scan3A_199 : i32
        %mul3A_203 = arith.constant 16 : i32
        %mul3A_204 = arith.muli %sub3A_202, %mul3A_203 : i32
        %get3A_205 = arith.index_cast %mul3A_204 : i32 to index
        %get3A_206 = tpu.vector_load %arg10[%get3A_205] {strides = array<i32>} : memref<528xi32, #tpu.memory_space<vmem>>, vector<16xi32>,
        %rev3A = arith.constant 15 : i32
        %rev3A_207 = vector.broadcast %rev3A : i32 to vector<16xi32>
        %rev3A_208 = tpu.iota {dimensions = array<i32: 0>} : vector<16xi32>
        %rev3A_209 = arith.subi %rev3A_207, %rev3A_208 : vector<16xi32>
        %rev3A_210 = tpu.dynamic_gather %get3A_206[%rev3A_209] in [0] : vector<16xi32>, vector<16xi32> -> vector<16xi32>
        %broadcast_in_dim3A_211 = arith.constant true
        %broadcast_in_dim3A_212 = vector.broadcast %broadcast_in_dim3A_211 : i1 to vector<16xi1>
        %masked_cumsum3A = tpu.scan <sum>, %rev3A_210 masked %broadcast_in_dim3A_212 : vector<16xi32>, vector<16xi1> -> vector<16xi32>
        %rev3A_213 = arith.constant 15 : i32
        %rev3A_214 = vector.broadcast %rev3A_213 : i32 to vector<16xi32>
        %rev3A_215 = tpu.iota {dimensions = array<i32: 0>} : vector<16xi32>
        %rev3A_216 = arith.subi %rev3A_214, %rev3A_215 : vector<16xi32>
        %rev3A_217 = tpu.dynamic_gather %masked_cumsum3A[%rev3A_216] in [0] : vector<16xi32>, vector<16xi32> -> vector<16xi32>
        %add3A_218 = vector.broadcast %scan3A_200 : i32 to vector<16xi32>
        %add3A_219 = arith.addi %rev3A_217, %add3A_218 : vector<16xi32>
        %mul3A_220 = arith.constant 16 : i32
        %mul3A_221 = arith.muli %sub3A_202, %mul3A_220 : i32
        %swap3A_222 = arith.index_cast %mul3A_221 : i32 to index
        %swap3A_223 = tpu.vector_load %arg10[%swap3A_222] {strides = array<i32>} : memref<528xi32, #tpu.memory_space<vmem>>, vector<16xi32>,
        tpu.vector_store %arg10[%swap3A_222], %add3A_219 {strides = array<i32>} : memref<528xi32, #tpu.memory_space<vmem>>, vector<16xi32>,
        %slice3A_224 = vector.extract_strided_slice %masked_cumsum3A {offsets = [15], sizes = [1], strides = [1]} : vector<16xi32> to vector<1xi32>
        %squeeze3A_225 = vector.extract %slice3A_224[0] : i32 from vector<1xi32>
        %add3A_226 = arith.addi %scan3A_200, %squeeze3A_225 : i32
        scf.yield %add3A_226 : i32
      }
      %scan3A_135 = arith.constant 8 : i32
      %scan3A_136 = arith.constant -1 : i32
      %scan3A_137 = arith.constant 0 : i32
      %scan3A_138 = arith.constant 8 : i32
      %scan3A_139 = arith.addi %scan3A_137, %scan3A_138 : i32
      %scan3A_140 = arith.constant 1 : i32
      %scan3A_141 = scf.for %scan3A_199 = %scan3A_137 to %scan3A_139 step %scan3A_140 iter_args(%scan3A_200 = %scan3A_136) -> (i32)  : i32 {
        %mul3A_201 = arith.constant 16 : i32
        %mul3A_202 = arith.muli %scan3A_199, %mul3A_201 : i32
        %get3A_203 = arith.index_cast %mul3A_202 : i32 to index
        %get3A_204 = tpu.vector_load %arg10[%get3A_203] {strides = array<i32>} : memref<528xi32, #tpu.memory_space<vmem>>, vector<16xi32>,
        %ge3A = vector.broadcast %sub3A_113 : i32 to vector<16xi32>
        %ge3A_205 = arith.cmpi sge, %get3A_204, %ge3A : vector<16xi32>
        %mul3A_206 = arith.constant 16 : i32
        %mul3A_207 = arith.muli %scan3A_199, %mul3A_206 : i32
        %add3A_208 = vector.broadcast %mul3A_207 : i32 to vector<16xi32>
        %add3A_209 = arith.addi %add3A_208, %iota3A : vector<16xi32>
        %jit3A = arith.constant -1 : i32
        %broadcast_in_dim3A_210 = vector.broadcast %jit3A : i32 to vector<16xi32>
        %select_n3A = arith.select %ge3A_205, %add3A_209, %broadcast_in_dim3A_210 : vector<16xi1>, vector<16xi32>
        %reduce_max3A = arith.constant true
        %reduce_max3A_211 = vector.broadcast %reduce_max3A : i1 to vector<16xi1>
        %reduce_max3A_212 = arith.constant -2147483648 : i32
        %reduce_max3A_213 = vector.broadcast %reduce_max3A_212 : i32 to vector<16xi32>
        %reduce_max3A_214 = arith.xori %select_n3A, %reduce_max3A_213 : vector<16xi32>
        %reduce_max3A_215 = tpu.scan <max>, %reduce_max3A_214 masked %reduce_max3A_211 : vector<16xi32>, vector<16xi1> -> vector<16xi32>
        %reduce_max3A_216 = arith.xori %reduce_max3A_215, %reduce_max3A_213 : vector<16xi32>
        %reduce_max3A_217 = vector.extract %reduce_max3A_216[15] : i32 from vector<16xi32>
        %max3A = arith.maxsi %scan3A_200, %reduce_max3A_217 : i32
        scf.yield %max3A : i32
      }
      %scan3A_142 = arith.constant 8 : i32
      %add3A_143 = arith.constant 1 : i32
      %add3A_144 = arith.addi %scan3A_141, %add3A_143 : i32
      %get3A_145 = arith.index_cast %add3A_144 : i32 to index
      %get3A_146 = tpu.vector_load %arg10[%get3A_145] {strides = array<i32>} : memref<528xi32, #tpu.memory_space<vmem>>, vector<16xi32>,
      %slice3A_147 = vector.extract_strided_slice %get3A_146 {offsets = [0], sizes = [1], strides = [1]} : vector<16xi32> to vector<1xi32>
      %squeeze3A_148 = vector.extract %slice3A_147[0] : i32 from vector<1xi32>
      %sub3A_149 = arith.subi %sub3A_113, %squeeze3A_148 : i32
      %shift_left3A_150 = arith.constant 7 : i32
      %shift_left3A_151 = arith.shli %or3A, %shift_left3A_150 : i32
      %or3A_152 = arith.ori %shift_left3A_151, %scan3A_141 : i32
      %parallel_loop3A_153 = arith.constant 0 : i32
      %parallel_loop3A_154 = arith.constant 128 : i32
      %parallel_loop3A_155 = arith.constant 1 : i32
      scf.for %parallel_loop3A_199 = %parallel_loop3A_153 to %parallel_loop3A_154 step %parallel_loop3A_155  : i32 {
        %parallel_loop3A_200 = arith.constant 16 : i32
        %parallel_loop3A_201 = arith.muli %parallel_loop3A_199, %parallel_loop3A_200 : i32
        %parallel_loop3A_202 = arith.index_cast %parallel_loop3A_201 : i32 to index
        %parallel_loop3A_203 = tpu.vector_load %arg9[%parallel_loop3A_202] {strides = array<i32>} : memref<8192xi32, #tpu.memory_space<vmem>>, vector<16xi32>,
        tpu.vector_store %arg9[%parallel_loop3A_202], %broadcast_in_dim3A_1 {strides = array<i32>} : memref<8192xi32, #tpu.memory_space<vmem>>, vector<16xi32>,
      } {sc.loop_unroll_factor = 8 : i64, sc.parallel_access}
      %scan3A_156 = arith.constant 0 : i32
      %scan3A_157 = arith.constant 0 : i32
      %scan3A_158 = arith.constant 5120 : i32
      %scan3A_159 = arith.addi %scan3A_157, %scan3A_158 : i32
      %scan3A_160 = arith.constant 1 : i32
      scf.for %scan3A_199 = %scan3A_157 to %scan3A_159 step %scan3A_160  : i32 {
        %mul3A_200 = arith.constant 16 : i32
        %mul3A_201 = arith.muli %scan3A_199, %mul3A_200 : i32
        %get3A_202 = arith.index_cast %mul3A_201 : i32 to index
        %get3A_203 = tpu.vector_load %arg7[%get3A_202] {strides = array<i32>} : memref<81920xf32, #tpu.memory_space<vmem>>, vector<16xf32>,
        %bitcast3A = vector.bitcast %get3A_203 : vector<16xf32> to vector<16xi32>
        %shift_right_logical3A = arith.constant 7 : i32
        %shift_right_logical3A_204 = vector.broadcast %shift_right_logical3A : i32 to vector<16xi32>
        %shift_right_logical3A_205 = arith.shrui %bitcast3A, %shift_right_logical3A_204 : vector<16xi32>
        %eq3A = vector.broadcast %or3A_152 : i32 to vector<16xi32>
        %eq3A_206 = arith.cmpi eq, %shift_right_logical3A_205, %eq3A : vector<16xi32>
        %shift_right_logical3A_207 = arith.constant 0 : i32
        %shift_right_logical3A_208 = vector.broadcast %shift_right_logical3A_207 : i32 to vector<16xi32>
        %shift_right_logical3A_209 = arith.shrui %bitcast3A, %shift_right_logical3A_208 : vector<16xi32>
        %and3A = arith.constant 127 : i32
        %and3A_210 = vector.broadcast %and3A : i32 to vector<16xi32>
        %and3A_211 = arith.andi %shift_right_logical3A_209, %and3A_210 : vector<16xi32>
        %add3A_212 = arith.addi %mul3A_59, %and3A_211 : vector<16xi32>
        tpu.vector_store_idx %arg9[%add3A_212], %broadcast_in_dim3A_3 masked %eq3A_206 {add = true} : memref<8192xi32, #tpu.memory_space<vmem>>[vector<16xi32>], vector<16xi32>, vector<16xi1>
      }
      %scan3A_161 = arith.constant 5120 : i32
      %parallel_loop3A_162 = arith.constant 0 : i32
      %parallel_loop3A_163 = arith.constant 8 : i32
      %parallel_loop3A_164 = arith.constant 1 : i32
      scf.for %parallel_loop3A_199 = %parallel_loop3A_162 to %parallel_loop3A_163 step %parallel_loop3A_164  : i32 {
        %parallel_loop3A_200 = arith.constant 16 : i32
        %parallel_loop3A_201 = arith.muli %parallel_loop3A_199, %parallel_loop3A_200 : i32
        %parallel_loop3A_202 = arith.constant 0 : i32
        %parallel_loop3A_203 = arith.addi %parallel_loop3A_202, %parallel_loop3A_201 : i32
        %parallel_loop3A_204 = arith.index_cast %parallel_loop3A_203 : i32 to index
        %parallel_loop3A_205 = tpu.vector_load %arg9[%parallel_loop3A_204] {strides = array<i32>} : memref<8192xi32, #tpu.memory_space<vmem>>, vector<16xi32>,
        %parallel_loop3A_206 = arith.addi %broadcast_in_dim3A_1, %parallel_loop3A_205 : vector<16xi32>
        %parallel_loop3A_207 = arith.constant 16 : i32
        %parallel_loop3A_208 = arith.muli %parallel_loop3A_199, %parallel_loop3A_207 : i32
        %parallel_loop3A_209 = arith.constant 128 : i32
        %parallel_loop3A_210 = arith.addi %parallel_loop3A_209, %parallel_loop3A_208 : i32
        %parallel_loop3A_211 = arith.index_cast %parallel_loop3A_210 : i32 to index
        %parallel_loop3A_212 = tpu.vector_load %arg9[%parallel_loop3A_211] {strides = array<i32>} : memref<8192xi32, #tpu.memory_space<vmem>>, vector<16xi32>,
        %parallel_loop3A_213 = arith.addi %parallel_loop3A_206, %parallel_loop3A_212 : vector<16xi32>
        %parallel_loop3A_214 = arith.constant 16 : i32
        %parallel_loop3A_215 = arith.muli %parallel_loop3A_199, %parallel_loop3A_214 : i32
        %parallel_loop3A_216 = arith.constant 256 : i32
        %parallel_loop3A_217 = arith.addi %parallel_loop3A_216, %parallel_loop3A_215 : i32
        %parallel_loop3A_218 = arith.index_cast %parallel_loop3A_217 : i32 to index
        %parallel_loop3A_219 = tpu.vector_load %arg9[%parallel_loop3A_218] {strides = array<i32>} : memref<8192xi32, #tpu.memory_space<vmem>>, vector<16xi32>,
        %parallel_loop3A_220 = arith.addi %parallel_loop3A_213, %parallel_loop3A_219 : vector<16xi32>
        %parallel_loop3A_221 = arith.constant 16 : i32
        %parallel_loop3A_222 = arith.muli %parallel_loop3A_199, %parallel_loop3A_221 : i32
        %parallel_loop3A_223 = arith.constant 384 : i32
        %parallel_loop3A_224 = arith.addi %parallel_loop3A_223, %parallel_loop3A_222 : i32
        %parallel_loop3A_225 = arith.index_cast %parallel_loop3A_224 : i32 to index
        %parallel_loop3A_226 = tpu.vector_load %arg9[%parallel_loop3A_225] {strides = array<i32>} : memref<8192xi32, #tpu.memory_space<vmem>>, vector<16xi32>,
        %parallel_loop3A_227 = arith.addi %parallel_loop3A_220, %parallel_loop3A_226 : vector<16xi32>
        %parallel_loop3A_228 = arith.constant 16 : i32
        %parallel_loop3A_229 = arith.muli %parallel_loop3A_199, %parallel_loop3A_228 : i32
        %parallel_loop3A_230 = arith.constant 512 : i32
        %parallel_loop3A_231 = arith.addi %parallel_loop3A_230, %parallel_loop3A_229 : i32
        %parallel_loop3A_232 = arith.index_cast %parallel_loop3A_231 : i32 to index
        %parallel_loop3A_233 = tpu.vector_load %arg9[%parallel_loop3A_232] {strides = array<i32>} : memref<8192xi32, #tpu.memory_space<vmem>>, vector<16xi32>,
        %parallel_loop3A_234 = arith.addi %parallel_loop3A_227, %parallel_loop3A_233 : vector<16xi32>
        %parallel_loop3A_235 = arith.constant 16 : i32
        %parallel_loop3A_236 = arith.muli %parallel_loop3A_199, %parallel_loop3A_235 : i32
        %parallel_loop3A_237 = arith.constant 640 : i32
        %parallel_loop3A_238 = arith.addi %parallel_loop3A_237, %parallel_loop3A_236 : i32
        %parallel_loop3A_239 = arith.index_cast %parallel_loop3A_238 : i32 to index
        %parallel_loop3A_240 = tpu.vector_load %arg9[%parallel_loop3A_239] {strides = array<i32>} : memref<8192xi32, #tpu.memory_space<vmem>>, vector<16xi32>,
        %parallel_loop3A_241 = arith.addi %parallel_loop3A_234, %parallel_loop3A_240 : vector<16xi32>
        %parallel_loop3A_242 = arith.constant 16 : i32
        %parallel_loop3A_243 = arith.muli %parallel_loop3A_199, %parallel_loop3A_242 : i32
        %parallel_loop3A_244 = arith.constant 768 : i32
        %parallel_loop3A_245 = arith.addi %parallel_loop3A_244, %parallel_loop3A_243 : i32
        %parallel_loop3A_246 = arith.index_cast %parallel_loop3A_245 : i32 to index
        %parallel_loop3A_247 = tpu.vector_load %arg9[%parallel_loop3A_246] {strides = array<i32>} : memref<8192xi32, #tpu.memory_space<vmem>>, vector<16xi32>,
        %parallel_loop3A_248 = arith.addi %parallel_loop3A_241, %parallel_loop3A_247 : vector<16xi32>
        %parallel_loop3A_249 = arith.constant 16 : i32
        %parallel_loop3A_250 = arith.muli %parallel_loop3A_199, %parallel_loop3A_249 : i32
        %parallel_loop3A_251 = arith.constant 896 : i32
        %parallel_loop3A_252 = arith.addi %parallel_loop3A_251, %parallel_loop3A_250 : i32
        %parallel_loop3A_253 = arith.index_cast %parallel_loop3A_252 : i32 to index
        %parallel_loop3A_254 = tpu.vector_load %arg9[%parallel_loop3A_253] {strides = array<i32>} : memref<8192xi32, #tpu.memory_space<vmem>>, vector<16xi32>,
        %parallel_loop3A_255 = arith.addi %parallel_loop3A_248, %parallel_loop3A_254 : vector<16xi32>
        %parallel_loop3A_256 = arith.constant 16 : i32
        %parallel_loop3A_257 = arith.muli %parallel_loop3A_199, %parallel_loop3A_256 : i32
        %parallel_loop3A_258 = arith.constant 1024 : i32
        %parallel_loop3A_259 = arith.addi %parallel_loop3A_258, %parallel_loop3A_257 : i32
        %parallel_loop3A_260 = arith.index_cast %parallel_loop3A_259 : i32 to index
        %parallel_loop3A_261 = tpu.vector_load %arg9[%parallel_loop3A_260] {strides = array<i32>} : memref<8192xi32, #tpu.memory_space<vmem>>, vector<16xi32>,
        %parallel_loop3A_262 = arith.addi %parallel_loop3A_255, %parallel_loop3A_261 : vector<16xi32>
        %parallel_loop3A_263 = arith.constant 16 : i32
        %parallel_loop3A_264 = arith.muli %parallel_loop3A_199, %parallel_loop3A_263 : i32
        %parallel_loop3A_265 = arith.constant 1152 : i32
        %parallel_loop3A_266 = arith.addi %parallel_loop3A_265, %parallel_loop3A_264 : i32
        %parallel_loop3A_267 = arith.index_cast %parallel_loop3A_266 : i32 to index
        %parallel_loop3A_268 = tpu.vector_load %arg9[%parallel_loop3A_267] {strides = array<i32>} : memref<8192xi32, #tpu.memory_space<vmem>>, vector<16xi32>,
        %parallel_loop3A_269 = arith.addi %parallel_loop3A_262, %parallel_loop3A_268 : vector<16xi32>
        %parallel_loop3A_270 = arith.constant 16 : i32
        %parallel_loop3A_271 = arith.muli %parallel_loop3A_199, %parallel_loop3A_270 : i32
        %parallel_loop3A_272 = arith.constant 1280 : i32
        %parallel_loop3A_273 = arith.addi %parallel_loop3A_272, %parallel_loop3A_271 : i32
        %parallel_loop3A_274 = arith.index_cast %parallel_loop3A_273 : i32 to index
        %parallel_loop3A_275 = tpu.vector_load %arg9[%parallel_loop3A_274] {strides = array<i32>} : memref<8192xi32, #tpu.memory_space<vmem>>, vector<16xi32>,
        %parallel_loop3A_276 = arith.addi %parallel_loop3A_269, %parallel_loop3A_275 : vector<16xi32>
        %parallel_loop3A_277 = arith.constant 16 : i32
        %parallel_loop3A_278 = arith.muli %parallel_loop3A_199, %parallel_loop3A_277 : i32
        %parallel_loop3A_279 = arith.constant 1408 : i32
        %parallel_loop3A_280 = arith.addi %parallel_loop3A_279, %parallel_loop3A_278 : i32
        %parallel_loop3A_281 = arith.index_cast %parallel_loop3A_280 : i32 to index
        %parallel_loop3A_282 = tpu.vector_load %arg9[%parallel_loop3A_281] {strides = array<i32>} : memref<8192xi32, #tpu.memory_space<vmem>>, vector<16xi32>,
        %parallel_loop3A_283 = arith.addi %parallel_loop3A_276, %parallel_loop3A_282 : vector<16xi32>
        %parallel_loop3A_284 = arith.constant 16 : i32
        %parallel_loop3A_285 = arith.muli %parallel_loop3A_199, %parallel_loop3A_284 : i32
        %parallel_loop3A_286 = arith.constant 1536 : i32
        %parallel_loop3A_287 = arith.addi %parallel_loop3A_286, %parallel_loop3A_285 : i32
        %parallel_loop3A_288 = arith.index_cast %parallel_loop3A_287 : i32 to index
        %parallel_loop3A_289 = tpu.vector_load %arg9[%parallel_loop3A_288] {strides = array<i32>} : memref<8192xi32, #tpu.memory_space<vmem>>, vector<16xi32>,
        %parallel_loop3A_290 = arith.addi %parallel_loop3A_283, %parallel_loop3A_289 : vector<16xi32>
        %parallel_loop3A_291 = arith.constant 16 : i32
        %parallel_loop3A_292 = arith.muli %parallel_loop3A_199, %parallel_loop3A_291 : i32
        %parallel_loop3A_293 = arith.constant 1664 : i32
        %parallel_loop3A_294 = arith.addi %parallel_loop3A_293, %parallel_loop3A_292 : i32
        %parallel_loop3A_295 = arith.index_cast %parallel_loop3A_294 : i32 to index
        %parallel_loop3A_296 = tpu.vector_load %arg9[%parallel_loop3A_295] {strides = array<i32>} : memref<8192xi32, #tpu.memory_space<vmem>>, vector<16xi32>,
        %parallel_loop3A_297 = arith.addi %parallel_loop3A_290, %parallel_loop3A_296 : vector<16xi32>
        %parallel_loop3A_298 = arith.constant 16 : i32
        %parallel_loop3A_299 = arith.muli %parallel_loop3A_199, %parallel_loop3A_298 : i32
        %parallel_loop3A_300 = arith.constant 1792 : i32
        %parallel_loop3A_301 = arith.addi %parallel_loop3A_300, %parallel_loop3A_299 : i32
        %parallel_loop3A_302 = arith.index_cast %parallel_loop3A_301 : i32 to index
        %parallel_loop3A_303 = tpu.vector_load %arg9[%parallel_loop3A_302] {strides = array<i32>} : memref<8192xi32, #tpu.memory_space<vmem>>, vector<16xi32>,
        %parallel_loop3A_304 = arith.addi %parallel_loop3A_297, %parallel_loop3A_303 : vector<16xi32>
        %parallel_loop3A_305 = arith.constant 16 : i32
        %parallel_loop3A_306 = arith.muli %parallel_loop3A_199, %parallel_loop3A_305 : i32
        %parallel_loop3A_307 = arith.constant 1920 : i32
        %parallel_loop3A_308 = arith.addi %parallel_loop3A_307, %parallel_loop3A_306 : i32
        %parallel_loop3A_309 = arith.index_cast %parallel_loop3A_308 : i32 to index
        %parallel_loop3A_310 = tpu.vector_load %arg9[%parallel_loop3A_309] {strides = array<i32>} : memref<8192xi32, #tpu.memory_space<vmem>>, vector<16xi32>,
        %parallel_loop3A_311 = arith.addi %parallel_loop3A_304, %parallel_loop3A_310 : vector<16xi32>
        %parallel_loop3A_312 = arith.constant 16 : i32
        %parallel_loop3A_313 = arith.muli %parallel_loop3A_199, %parallel_loop3A_312 : i32
        %parallel_loop3A_314 = arith.index_cast %parallel_loop3A_313 : i32 to index
        %parallel_loop3A_315 = tpu.vector_load %arg10[%parallel_loop3A_314] {strides = array<i32>} : memref<528xi32, #tpu.memory_space<vmem>>, vector<16xi32>,
        tpu.vector_store %arg10[%parallel_loop3A_314], %parallel_loop3A_311 {strides = array<i32>} : memref<528xi32, #tpu.memory_space<vmem>>, vector<16xi32>,
      } {sc.loop_unroll_factor = 2 : i64, sc.parallel_access}
      %swap3A_165 = arith.constant 128 : index
      %swap3A_166 = tpu.vector_load %arg10[%swap3A_165] {strides = array<i32>} : memref<528xi32, #tpu.memory_space<vmem>>, vector<16xi32>,
      tpu.vector_store %arg10[%swap3A_165], %broadcast_in_dim3A_1 {strides = array<i32>} : memref<528xi32, #tpu.memory_space<vmem>>, vector<16xi32>,
      %scan3A_167 = arith.constant 0 : i32
      %scan3A_168 = arith.constant 0 : i32
      %scan3A_169 = arith.constant 8 : i32
      %scan3A_170 = arith.addi %scan3A_168, %scan3A_169 : i32
      %scan3A_171 = arith.constant 1 : i32
      %scan3A_172 = scf.for %scan3A_199 = %scan3A_168 to %scan3A_170 step %scan3A_171 iter_args(%scan3A_200 = %scan3A_167) -> (i32)  : i32 {
        %sub3A_201 = arith.constant 7 : i32
        %sub3A_202 = arith.subi %sub3A_201, %scan3A_199 : i32
        %mul3A_203 = arith.constant 16 : i32
        %mul3A_204 = arith.muli %sub3A_202, %mul3A_203 : i32
        %get3A_205 = arith.index_cast %mul3A_204 : i32 to index
        %get3A_206 = tpu.vector_load %arg10[%get3A_205] {strides = array<i32>} : memref<528xi32, #tpu.memory_space<vmem>>, vector<16xi32>,
        %rev3A = arith.constant 15 : i32
        %rev3A_207 = vector.broadcast %rev3A : i32 to vector<16xi32>
        %rev3A_208 = tpu.iota {dimensions = array<i32: 0>} : vector<16xi32>
        %rev3A_209 = arith.subi %rev3A_207, %rev3A_208 : vector<16xi32>
        %rev3A_210 = tpu.dynamic_gather %get3A_206[%rev3A_209] in [0] : vector<16xi32>, vector<16xi32> -> vector<16xi32>
        %broadcast_in_dim3A_211 = arith.constant true
        %broadcast_in_dim3A_212 = vector.broadcast %broadcast_in_dim3A_211 : i1 to vector<16xi1>
        %masked_cumsum3A = tpu.scan <sum>, %rev3A_210 masked %broadcast_in_dim3A_212 : vector<16xi32>, vector<16xi1> -> vector<16xi32>
        %rev3A_213 = arith.constant 15 : i32
        %rev3A_214 = vector.broadcast %rev3A_213 : i32 to vector<16xi32>
        %rev3A_215 = tpu.iota {dimensions = array<i32: 0>} : vector<16xi32>
        %rev3A_216 = arith.subi %rev3A_214, %rev3A_215 : vector<16xi32>
        %rev3A_217 = tpu.dynamic_gather %masked_cumsum3A[%rev3A_216] in [0] : vector<16xi32>, vector<16xi32> -> vector<16xi32>
        %add3A_218 = vector.broadcast %scan3A_200 : i32 to vector<16xi32>
        %add3A_219 = arith.addi %rev3A_217, %add3A_218 : vector<16xi32>
        %mul3A_220 = arith.constant 16 : i32
        %mul3A_221 = arith.muli %sub3A_202, %mul3A_220 : i32
        %swap3A_222 = arith.index_cast %mul3A_221 : i32 to index
        %swap3A_223 = tpu.vector_load %arg10[%swap3A_222] {strides = array<i32>} : memref<528xi32, #tpu.memory_space<vmem>>, vector<16xi32>,
        tpu.vector_store %arg10[%swap3A_222], %add3A_219 {strides = array<i32>} : memref<528xi32, #tpu.memory_space<vmem>>, vector<16xi32>,
        %slice3A_224 = vector.extract_strided_slice %masked_cumsum3A {offsets = [15], sizes = [1], strides = [1]} : vector<16xi32> to vector<1xi32>
        %squeeze3A_225 = vector.extract %slice3A_224[0] : i32 from vector<1xi32>
        %add3A_226 = arith.addi %scan3A_200, %squeeze3A_225 : i32
        scf.yield %add3A_226 : i32
      }
      %scan3A_173 = arith.constant 8 : i32
      %scan3A_174 = arith.constant -1 : i32
      %scan3A_175 = arith.constant 0 : i32
      %scan3A_176 = arith.constant 8 : i32
      %scan3A_177 = arith.addi %scan3A_175, %scan3A_176 : i32
      %scan3A_178 = arith.constant 1 : i32
      %scan3A_179 = scf.for %scan3A_199 = %scan3A_175 to %scan3A_177 step %scan3A_178 iter_args(%scan3A_200 = %scan3A_174) -> (i32)  : i32 {
        %mul3A_201 = arith.constant 16 : i32
        %mul3A_202 = arith.muli %scan3A_199, %mul3A_201 : i32
        %get3A_203 = arith.index_cast %mul3A_202 : i32 to index
        %get3A_204 = tpu.vector_load %arg10[%get3A_203] {strides = array<i32>} : memref<528xi32, #tpu.memory_space<vmem>>, vector<16xi32>,
        %ge3A = vector.broadcast %sub3A_149 : i32 to vector<16xi32>
        %ge3A_205 = arith.cmpi sge, %get3A_204, %ge3A : vector<16xi32>
        %mul3A_206 = arith.constant 16 : i32
        %mul3A_207 = arith.muli %scan3A_199, %mul3A_206 : i32
        %add3A_208 = vector.broadcast %mul3A_207 : i32 to vector<16xi32>
        %add3A_209 = arith.addi %add3A_208, %iota3A : vector<16xi32>
        %jit3A = arith.constant -1 : i32
        %broadcast_in_dim3A_210 = vector.broadcast %jit3A : i32 to vector<16xi32>
        %select_n3A = arith.select %ge3A_205, %add3A_209, %broadcast_in_dim3A_210 : vector<16xi1>, vector<16xi32>
        %reduce_max3A = arith.constant true
        %reduce_max3A_211 = vector.broadcast %reduce_max3A : i1 to vector<16xi1>
        %reduce_max3A_212 = arith.constant -2147483648 : i32
        %reduce_max3A_213 = vector.broadcast %reduce_max3A_212 : i32 to vector<16xi32>
        %reduce_max3A_214 = arith.xori %select_n3A, %reduce_max3A_213 : vector<16xi32>
        %reduce_max3A_215 = tpu.scan <max>, %reduce_max3A_214 masked %reduce_max3A_211 : vector<16xi32>, vector<16xi1> -> vector<16xi32>
        %reduce_max3A_216 = arith.xori %reduce_max3A_215, %reduce_max3A_213 : vector<16xi32>
        %reduce_max3A_217 = vector.extract %reduce_max3A_216[15] : i32 from vector<16xi32>
        %max3A = arith.maxsi %scan3A_200, %reduce_max3A_217 : i32
        scf.yield %max3A : i32
      }
      %scan3A_180 = arith.constant 8 : i32
      %add3A_181 = arith.constant 1 : i32
      %add3A_182 = arith.addi %scan3A_179, %add3A_181 : i32
      %get3A_183 = arith.index_cast %add3A_182 : i32 to index
      %get3A_184 = tpu.vector_load %arg10[%get3A_183] {strides = array<i32>} : memref<528xi32, #tpu.memory_space<vmem>>, vector<16xi32>,
      %slice3A_185 = vector.extract_strided_slice %get3A_184 {offsets = [0], sizes = [1], strides = [1]} : vector<16xi32> to vector<1xi32>
      %squeeze3A_186 = vector.extract %slice3A_185[0] : i32 from vector<1xi32>
      %shift_left3A_187 = arith.constant 7 : i32
      %shift_left3A_188 = arith.shli %or3A_152, %shift_left3A_187 : i32
      %or3A_189 = arith.ori %shift_left3A_188, %scan3A_179 : i32
      %scan3A_190 = arith.constant 0 : i32
      %scan3A_191 = arith.constant 0 : i32
      %scan3A_192 = arith.constant 5120 : i32
      %scan3A_193 = arith.addi %scan3A_191, %scan3A_192 : i32
      %scan3A_194 = arith.constant 1 : i32
      %scan3A_195:2 = scf.for %scan3A_199 = %scan3A_191 to %scan3A_193 step %scan3A_194 iter_args(%scan3A_200 = %squeeze3A_50, %scan3A_201 = %scan3A_190) -> (i32, i32)  : i32 {
        %mul3A_202 = arith.constant 16 : i32
        %mul3A_203 = arith.muli %scan3A_199, %mul3A_202 : i32
        %get3A_204 = arith.index_cast %mul3A_203 : i32 to index
        %get3A_205 = tpu.vector_load %arg7[%get3A_204] {strides = array<i32>} : memref<81920xf32, #tpu.memory_space<vmem>>, vector<16xf32>,
        %bitcast3A = vector.bitcast %get3A_205 : vector<16xf32> to vector<16xi32>
        %mul3A_206 = arith.constant 16 : i32
        %mul3A_207 = arith.muli %scan3A_199, %mul3A_206 : i32
        %add3A_208 = vector.broadcast %mul3A_207 : i32 to vector<16xi32>
        %add3A_209 = arith.addi %add3A_208, %iota3A : vector<16xi32>
        %shift_right_logical3A = arith.constant 21 : i32
        %shift_right_logical3A_210 = vector.broadcast %shift_right_logical3A : i32 to vector<16xi32>
        %shift_right_logical3A_211 = arith.shrui %bitcast3A, %shift_right_logical3A_210 : vector<16xi32>
        %eq3A = vector.broadcast %scan3A_30 : i32 to vector<16xi32>
        %eq3A_212 = arith.cmpi eq, %shift_right_logical3A_211, %eq3A : vector<16xi32>
        %gt3A = vector.broadcast %or3A_189 : i32 to vector<16xi32>
        %gt3A_213 = arith.cmpi ugt, %bitcast3A, %gt3A : vector<16xi32>
        %and3A = arith.andi %eq3A_212, %gt3A_213 : vector<16xi1>
        %eq3A_214 = vector.broadcast %or3A_189 : i32 to vector<16xi32>
        %eq3A_215 = arith.cmpi eq, %bitcast3A, %eq3A_214 : vector<16xi32>
        %and3A_216 = arith.andi %eq3A_212, %eq3A_215 : vector<16xi1>
        %broadcast_in_dim3A_217 = vector.broadcast %scan3A_201 : i32 to vector<16xi32>
        %lt3A = arith.constant 304 : i32
        %lt3A_218 = vector.broadcast %lt3A : i32 to vector<16xi32>
        %lt3A_219 = arith.cmpi slt, %broadcast_in_dim3A_217, %lt3A_218 : vector<16xi32>
        %and3A_220 = arith.andi %and3A_216, %lt3A_219 : vector<16xi1>
        %swap3A_221 = arith.index_cast %scan3A_200 : i32 to index
        %swap3A_222 = tpu.vector_load %arg11[%swap3A_221] masked %and3A {strides = array<i32>} : memref<640xi32, #tpu.memory_space<vmem>>, vector<16xi32>, vector<16xi1>
        tpu.vector_store %arg11[%swap3A_221], %add3A_209 masked %and3A {strides = array<i32>} : memref<640xi32, #tpu.memory_space<vmem>>, vector<16xi32>, vector<16xi1>
        %swap3A_223 = arith.index_cast %scan3A_201 : i32 to index
        %swap3A_224 = tpu.vector_load %arg12[%swap3A_223] masked %and3A_220 {strides = array<i32>} : memref<320xi32, #tpu.memory_space<vmem>>, vector<16xi32>, vector<16xi1>
        tpu.vector_store %arg12[%swap3A_223], %add3A_209 masked %and3A_220 {strides = array<i32>} : memref<320xi32, #tpu.memory_space<vmem>>, vector<16xi32>, vector<16xi1>
        %all_reduce_population_count3A = tpu.all_reduce %and3A {dim = 0 : i64, kind = #tpu.reduction_kind<sum>} : vector<16xi1> -> vector<16xi32>
        %slice3A_225 = vector.extract_strided_slice %all_reduce_population_count3A {offsets = [0], sizes = [1], strides = [1]} : vector<16xi32> to vector<1xi32>
        %squeeze3A_226 = vector.extract %slice3A_225[0] : i32 from vector<1xi32>
        %all_reduce_population_count3A_227 = tpu.all_reduce %and3A_220 {dim = 0 : i64, kind = #tpu.reduction_kind<sum>} : vector<16xi1> -> vector<16xi32>
        %slice3A_228 = vector.extract_strided_slice %all_reduce_population_count3A_227 {offsets = [0], sizes = [1], strides = [1]} : vector<16xi32> to vector<1xi32>
        %squeeze3A_229 = vector.extract %slice3A_228[0] : i32 from vector<1xi32>
        %add3A_230 = arith.addi %scan3A_200, %squeeze3A_226 : i32
        %add3A_231 = arith.addi %scan3A_201, %squeeze3A_229 : i32
        scf.yield %add3A_230, %add3A_231 : i32, i32
      }
      %scan3A_196 = arith.constant 5120 : i32
      %add3A_197 = arith.addi %squeeze3A_112, %squeeze3A_148 : i32
      %add3A_198 = arith.addi %add3A_197, %squeeze3A_186 : i32
      scf.yield %add3A_198 : i32
    }
    %add3A_64 = arith.addi %squeeze3A, %cond3A_63 : i32
    %parallel_loop3A_65 = arith.constant 0 : i32
    %parallel_loop3A_66 = arith.constant 19 : i32
    %parallel_loop3A_67 = arith.constant 1 : i32
    scf.for %parallel_loop3A_79 = %parallel_loop3A_65 to %parallel_loop3A_66 step %parallel_loop3A_67  : i32 {
      %parallel_loop3A_80 = arith.constant 16 : i32
      %parallel_loop3A_81 = arith.muli %parallel_loop3A_79, %parallel_loop3A_80 : i32
      %parallel_loop3A_82 = arith.index_cast %parallel_loop3A_81 : i32 to index
      %parallel_loop3A_83 = tpu.vector_load %arg12[%parallel_loop3A_82] {strides = array<i32>} : memref<320xi32, #tpu.memory_space<vmem>>, vector<16xi32>,
      %parallel_loop3A_84 = arith.constant 16 : i32
      %parallel_loop3A_85 = arith.muli %parallel_loop3A_79, %parallel_loop3A_84 : i32
      %parallel_loop3A_86 = arith.addi %add3A_64, %parallel_loop3A_85 : i32
      %parallel_loop3A_87 = arith.index_cast %parallel_loop3A_86 : i32 to index
      %parallel_loop3A_88 = tpu.vector_load %arg11[%parallel_loop3A_87] {strides = array<i32>} : memref<640xi32, #tpu.memory_space<vmem>>, vector<16xi32>,
      tpu.vector_store %arg11[%parallel_loop3A_87], %parallel_loop3A_83 {strides = array<i32>} : memref<640xi32, #tpu.memory_space<vmem>>, vector<16xi32>,
    } {sc.loop_unroll_factor = 1 : i64, sc.parallel_access}
    %add3A_68 = arith.constant 81900 : i32
    %add3A_69 = vector.broadcast %add3A_68 : i32 to vector<16xi32>
    %add3A_70 = arith.addi %add3A_69, %iota3A : vector<16xi32>
    %swap3A_71 = arith.constant 300 : index
    %swap3A_72 = tpu.vector_load %arg11[%swap3A_71] {strides = array<i32>} : memref<640xi32, #tpu.memory_space<vmem>>, vector<16xi32>,
    tpu.vector_store %arg11[%swap3A_71], %add3A_70 {strides = array<i32>} : memref<640xi32, #tpu.memory_space<vmem>>, vector<16xi32>,
    %parallel_loop3A_73 = arith.constant 0 : i32
    %parallel_loop3A_74 = arith.constant 19 : i32
    %parallel_loop3A_75 = arith.constant 1 : i32
    scf.for %parallel_loop3A_79 = %parallel_loop3A_73 to %parallel_loop3A_74 step %parallel_loop3A_75  : i32 {
      %parallel_loop3A_80 = arith.constant 16 : i32
      %parallel_loop3A_81 = arith.muli %parallel_loop3A_79, %parallel_loop3A_80 : i32
      %parallel_loop3A_82 = arith.index_cast %parallel_loop3A_81 : i32 to index
      %parallel_loop3A_83 = tpu.vector_load %arg11[%parallel_loop3A_82] {strides = array<i32>} : memref<640xi32, #tpu.memory_space<vmem>>, vector<16xi32>,
      %parallel_loop3A_84 = tpu.vector_load_idx %arg7[%parallel_loop3A_83] : memref<81920xf32, #tpu.memory_space<vmem>>[vector<16xi32>], vector<16xf32>,
      %parallel_loop3A_85 = vector.bitcast %parallel_loop3A_84 : vector<16xf32> to vector<16xi32>
      %parallel_loop3A_86 = vector.bitcast %parallel_loop3A_85 : vector<16xi32> to vector<16xi32>
      %parallel_loop3A_87 = vector.extract_strided_slice %parallel_loop3A_86 {offsets = [0], sizes = [1], strides = [1]} : vector<16xi32> to vector<1xi32>
      %parallel_loop3A_88 = vector.extract %parallel_loop3A_87[0] : i32 from vector<1xi32>
      %parallel_loop3A_89 = arith.constant 16 : i32
      %parallel_loop3A_90 = arith.muli %parallel_loop3A_79, %parallel_loop3A_89 : i32
      %parallel_loop3A_91 = arith.constant 0 : i32
      %parallel_loop3A_92 = arith.addi %parallel_loop3A_90, %parallel_loop3A_91 : i32
      %parallel_loop3A_93 = arith.index_cast %parallel_loop3A_92 : i32 to index
      %parallel_loop3A_94 = memref.load %arg17[%parallel_loop3A_93] : memref<304xi32, #tpu.memory_space<smem>>
      memref.store %parallel_loop3A_88, %arg17[%parallel_loop3A_93] : memref<304xi32, #tpu.memory_space<smem>>
      %parallel_loop3A_95 = vector.extract_strided_slice %parallel_loop3A_83 {offsets = [0], sizes = [1], strides = [1]} : vector<16xi32> to vector<1xi32>
      %parallel_loop3A_96 = vector.extract %parallel_loop3A_95[0] : i32 from vector<1xi32>
      %parallel_loop3A_97 = arith.constant 16 : i32
      %parallel_loop3A_98 = arith.muli %parallel_loop3A_79, %parallel_loop3A_97 : i32
      %parallel_loop3A_99 = arith.constant 0 : i32
      %parallel_loop3A_100 = arith.addi %parallel_loop3A_98, %parallel_loop3A_99 : i32
      %parallel_loop3A_101 = arith.index_cast %parallel_loop3A_100 : i32 to index
      %parallel_loop3A_102 = memref.load %arg18[%parallel_loop3A_101] : memref<304xi32, #tpu.memory_space<smem>>
      memref.store %parallel_loop3A_96, %arg18[%parallel_loop3A_101] : memref<304xi32, #tpu.memory_space<smem>>
      %parallel_loop3A_103 = vector.extract_strided_slice %parallel_loop3A_86 {offsets = [1], sizes = [1], strides = [1]} : vector<16xi32> to vector<1xi32>
      %parallel_loop3A_104 = vector.extract %parallel_loop3A_103[0] : i32 from vector<1xi32>
      %parallel_loop3A_105 = arith.constant 16 : i32
      %parallel_loop3A_106 = arith.muli %parallel_loop3A_79, %parallel_loop3A_105 : i32
      %parallel_loop3A_107 = arith.constant 1 : i32
      %parallel_loop3A_108 = arith.addi %parallel_loop3A_106, %parallel_loop3A_107 : i32
      %parallel_loop3A_109 = arith.index_cast %parallel_loop3A_108 : i32 to index
      %parallel_loop3A_110 = memref.load %arg17[%parallel_loop3A_109] : memref<304xi32, #tpu.memory_space<smem>>
      memref.store %parallel_loop3A_104, %arg17[%parallel_loop3A_109] : memref<304xi32, #tpu.memory_space<smem>>
      %parallel_loop3A_111 = vector.extract_strided_slice %parallel_loop3A_83 {offsets = [1], sizes = [1], strides = [1]} : vector<16xi32> to vector<1xi32>
      %parallel_loop3A_112 = vector.extract %parallel_loop3A_111[0] : i32 from vector<1xi32>
      %parallel_loop3A_113 = arith.constant 16 : i32
      %parallel_loop3A_114 = arith.muli %parallel_loop3A_79, %parallel_loop3A_113 : i32
      %parallel_loop3A_115 = arith.constant 1 : i32
      %parallel_loop3A_116 = arith.addi %parallel_loop3A_114, %parallel_loop3A_115 : i32
      %parallel_loop3A_117 = arith.index_cast %parallel_loop3A_116 : i32 to index
      %parallel_loop3A_118 = memref.load %arg18[%parallel_loop3A_117] : memref<304xi32, #tpu.memory_space<smem>>
      memref.store %parallel_loop3A_112, %arg18[%parallel_loop3A_117] : memref<304xi32, #tpu.memory_space<smem>>
      %parallel_loop3A_119 = vector.extract_strided_slice %parallel_loop3A_86 {offsets = [2], sizes = [1], strides = [1]} : vector<16xi32> to vector<1xi32>
      %parallel_loop3A_120 = vector.extract %parallel_loop3A_119[0] : i32 from vector<1xi32>
      %parallel_loop3A_121 = arith.constant 16 : i32
      %parallel_loop3A_122 = arith.muli %parallel_loop3A_79, %parallel_loop3A_121 : i32
      %parallel_loop3A_123 = arith.constant 2 : i32
      %parallel_loop3A_124 = arith.addi %parallel_loop3A_122, %parallel_loop3A_123 : i32
      %parallel_loop3A_125 = arith.index_cast %parallel_loop3A_124 : i32 to index
      %parallel_loop3A_126 = memref.load %arg17[%parallel_loop3A_125] : memref<304xi32, #tpu.memory_space<smem>>
      memref.store %parallel_loop3A_120, %arg17[%parallel_loop3A_125] : memref<304xi32, #tpu.memory_space<smem>>
      %parallel_loop3A_127 = vector.extract_strided_slice %parallel_loop3A_83 {offsets = [2], sizes = [1], strides = [1]} : vector<16xi32> to vector<1xi32>
      %parallel_loop3A_128 = vector.extract %parallel_loop3A_127[0] : i32 from vector<1xi32>
      %parallel_loop3A_129 = arith.constant 16 : i32
      %parallel_loop3A_130 = arith.muli %parallel_loop3A_79, %parallel_loop3A_129 : i32
      %parallel_loop3A_131 = arith.constant 2 : i32
      %parallel_loop3A_132 = arith.addi %parallel_loop3A_130, %parallel_loop3A_131 : i32
      %parallel_loop3A_133 = arith.index_cast %parallel_loop3A_132 : i32 to index
      %parallel_loop3A_134 = memref.load %arg18[%parallel_loop3A_133] : memref<304xi32, #tpu.memory_space<smem>>
      memref.store %parallel_loop3A_128, %arg18[%parallel_loop3A_133] : memref<304xi32, #tpu.memory_space<smem>>
      %parallel_loop3A_135 = vector.extract_strided_slice %parallel_loop3A_86 {offsets = [3], sizes = [1], strides = [1]} : vector<16xi32> to vector<1xi32>
      %parallel_loop3A_136 = vector.extract %parallel_loop3A_135[0] : i32 from vector<1xi32>
      %parallel_loop3A_137 = arith.constant 16 : i32
      %parallel_loop3A_138 = arith.muli %parallel_loop3A_79, %parallel_loop3A_137 : i32
      %parallel_loop3A_139 = arith.constant 3 : i32
      %parallel_loop3A_140 = arith.addi %parallel_loop3A_138, %parallel_loop3A_139 : i32
      %parallel_loop3A_141 = arith.index_cast %parallel_loop3A_140 : i32 to index
      %parallel_loop3A_142 = memref.load %arg17[%parallel_loop3A_141] : memref<304xi32, #tpu.memory_space<smem>>
      memref.store %parallel_loop3A_136, %arg17[%parallel_loop3A_141] : memref<304xi32, #tpu.memory_space<smem>>
      %parallel_loop3A_143 = vector.extract_strided_slice %parallel_loop3A_83 {offsets = [3], sizes = [1], strides = [1]} : vector<16xi32> to vector<1xi32>
      %parallel_loop3A_144 = vector.extract %parallel_loop3A_143[0] : i32 from vector<1xi32>
      %parallel_loop3A_145 = arith.constant 16 : i32
      %parallel_loop3A_146 = arith.muli %parallel_loop3A_79, %parallel_loop3A_145 : i32
      %parallel_loop3A_147 = arith.constant 3 : i32
      %parallel_loop3A_148 = arith.addi %parallel_loop3A_146, %parallel_loop3A_147 : i32
      %parallel_loop3A_149 = arith.index_cast %parallel_loop3A_148 : i32 to index
      %parallel_loop3A_150 = memref.load %arg18[%parallel_loop3A_149] : memref<304xi32, #tpu.memory_space<smem>>
      memref.store %parallel_loop3A_144, %arg18[%parallel_loop3A_149] : memref<304xi32, #tpu.memory_space<smem>>
      %parallel_loop3A_151 = vector.extract_strided_slice %parallel_loop3A_86 {offsets = [4], sizes = [1], strides = [1]} : vector<16xi32> to vector<1xi32>
      %parallel_loop3A_152 = vector.extract %parallel_loop3A_151[0] : i32 from vector<1xi32>
      %parallel_loop3A_153 = arith.constant 16 : i32
      %parallel_loop3A_154 = arith.muli %parallel_loop3A_79, %parallel_loop3A_153 : i32
      %parallel_loop3A_155 = arith.constant 4 : i32
      %parallel_loop3A_156 = arith.addi %parallel_loop3A_154, %parallel_loop3A_155 : i32
      %parallel_loop3A_157 = arith.index_cast %parallel_loop3A_156 : i32 to index
      %parallel_loop3A_158 = memref.load %arg17[%parallel_loop3A_157] : memref<304xi32, #tpu.memory_space<smem>>
      memref.store %parallel_loop3A_152, %arg17[%parallel_loop3A_157] : memref<304xi32, #tpu.memory_space<smem>>
      %parallel_loop3A_159 = vector.extract_strided_slice %parallel_loop3A_83 {offsets = [4], sizes = [1], strides = [1]} : vector<16xi32> to vector<1xi32>
      %parallel_loop3A_160 = vector.extract %parallel_loop3A_159[0] : i32 from vector<1xi32>
      %parallel_loop3A_161 = arith.constant 16 : i32
      %parallel_loop3A_162 = arith.muli %parallel_loop3A_79, %parallel_loop3A_161 : i32
      %parallel_loop3A_163 = arith.constant 4 : i32
      %parallel_loop3A_164 = arith.addi %parallel_loop3A_162, %parallel_loop3A_163 : i32
      %parallel_loop3A_165 = arith.index_cast %parallel_loop3A_164 : i32 to index
      %parallel_loop3A_166 = memref.load %arg18[%parallel_loop3A_165] : memref<304xi32, #tpu.memory_space<smem>>
      memref.store %parallel_loop3A_160, %arg18[%parallel_loop3A_165] : memref<304xi32, #tpu.memory_space<smem>>
      %parallel_loop3A_167 = vector.extract_strided_slice %parallel_loop3A_86 {offsets = [5], sizes = [1], strides = [1]} : vector<16xi32> to vector<1xi32>
      %parallel_loop3A_168 = vector.extract %parallel_loop3A_167[0] : i32 from vector<1xi32>
      %parallel_loop3A_169 = arith.constant 16 : i32
      %parallel_loop3A_170 = arith.muli %parallel_loop3A_79, %parallel_loop3A_169 : i32
      %parallel_loop3A_171 = arith.constant 5 : i32
      %parallel_loop3A_172 = arith.addi %parallel_loop3A_170, %parallel_loop3A_171 : i32
      %parallel_loop3A_173 = arith.index_cast %parallel_loop3A_172 : i32 to index
      %parallel_loop3A_174 = memref.load %arg17[%parallel_loop3A_173] : memref<304xi32, #tpu.memory_space<smem>>
      memref.store %parallel_loop3A_168, %arg17[%parallel_loop3A_173] : memref<304xi32, #tpu.memory_space<smem>>
      %parallel_loop3A_175 = vector.extract_strided_slice %parallel_loop3A_83 {offsets = [5], sizes = [1], strides = [1]} : vector<16xi32> to vector<1xi32>
      %parallel_loop3A_176 = vector.extract %parallel_loop3A_175[0] : i32 from vector<1xi32>
      %parallel_loop3A_177 = arith.constant 16 : i32
      %parallel_loop3A_178 = arith.muli %parallel_loop3A_79, %parallel_loop3A_177 : i32
      %parallel_loop3A_179 = arith.constant 5 : i32
      %parallel_loop3A_180 = arith.addi %parallel_loop3A_178, %parallel_loop3A_179 : i32
      %parallel_loop3A_181 = arith.index_cast %parallel_loop3A_180 : i32 to index
      %parallel_loop3A_182 = memref.load %arg18[%parallel_loop3A_181] : memref<304xi32, #tpu.memory_space<smem>>
      memref.store %parallel_loop3A_176, %arg18[%parallel_loop3A_181] : memref<304xi32, #tpu.memory_space<smem>>
      %parallel_loop3A_183 = vector.extract_strided_slice %parallel_loop3A_86 {offsets = [6], sizes = [1], strides = [1]} : vector<16xi32> to vector<1xi32>
      %parallel_loop3A_184 = vector.extract %parallel_loop3A_183[0] : i32 from vector<1xi32>
      %parallel_loop3A_185 = arith.constant 16 : i32
      %parallel_loop3A_186 = arith.muli %parallel_loop3A_79, %parallel_loop3A_185 : i32
      %parallel_loop3A_187 = arith.constant 6 : i32
      %parallel_loop3A_188 = arith.addi %parallel_loop3A_186, %parallel_loop3A_187 : i32
      %parallel_loop3A_189 = arith.index_cast %parallel_loop3A_188 : i32 to index
      %parallel_loop3A_190 = memref.load %arg17[%parallel_loop3A_189] : memref<304xi32, #tpu.memory_space<smem>>
      memref.store %parallel_loop3A_184, %arg17[%parallel_loop3A_189] : memref<304xi32, #tpu.memory_space<smem>>
      %parallel_loop3A_191 = vector.extract_strided_slice %parallel_loop3A_83 {offsets = [6], sizes = [1], strides = [1]} : vector<16xi32> to vector<1xi32>
      %parallel_loop3A_192 = vector.extract %parallel_loop3A_191[0] : i32 from vector<1xi32>
      %parallel_loop3A_193 = arith.constant 16 : i32
      %parallel_loop3A_194 = arith.muli %parallel_loop3A_79, %parallel_loop3A_193 : i32
      %parallel_loop3A_195 = arith.constant 6 : i32
      %parallel_loop3A_196 = arith.addi %parallel_loop3A_194, %parallel_loop3A_195 : i32
      %parallel_loop3A_197 = arith.index_cast %parallel_loop3A_196 : i32 to index
      %parallel_loop3A_198 = memref.load %arg18[%parallel_loop3A_197] : memref<304xi32, #tpu.memory_space<smem>>
      memref.store %parallel_loop3A_192, %arg18[%parallel_loop3A_197] : memref<304xi32, #tpu.memory_space<smem>>
      %parallel_loop3A_199 = vector.extract_strided_slice %parallel_loop3A_86 {offsets = [7], sizes = [1], strides = [1]} : vector<16xi32> to vector<1xi32>
      %parallel_loop3A_200 = vector.extract %parallel_loop3A_199[0] : i32 from vector<1xi32>
      %parallel_loop3A_201 = arith.constant 16 : i32
      %parallel_loop3A_202 = arith.muli %parallel_loop3A_79, %parallel_loop3A_201 : i32
      %parallel_loop3A_203 = arith.constant 7 : i32
      %parallel_loop3A_204 = arith.addi %parallel_loop3A_202, %parallel_loop3A_203 : i32
      %parallel_loop3A_205 = arith.index_cast %parallel_loop3A_204 : i32 to index
      %parallel_loop3A_206 = memref.load %arg17[%parallel_loop3A_205] : memref<304xi32, #tpu.memory_space<smem>>
      memref.store %parallel_loop3A_200, %arg17[%parallel_loop3A_205] : memref<304xi32, #tpu.memory_space<smem>>
      %parallel_loop3A_207 = vector.extract_strided_slice %parallel_loop3A_83 {offsets = [7], sizes = [1], strides = [1]} : vector<16xi32> to vector<1xi32>
      %parallel_loop3A_208 = vector.extract %parallel_loop3A_207[0] : i32 from vector<1xi32>
      %parallel_loop3A_209 = arith.constant 16 : i32
      %parallel_loop3A_210 = arith.muli %parallel_loop3A_79, %parallel_loop3A_209 : i32
      %parallel_loop3A_211 = arith.constant 7 : i32
      %parallel_loop3A_212 = arith.addi %parallel_loop3A_210, %parallel_loop3A_211 : i32
      %parallel_loop3A_213 = arith.index_cast %parallel_loop3A_212 : i32 to index
      %parallel_loop3A_214 = memref.load %arg18[%parallel_loop3A_213] : memref<304xi32, #tpu.memory_space<smem>>
      memref.store %parallel_loop3A_208, %arg18[%parallel_loop3A_213] : memref<304xi32, #tpu.memory_space<smem>>
      %parallel_loop3A_215 = vector.extract_strided_slice %parallel_loop3A_86 {offsets = [8], sizes = [1], strides = [1]} : vector<16xi32> to vector<1xi32>
      %parallel_loop3A_216 = vector.extract %parallel_loop3A_215[0] : i32 from vector<1xi32>
      %parallel_loop3A_217 = arith.constant 16 : i32
      %parallel_loop3A_218 = arith.muli %parallel_loop3A_79, %parallel_loop3A_217 : i32
      %parallel_loop3A_219 = arith.constant 8 : i32
      %parallel_loop3A_220 = arith.addi %parallel_loop3A_218, %parallel_loop3A_219 : i32
      %parallel_loop3A_221 = arith.index_cast %parallel_loop3A_220 : i32 to index
      %parallel_loop3A_222 = memref.load %arg17[%parallel_loop3A_221] : memref<304xi32, #tpu.memory_space<smem>>
      memref.store %parallel_loop3A_216, %arg17[%parallel_loop3A_221] : memref<304xi32, #tpu.memory_space<smem>>
      %parallel_loop3A_223 = vector.extract_strided_slice %parallel_loop3A_83 {offsets = [8], sizes = [1], strides = [1]} : vector<16xi32> to vector<1xi32>
      %parallel_loop3A_224 = vector.extract %parallel_loop3A_223[0] : i32 from vector<1xi32>
      %parallel_loop3A_225 = arith.constant 16 : i32
      %parallel_loop3A_226 = arith.muli %parallel_loop3A_79, %parallel_loop3A_225 : i32
      %parallel_loop3A_227 = arith.constant 8 : i32
      %parallel_loop3A_228 = arith.addi %parallel_loop3A_226, %parallel_loop3A_227 : i32
      %parallel_loop3A_229 = arith.index_cast %parallel_loop3A_228 : i32 to index
      %parallel_loop3A_230 = memref.load %arg18[%parallel_loop3A_229] : memref<304xi32, #tpu.memory_space<smem>>
      memref.store %parallel_loop3A_224, %arg18[%parallel_loop3A_229] : memref<304xi32, #tpu.memory_space<smem>>
      %parallel_loop3A_231 = vector.extract_strided_slice %parallel_loop3A_86 {offsets = [9], sizes = [1], strides = [1]} : vector<16xi32> to vector<1xi32>
      %parallel_loop3A_232 = vector.extract %parallel_loop3A_231[0] : i32 from vector<1xi32>
      %parallel_loop3A_233 = arith.constant 16 : i32
      %parallel_loop3A_234 = arith.muli %parallel_loop3A_79, %parallel_loop3A_233 : i32
      %parallel_loop3A_235 = arith.constant 9 : i32
      %parallel_loop3A_236 = arith.addi %parallel_loop3A_234, %parallel_loop3A_235 : i32
      %parallel_loop3A_237 = arith.index_cast %parallel_loop3A_236 : i32 to index
      %parallel_loop3A_238 = memref.load %arg17[%parallel_loop3A_237] : memref<304xi32, #tpu.memory_space<smem>>
      memref.store %parallel_loop3A_232, %arg17[%parallel_loop3A_237] : memref<304xi32, #tpu.memory_space<smem>>
      %parallel_loop3A_239 = vector.extract_strided_slice %parallel_loop3A_83 {offsets = [9], sizes = [1], strides = [1]} : vector<16xi32> to vector<1xi32>
      %parallel_loop3A_240 = vector.extract %parallel_loop3A_239[0] : i32 from vector<1xi32>
      %parallel_loop3A_241 = arith.constant 16 : i32
      %parallel_loop3A_242 = arith.muli %parallel_loop3A_79, %parallel_loop3A_241 : i32
      %parallel_loop3A_243 = arith.constant 9 : i32
      %parallel_loop3A_244 = arith.addi %parallel_loop3A_242, %parallel_loop3A_243 : i32
      %parallel_loop3A_245 = arith.index_cast %parallel_loop3A_244 : i32 to index
      %parallel_loop3A_246 = memref.load %arg18[%parallel_loop3A_245] : memref<304xi32, #tpu.memory_space<smem>>
      memref.store %parallel_loop3A_240, %arg18[%parallel_loop3A_245] : memref<304xi32, #tpu.memory_space<smem>>
      %parallel_loop3A_247 = vector.extract_strided_slice %parallel_loop3A_86 {offsets = [10], sizes = [1], strides = [1]} : vector<16xi32> to vector<1xi32>
      %parallel_loop3A_248 = vector.extract %parallel_loop3A_247[0] : i32 from vector<1xi32>
      %parallel_loop3A_249 = arith.constant 16 : i32
      %parallel_loop3A_250 = arith.muli %parallel_loop3A_79, %parallel_loop3A_249 : i32
      %parallel_loop3A_251 = arith.constant 10 : i32
      %parallel_loop3A_252 = arith.addi %parallel_loop3A_250, %parallel_loop3A_251 : i32
      %parallel_loop3A_253 = arith.index_cast %parallel_loop3A_252 : i32 to index
      %parallel_loop3A_254 = memref.load %arg17[%parallel_loop3A_253] : memref<304xi32, #tpu.memory_space<smem>>
      memref.store %parallel_loop3A_248, %arg17[%parallel_loop3A_253] : memref<304xi32, #tpu.memory_space<smem>>
      %parallel_loop3A_255 = vector.extract_strided_slice %parallel_loop3A_83 {offsets = [10], sizes = [1], strides = [1]} : vector<16xi32> to vector<1xi32>
      %parallel_loop3A_256 = vector.extract %parallel_loop3A_255[0] : i32 from vector<1xi32>
      %parallel_loop3A_257 = arith.constant 16 : i32
      %parallel_loop3A_258 = arith.muli %parallel_loop3A_79, %parallel_loop3A_257 : i32
      %parallel_loop3A_259 = arith.constant 10 : i32
      %parallel_loop3A_260 = arith.addi %parallel_loop3A_258, %parallel_loop3A_259 : i32
      %parallel_loop3A_261 = arith.index_cast %parallel_loop3A_260 : i32 to index
      %parallel_loop3A_262 = memref.load %arg18[%parallel_loop3A_261] : memref<304xi32, #tpu.memory_space<smem>>
      memref.store %parallel_loop3A_256, %arg18[%parallel_loop3A_261] : memref<304xi32, #tpu.memory_space<smem>>
      %parallel_loop3A_263 = vector.extract_strided_slice %parallel_loop3A_86 {offsets = [11], sizes = [1], strides = [1]} : vector<16xi32> to vector<1xi32>
      %parallel_loop3A_264 = vector.extract %parallel_loop3A_263[0] : i32 from vector<1xi32>
      %parallel_loop3A_265 = arith.constant 16 : i32
      %parallel_loop3A_266 = arith.muli %parallel_loop3A_79, %parallel_loop3A_265 : i32
      %parallel_loop3A_267 = arith.constant 11 : i32
      %parallel_loop3A_268 = arith.addi %parallel_loop3A_266, %parallel_loop3A_267 : i32
      %parallel_loop3A_269 = arith.index_cast %parallel_loop3A_268 : i32 to index
      %parallel_loop3A_270 = memref.load %arg17[%parallel_loop3A_269] : memref<304xi32, #tpu.memory_space<smem>>
      memref.store %parallel_loop3A_264, %arg17[%parallel_loop3A_269] : memref<304xi32, #tpu.memory_space<smem>>
      %parallel_loop3A_271 = vector.extract_strided_slice %parallel_loop3A_83 {offsets = [11], sizes = [1], strides = [1]} : vector<16xi32> to vector<1xi32>
      %parallel_loop3A_272 = vector.extract %parallel_loop3A_271[0] : i32 from vector<1xi32>
      %parallel_loop3A_273 = arith.constant 16 : i32
      %parallel_loop3A_274 = arith.muli %parallel_loop3A_79, %parallel_loop3A_273 : i32
      %parallel_loop3A_275 = arith.constant 11 : i32
      %parallel_loop3A_276 = arith.addi %parallel_loop3A_274, %parallel_loop3A_275 : i32
      %parallel_loop3A_277 = arith.index_cast %parallel_loop3A_276 : i32 to index
      %parallel_loop3A_278 = memref.load %arg18[%parallel_loop3A_277] : memref<304xi32, #tpu.memory_space<smem>>
      memref.store %parallel_loop3A_272, %arg18[%parallel_loop3A_277] : memref<304xi32, #tpu.memory_space<smem>>
      %parallel_loop3A_279 = vector.extract_strided_slice %parallel_loop3A_86 {offsets = [12], sizes = [1], strides = [1]} : vector<16xi32> to vector<1xi32>
      %parallel_loop3A_280 = vector.extract %parallel_loop3A_279[0] : i32 from vector<1xi32>
      %parallel_loop3A_281 = arith.constant 16 : i32
      %parallel_loop3A_282 = arith.muli %parallel_loop3A_79, %parallel_loop3A_281 : i32
      %parallel_loop3A_283 = arith.constant 12 : i32
      %parallel_loop3A_284 = arith.addi %parallel_loop3A_282, %parallel_loop3A_283 : i32
      %parallel_loop3A_285 = arith.index_cast %parallel_loop3A_284 : i32 to index
      %parallel_loop3A_286 = memref.load %arg17[%parallel_loop3A_285] : memref<304xi32, #tpu.memory_space<smem>>
      memref.store %parallel_loop3A_280, %arg17[%parallel_loop3A_285] : memref<304xi32, #tpu.memory_space<smem>>
      %parallel_loop3A_287 = vector.extract_strided_slice %parallel_loop3A_83 {offsets = [12], sizes = [1], strides = [1]} : vector<16xi32> to vector<1xi32>
      %parallel_loop3A_288 = vector.extract %parallel_loop3A_287[0] : i32 from vector<1xi32>
      %parallel_loop3A_289 = arith.constant 16 : i32
      %parallel_loop3A_290 = arith.muli %parallel_loop3A_79, %parallel_loop3A_289 : i32
      %parallel_loop3A_291 = arith.constant 12 : i32
      %parallel_loop3A_292 = arith.addi %parallel_loop3A_290, %parallel_loop3A_291 : i32
      %parallel_loop3A_293 = arith.index_cast %parallel_loop3A_292 : i32 to index
      %parallel_loop3A_294 = memref.load %arg18[%parallel_loop3A_293] : memref<304xi32, #tpu.memory_space<smem>>
      memref.store %parallel_loop3A_288, %arg18[%parallel_loop3A_293] : memref<304xi32, #tpu.memory_space<smem>>
      %parallel_loop3A_295 = vector.extract_strided_slice %parallel_loop3A_86 {offsets = [13], sizes = [1], strides = [1]} : vector<16xi32> to vector<1xi32>
      %parallel_loop3A_296 = vector.extract %parallel_loop3A_295[0] : i32 from vector<1xi32>
      %parallel_loop3A_297 = arith.constant 16 : i32
      %parallel_loop3A_298 = arith.muli %parallel_loop3A_79, %parallel_loop3A_297 : i32
      %parallel_loop3A_299 = arith.constant 13 : i32
      %parallel_loop3A_300 = arith.addi %parallel_loop3A_298, %parallel_loop3A_299 : i32
      %parallel_loop3A_301 = arith.index_cast %parallel_loop3A_300 : i32 to index
      %parallel_loop3A_302 = memref.load %arg17[%parallel_loop3A_301] : memref<304xi32, #tpu.memory_space<smem>>
      memref.store %parallel_loop3A_296, %arg17[%parallel_loop3A_301] : memref<304xi32, #tpu.memory_space<smem>>
      %parallel_loop3A_303 = vector.extract_strided_slice %parallel_loop3A_83 {offsets = [13], sizes = [1], strides = [1]} : vector<16xi32> to vector<1xi32>
      %parallel_loop3A_304 = vector.extract %parallel_loop3A_303[0] : i32 from vector<1xi32>
      %parallel_loop3A_305 = arith.constant 16 : i32
      %parallel_loop3A_306 = arith.muli %parallel_loop3A_79, %parallel_loop3A_305 : i32
      %parallel_loop3A_307 = arith.constant 13 : i32
      %parallel_loop3A_308 = arith.addi %parallel_loop3A_306, %parallel_loop3A_307 : i32
      %parallel_loop3A_309 = arith.index_cast %parallel_loop3A_308 : i32 to index
      %parallel_loop3A_310 = memref.load %arg18[%parallel_loop3A_309] : memref<304xi32, #tpu.memory_space<smem>>
      memref.store %parallel_loop3A_304, %arg18[%parallel_loop3A_309] : memref<304xi32, #tpu.memory_space<smem>>
      %parallel_loop3A_311 = vector.extract_strided_slice %parallel_loop3A_86 {offsets = [14], sizes = [1], strides = [1]} : vector<16xi32> to vector<1xi32>
      %parallel_loop3A_312 = vector.extract %parallel_loop3A_311[0] : i32 from vector<1xi32>
      %parallel_loop3A_313 = arith.constant 16 : i32
      %parallel_loop3A_314 = arith.muli %parallel_loop3A_79, %parallel_loop3A_313 : i32
      %parallel_loop3A_315 = arith.constant 14 : i32
      %parallel_loop3A_316 = arith.addi %parallel_loop3A_314, %parallel_loop3A_315 : i32
      %parallel_loop3A_317 = arith.index_cast %parallel_loop3A_316 : i32 to index
      %parallel_loop3A_318 = memref.load %arg17[%parallel_loop3A_317] : memref<304xi32, #tpu.memory_space<smem>>
      memref.store %parallel_loop3A_312, %arg17[%parallel_loop3A_317] : memref<304xi32, #tpu.memory_space<smem>>
      %parallel_loop3A_319 = vector.extract_strided_slice %parallel_loop3A_83 {offsets = [14], sizes = [1], strides = [1]} : vector<16xi32> to vector<1xi32>
      %parallel_loop3A_320 = vector.extract %parallel_loop3A_319[0] : i32 from vector<1xi32>
      %parallel_loop3A_321 = arith.constant 16 : i32
      %parallel_loop3A_322 = arith.muli %parallel_loop3A_79, %parallel_loop3A_321 : i32
      %parallel_loop3A_323 = arith.constant 14 : i32
      %parallel_loop3A_324 = arith.addi %parallel_loop3A_322, %parallel_loop3A_323 : i32
      %parallel_loop3A_325 = arith.index_cast %parallel_loop3A_324 : i32 to index
      %parallel_loop3A_326 = memref.load %arg18[%parallel_loop3A_325] : memref<304xi32, #tpu.memory_space<smem>>
      memref.store %parallel_loop3A_320, %arg18[%parallel_loop3A_325] : memref<304xi32, #tpu.memory_space<smem>>
      %parallel_loop3A_327 = vector.extract_strided_slice %parallel_loop3A_86 {offsets = [15], sizes = [1], strides = [1]} : vector<16xi32> to vector<1xi32>
      %parallel_loop3A_328 = vector.extract %parallel_loop3A_327[0] : i32 from vector<1xi32>
      %parallel_loop3A_329 = arith.constant 16 : i32
      %parallel_loop3A_330 = arith.muli %parallel_loop3A_79, %parallel_loop3A_329 : i32
      %parallel_loop3A_331 = arith.constant 15 : i32
      %parallel_loop3A_332 = arith.addi %parallel_loop3A_330, %parallel_loop3A_331 : i32
      %parallel_loop3A_333 = arith.index_cast %parallel_loop3A_332 : i32 to index
      %parallel_loop3A_334 = memref.load %arg17[%parallel_loop3A_333] : memref<304xi32, #tpu.memory_space<smem>>
      memref.store %parallel_loop3A_328, %arg17[%parallel_loop3A_333] : memref<304xi32, #tpu.memory_space<smem>>
      %parallel_loop3A_335 = vector.extract_strided_slice %parallel_loop3A_83 {offsets = [15], sizes = [1], strides = [1]} : vector<16xi32> to vector<1xi32>
      %parallel_loop3A_336 = vector.extract %parallel_loop3A_335[0] : i32 from vector<1xi32>
      %parallel_loop3A_337 = arith.constant 16 : i32
      %parallel_loop3A_338 = arith.muli %parallel_loop3A_79, %parallel_loop3A_337 : i32
      %parallel_loop3A_339 = arith.constant 15 : i32
      %parallel_loop3A_340 = arith.addi %parallel_loop3A_338, %parallel_loop3A_339 : i32
      %parallel_loop3A_341 = arith.index_cast %parallel_loop3A_340 : i32 to index
      %parallel_loop3A_342 = memref.load %arg18[%parallel_loop3A_341] : memref<304xi32, #tpu.memory_space<smem>>
      memref.store %parallel_loop3A_336, %arg18[%parallel_loop3A_341] : memref<304xi32, #tpu.memory_space<smem>>
    } {sc.loop_unroll_factor = 1 : i64, sc.parallel_access}
    %parallel_loop3A_76 = arith.constant 0 : i32
    %parallel_loop3A_77 = arith.constant 19 : i32
    %parallel_loop3A_78 = arith.constant 1 : i32
    scf.for %parallel_loop3A_79 = %parallel_loop3A_76 to %parallel_loop3A_77 step %parallel_loop3A_78  : i32 {
      %parallel_loop3A_80 = arith.constant 16 : i32
      %parallel_loop3A_81 = arith.muli %parallel_loop3A_79, %parallel_loop3A_80 : i32
      %parallel_loop3A_82 = arith.index_cast %parallel_loop3A_81 : i32 to index
      %parallel_loop3A_83 = tpu.vector_load %arg11[%parallel_loop3A_82] {strides = array<i32>} : memref<640xi32, #tpu.memory_space<vmem>>, vector<16xi32>,
      %parallel_loop3A_84 = tpu.vector_load_idx %arg7[%parallel_loop3A_83] : memref<81920xf32, #tpu.memory_space<vmem>>[vector<16xi32>], vector<16xf32>,
      %parallel_loop3A_85 = vector.bitcast %parallel_loop3A_84 : vector<16xf32> to vector<16xi32>
      %parallel_loop3A_86 = vector.bitcast %parallel_loop3A_85 : vector<16xi32> to vector<16xi32>
      %parallel_loop3A_87 = arith.constant 0 : i32
      %parallel_loop3A_88 = arith.constant 76 : i32
      %parallel_loop3A_89 = arith.addi %parallel_loop3A_87, %parallel_loop3A_88 : i32
      %parallel_loop3A_90 = arith.constant 1 : i32
      %parallel_loop3A_91 = scf.for %scan3A_149 = %parallel_loop3A_87 to %parallel_loop3A_89 step %parallel_loop3A_90 iter_args(%scan3A_150 = %broadcast_in_dim3A_1) -> (vector<16xi32>)  : i32 {
        %parallel_loop3A_151 = arith.constant 4 : i32
        %parallel_loop3A_152 = arith.muli %scan3A_149, %parallel_loop3A_151 : i32
        %parallel_loop3A_153 = arith.constant 0 : i32
        %parallel_loop3A_154 = arith.addi %parallel_loop3A_152, %parallel_loop3A_153 : i32
        %parallel_loop3A_155 = arith.index_cast %parallel_loop3A_154 : i32 to index
        %parallel_loop3A_156 = memref.load %arg17[%parallel_loop3A_155] : memref<304xi32, #tpu.memory_space<smem>>
        %parallel_loop3A_157 = arith.constant 0 : i32
        %parallel_loop3A_158 = arith.addi %parallel_loop3A_152, %parallel_loop3A_157 : i32
        %parallel_loop3A_159 = arith.index_cast %parallel_loop3A_158 : i32 to index
        %parallel_loop3A_160 = memref.load %arg18[%parallel_loop3A_159] : memref<304xi32, #tpu.memory_space<smem>>
        %parallel_loop3A_161 = vector.broadcast %parallel_loop3A_156 : i32 to vector<16xi32>
        %parallel_loop3A_162 = arith.cmpi sgt, %parallel_loop3A_161, %parallel_loop3A_86 : vector<16xi32>
        %parallel_loop3A_163 = vector.broadcast %parallel_loop3A_156 : i32 to vector<16xi32>
        %parallel_loop3A_164 = arith.cmpi eq, %parallel_loop3A_163, %parallel_loop3A_86 : vector<16xi32>
        %parallel_loop3A_165 = vector.broadcast %parallel_loop3A_160 : i32 to vector<16xi32>
        %parallel_loop3A_166 = arith.cmpi slt, %parallel_loop3A_165, %parallel_loop3A_83 : vector<16xi32>
        %parallel_loop3A_167 = arith.andi %parallel_loop3A_164, %parallel_loop3A_166 : vector<16xi1>
        %parallel_loop3A_168 = arith.ori %parallel_loop3A_162, %parallel_loop3A_167 : vector<16xi1>
        %parallel_loop3A_169 = arith.extui %parallel_loop3A_168 : vector<16xi1> to vector<16xi32>
        %parallel_loop3A_170 = arith.addi %scan3A_150, %parallel_loop3A_169 : vector<16xi32>
        %parallel_loop3A_171 = arith.constant 1 : i32
        %parallel_loop3A_172 = arith.addi %parallel_loop3A_152, %parallel_loop3A_171 : i32
        %parallel_loop3A_173 = arith.index_cast %parallel_loop3A_172 : i32 to index
        %parallel_loop3A_174 = memref.load %arg17[%parallel_loop3A_173] : memref<304xi32, #tpu.memory_space<smem>>
        %parallel_loop3A_175 = arith.constant 1 : i32
        %parallel_loop3A_176 = arith.addi %parallel_loop3A_152, %parallel_loop3A_175 : i32
        %parallel_loop3A_177 = arith.index_cast %parallel_loop3A_176 : i32 to index
        %parallel_loop3A_178 = memref.load %arg18[%parallel_loop3A_177] : memref<304xi32, #tpu.memory_space<smem>>
        %parallel_loop3A_179 = vector.broadcast %parallel_loop3A_174 : i32 to vector<16xi32>
        %parallel_loop3A_180 = arith.cmpi sgt, %parallel_loop3A_179, %parallel_loop3A_86 : vector<16xi32>
        %parallel_loop3A_181 = vector.broadcast %parallel_loop3A_174 : i32 to vector<16xi32>
        %parallel_loop3A_182 = arith.cmpi eq, %parallel_loop3A_181, %parallel_loop3A_86 : vector<16xi32>
        %parallel_loop3A_183 = vector.broadcast %parallel_loop3A_178 : i32 to vector<16xi32>
        %parallel_loop3A_184 = arith.cmpi slt, %parallel_loop3A_183, %parallel_loop3A_83 : vector<16xi32>
        %parallel_loop3A_185 = arith.andi %parallel_loop3A_182, %parallel_loop3A_184 : vector<16xi1>
        %parallel_loop3A_186 = arith.ori %parallel_loop3A_180, %parallel_loop3A_185 : vector<16xi1>
        %parallel_loop3A_187 = arith.extui %parallel_loop3A_186 : vector<16xi1> to vector<16xi32>
        %parallel_loop3A_188 = arith.addi %parallel_loop3A_170, %parallel_loop3A_187 : vector<16xi32>
        %parallel_loop3A_189 = arith.constant 2 : i32
        %parallel_loop3A_190 = arith.addi %parallel_loop3A_152, %parallel_loop3A_189 : i32
        %parallel_loop3A_191 = arith.index_cast %parallel_loop3A_190 : i32 to index
        %parallel_loop3A_192 = memref.load %arg17[%parallel_loop3A_191] : memref<304xi32, #tpu.memory_space<smem>>
        %parallel_loop3A_193 = arith.constant 2 : i32
        %parallel_loop3A_194 = arith.addi %parallel_loop3A_152, %parallel_loop3A_193 : i32
        %parallel_loop3A_195 = arith.index_cast %parallel_loop3A_194 : i32 to index
        %parallel_loop3A_196 = memref.load %arg18[%parallel_loop3A_195] : memref<304xi32, #tpu.memory_space<smem>>
        %parallel_loop3A_197 = vector.broadcast %parallel_loop3A_192 : i32 to vector<16xi32>
        %parallel_loop3A_198 = arith.cmpi sgt, %parallel_loop3A_197, %parallel_loop3A_86 : vector<16xi32>
        %parallel_loop3A_199 = vector.broadcast %parallel_loop3A_192 : i32 to vector<16xi32>
        %parallel_loop3A_200 = arith.cmpi eq, %parallel_loop3A_199, %parallel_loop3A_86 : vector<16xi32>
        %parallel_loop3A_201 = vector.broadcast %parallel_loop3A_196 : i32 to vector<16xi32>
        %parallel_loop3A_202 = arith.cmpi slt, %parallel_loop3A_201, %parallel_loop3A_83 : vector<16xi32>
        %parallel_loop3A_203 = arith.andi %parallel_loop3A_200, %parallel_loop3A_202 : vector<16xi1>
        %parallel_loop3A_204 = arith.ori %parallel_loop3A_198, %parallel_loop3A_203 : vector<16xi1>
        %parallel_loop3A_205 = arith.extui %parallel_loop3A_204 : vector<16xi1> to vector<16xi32>
        %parallel_loop3A_206 = arith.addi %parallel_loop3A_188, %parallel_loop3A_205 : vector<16xi32>
        %parallel_loop3A_207 = arith.constant 3 : i32
        %parallel_loop3A_208 = arith.addi %parallel_loop3A_152, %parallel_loop3A_207 : i32
        %parallel_loop3A_209 = arith.index_cast %parallel_loop3A_208 : i32 to index
        %parallel_loop3A_210 = memref.load %arg17[%parallel_loop3A_209] : memref<304xi32, #tpu.memory_space<smem>>
        %parallel_loop3A_211 = arith.constant 3 : i32
        %parallel_loop3A_212 = arith.addi %parallel_loop3A_152, %parallel_loop3A_211 : i32
        %parallel_loop3A_213 = arith.index_cast %parallel_loop3A_212 : i32 to index
        %parallel_loop3A_214 = memref.load %arg18[%parallel_loop3A_213] : memref<304xi32, #tpu.memory_space<smem>>
        %parallel_loop3A_215 = vector.broadcast %parallel_loop3A_210 : i32 to vector<16xi32>
        %parallel_loop3A_216 = arith.cmpi sgt, %parallel_loop3A_215, %parallel_loop3A_86 : vector<16xi32>
        %parallel_loop3A_217 = vector.broadcast %parallel_loop3A_210 : i32 to vector<16xi32>
        %parallel_loop3A_218 = arith.cmpi eq, %parallel_loop3A_217, %parallel_loop3A_86 : vector<16xi32>
        %parallel_loop3A_219 = vector.broadcast %parallel_loop3A_214 : i32 to vector<16xi32>
        %parallel_loop3A_220 = arith.cmpi slt, %parallel_loop3A_219, %parallel_loop3A_83 : vector<16xi32>
        %parallel_loop3A_221 = arith.andi %parallel_loop3A_218, %parallel_loop3A_220 : vector<16xi1>
        %parallel_loop3A_222 = arith.ori %parallel_loop3A_216, %parallel_loop3A_221 : vector<16xi1>
        %parallel_loop3A_223 = arith.extui %parallel_loop3A_222 : vector<16xi1> to vector<16xi32>
        %parallel_loop3A_224 = arith.addi %parallel_loop3A_206, %parallel_loop3A_223 : vector<16xi32>
        scf.yield %parallel_loop3A_224 : vector<16xi32>
      }
      %parallel_loop3A_92 = arith.constant 76 : i32
      %parallel_loop3A_93 = vector.bitcast %parallel_loop3A_86 : vector<16xi32> to vector<16xf32>
      %parallel_loop3A_94 = arith.sitofp %parallel_loop3A_83 : vector<16xi32> to vector<16xf32>
      %parallel_loop3A_95 = arith.constant 5.000000e-01 : f32
      %parallel_loop3A_96 = vector.broadcast %parallel_loop3A_95 : f32 to vector<16xf32>
      %parallel_loop3A_97 = arith.addf %parallel_loop3A_94, %parallel_loop3A_96 : vector<16xf32>
      %parallel_loop3A_98 = arith.constant 0.0109890113 : f32
      %parallel_loop3A_99 = vector.broadcast %parallel_loop3A_98 : f32 to vector<16xf32>
      %parallel_loop3A_100 = arith.mulf %parallel_loop3A_97, %parallel_loop3A_99 : vector<16xf32>
      %parallel_loop3A_101 = arith.fptosi %parallel_loop3A_100 : vector<16xf32> to vector<16xi32>
      %parallel_loop3A_102 = arith.constant 899 : i32
      %parallel_loop3A_103 = vector.broadcast %parallel_loop3A_102 : i32 to vector<16xi32>
      %parallel_loop3A_104 = arith.minsi %parallel_loop3A_101, %parallel_loop3A_103 : vector<16xi32>
      %parallel_loop3A_105 = arith.constant 91 : i32
      %parallel_loop3A_106 = vector.broadcast %parallel_loop3A_105 : i32 to vector<16xi32>
      %parallel_loop3A_107 = arith.muli %parallel_loop3A_104, %parallel_loop3A_106 : vector<16xi32>
      %parallel_loop3A_108 = arith.subi %parallel_loop3A_83, %parallel_loop3A_107 : vector<16xi32>
      tpu.vector_store_idx %arg14[%parallel_loop3A_91], %parallel_loop3A_93 : memref<304xf32, #tpu.memory_space<vmem>>[vector<16xi32>], vector<16xf32>,
      tpu.vector_store_idx %arg15[%parallel_loop3A_91], %parallel_loop3A_108 : memref<304xi32, #tpu.memory_space<vmem>>[vector<16xi32>], vector<16xi32>,
      %parallel_loop3A_109 = arith.constant 4 : i32
      %parallel_loop3A_110 = vector.broadcast %parallel_loop3A_109 : i32 to vector<16xi32>
      %parallel_loop3A_111 = arith.muli %parallel_loop3A_104, %parallel_loop3A_110 : vector<16xi32>
      %parallel_loop3A_112 = arith.constant 0 : i32
      %parallel_loop3A_113 = vector.broadcast %parallel_loop3A_112 : i32 to vector<16xi32>
      %parallel_loop3A_114 = arith.addi %parallel_loop3A_111, %parallel_loop3A_113 : vector<16xi32>
      %parallel_loop3A_115 = tpu.vector_load_idx %arg8[%parallel_loop3A_114] : memref<3600xf32, #tpu.memory_space<vmem>>[vector<16xi32>], vector<16xf32>,
      %parallel_loop3A_116 = arith.constant 0 : i32
      %parallel_loop3A_117 = vector.broadcast %parallel_loop3A_116 : i32 to vector<16xi32>
      %parallel_loop3A_118 = arith.addi %parallel_loop3A_117, %parallel_loop3A_91 : vector<16xi32>
      tpu.vector_store_idx %arg16[%parallel_loop3A_118], %parallel_loop3A_115 : memref<1216xf32, #tpu.memory_space<vmem>>[vector<16xi32>], vector<16xf32>,
      %parallel_loop3A_119 = arith.constant 4 : i32
      %parallel_loop3A_120 = vector.broadcast %parallel_loop3A_119 : i32 to vector<16xi32>
      %parallel_loop3A_121 = arith.muli %parallel_loop3A_104, %parallel_loop3A_120 : vector<16xi32>
      %parallel_loop3A_122 = arith.constant 1 : i32
      %parallel_loop3A_123 = vector.broadcast %parallel_loop3A_122 : i32 to vector<16xi32>
      %parallel_loop3A_124 = arith.addi %parallel_loop3A_121, %parallel_loop3A_123 : vector<16xi32>
      %parallel_loop3A_125 = tpu.vector_load_idx %arg8[%parallel_loop3A_124] : memref<3600xf32, #tpu.memory_space<vmem>>[vector<16xi32>], vector<16xf32>,
      %parallel_loop3A_126 = arith.constant 304 : i32
      %parallel_loop3A_127 = vector.broadcast %parallel_loop3A_126 : i32 to vector<16xi32>
      %parallel_loop3A_128 = arith.addi %parallel_loop3A_127, %parallel_loop3A_91 : vector<16xi32>
      tpu.vector_store_idx %arg16[%parallel_loop3A_128], %parallel_loop3A_125 : memref<1216xf32, #tpu.memory_space<vmem>>[vector<16xi32>], vector<16xf32>,
      %parallel_loop3A_129 = arith.constant 4 : i32
      %parallel_loop3A_130 = vector.broadcast %parallel_loop3A_129 : i32 to vector<16xi32>
      %parallel_loop3A_131 = arith.muli %parallel_loop3A_104, %parallel_loop3A_130 : vector<16xi32>
      %parallel_loop3A_132 = arith.constant 2 : i32
      %parallel_loop3A_133 = vector.broadcast %parallel_loop3A_132 : i32 to vector<16xi32>
      %parallel_loop3A_134 = arith.addi %parallel_loop3A_131, %parallel_loop3A_133 : vector<16xi32>
      %parallel_loop3A_135 = tpu.vector_load_idx %arg8[%parallel_loop3A_134] : memref<3600xf32, #tpu.memory_space<vmem>>[vector<16xi32>], vector<16xf32>,
      %parallel_loop3A_136 = arith.constant 608 : i32
      %parallel_loop3A_137 = vector.broadcast %parallel_loop3A_136 : i32 to vector<16xi32>
      %parallel_loop3A_138 = arith.addi %parallel_loop3A_137, %parallel_loop3A_91 : vector<16xi32>
      tpu.vector_store_idx %arg16[%parallel_loop3A_138], %parallel_loop3A_135 : memref<1216xf32, #tpu.memory_space<vmem>>[vector<16xi32>], vector<16xf32>,
      %parallel_loop3A_139 = arith.constant 4 : i32
      %parallel_loop3A_140 = vector.broadcast %parallel_loop3A_139 : i32 to vector<16xi32>
      %parallel_loop3A_141 = arith.muli %parallel_loop3A_104, %parallel_loop3A_140 : vector<16xi32>
      %parallel_loop3A_142 = arith.constant 3 : i32
      %parallel_loop3A_143 = vector.broadcast %parallel_loop3A_142 : i32 to vector<16xi32>
      %parallel_loop3A_144 = arith.addi %parallel_loop3A_141, %parallel_loop3A_143 : vector<16xi32>
      %parallel_loop3A_145 = tpu.vector_load_idx %arg8[%parallel_loop3A_144] : memref<3600xf32, #tpu.memory_space<vmem>>[vector<16xi32>], vector<16xf32>,
      %parallel_loop3A_146 = arith.constant 912 : i32
      %parallel_loop3A_147 = vector.broadcast %parallel_loop3A_146 : i32 to vector<16xi32>
      %parallel_loop3A_148 = arith.addi %parallel_loop3A_147, %parallel_loop3A_91 : vector<16xi32>
      tpu.vector_store_idx %arg16[%parallel_loop3A_148], %parallel_loop3A_145 : memref<1216xf32, #tpu.memory_space<vmem>>[vector<16xi32>], vector<16xf32>,
    } {sc.loop_unroll_factor = 1 : i64, sc.parallel_access}
    "tpu.region"() ({
      %run_scoped3A = tpu.sem_alloc : memref<!tpu.dma_semaphore, #tpu.memory_space<semaphore_mem>>
      %dma_start3A = arith.constant 0 : i32
      %dma_start3A_79 = tpu.memref_slice %arg4[%add3A, %dma_start3A] : memref<32x304xf32, #tpu.memory_space<hbm>> -> memref<1x304xf32, #tpu.memory_space<hbm>>
      %dma_start3A_80 = tpu.memref_squeeze %dma_start3A_79 : memref<1x304xf32, #tpu.memory_space<hbm>> -> memref<304xf32, #tpu.memory_space<hbm>>
      %dma_start3A_81 = arith.constant 0 : i32
      %dma_start3A_82 = tpu.memref_slice %arg4[%add3A, %dma_start3A_81] : memref<32x304xf32, #tpu.memory_space<hbm>> -> memref<1x304xf32, #tpu.memory_space<hbm>>
      %dma_start3A_83 = tpu.memref_squeeze %dma_start3A_82 : memref<1x304xf32, #tpu.memory_space<hbm>> -> memref<304xf32, #tpu.memory_space<hbm>>
      tpu.enqueue_dma source(%arg14 : memref<304xf32, #tpu.memory_space<vmem>>) target(%dma_start3A_83 : memref<304xf32, #tpu.memory_space<hbm>>) target_semaphore(%run_scoped3A : memref<!tpu.dma_semaphore, #tpu.memory_space<semaphore_mem>>)
      %dma_wait3A = arith.constant 0 : i32
      %dma_wait3A_84 = tpu.memref_slice %arg4[%add3A, %dma_wait3A] : memref<32x304xf32, #tpu.memory_space<hbm>> -> memref<1x304xf32, #tpu.memory_space<hbm>>
      %dma_wait3A_85 = tpu.memref_squeeze %dma_wait3A_84 : memref<1x304xf32, #tpu.memory_space<hbm>> -> memref<304xf32, #tpu.memory_space<hbm>>
      %dma_wait3A_86 = arith.constant 0 : i32
      %dma_wait3A_87 = tpu.memref_slice %arg4[%add3A, %dma_wait3A_86] : memref<32x304xf32, #tpu.memory_space<hbm>> -> memref<1x304xf32, #tpu.memory_space<hbm>>
      %dma_wait3A_88 = tpu.memref_squeeze %dma_wait3A_87 : memref<1x304xf32, #tpu.memory_space<hbm>> -> memref<304xf32, #tpu.memory_space<hbm>>
      tpu.wait_dma2 semaphore(%run_scoped3A : memref<!tpu.dma_semaphore, #tpu.memory_space<semaphore_mem>>) src(%arg14 : memref<304xf32, #tpu.memory_space<vmem>>) dst(%dma_wait3A_88 : memref<304xf32, #tpu.memory_space<hbm>>)
      tpu.yield
    }) : () -> ()
    "tpu.region"() ({
      %run_scoped3A = tpu.sem_alloc : memref<!tpu.dma_semaphore, #tpu.memory_space<semaphore_mem>>
      %dma_start3A = arith.constant 0 : i32
      %dma_start3A_79 = tpu.memref_slice %arg5[%add3A, %dma_start3A] : memref<32x304xi32, #tpu.memory_space<hbm>> -> memref<1x304xi32, #tpu.memory_space<hbm>>
      %dma_start3A_80 = tpu.memref_squeeze %dma_start3A_79 : memref<1x304xi32, #tpu.memory_space<hbm>> -> memref<304xi32, #tpu.memory_space<hbm>>
      %dma_start3A_81 = arith.constant 0 : i32
      %dma_start3A_82 = tpu.memref_slice %arg5[%add3A, %dma_start3A_81] : memref<32x304xi32, #tpu.memory_space<hbm>> -> memref<1x304xi32, #tpu.memory_space<hbm>>
      %dma_start3A_83 = tpu.memref_squeeze %dma_start3A_82 : memref<1x304xi32, #tpu.memory_space<hbm>> -> memref<304xi32, #tpu.memory_space<hbm>>
      tpu.enqueue_dma source(%arg15 : memref<304xi32, #tpu.memory_space<vmem>>) target(%dma_start3A_83 : memref<304xi32, #tpu.memory_space<hbm>>) target_semaphore(%run_scoped3A : memref<!tpu.dma_semaphore, #tpu.memory_space<semaphore_mem>>)
      %dma_wait3A = arith.constant 0 : i32
      %dma_wait3A_84 = tpu.memref_slice %arg5[%add3A, %dma_wait3A] : memref<32x304xi32, #tpu.memory_space<hbm>> -> memref<1x304xi32, #tpu.memory_space<hbm>>
      %dma_wait3A_85 = tpu.memref_squeeze %dma_wait3A_84 : memref<1x304xi32, #tpu.memory_space<hbm>> -> memref<304xi32, #tpu.memory_space<hbm>>
      %dma_wait3A_86 = arith.constant 0 : i32
      %dma_wait3A_87 = tpu.memref_slice %arg5[%add3A, %dma_wait3A_86] : memref<32x304xi32, #tpu.memory_space<hbm>> -> memref<1x304xi32, #tpu.memory_space<hbm>>
      %dma_wait3A_88 = tpu.memref_squeeze %dma_wait3A_87 : memref<1x304xi32, #tpu.memory_space<hbm>> -> memref<304xi32, #tpu.memory_space<hbm>>
      tpu.wait_dma2 semaphore(%run_scoped3A : memref<!tpu.dma_semaphore, #tpu.memory_space<semaphore_mem>>) src(%arg15 : memref<304xi32, #tpu.memory_space<vmem>>) dst(%dma_wait3A_88 : memref<304xi32, #tpu.memory_space<hbm>>)
      tpu.yield
    }) : () -> ()
    "tpu.region"() ({
      %run_scoped3A = tpu.sem_alloc : memref<!tpu.dma_semaphore, #tpu.memory_space<semaphore_mem>>
      %dma_start3A = arith.constant 0 : i32
      %dma_start3A_79 = tpu.memref_slice %arg6[%add3A, %dma_start3A] : memref<32x1216xf32, #tpu.memory_space<hbm>> -> memref<1x1216xf32, #tpu.memory_space<hbm>>
      %dma_start3A_80 = tpu.memref_squeeze %dma_start3A_79 : memref<1x1216xf32, #tpu.memory_space<hbm>> -> memref<1216xf32, #tpu.memory_space<hbm>>
      %dma_start3A_81 = arith.constant 0 : i32
      %dma_start3A_82 = tpu.memref_slice %arg6[%add3A, %dma_start3A_81] : memref<32x1216xf32, #tpu.memory_space<hbm>> -> memref<1x1216xf32, #tpu.memory_space<hbm>>
      %dma_start3A_83 = tpu.memref_squeeze %dma_start3A_82 : memref<1x1216xf32, #tpu.memory_space<hbm>> -> memref<1216xf32, #tpu.memory_space<hbm>>
      tpu.enqueue_dma source(%arg16 : memref<1216xf32, #tpu.memory_space<vmem>>) target(%dma_start3A_83 : memref<1216xf32, #tpu.memory_space<hbm>>) target_semaphore(%run_scoped3A : memref<!tpu.dma_semaphore, #tpu.memory_space<semaphore_mem>>)
      %dma_wait3A = arith.constant 0 : i32
      %dma_wait3A_84 = tpu.memref_slice %arg6[%add3A, %dma_wait3A] : memref<32x1216xf32, #tpu.memory_space<hbm>> -> memref<1x1216xf32, #tpu.memory_space<hbm>>
      %dma_wait3A_85 = tpu.memref_squeeze %dma_wait3A_84 : memref<1x1216xf32, #tpu.memory_space<hbm>> -> memref<1216xf32, #tpu.memory_space<hbm>>
      %dma_wait3A_86 = arith.constant 0 : i32
      %dma_wait3A_87 = tpu.memref_slice %arg6[%add3A, %dma_wait3A_86] : memref<32x1216xf32, #tpu.memory_space<hbm>> -> memref<1x1216xf32, #tpu.memory_space<hbm>>
      %dma_wait3A_88 = tpu.memref_squeeze %dma_wait3A_87 : memref<1x1216xf32, #tpu.memory_space<hbm>> -> memref<1216xf32, #tpu.memory_space<hbm>>
      tpu.wait_dma2 semaphore(%run_scoped3A : memref<!tpu.dma_semaphore, #tpu.memory_space<semaphore_mem>>) src(%arg16 : memref<1216xf32, #tpu.memory_space<vmem>>) dst(%dma_wait3A_88 : memref<1216xf32, #tpu.memory_space<hbm>>)
      tpu.yield
    }) : () -> ()
    return
  }
}

module attributes {stable_mosaic.version = 14 : i64} {
  func.func @_sigmoid_body(%arg0: i32, %arg1: memref<5120x128xf32, #tpu.memory_space<vmem>>, %arg2: memref<5120x128xf32, #tpu.memory_space<vmem>>) attributes {dimension_semantics = [#tpu.dimension_semantics<arbitrary>], iteration_bounds = array<i64: 4>, scalar_prefetch = 0 : i64, scratch_operands = 0 : i64, tpu.core_type = #tpu.core_type<tc>, window_params = [{transform_indices = @transform_0, window_bounds = array<i64: 5120, 128>}, {transform_indices = @transform_1, window_bounds = array<i64: 5120, 128>}]} {
    %get3A = arith.constant 0 : index
    %get3A_0 = arith.constant 0 : index
    %get3A_1 = vector.load %arg1[%get3A, %get3A_0] : memref<5120x128xf32, #tpu.memory_space<vmem>>, vector<5120x128xf32>
    %logistic3A = arith.negf %get3A_1 : vector<5120x128xf32>
    %logistic3A_2 = math.exp %logistic3A : vector<5120x128xf32>
    %logistic3A_3 = arith.constant 1.000000e+00 : f32
    %logistic3A_4 = vector.broadcast %logistic3A_3 : f32 to vector<5120x128xf32>
    %logistic3A_5 = arith.addf %logistic3A_4, %logistic3A_2 : vector<5120x128xf32>
    %logistic3A_6 = arith.divf %logistic3A_4, %logistic3A_5 : vector<5120x128xf32>
    %swap3A = arith.constant 0 : index
    %swap3A_7 = arith.constant 0 : index
    %swap3A_8 = vector.load %arg2[%swap3A, %swap3A_7] : memref<5120x128xf32, #tpu.memory_space<vmem>>, vector<5120x128xf32>
    tpu.vector_store %arg2[%swap3A, %swap3A_7], %logistic3A_6 {strides = array<i32>} : memref<5120x128xf32, #tpu.memory_space<vmem>>, vector<5120x128xf32>,
    return
  }
  func.func @transform_0(%arg0: i32) -> (i32, i32) {
    %c0_i32 = arith.constant 0 : i32
    %c0_i32_0 = arith.constant 0 : i32
    return %arg0, %c0_i32 : i32, i32
  }
  func.func @transform_1(%arg0: i32) -> (i32, i32) {
    %c0_i32 = arith.constant 0 : i32
    %c0_i32_0 = arith.constant 0 : i32
    return %arg0, %c0_i32 : i32, i32
  }
}

</mosaic_0001>

<sc_bundles>
// kernel: kernel.4.cloned.1.call-start
scs
__scs_entry_jumppad:
0x0: {  	(pc) =	sbr.rel $0x88, $3  }
0x1: {  	(tag) =	ssettag $0x0;
	lr =	simm.s32 $0x1  }
0x2: {  	[smem:$0x3F9F] =	sst lr;
	_ =	strace $0xD0000000  }
0x3: {  	_ = 	snop  }
0x4: {  	_ = 	snop  }
0x5: {  	_ = 	snop  }
0x6: {  	_ = 	snop  }
0x7: {  	_ = 	snop  }
__scs_overlays_trampoline_lowered:
0x8: {  	[smem:$0x3FAE] =	sst s0  }
0x9: {  	[smem:$0x3FAF] =	sst s1  }
0xa: {  	[smem:$0x3FB0] =	sst s2  }
0xb: {  	[smem:$0x3FB1] =	sst s3  }
0xc: {  	[smem:$0x3FB2] =	sst s4  }
0xd: {  	[smem:$0x3FB3] =	sst s5  }
0xe: {  	[smem:$0x3FB4] =	sst s6  }
0xf: {  	[smem:$0x3FB5] =	sst s7  }
0x10: {  	[smem:$0x3FB6] =	sst s8  }
0x11: {  	[smem:$0x3FB7] =	sst s9;
	s0 =	simm.s32 @!p0 $0x0  }
0x12: {  	s1 =	sld [smem:$0x3F9D];
	s0 =	simm.s32 @p0 $0x1  }
0x13: {  	[smem:$0x3FB8] =	sst s0;
	s0 =	simm.s32 @!p1 $0x0  }
0x14: {  	s2 =	sld [smem:$0x3F9C];
	s0 =	simm.s32 @p1 $0x1  }
0x15: {  	[smem:$0x3FB9] =	sst s0;
	s0 =	simm.s32 @!p2 $0x0  }
0x16: {  	s3 =	sld [smem:$0x3FDB];
	s0 =	simm.s32 @p2 $0x1  }
0x17: {  	s4 =	simm.s32 $0x1BF5;
	[smem:$0x3FBB] =	sst s0  }
0x18: {  	s0 =	sld [smem:$0x3F9E];
	_ =	swait.ge [sflag:s4], $0x0  }
0x19: {  	s7 =	sld [smem:$0x3F9F]  }
0x1a: {  	s8 =	sadd.s32 $0xFFFFE003, lr  }
0x1b: {  	s9 =	sadd.s32 $0xFFFFFEF7, lr;
	s5 =	simm.s32 $0xFFFFFFFF;
	p2 =	slt.u32 s8, $0xFFFFF086  }
0x1c: {  	p1 =	slt.u32 s9, $0xF7A;
	s5 =	simm.s32 @!p2 $0x0  }
0x1d: {  	s5 =	simm.s32 @p1 $0x1;
	p0 =	seq.s32 s7, s2  }
0x1e: {  	s7 =	smul.u32 @!p0 $0xF7A, s2;
	p2 =	seq.s32 @!p0 s5, $0x0  }
0x1f: {  	s9 =	smul.u32 $0xF7A, s1;
	s8 =	simm.s32 @!p0 $0x1BF5;
	p2 =	por !p2, p0  }
0x20: {  	[sflag:s8] =	ssyncset.s32 @!p0 $0xFFFFF086;
	s6 =	sadd.s32 @!p0 s3, s7;
	s7 =	simm.s32 @!p0 $0x108  }
0x21: {  	s3 =	sadd.s32 s3, s9;
	s6 =	sadd.s32 @!p0 $0x88, s6;
	s7 =	simm.s32 @p2 $0x1082  }
0x22: {  	[simem:s7], [sflag:s8] =	dma.local @!p0 [hbm:s6], $0xF7A  }
0x23: {  	s9 =	sor.u32 $0xD0000000, s2;
	s6 =	simm.s32 $0x108;
	_ =	swait.ge @!p0 [sflag:s8], $0x0  }
0x24: {  	s3 =	sadd.s32 $0x88, s3;
	s6 =	simm.s32 @!p1 $0x1082;
	[sflag:s4] =	ssyncset.s32 $0xFFFFF086  }
0x25: {  	[simem:s6], [sflag:s4] =	dma.local [hbm:s3], $0xF7A  }
0x26: {  	[smem:$0x3F9F] =	sst s1;
	(tag) =	ssettag s2;
	_ =	strace s9  }
0x27: {  	s1 =	sld [smem:$0x3FAF]  }
0x28: {  	s2 =	sld [smem:$0x3FB0]  }
0x29: {  	s4 =	sld [smem:$0x3FB2]  }
0x2a: {  	p0 =	seq.s32 s5, $0x0;
	s5 =	sld [smem:$0x3FB3]  }
0x2b: {  	s6 =	sld [smem:$0x3FB4]  }
0x2c: {  	s7 =	sld [smem:$0x3FB5]  }
0x2d: {  	s3 =	simm.s32 $0x108;
	s8 =	sld [smem:$0x3FB6]  }
0x2e: {  	s3 =	simm.s32 @!p0 $0x1082;
	s9 =	sld [smem:$0x3FB7]  }
0x2f: {  	lr =	sadd.s32 s0, s3;
	s0 =	sld [smem:$0x3FAE]  }
0x30: {  	s3 =	sld [smem:$0x3FB1]  }
0x31: {  	[smem:$0x3FBA] =	sst s10  }
0x32: {  	s10 =	sld [smem:$0x3FB8];
	_ =	sdelay $0x3  }
0x33: {  	p0 =	seq.s32 s10, $0x1;
	s10 =	sld [smem:$0x3FBA];
	_ =	sdelay $0x3  }
0x34: {  	[smem:$0x3FBA] =	sst s10  }
0x35: {  	s10 =	sld [smem:$0x3FB9];
	_ =	sdelay $0x3  }
0x36: {  	p1 =	seq.s32 s10, $0x1;
	s10 =	sld [smem:$0x3FBA];
	_ =	sdelay $0x3  }
0x37: {  	[smem:$0x3FBA] =	sst s10  }
0x38: {  	s10 =	sld [smem:$0x3FBB]  }
0x39: {  	_ = 	snop;
	(pc) =	sbr.ind lr, $3  }
0x3a: {  	_ = 	snop  }
0x3b: {  	_ = 	snop  }
0x3c: {  	p2 =	seq.s32 s10, $0x1;
	s10 =	sld [smem:$0x3FBA]  }
0x3d: {  	_ =	shalt  }
0x3e: {  	_ =	shalt  }
0x3f: {  	_ =	shalt  }
0x40: {  	_ =	shalt  }
0x41: {  	_ =	shalt  }
0x42: {  	_ =	shalt  }
0x43: {  	_ =	shalt  }
0x44: {  	_ =	shalt  }
0x45: {  	_ =	shalt  }
0x46: {  	_ =	shalt  }
0x47: {  	_ =	shalt  }
0x48: {  	_ =	shalt  }
0x49: {  	_ =	shalt  }
0x4a: {  	_ =	shalt  }
0x4b: {  	_ =	shalt  }
0x4c: {  	_ =	shalt  }
0x4d: {  	_ =	shalt  }
0x4e: {  	_ =	shalt  }
0x4f: {  	_ =	shalt  }
0x50: {  	_ =	shalt  }
0x51: {  	_ =	shalt  }
0x52: {  	_ =	shalt  }
0x53: {  	_ =	shalt  }
0x54: {  	_ =	shalt  }
0x55: {  	_ =	shalt  }
0x56: {  	_ =	shalt  }
0x57: {  	_ =	shalt  }
0x58: {  	_ =	shalt  }
0x59: {  	_ =	shalt  }
0x5a: {  	_ =	shalt  }
0x5b: {  	_ =	shalt  }
0x5c: {  	_ =	shalt  }
0x5d: {  	_ =	shalt  }
0x5e: {  	_ =	shalt  }
0x5f: {  	_ =	shalt  }
0x60: {  	_ =	shalt  }
0x61: {  	_ =	shalt  }
0x62: {  	_ =	shalt  }
0x63: {  	_ =	shalt  }
0x64: {  	_ =	shalt  }
0x65: {  	_ =	shalt  }
0x66: {  	_ =	shalt  }
0x67: {  	_ =	shalt  }
0x68: {  	_ =	shalt  }
0x69: {  	_ =	shalt  }
0x6a: {  	_ =	shalt  }
0x6b: {  	_ =	shalt  }
0x6c: {  	_ =	shalt  }
0x6d: {  	_ =	shalt  }
0x6e: {  	_ =	shalt  }
0x6f: {  	_ =	shalt  }
0x70: {  	_ =	shalt  }
0x71: {  	_ =	shalt  }
0x72: {  	_ =	shalt  }
0x73: {  	_ =	shalt  }
0x74: {  	_ =	shalt  }
0x75: {  	_ =	shalt  }
0x76: {  	_ =	shalt  }
0x77: {  	_ =	shalt  }
0x78: {  	_ =	shalt  }
0x79: {  	_ =	shalt  }
0x7a: {  	_ =	shalt  }
0x7b: {  	_ =	shalt  }
0x7c: {  	_ =	shalt  }
0x7d: {  	_ =	shalt  }
0x7e: {  	_ =	shalt  }
0x7f: {  	_ =	shalt  }
0x80: {  	_ =	shalt  }
0x81: {  	_ =	shalt  }
0x82: {  	_ =	shalt  }
0x83: {  	_ =	shalt  }
0x84: {  	_ =	shalt  }
0x85: {  	_ =	shalt  }
0x86: {  	_ =	shalt  }
0x87: {  	_ =	shalt  }
.Lfunc_end0:
.L_simem_size_0:
called_computation_lowered:
.L_overlay_start_0:
0x88: {  	s2 =	sld [smem:$0x3FD9]  }
0x89: {  	s3 =	sld [smem:$0x3FFE];
	_ =	sdelay $0x1  }
0x8a: {  	s1 =	srdreg.scid  }
0x8b: {  	s0 =	sand.u32 $0x1, s1  }
0x8c: {  	s14 =	sshll.u32 s0, $0xA;
	s2 =	sadd.s32 s3, s2  }
0x8d: {  	s2 =	sadd.s32 s2, s14  }
0x8e: {  	[smem:$0x3FC6] =	sst s2  }
0x8f: {  	_ = 	snop  }
0x90: {  	s2 =	sld [smem:$0x3FD0];
	_ =	sdelay $0x2  }
0x91: {  	s15 =	simm.s32 $0xA;
	s4 =	simm.s32 $0x10  }
0x92: {  	[smem:s4], [sflag:s15] =	dma.local [hbm:s2], $0x1  }
0x93: {  	_ =	swait.eq [sflag:s15], $0x1  }
0x94: {  	s16 =	sld [smem:$0x10];
	[sflag:s15] =	ssyncset.done $0x0  }
0x95: {  	s17 =	sld [smem:$0x11];
	[sflag:s15] =	ssyncadd.s32 $0xFFFFFFFF  }
0x96: {  	s18 =	sld [smem:$0x12];
	(tm) =	ssettm $0x1  }
0x97: {  	s5 =	sld [smem:$0x3FFB];
	_ =	sdelay $0x3  }
0x98: {  	_ =	strace s5  }
0x99: {  	s5 =	sld [smem:$0x3FFC];
	_ =	sdelay $0x3  }
0x9a: {  	_ =	strace s5  }
0x9b: {  	s5 =	sld [smem:$0x3FFD];
	_ =	sdelay $0x3  }
0x9c: {  	_ =	strace s5  }
0x9d: {  	_ =	strace $0x8FFFFFFF  }
0x9e: {  	s19 =	sld [smem:$0x3FDB];
	_ =	sdelay $0x1  }
0x9f: {  	s6 =	simm.s32 $_scs_section_size  }
0xa0: {  	s7 =	simm.s32 $_size__tile_overlayer_lowered;
	s8 =	simm.s32 $_tile_overlayer_lowered  }
0xa1: {  	s22 =	simm.s32 $0x1BFF;
	s21 =	sshll.u32 s8, $0x1;
	s5 =	sadd.s32 s6, s19  }
0xa2: {  	s9 =	simm.s32 $0x0;
	s20 =	sshll.u32 s7, $0x1;
	s7 =	sadd.s32 s21, s5  }
0xa3: {  	[timem:s9], [sflag:s22] =	dma.local [hbm:s7], s20  }
0xa4: {  	_ =	swait.ge [sflag:s22], s20  }
0xa5: {  	s6 =	ssub.s32 $0x0, s20;
	[sflag:s22] =	ssyncset.done $0x0  }
0xa6: {  	[sflag:s22] =	ssyncadd.s32 s6;
	_ =	sdelay $0x1  }
0xa7: {  	s23 =	simm.s32 $0x1B8B  }
0xa8: {  	_ =	swait.ge [sflag:s23], $0x1  }
0xa9: {  	[sflag:s23] =	ssyncset.done $0x0  }
0xaa: {  	s25 =	simm.s32 $0x1B8E;
	s24 =	sld [smem:$0x3FFE];
	[sflag:s23] =	ssyncadd.s32 $0xFFFFFFFF  }
0xab: {  	s26 =	simm.s32 $execute0_lowered;
	[smem:$0x3FD2] =	sst s25  }
0xac: {  	s7 =	sshll.u32 s26, $0x1;
	_ =	strace $0x80000046;
	[dreg:$0x1] =	wrdreg $0xFFFFFFFF  }
0xad: {  	s28 =	simm.s32 $_size_execute0_lowered;
	s5 =	sadd.s32 s5, s7;
	[dreg:$0x0] =	wrdreg $0x0  }
0xae: {  	s7 =	sshll.u32 s28, $0x1;
	[dreg:$0x2] =	wrdreg s5  }
0xaf: {  	[dreg:$0x3] =	wrdreg s7  }
0xb0: {  	[dreg:$0x4] =	wrdreg $0xC0  }
0xb1: {  	_ =	task [dreg:s9], $0x5FFFF  }
0xb2: {  	[dreg:$0x1] =	wrdreg $0xFFFFFFFF  }
0xb3: {  	[dreg:$0x0] =	wrdreg $0x60  }
0xb4: {  	[dreg:$0x2] =	wrdreg s24  }
0xb5: {  	[dreg:$0x3] =	wrdreg s16  }
0xb6: {  	[dreg:$0x4] =	wrdreg s17  }
0xb7: {  	[dreg:$0x5] =	wrdreg s18  }
0xb8: {  	[dreg:$0x6] =	wrdreg $0x9  }
0xb9: {  	_ =	task.clear_ibuf [dreg:s9], $0x7FFFF;
	_ =	strace $0x90000046  }
0xba: {  	s29 =	simm.s32 $0x9;
	_ =	strace $0x80000048  }
0xbb: {  	_ =	swait.ge [sflag:s29], $0x1  }
0xbc: {  	[sflag:s29] =	ssyncadd.s32 $0xFFFFFFFF  }
0xbd: {  	_ =	strace $0x90000048  }
0xbe: {  	_ =	sfence  }
0xbf: {  	s30 =	sld [smem:$0x0];
	_ =	sdelay $0x2  }
0xc0: {  	s31 =	sshll.u32 s1, $0xD;
	s1 =	sshrl.u32 s1, $0x2  }
0xc1: {  	s3 =	sand.u32 $0x4000, s31;
	s1 =	sadd.s32 s1, s30  }
0xc2: {  	s0 =	sor.u32 s3, s0;
	s1 =	sshll.u32 s1, $0x11  }
0xc3: {  	s0 =	sor.u32 s1, s0  }
0xc4: {  	s0 =	sadd.s32 $0x8F2B, s0  }
0xc5: {  	[sflag:s0] =	ssyncadd.remote.s32 $0x1  }
0xc6: {  	_ =	sfence.sel $0xFFFF  }
0xc7: {  	[dreg:$0x0] =	wrdreg $0xFFFFFFFF;
	(pc) =	sbr.abs _section_cstart, $3  }
0xc8: {  	[dreg:$0x1] =	wrdreg $0xFFFFFFFF  }
0xc9: {  	_ =	task.clear_ibuf [dreg:s9], $0x2FFFF;
	_ =	strace $0x9FFFFFFF  }
0xca: {  	(tm) =	ssettm $0x7FFFFFFF  }
0xcb: {  	_ =	shalt  }
tec
execute0_lowered:
.L_overlay_start_1:
0x0: {  	(tag) =	ssettag $0x1  }
0x1: {  	s3 =	rddreg [dreg:$0x0]  }
0x2: {  	s5 =	rddreg [dreg:$0x1]  }
0x3: {  	s6 =	rddreg [dreg:$0x2]  }
0x4: {  	s7 =	rddreg [dreg:$0x3];
	s2 =	srdreg.scid  }
0x5: {  	s1 =	stileid.u32;
	s14 =	simm.s32 $0x17100;
	s15 =	simm.s32 $0x17500  }
0x6: {  	s16 =	simm.s32 $0x18D80;
	s17 =	simm.s32 $0x18F00;
	s18 =	simm.s32 $0x19080  }
0x7: {  	s19 =	simm.s32 $0x0;
	s4 =	sand.u32 $0x1, s2;
	s9 =	sshrl.u32 s1, $0x2  }
0x8: {  	s8 =	sshll.u32 s1, $0x1;
	s2 =	simm.s32 $0x0;
	s11 =	smul.u32 $0x7400, s9  }
0x9: {  	s8 =	sor.u32 s4, s8;
	[smem:$0x7FF] =	sst s2;
	s12 =	smul.u32 $0xC00, s9  }
0xa: {  	s4 =	ssub.s32 $0x2, s4;
	s9 =	smul.u32 $0x2800, s9;
	s10 =	sshll.u32 s8, $0x7  }
0xb: {  	s8 =	smul.u32 $0x2800, s8;
	s13 =	sshrl.u32 s4, $0x1;
	s10 =	sand.u32 $0x380, s10  }
0xc: {  	_ =	strace $0x80000047;
	s13 =	ssub.s32 s4, s13;
	s11 =	sor.u32 s11, s10  }
0xd: {  	s8 =	sadd.s32 s8, s3;
	s31 =	sor.u32 s12, s10;
	s9 =	sor.u32 s9, s10  }
0xe: {  	s10 =	simm.s32 $0x80;
	s12 =	simm.s32 $0x14000;
	s11 =	sshrl.u32 s11, $0x3  }
0xf: {  	v0 =	vlaneseq.u32;
	s9 =	sshrl.u32 s9, $0x3;
	s11 =	sadd.s32 s11, s3;
	s3 =	sadd.s32 $0xC00, s8  }
0x10: {  	v1 =	vimm.s32 $0x0;
	v3 =	vimm.s32 $0x1;
	v4 =	vmul.u32 $0xFFFFFFFF, v0;
	s8 =	sshrl.u32 s31, $0x3;
	s7 =	sadd.s32 s7, s9;
	s9 =	simm.s32 $0x1  }
0x11: {  	v6 =	vimm.s32 $0xF;
	v7 =	vimm.s32 $0x13FEC;
	vm0 =	vmxor vm0, vm0;
	s4 =	sadd.s32 $0x50C00, s11;
	s5 =	sadd.s32 s5, s8;
	s6 =	sadd.s32 s6, s8  }
0x12: {  	v2 =	vmul.u32 $0x200, v0;
	v5 =	vor.u32 $0x80000000, v0;
	v4 =	vadd.s32 $0xF, v4;
	s8 =	smax.u32 s13, $0x1;
	s11 =	simm.s32 $0x400;
	s13 =	simm.s32 $0x14E80  }
.LBB2_1:
0x13: {  	[tilespmem:s2], [sflag:$0x1] =	stream.linear.gather [hbm4b:s3+s2], $0x14000, $0x38;
	[tilespmem:$0x19580] =	vst v63  }
0x14: {  	_ =	swait.ge [sflag:s9], $0x14000  }
0x15: {  	[sflag:s9] =	ssyncset.done $0x0  }
0x16: {  	[sflag:s9] =	ssyncadd.s32 $0xFFFEC000  }
0x17: {  	[tilespmem:s12], [sflag:$0x1] =	stream.strided.gather [hbm4b:s4+s10], $0xE80, s11, s10, $0x38;
	[tilespmem:$0x19580] =	vst v63  }
0x18: {  	_ =	swait.ge [sflag:s9], $0xE80  }
0x19: {  	[sflag:s9] =	ssyncset.done $0x0  }
0x1a: {  	s21 =	simm.s32 $0x14EC0;
	[sflag:s9] =	ssyncadd.s32 $0xFFFFF180  }
0x1b: {  	[tilespmem:s21+$0xFFFFFFC0] =	vst v1  }
0x1c: {  	[tilespmem:s21+$0x30] =	vst v1  }
0x1d: {  	[tilespmem:s21+$0x20] =	vst v1  }
0x1e: {  	[tilespmem:s21+$0x10] =	vst v1  }
0x1f: {  	[tilespmem:s21+$0x0] =	vst v1  }
0x20: {  	[tilespmem:s21+$0xFFFFFFF0] =	vst v1  }
0x21: {  	s22 =	simm.s32 $0x0;
	[tilespmem:s21+$0xFFFFFFE0] =	vst v1  }
.LBB2_2:
0x22: {  	s22 =	sadd.s32 $0x8, s22;
	[tilespmem:s21+$0xFFFFFFD0] =	vst v1;
	s21 =	sadd.s32 $0x80, s21  }
0x23: {  	[tilespmem:s21+$0xFFFFFFC0] =	vst v1;
	p0 =	slt.u32 s22, $0x1F8  }
0x24: {  	[tilespmem:s21+$0x30] =	vst v1  }
.Ltmp0:
0x25: {  	[tilespmem:s21+$0x20] =	vst v1;
	(pc) =	sbr.rel @p0 .LBB2_2-.Ltmp0, $4  }
0x26: {  	[tilespmem:s21+$0x10] =	vst v1  }
0x27: {  	[tilespmem:s21+$0x0] =	vst v1  }
0x28: {  	[tilespmem:s21+$0xFFFFFFF0] =	vst v1  }
0x29: {  	s20 =	simm.s32 $0x80;
	[tilespmem:s21+$0xFFFFFFE0] =	vst v1  }
0x2a: {  	[tilespmem:s21+$0xFFFFFFD0] =	vst v1  }
0x2b: {  	v8 =	vld [tilespmem:s20+$0x60]  }
0x2c: {  	v9 =	vld [tilespmem:s20+$0x70]  }
0x2d: {  	v10 =	vld [tilespmem:s20+$0xFFFFFF80]  }
0x2e: {  	v11 =	vld [tilespmem:s20+$0x50]  }
0x2f: {  	v13 =	vld [tilespmem:s20+$0xFFFFFFF0]  }
0x30: {  	v14 =	vld [tilespmem:s20+$0x40]  }
0x31: {  	v15 =	vld [tilespmem:s20+$0xFFFFFFE0]  }
0x32: {  	v19 =	vld [tilespmem:s20+$0x10]  }
0x33: {  	v21 =	vld [tilespmem:s20+$0xFFFFFFB0]  }
0x34: {  	v23 =	vld [tilespmem:s20+$0xFFFFFFA0]  }
0x35: {  	v24 =	vld [tilespmem:s20+$0xFFFFFF90];
	_ =	sdelay $0x1  }
0x36: {  	v8 =	vshrl.u32 v8, $0x15;
	v9 =	vshrl.u32 v9, $0x15;
	v10 =	vshrl.u32 v10, $0x15  }
0x37: {  	v11 =	vshrl.u32 v11, $0x15;
	v13 =	vshrl.u32 v13, $0x15;
	v14 =	vshrl.u32 v14, $0x15  }
0x38: {  	v15 =	vshrl.u32 v15, $0x15;
	v19 =	vshrl.u32 v19, $0x15;
	v21 =	vshrl.u32 v21, $0x15  }
0x39: {  	v23 =	vshrl.u32 v23, $0x15;
	v24 =	vshrl.u32 v24, $0x15;
	v12 =	vadd.s32 v2, v8  }
0x3a: {  	v8 =	vand.u32 $0x7F, v8;
	v16 =	vadd.s32 v2, v9;
	v18 =	vadd.s32 v2, v11  }
0x3b: {  	v11 =	vand.u32 $0x7F, v11;
	v9 =	vand.u32 $0x7F, v9;
	v22 =	vand.u32 $0x7F, v13  }
0x3c: {  	v26 =	vadd.s32 v2, v19;
	v19 =	vand.u32 $0x7F, v19;
	v61 =	vadd.s32 v2, v23  }
0x3d: {  	v17 =	vld [tilespmem:s20+$0x0];
	v62 =	vadd.s32 v2, v13;
	v12 =	vand.u32 $0x3F80, v12;
	v16 =	vand.u32 $0x3F80, v16  }
0x3e: {  	v20 =	vld [tilespmem:s20+$0xFFFFFFD0];
	v18 =	vand.u32 $0x3F80, v18;
	v26 =	vand.u32 $0x3F80, v26;
	v63 =	vand.u32 $0x3F80, v62  }
0x3f: {  	v8 =	vor.u32 v8, v12;
	v12 =	vadd.s32 v2, v10;
	v10 =	vand.u32 $0x7F, v10  }
0x40: {  	v9 =	vor.u32 v9, v16;
	v16 =	vld [tilespmem:s20+$0xFFFFFFC0];
	v18 =	vor.u32 v11, v18;
	v11 =	vadd.s32 v2, v14  }
0x41: {  	v14 =	vand.u32 $0x7F, v14;
	v19 =	vor.u32 v19, v26;
	v12 =	vand.u32 $0x3F80, v12  }
0x42: {  	v10 =	vor.u32 v10, v12;
	v12 =	vshrl.u32 v17, $0x15;
	v17 =	vand.u32 $0x3F80, v11  }
0x43: {  	v11 =	vshrl.u32 v20, $0x15;
	v20 =	vadd.s32 v2, v15;
	v25 =	vadd.s32 v2, v12  }
0x44: {  	v15 =	vand.u32 $0x7F, v15;
	v14 =	vor.u32 v14, v17;
	v17 =	vadd.s32 v2, v11;
	[tilespmem:v8+s13+$0x0] =	vst.idx.add.s32.msk $0xffff, v3  }
0x45: {  	v17 =	vand.u32 $0x3F80, v17;
	v16 =	vshrl.u32 v16, $0x15;
	v8 =	vadd.s32 v2, v21;
	[tilespmem:v18+s13+$0x0] =	vst.idx.add.s32.msk $0xffff, v3  }
0x46: {  	v21 =	vand.u32 $0x7F, v21;
	[tilespmem:v9+s13+$0x0] =	vst.idx.add.s32.msk $0xffff, v3;
	v60 =	vadd.s32 v2, v16;
	v8 =	vand.u32 $0x3F80, v8  }
0x47: {  	v27 =	vand.u32 $0x7F, v16;
	v18 =	vand.u32 $0x3F80, v60;
	[tilespmem:v10+s13+$0x0] =	vst.idx.add.s32.msk $0xffff, v3;
	v10 =	vadd.s32 v2, v24  }
0x48: {  	[tilespmem:v19+s13+$0x0] =	vst.idx.add.s32.msk $0xffff, v3;
	v24 =	vand.u32 $0x7F, v24;
	v13 =	vor.u32 v21, v8;
	v10 =	vand.u32 $0x3F80, v10  }
0x49: {  	[tilespmem:v14+s13+$0x0] =	vst.idx.add.s32.msk $0xffff, v3;
	v14 =	vand.u32 $0x7F, v23;
	v9 =	vor.u32 v24, v10;
	v10 =	vand.u32 $0x3F80, v61  }
0x4a: {  	v8 =	vor.u32 v14, v10;
	v10 =	vor.u32 v27, v18;
	v14 =	vand.u32 $0x3F80, v20;
	v18 =	vld [tilespmem:s20+$0x30]  }
0x4b: {  	s22 =	simm.s32 $0x0;
	s23 =	simm.s32 $0x180;
	v19 =	vld [tilespmem:s20+$0x20];
	v16 =	vand.u32 $0x3F80, v25;
	s20 =	simm.s32 $0x16E90;
	v15 =	vor.u32 v15, v14;
	v14 =	vor.u32 v22, v63  }
.LBB2_4:
0x4c: {  	v20 =	vld [tilespmem:s23+$0x50];
	s22 =	sadd.s32 $0x10, s22;
	s21 =	simm.s32 $0x15E90  }
0x4d: {  	v21 =	vld [tilespmem:s23+$0xFFFFFF90];
	p0 =	slt.u32 s22, $0x13F0  }
0x4e: {  	v22 =	vld [tilespmem:s23+$0x60]  }
0x4f: {  	v23 =	vld [tilespmem:s23+$0x70];
	v18 =	vshrl.u32 v18, $0x15  }
0x50: {  	v12 =	vand.u32 $0x7F, v12;
	v24 =	vld [tilespmem:s23+$0xFFFFFFA0];
	v19 =	vshrl.u32 v19, $0x15;
	v25 =	vadd.s32 v2, v18  }
0x51: {  	v18 =	vand.u32 $0x7F, v18;
	v26 =	vld [tilespmem:s23+$0xFFFFFF80];
	v27 =	vadd.s32 v2, v19;
	v25 =	vand.u32 $0x3F80, v25  }
0x52: {  	v19 =	vand.u32 $0x7F, v19;
	v28 =	vld [tilespmem:s23+$0xFFFFFFB0];
	v27 =	vand.u32 $0x3F80, v27;
	v18 =	vor.u32 v18, v25  }
0x53: {  	v11 =	vand.u32 $0x7F, v11;
	v25 =	vld [tilespmem:s23+$0xFFFFFFC0];
	v22 =	vshrl.u32 v22, $0x15;
	v19 =	vor.u32 v19, v27  }
0x54: {  	v17 =	vor.u32 v11, v17;
	v27 =	vld [tilespmem:s23+$0xFFFFFFD0];
	v29 =	vadd.s32 v2, v22;
	v23 =	vshrl.u32 v23, $0x15  }
0x55: {  	v22 =	vand.u32 $0x7F, v22;
	v11 =	vld [tilespmem:s23+$0xFFFFFFE0];
	v29 =	vand.u32 $0x3F80, v29;
	v30 =	vadd.s32 v2, v23  }
0x56: {  	v26 =	vshrl.u32 v26, $0x15;
	v31 =	vld [tilespmem:s23+$0xFFFFFFF0];
	v22 =	vor.u32 v22, v29;
	v29 =	vand.u32 $0x3F80, v30  }
0x57: {  	v12 =	vor.u32 v12, v16;
	v30 =	vadd.s32 v2, v26;
	v32 =	vld [tilespmem:s23+$0x40]  }
0x58: {  	v20 =	vshrl.u32 v20, $0x15;
	v16 =	vand.u32 $0x3F80, v30;
	[tilespmem:v18+s13+$0x0] =	vst.idx.add.s32.msk $0xffff, v3  }
0x59: {  	v30 =	vadd.s32 v2, v20;
	v20 =	vand.u32 $0x7F, v20;
	v18 =	vld [tilespmem:s23+$0x0]  }
0x5a: {  	v23 =	vand.u32 $0x7F, v23;
	v30 =	vand.u32 $0x3F80, v30;
	v33 =	vld [tilespmem:s23+$0x10]  }
0x5b: {  	v26 =	vand.u32 $0x7F, v26;
	v23 =	vor.u32 v23, v29;
	[tilespmem:v19+s13+$0x0] =	vst.idx.add.s32.msk $0xffff, v3  }
0x5c: {  	v20 =	vor.u32 v20, v30;
	v19 =	vshrl.u32 v31, $0x15;
	v29 =	vshrl.u32 v32, $0x15;
	[tilespmem:v22+s13+$0x0] =	vst.idx.add.s32.msk $0xffff, v3  }
0x5d: {  	v22 =	vand.u32 $0x7F, v19;
	v30 =	vadd.s32 v2, v29;
	v29 =	vand.u32 $0x7F, v29;
	[tilespmem:v12+s13+$0x0] =	vst.idx.add.s32.msk $0xffff, v3  }
0x5e: {  	v16 =	vor.u32 v26, v16;
	v12 =	vshrl.u32 v18, $0x15;
	v18 =	vand.u32 $0x3F80, v30;
	[tilespmem:v15+s13+$0x0] =	vst.idx.add.s32.msk $0xffff, v3  }
0x5f: {  	v15 =	vshrl.u32 v11, $0x15;
	v26 =	vadd.s32 v2, v12;
	v30 =	vshrl.u32 v33, $0x15;
	[tilespmem:v14+s13+$0x0] =	vst.idx.add.s32.msk $0xffff, v3  }
0x60: {  	v11 =	vshrl.u32 v27, $0x15;
	v14 =	vadd.s32 v2, v15;
	v18 =	vor.u32 v29, v18;
	[tilespmem:v13+s13+$0x0] =	vst.idx.add.s32.msk $0xffff, v3  }
0x61: {  	v13 =	vshrl.u32 v25, $0x15;
	v25 =	vadd.s32 v2, v11;
	v27 =	vadd.s32 v2, v30;
	[tilespmem:v20+s13+$0x0] =	vst.idx.add.s32.msk $0xffff, v3  }
0x62: {  	v20 =	vshrl.u32 v28, $0x15;
	v28 =	vadd.s32 v2, v13;
	v27 =	vand.u32 $0x3F80, v27;
	[tilespmem:v9+s13+$0x0] =	vst.idx.add.s32.msk $0xffff, v3  }
0x63: {  	v24 =	vshrl.u32 v24, $0x15;
	v9 =	vadd.s32 v2, v20;
	[tilespmem:v16+s13+$0x0] =	vst.idx.add.s32.msk $0xffff, v3;
	v16 =	vand.u32 $0x7F, v30  }
0x64: {  	v21 =	vshrl.u32 v21, $0x15;
	v20 =	vand.u32 $0x7F, v20;
	v27 =	vor.u32 v16, v27;
	[tilespmem:v17+s13+$0x0] =	vst.idx.add.s32.msk $0xffff, v3  }
0x65: {  	v15 =	vand.u32 $0x7F, v15;
	v28 =	vand.u32 $0x3F80, v28;
	v17 =	vand.u32 $0x3F80, v9;
	[tilespmem:v10+s13+$0x0] =	vst.idx.add.s32.msk $0xffff, v3  }
0x66: {  	v29 =	vand.u32 $0x7F, v13;
	v9 =	vadd.s32 v2, v21;
	v10 =	vadd.s32 v2, v24;
	[tilespmem:v8+s13+$0x0] =	vst.idx.add.s32.msk $0xffff, v3  }
.Ltmp1:
0x67: {  	v16 =	vand.u32 $0x3F80, v26;
	v8 =	vand.u32 $0x3F80, v9;
	v9 =	vand.u32 $0x7F, v21;
	[tilespmem:v23+s13+$0x0] =	vst.idx.add.s32.msk $0xffff, v3;
	(pc) =	sbr.rel @p0 .LBB2_4-.Ltmp1, $4  }
0x68: {  	v9 =	vor.u32 v9, v8;
	v8 =	vand.u32 $0x3F80, v10;
	v10 =	vadd.s32 v2, v19;
	[tilespmem:v18+s13+$0x0] =	vst.idx.add.s32.msk $0xffff, v3  }
0x69: {  	v13 =	vor.u32 v20, v17;
	v18 =	vand.u32 $0x7F, v24;
	v19 =	vand.u32 $0x3F80, v10;
	[tilespmem:v27+s13+$0x0] =	vst.idx.add.s32.msk $0xffff, v3  }
0x6a: {  	v14 =	vand.u32 $0x3F80, v14;
	v10 =	vor.u32 v29, v28;
	v8 =	vor.u32 v18, v8;
	v18 =	vld [tilespmem:s23+$0x30]  }
0x6b: {  	s24 =	simm.s32 $0x0;
	v15 =	vor.u32 v15, v14;
	v17 =	vand.u32 $0x3F80, v25;
	v14 =	vor.u32 v22, v19;
	v19 =	vld [tilespmem:s23+$0x20];
	s23 =	sadd.s32 $0x100, s23  }
0x6c: {  	_ =	sdelay $0x2  }
0x6d: {  	v12 =	vand.u32 $0x7F, v12  }
0x6e: {  	v11 =	vand.u32 $0x7F, v11;
	[tilespmem:v15+s13+$0x0] =	vst.idx.add.s32.msk $0xffff, v3;
	v12 =	vor.u32 v12, v16;
	v18 =	vshrl.u32 v18, $0x15  }
0x6f: {  	[tilespmem:v14+s13+$0x0] =	vst.idx.add.s32.msk $0xffff, v3;
	v11 =	vor.u32 v11, v17;
	v19 =	vshrl.u32 v19, $0x15;
	v20 =	vadd.s32 v2, v18  }
0x70: {  	[tilespmem:v13+s13+$0x0] =	vst.idx.add.s32.msk $0xffff, v3;
	v18 =	vand.u32 $0x7F, v18;
	v21 =	vadd.s32 v2, v19;
	v20 =	vand.u32 $0x3F80, v20  }
0x71: {  	[tilespmem:v9+s13+$0x0] =	vst.idx.add.s32.msk $0xffff, v3;
	v19 =	vand.u32 $0x7F, v19;
	v21 =	vand.u32 $0x3F80, v21;
	v18 =	vor.u32 v18, v20  }
0x72: {  	[tilespmem:v10+s13+$0x0] =	vst.idx.add.s32.msk $0xffff, v3;
	v19 =	vor.u32 v19, v21  }
0x73: {  	[tilespmem:v8+s13+$0x0] =	vst.idx.add.s32.msk $0xffff, v3  }
0x74: {  	[tilespmem:v12+s13+$0x0] =	vst.idx.add.s32.msk $0xffff, v3  }
0x75: {  	[tilespmem:v11+s13+$0x0] =	vst.idx.add.s32.msk $0xffff, v3  }
0x76: {  	[tilespmem:v18+s13+$0x0] =	vst.idx.add.s32.msk $0xffff, v3  }
0x77: {  	[tilespmem:v19+s13+$0x0] =	vst.idx.add.s32.msk $0xffff, v3  }
0x78: {  	s22 =	sand.u32 $0x1E0, s24;
	v8 =	vld [tilespmem:s21+$0xFFFFEFF0]  }
0x79: {  	v9 =	vld [tilespmem:s22+$0x15080]  }
0x7a: {  	v10 =	vld [tilespmem:s22+$0x15280]  }
0x7b: {  	v11 =	vld [tilespmem:s22+$0x15480]  }
0x7c: {  	v12 =	vld [tilespmem:s22+$0x15680]  }
0x7d: {  	v13 =	vld [tilespmem:s22+$0x15880]  }
0x7e: {  	v14 =	vld [tilespmem:s22+$0x15A80]  }
0x7f: {  	v15 =	vld [tilespmem:s22+$0x15C80]  }
0x80: {  	v60 =	vld [tilespmem:s22+$0x15E80]  }
0x81: {  	v61 =	vld [tilespmem:s22+$0x16080]  }
0x82: {  	v18 =	vld [tilespmem:s22+$0x16280]  }
0x83: {  	v19 =	vld [tilespmem:s22+$0x16480]  }
0x84: {  	v62 =	vld [tilespmem:s22+$0x16680]  }
0x85: {  	v63 =	vld [tilespmem:s22+$0x16880]  }
0x86: {  	v22 =	vld [tilespmem:s22+$0x16A80]  }
0x87: {  	v23 =	vld [tilespmem:s22+$0x16C80]  }
0x88: {  	v8 =	vadd.s32 v8, v9;
	v9 =	vld [tilespmem:s21+$0xFFFFF000]  }
0x89: {  	v8 =	vadd.s32 v10, v8;
	v10 =	vld [tilespmem:s21+$0xFFFFF200]  }
0x8a: {  	v8 =	vadd.s32 v11, v8;
	v11 =	vld [tilespmem:s21+$0xFFFFF400]  }
0x8b: {  	v8 =	vadd.s32 v12, v8;
	v12 =	vld [tilespmem:s21+$0xFFFFF600]  }
0x8c: {  	v8 =	vadd.s32 v13, v8;
	v13 =	vld [tilespmem:s21+$0xFFFFF800]  }
0x8d: {  	v8 =	vadd.s32 v14, v8;
	v14 =	vld [tilespmem:s21+$0xFFFFFA00]  }
0x8e: {  	v8 =	vadd.s32 v15, v8;
	v9 =	vadd.s32 v9, v10;
	v10 =	vld [tilespmem:s21+$0xFFFFFC00]  }
0x8f: {  	v8 =	vadd.s32 v60, v8;
	v9 =	vadd.s32 v11, v9;
	v11 =	vld [tilespmem:s21+$0xFFFFFE00]  }
0x90: {  	v8 =	vadd.s32 v61, v8;
	v9 =	vadd.s32 v12, v9;
	v12 =	vld [tilespmem:s21+$0x0]  }
0x91: {  	v8 =	vadd.s32 v18, v8;
	v9 =	vadd.s32 v13, v9;
	v13 =	vld [tilespmem:s21+$0x200]  }
0x92: {  	v8 =	vadd.s32 v19, v8;
	v9 =	vadd.s32 v14, v9;
	v14 =	vld [tilespmem:s21+$0x400]  }
0x93: {  	v15 =	vadd.s32 v62, v8;
	v9 =	vadd.s32 v10, v9;
	v8 =	vld [tilespmem:s21+$0x600]  }
0x94: {  	v10 =	vadd.s32 v63, v15;
	v11 =	vadd.s32 v11, v9;
	v9 =	vld [tilespmem:s21+$0x800]  }
0x95: {  	v15 =	vadd.s32 v22, v10;
	v11 =	vadd.s32 v12, v11;
	v10 =	vld [tilespmem:s21+$0xA00]  }
0x96: {  	v12 =	vadd.s32 v23, v15;
	v13 =	vadd.s32 v13, v11;
	v11 =	vld [tilespmem:s21+$0xC00]  }
0x97: {  	s23 =	simm.s32 $0x20;
	s22 =	simm.s32 $0x0;
	[tilespmem:s20+$0xFFFFFFF0] =	vst v12;
	v13 =	vadd.s32 v14, v13;
	v12 =	vld [tilespmem:s21+$0xE00];
	s21 =	simm.s32 $0x15EB0  }
.LBB2_6:
0x98: {  	v14 =	vld [tilespmem:s21+$0xFFFFEFF0];
	s24 =	sand.u32 $0x1E0, s23;
	s22 =	sadd.s32 $0x2, s22;
	v8 =	vadd.s32 v8, v13  }
0x99: {  	v13 =	vld [tilespmem:s24+$0x15080];
	p0 =	slt.u32 s22, $0x1E;
	v8 =	vadd.s32 v9, v8  }
0x9a: {  	v9 =	vld [tilespmem:s24+$0x15280];
	v8 =	vadd.s32 v10, v8  }
0x9b: {  	v10 =	vld [tilespmem:s24+$0x15480];
	v8 =	vadd.s32 v11, v8  }
0x9c: {  	v11 =	vld [tilespmem:s24+$0x15680];
	v8 =	vadd.s32 v12, v8  }
0x9d: {  	v12 =	vld [tilespmem:s24+$0x15880];
	[tilespmem:s20+$0x0] =	vst v8  }
0x9e: {  	v8 =	vadd.s32 v14, v13;
	v13 =	vld [tilespmem:s24+$0x15A80]  }
0x9f: {  	v8 =	vadd.s32 v9, v8;
	v9 =	vld [tilespmem:s24+$0x15C80]  }
0xa0: {  	v8 =	vadd.s32 v10, v8;
	v10 =	vld [tilespmem:s24+$0x15E80]  }
0xa1: {  	v8 =	vadd.s32 v11, v8;
	v11 =	vld [tilespmem:s24+$0x16080]  }
0xa2: {  	v8 =	vadd.s32 v12, v8;
	v12 =	vld [tilespmem:s24+$0x16280]  }
0xa3: {  	v8 =	vadd.s32 v13, v8;
	v13 =	vld [tilespmem:s24+$0x16480]  }
0xa4: {  	v8 =	vadd.s32 v9, v8;
	v9 =	vld [tilespmem:s24+$0x16680]  }
0xa5: {  	v8 =	vadd.s32 v10, v8;
	v10 =	vld [tilespmem:s24+$0x16880]  }
0xa6: {  	v8 =	vadd.s32 v11, v8;
	v11 =	vld [tilespmem:s24+$0x16A80]  }
0xa7: {  	v8 =	vadd.s32 v12, v8;
	v12 =	vld [tilespmem:s24+$0x16C80]  }
0xa8: {  	v8 =	vadd.s32 v13, v8;
	v13 =	vld [tilespmem:s21+$0xFFFFF000]  }
0xa9: {  	v8 =	vadd.s32 v9, v8;
	v9 =	vld [tilespmem:s21+$0xFFFFF200]  }
0xaa: {  	v8 =	vadd.s32 v10, v8;
	v10 =	vld [tilespmem:s21+$0xFFFFF400]  }
0xab: {  	v8 =	vadd.s32 v11, v8;
	v11 =	vld [tilespmem:s21+$0xFFFFF600]  }
0xac: {  	s20 =	sadd.s32 $0x20, s20;
	v8 =	vadd.s32 v12, v8;
	v12 =	vld [tilespmem:s21+$0xFFFFF800]  }
0xad: {  	[tilespmem:s20+$0xFFFFFFF0] =	vst v8;
	v8 =	vld [tilespmem:s21+$0xFFFFFA00]  }
0xae: {  	v9 =	vadd.s32 v13, v9;
	v13 =	vld [tilespmem:s21+$0xFFFFFC00]  }
0xaf: {  	v9 =	vadd.s32 v10, v9;
	v10 =	vld [tilespmem:s21+$0xFFFFFE00]  }
0xb0: {  	v9 =	vadd.s32 v11, v9;
	v11 =	vld [tilespmem:s21+$0x0]  }
0xb1: {  	v9 =	vadd.s32 v12, v9;
	v12 =	vld [tilespmem:s21+$0x200]  }
0xb2: {  	v8 =	vadd.s32 v8, v9;
	v14 =	vld [tilespmem:s21+$0x400]  }
.Ltmp2:
0xb3: {  	v9 =	vadd.s32 v13, v8;
	v8 =	vld [tilespmem:s21+$0x600];
	(pc) =	sbr.rel @p0 .LBB2_6-.Ltmp2, $4  }
0xb4: {  	v10 =	vadd.s32 v10, v9;
	v9 =	vld [tilespmem:s21+$0x800]  }
0xb5: {  	v11 =	vadd.s32 v11, v10;
	v10 =	vld [tilespmem:s21+$0xA00]  }
0xb6: {  	v12 =	vadd.s32 v12, v11;
	v11 =	vld [tilespmem:s21+$0xC00]  }
0xb7: {  	s23 =	sadd.s32 $0x20, s23;
	v13 =	vadd.s32 v14, v12;
	v12 =	vld [tilespmem:s21+$0xE00];
	s21 =	sadd.s32 $0x20, s21  }
0xb8: {  	v8 =	vadd.s32 v8, v13  }
0xb9: {  	v8 =	vadd.s32 v9, v8  }
0xba: {  	v8 =	vadd.s32 v10, v8  }
0xbb: {  	v8 =	vadd.s32 v11, v8  }
0xbc: {  	v8 =	vadd.s32 v12, v8  }
0xbd: {  	[tilespmem:s20+$0x0] =	vst v8  }
0xbe: {  	s22 =	simm.s32 $0x1F0;
	[tilespmem:$0x17080] =	vst v1  }
0xbf: {  	v8 =	vld [tilespmem:s22+$0x16E80];
	_ =	sdelay $0x4  }
0xc0: {  	v8 =	vperm.xlane v8, v4;
	_ =	sdelay $0x1  }
0xc1: {  	(xrf0) =	vadd.scan.msk.s32 $0xffff, v8;
	_ =	sdelay $0x5  }
0xc2: {  	v8, _, _ =	vpop (xrf0)  }
0xc3: {  	(v2sf) =	vpush v8, $0xF  }
0xc4: {  	v8 =	vperm.xlane v8, v4  }
0xc5: {  	s20 =	simm.s32 $0x0  }
0xc6: {  	v8 =	vadd.s32 s20, v8  }
0xc7: {  	s21 =	simm.s32 $0x1E0;
	[tilespmem:s22+$0x16E80] =	vst v8  }
0xc8: {  	v8 =	vld [tilespmem:s21+$0x16E80];
	_ =	sdelay $0x4  }
0xc9: {  	v8 =	vperm.xlane v8, v4;
	_ =	sdelay $0x1  }
0xca: {  	(xrf0) =	vadd.scan.msk.s32 $0xffff, v8;
	_ =	sdelay $0x2  }
0xcb: {  	s23 =	simm.s32 $0x740;
	s22 =	simm.s32 $0x0;
	s24 =	spop (v2sf)  }
.LBB2_8:
0xcc: {  	p0 =	sne.s32 s23, $0x0  }
0xcd: {  	s22 =	sadd.s32 s22, s24;
	s24 =	smov.u32 s23;
	s23 =	sadd.s32 $0xFFFFFFC0, s23  }
0xce: {  	v8, _, _ =	vpop (xrf0)  }
0xcf: {  	v9 =	vperm.xlane v8, v4;
	(v2sf) =	vpush v8, $0xF;
	_ =	sdelay $0x1  }
0xd0: {  	v8 =	vadd.s32 s22, v9  }
0xd1: {  	[tilespmem:s21+$0x16E80] =	vst v8;
	s21 =	sshra.s32 s24, $0x2  }
0xd2: {  	v8 =	vld [tilespmem:s21+$0x16E80];
	_ =	sdelay $0x4  }
0xd3: {  	v8 =	vperm.xlane v8, v4;
	_ =	sdelay $0x1  }
.Ltmp3:
0xd4: {  	(xrf0) =	vadd.scan.msk.s32 $0xffff, v8;
	(pc) =	sbr.rel @p0 .LBB2_8-.Ltmp3, $2  }
0xd5: {  	_ =	sdelay $0x2  }
0xd6: {  	s24 =	spop (v2sf)  }
0xd7: {  	_ = 	snop  }
0xd8: {  	v8, _, _ =	vpop (xrf0)  }
0xd9: {  	v9 =	vperm.xlane v8, v4  }
0xda: {  	s22 =	sadd.s32 s22, s24  }
0xdb: {  	v9 =	vadd.s32 s22, v9  }
0xdc: {  	s0 =	simm.s32 $0x16E80;
	[tilespmem:s21+$0x16E80] =	vst v9  }
0xdd: {  	v9 =	vld [tilespmem:s0+$0x0];
	_ =	sdelay $0x4  }
0xde: {  	vm1 =	vgt.s32 v9, $0x12B;
	v9 =	vor.u32 s20, v5  }
0xdf: {  	v9 =	vnsel vm1, $0x7FFFFFFF, v9  }
0xe0: {  	(xrf0) =	vmax.scan.msk.u32 $0xffff, v9;
	_ =	sdelay $0x4  }
0xe1: {  	s22 =	simm.s32 $0x16E90  }
0xe2: {  	s23 =	simm.s32 $0x16EA0;
	(v2sf) =	vpush v8, $0xF;
	v9 =	vld [tilespmem:s22+$0x0];
	v8, _, _ =	vpop (xrf0)  }
0xe3: {  	(v2sf) =	vpush v8, $0xF;
	v8 =	vld [tilespmem:s23+$0x0];
	_ =	sdelay $0x2  }
0xe4: {  	s24 =	simm.s32 $0x10  }
0xe5: {  	s25 =	simm.s32 $0x20;
	vm1 =	vgt.s32 v9, $0x12B;
	v9 =	vor.u32 s24, v5  }
0xe6: {  	v9 =	vnsel vm1, $0x7FFFFFFF, v9;
	vm1 =	vgt.s32 v8, $0x12B;
	v8 =	vor.u32 s25, v5  }
0xe7: {  	(xrf0) =	vmax.scan.msk.u32 $0xffff, v9;
	v8 =	vnsel vm1, $0x7FFFFFFF, v8  }
0xe8: {  	(xrf0) =	vmax.scan.msk.u32 $0xffff, v8;
	_ =	sdelay $0x3  }
0xe9: {  	s26 =	simm.s32 $0x16EB0  }
0xea: {  	v9 =	vld [tilespmem:s26+$0x0];
	v10, _, _ =	vpop (xrf0)  }
0xeb: {  	(v2sf) =	vpush v10, $0xF;
	v10, _, _ =	vpop (xrf0)  }
0xec: {  	s30 =	spop (v2sf);
	(v2sf) =	vpush v10, $0xF;
	_ =	sdelay $0x1  }
0xed: {  	s28 =	simm.s32 $0x16EC0;
	s29 =	simm.s32 $0x30  }
0xee: {  	vm1 =	vgt.s32 v9, $0x12B;
	v9 =	vor.u32 s29, v5;
	v8 =	vld [tilespmem:s28+$0x0]  }
0xef: {  	v9 =	vnsel vm1, $0x7FFFFFFF, v9  }
0xf0: {  	(xrf0) =	vmax.scan.msk.u32 $0xffff, v9;
	_ =	sdelay $0x1  }
0xf1: {  	s31 =	simm.s32 $0x40;
	s21 =	simm.s32 $0x50  }
0xf2: {  	s20 =	simm.s32 $0xFFFFFFFF;
	s22 =	simm.s32 $0x16ED0;
	vm1 =	vgt.s32 v8, $0x12B;
	v8 =	vor.u32 s31, v5;
	s23 =	spop (v2sf)  }
.LBB2_10:
0xf3: {  	s24 =	smov.u32 s20;
	p0 =	sne.s32 s21, $0x1F0  }
0xf4: {  	v10 =	vnsel vm1, $0x7FFFFFFF, v8;
	s20 =	sxor.u32 $0x80000000, s23;
	s23 =	smov.u32 s21;
	s21 =	sadd.s32 $0x10, s21;
	v9 =	vld [tilespmem:s22+$0x0]  }
.Ltmp4:
0xf5: {  	p1 =	sgt.s32 s24, s20;
	(xrf0) =	vmax.scan.msk.u32 $0xffff, v10;
	v8, _, _ =	vpop (xrf0);
	(pc) =	sbr.rel @p0 .LBB2_10-.Ltmp4, $2  }
0xf6: {  	s20 =	smov.u32 @p1 s24;
	(v2sf) =	vpush v8, $0xF;
	_ =	sdelay $0x2  }
0xf7: {  	s22 =	sadd.s32 $0x10, s22;
	v8 =	vor.u32 s23, v5;
	vm1 =	vgt.s32 v9, $0x12B;
	s23 =	spop (v2sf)  }
0xf8: {  	v8 =	vnsel vm1, $0x7FFFFFFF, v8  }
0xf9: {  	(xrf0) =	vmax.scan.msk.u32 $0xffff, v8;
	_ =	sdelay $0x3  }
0xfa: {  	v8, _, _ =	vpop (xrf0)  }
0xfb: {  	(v2sf) =	vpush v8, $0xF  }
0xfc: {  	v8, _, _ =	vpop (xrf0)  }
0xfd: {  	(v2sf) =	vpush v8, $0xF;
	_ =	sdelay $0x7  }
0xfe: {  	s21 =	sxor.u32 $0x80000000, s23  }
0xff: {  	s22 =	spop (v2sf);
	p0 =	sgt.s32 s20, s21  }
0x100: {  	s22 =	sxor.u32 $0x80000000, s22;
	s21 =	smov.u32 @p0 s20;
	s20 =	simm.s32 $0x40  }
0x101: {  	p0 =	sgt.s32 s21, s22;
	v9 =	vld [tilespmem:s20+$0xFFFFFFC0];
	s26 =	spop (v2sf)  }
0x102: {  	v10 =	vld [tilespmem:s20+$0xFFFFFFE0];
	s22 =	smov.u32 @p0 s21;
	s21 =	sxor.u32 $0x80000000, s26  }
0x103: {  	v11 =	vld [tilespmem:s20+$0xFFFFFFD0];
	p0 =	sgt.s32 s22, s21;
	s28 =	spop (v2sf)  }
0x104: {  	v13 =	vld [tilespmem:s20+$0xFFFFFFF0];
	s21 =	smov.u32 @p0 s22;
	s23 =	sxor.u32 $0x80000000, s28  }
0x105: {  	v14 =	vld [tilespmem:s20+$0x20];
	p0 =	sgt.s32 s21, s23;
	s29 =	spop (v2sf)  }
0x106: {  	v12 =	vimm.s32 $0x0;
	s23 =	smov.u32 @p0 s21;
	s22 =	sxor.u32 $0x80000000, s29  }
0x107: {  	s30 =	simm.s32 $0x0;
	vm12 =	vlt.s32 v12, $0x1790;
	p0 =	sgt.s32 s23, s22  }
0x108: {  	v21 =	vor.u32 s30, v0;
	v9 =	vshrl.u32 v9, $0x15;
	v10 =	vshrl.u32 v10, $0x15;
	s22 =	smov.u32 @p0 s23  }
0x109: {  	v11 =	vshrl.u32 v11, $0x15;
	v13 =	vshrl.u32 v13, $0x15;
	v8 =	vmov s22  }
0x10a: {  	v14 =	vshrl.u32 v14, $0x15;
	vm14 =	vgt.u32 v9, v8;
	vm3 =	vgt.u32 v10, v8  }
0x10b: {  	vm1 =	veq.s32 v9, v8;
	vm2 =	veq.s32 v10, v8;
	vm13 =	vgt.u32 v11, v8  }
0x10c: {  	v9 =	vld [tilespmem:s20+$0x0];
	vm4 =	vgt.u32 v13, v8;
	vm5 =	veq.s32 v13, v8;
	v10 =	vsel vm3, $0x1, v1  }
0x10d: {  	v13 =	vld [tilespmem:s20+$0x10];
	vm8 =	vgt.u32 v14, v8;
	v15 =	vsel vm14, $0x1, v1;
	vm2 =	vmand vm12, vm2;
	(xrf0) =	vadd.scan.msk.s32 $0xffff, v10  }
0x10e: {  	vm15 =	vmand vm12, vm1;
	vm1 =	veq.s32 v11, v8;
	v11 =	vsel vm13, $0x1, v1;
	(xrf0) =	vadd.scan.msk.s32 $0xffff, v15  }
0x10f: {  	vm6 =	vmand vm12, vm5;
	v27 =	vsel vm8, $0x1, v1;
	(xrf0) =	vadd.scan.msk.s32 $0xffff, v11;
	v11 =	vsel vm15, $0x1, v1  }
0x110: {  	v10 =	vsel vm2, $0x1, v1;
	vm9 =	vmand vm12, vm1;
	vm1 =	veq.s32 v14, v8;
	(xrf0) =	vadd.scan.msk.s32 $0xffff, v11  }
0x111: {  	v15 =	vsel vm9, $0x1, v1;
	vm1 =	vmand vm12, vm1;
	v11 =	vsel vm4, $0x1, v1  }
0x112: {  	v18 =	vsel vm1, $0x1, v1;
	v9 =	vshrl.u32 v9, $0x15;
	v13 =	vshrl.u32 v13, $0x15  }
0x113: {  	vm7 =	veq.s32 v9, v8;
	(xrf0) =	vadd.scan.msk.s32 $0xffff, v11;
	vm10 =	vgt.u32 v13, v8;
	vm11 =	veq.s32 v13, v8;
	v16, _, _ =	vpop (xrf0)  }
0x114: {  	vm5 =	vmand vm12, vm7;
	vm7 =	vgt.u32 v9, v8;
	v9 =	vsel vm6, $0x1, v1;
	(xrf0) =	vadd.scan.msk.s32 $0xffff, v15;
	v11, _, _ =	vpop (xrf0)  }
0x115: {  	vm11 =	vmand vm12, vm11;
	v19 =	vadd.s32 v11, v12;
	v11 =	vperm.xlane v11, v6;
	v20, _, _ =	vpop (xrf0)  }
0x116: {  	v15 =	vsel vm5, $0x1, v1;
	(xrf0) =	vadd.scan.msk.s32 $0xffff, v10;
	v10 =	vld [tilespmem:s20+$0x30];
	v19 =	vadd.s32 $0xFFFFFFFF, v19;
	v22 =	vperm.xlane v20, v6;
	v14, _, _ =	vpop (xrf0)  }
0x117: {  	(xrf0) =	vadd.scan.msk.s32 $0xffff, v15;
	v15 =	vsel vm7, $0x1, v1;
	v11 =	vadd.s32 v12, v11;
	v23 =	vadd.s32 v14, v12  }
0x118: {  	s31 =	simm.s32 $0x10;
	v17 =	vperm.xlane v16, v6;
	(xrf0) =	vadd.scan.msk.s32 $0xffff, v9;
	v22 =	vadd.s32 v11, v22;
	v23 =	vadd.s32 $0xFFFFFFFF, v23  }
0x119: {  	v24, _, _ =	vpop (xrf0);
	v9 =	vadd.s32 v11, v20;
	v20 =	vperm.xlane v14, v6;
	(xrf0) =	vadd.scan.msk.s32 $0xffff, v15;
	v11 =	vor.u32 s31, v0  }
0x11a: {  	v25 =	vadd.s32 $0xFFFFFFFF, v9;
	v15, _, _ =	vpop (xrf0);
	v26 =	vadd.s32 v22, v17;
	v16 =	vadd.s32 v22, v16  }
0x11b: {  	v9 =	vld [tilespmem:s22+$0x16E81];
	v29 =	vshrl.u32 v10, $0x15;
	v17 =	vadd.s32 v12, v20;
	v12 =	vperm.xlane v15, v6  }
0x11c: {  	v13 =	vadd.s32 v26, v24;
	v10 =	vld [tilespmem:s22+$0x16E80];
	v28, _, _ =	vpop (xrf0);
	[tilespmem:v19+s14+$0x0] =	vst.idx.msk vm14, v21;
	v19 =	vsel vm11, $0x1, v1;
	vm14 =	veq.s32 v29, v8  }
0x11d: {  	v14, _, _ =	vpop (xrf0);
	v20 =	vperm.xlane v28, v6;
	v22 =	vadd.s32 v17, v12;
	v12 =	vadd.s32 $0xFFFFFFFF, v16;
	(xrf0) =	vadd.scan.msk.s32 $0xffff, v19  }
0x11e: {  	v16 =	vsel vm10, $0x1, v1;
	v17 =	vadd.s32 v17, v15;
	vm12 =	vmand vm12, vm14;
	v30, _, _ =	vpop (xrf0);
	[tilespmem:v23+s15+$0x0] =	vst.idx.msk vm15, v21  }
0x11f: {  	v17 =	vadd.s32 $0xFFFFFFFF, v17;
	v23 =	vperm.xlane v24, v6;
	v63 =	vsel vm12, $0x1, v1;
	v15, _, _ =	vpop (xrf0);
	(xrf0) =	vadd.scan.msk.s32 $0xffff, v16  }
0x120: {  	v31 =	vperm.xlane v30, v6;
	[tilespmem:v25+s14+$0x0] =	vst.idx.msk vm13, v11;
	vm13 =	vgt.u32 v29, v8;
	(xrf0) =	vadd.scan.msk.s32 $0xffff, v27  }
0x121: {  	v16 =	vadd.s32 v22, v28;
	v20 =	vadd.s32 v22, v20;
	v21 =	vsel vm13, $0x1, v1;
	(xrf0) =	vadd.scan.msk.s32 $0xffff, v18  }
0x122: {  	v19 =	vperm.xlane v15, v6;
	v16 =	vadd.s32 $0xFFFFFFFF, v16;
	v22 =	vadd.s32 v20, v31;
	(xrf0) =	vadd.scan.msk.s32 $0xffff, v21  }
0x123: {  	s21 =	simm.s32 $0x70;
	s23 =	simm.s32 $0xF0;
	v20 =	vadd.s32 v20, v30;
	v21 =	vadd.s32 v26, v23;
	v23 =	vadd.s32 v22, v14;
	v18, _, _ =	vpop (xrf0);
	(xrf0) =	vadd.scan.msk.s32 $0xffff, v63  }
.LBB2_12:
0x124: {  	p0 =	sne.s32 s23, $0x13FF0  }
0x125: {  	v13 =	vadd.s32 $0xFFFFFFFF, v13;
	v23 =	vadd.s32 $0xFFFFFFFF, v23;
	v14 =	vperm.xlane v14, v6;
	s20 =	sadd.s32 $0x80, s20;
	s24 =	smov.u32 s23;
	s23 =	sadd.s32 $0x80, s23  }
0x126: {  	s25 =	sadd.s32 $0xFFFFFFB0, s21;
	v20 =	vadd.s32 $0xFFFFFFFF, v20;
	v15 =	vadd.s32 v21, v15;
	v19 =	vadd.s32 v21, v19;
	v21, _, _ =	vpop (xrf0)  }
0x127: {  	[tilespmem:v17+s15+$0x0] =	vst.idx.msk vm9, v11;
	v11 =	vadd.s32 $0xFFFFFFFF, v15;
	v15 =	vadd.s32 v19, v21;
	v17 =	vperm.xlane v21, v6;
	v21, _, _ =	vpop (xrf0)  }
0x128: {  	v27 =	vor.u32 s25, v0;
	v14 =	vadd.s32 v22, v14;
	v22 =	vperm.xlane v18, v6;
	v25, _, _ =	vpop (xrf0)  }
0x129: {  	s25 =	sadd.s32 $0xFFFFFFC0, s21;
	v15 =	vadd.s32 $0xFFFFFFFF, v15;
	[tilespmem:v12+s14+$0x0] =	vst.idx.msk vm3, v27;
	v12 =	vadd.s32 v19, v17;
	v17 =	vperm.xlane v25, v6;
	v19, _, _ =	vpop (xrf0)  }
0x12a: {  	v26 =	vor.u32 s25, v0;
	[tilespmem:v16+s15+$0x0] =	vst.idx.msk vm2, v27;
	v16 =	vadd.s32 v14, v18;
	v18 =	vadd.s32 v12, v21;
	v24, _, _ =	vpop (xrf0)  }
0x12b: {  	s25 =	sadd.s32 $0xFFFFFFD0, s21;
	[tilespmem:v13+s14+$0x0] =	vst.idx.msk vm4, v26;
	v13 =	vadd.s32 $0xFFFFFFFF, v18;
	v18 =	vperm.xlane v21, v6;
	v21 =	vperm.xlane v24, v6  }
0x12c: {  	v27 =	vor.u32 s25, v0;
	v14 =	vadd.s32 v14, v22;
	v16 =	vadd.s32 $0xFFFFFFFF, v16;
	[tilespmem:v20+s15+$0x0] =	vst.idx.msk vm6, v26  }
0x12d: {  	s25 =	sadd.s32 $0xFFFFFFE0, s21;
	[tilespmem:v11+s14+$0x0] =	vst.idx.msk vm7, v27;
	v11 =	vadd.s32 v14, v25;
	v18 =	vadd.s32 v12, v18  }
0x12e: {  	v12 =	vadd.s32 v14, v17;
	[tilespmem:v23+s15+$0x0] =	vst.idx.msk vm5, v27;
	v11 =	vadd.s32 $0xFFFFFFFF, v11;
	v14 =	vadd.s32 v18, v19  }
0x12f: {  	v17 =	vadd.s32 v12, v24;
	v19 =	vperm.xlane v19, v6;
	v14 =	vadd.s32 $0xFFFFFFFF, v14  }
0x130: {  	v20 =	vor.u32 s25, v0;
	v12 =	vadd.s32 v12, v21;
	v17 =	vadd.s32 $0xFFFFFFFF, v17  }
0x131: {  	s25 =	sadd.s32 $0xFFFFFFF0, s21;
	[tilespmem:v15+s14+$0x0] =	vst.idx.msk vm10, v20;
	v15 =	vadd.s32 v18, v19  }
0x132: {  	v18 =	vor.u32 s25, v0;
	[tilespmem:v16+s15+$0x0] =	vst.idx.msk vm11, v20  }
0x133: {  	[tilespmem:v13+s14+$0x0] =	vst.idx.msk vm8, v18  }
0x134: {  	v13 =	vor.u32 s21, v0;
	s21 =	smov.u32 s24;
	[tilespmem:v11+s15+$0x0] =	vst.idx.msk vm1, v18  }
0x135: {  	[tilespmem:v14+s14+$0x0] =	vst.idx.msk vm13, v13  }
0x136: {  	[tilespmem:v17+s15+$0x0] =	vst.idx.msk vm12, v13  }
0x137: {  	v11 =	vld [tilespmem:s20+$0xFFFFFFC0]  }
0x138: {  	v13 =	vld [tilespmem:s20+$0xFFFFFFD0]  }
0x139: {  	v14 =	vld [tilespmem:s20+$0xFFFFFFE0]  }
0x13a: {  	vm12 =	vlt.s32 v12, $0x1790;
	v16 =	vld [tilespmem:s20+$0x20]  }
0x13b: {  	v17 =	vld [tilespmem:s20+$0xFFFFFFF0];
	_ =	sdelay $0x1  }
0x13c: {  	v11 =	vshrl.u32 v11, $0x15;
	v13 =	vshrl.u32 v13, $0x15  }
0x13d: {  	vm14 =	vgt.u32 v11, v8;
	vm1 =	veq.s32 v11, v8;
	v11 =	vshrl.u32 v14, $0x15;
	v14 =	vld [tilespmem:s20+$0x0]  }
0x13e: {  	vm13 =	vgt.u32 v13, v8;
	vm3 =	vgt.u32 v11, v8;
	vm2 =	veq.s32 v11, v8  }
0x13f: {  	v11 =	vsel vm14, $0x1, v1;
	vm2 =	vmand vm12, vm2;
	v18 =	vsel vm3, $0x1, v1  }
0x140: {  	vm15 =	vmand vm12, vm1;
	v17 =	vshrl.u32 v17, $0x15;
	v19 =	vsel vm2, $0x1, v1;
	(xrf0) =	vadd.scan.msk.s32 $0xffff, v18  }
0x141: {  	vm1 =	veq.s32 v13, v8;
	v13 =	vsel vm13, $0x1, v1;
	v16 =	vshrl.u32 v16, $0x15;
	(xrf0) =	vadd.scan.msk.s32 $0xffff, v11  }
0x142: {  	vm9 =	vmand vm12, vm1;
	vm1 =	veq.s32 v16, v8;
	vm4 =	vgt.u32 v17, v8;
	(xrf0) =	vadd.scan.msk.s32 $0xffff, v13  }
0x143: {  	v11 =	vsel vm15, $0x1, v1;
	v13 =	vsel vm9, $0x1, v1;
	v14 =	vshrl.u32 v14, $0x15;
	v18 =	vld [tilespmem:s20+$0x10]  }
0x144: {  	vm5 =	veq.s32 v17, v8;
	v21 =	vsel vm4, $0x1, v1;
	vm7 =	veq.s32 v14, v8;
	(xrf0) =	vadd.scan.msk.s32 $0xffff, v11  }
0x145: {  	vm1 =	vmand vm12, vm1;
	vm6 =	vmand vm12, vm5;
	vm5 =	vmand vm12, vm7;
	(xrf0) =	vadd.scan.msk.s32 $0xffff, v21  }
0x146: {  	v20 =	vsel vm1, $0x1, v1;
	vm7 =	vgt.u32 v14, v8;
	v17, _, _ =	vpop (xrf0)  }
0x147: {  	v11 =	vsel vm6, $0x1, v1;
	v14 =	vperm.xlane v17, v6;
	v21, _, _ =	vpop (xrf0);
	(xrf0) =	vadd.scan.msk.s32 $0xffff, v13  }
0x148: {  	s24 =	sadd.s32 $0xFFFFFF90, s21;
	v13 =	vsel vm5, $0x1, v1;
	v22 =	vadd.s32 v21, v15;
	v21 =	vperm.xlane v21, v6;
	v23, _, _ =	vpop (xrf0);
	(xrf0) =	vadd.scan.msk.s32 $0xffff, v19  }
0x149: {  	v19 =	vor.u32 s24, v0;
	v24 =	vld [tilespmem:s20+$0x30];
	v22 =	vadd.s32 $0xFFFFFFFF, v22;
	v25 =	vperm.xlane v23, v6;
	(xrf0) =	vadd.scan.msk.s32 $0xffff, v13  }
0x14a: {  	vm8 =	vgt.u32 v16, v8;
	v13 =	vsel vm7, $0x1, v1;
	v15 =	vadd.s32 v15, v21;
	v16, _, _ =	vpop (xrf0)  }
0x14b: {  	v27 =	vshrl.u32 v18, $0x15;
	v21 =	vadd.s32 v16, v12;
	v25 =	vadd.s32 v15, v25;
	v26, _, _ =	vpop (xrf0);
	(xrf0) =	vadd.scan.msk.s32 $0xffff, v11  }
0x14c: {  	vm10 =	vgt.u32 v27, v8;
	v11 =	vadd.s32 v15, v23;
	v21 =	vadd.s32 $0xFFFFFFFF, v21;
	(xrf0) =	vadd.scan.msk.s32 $0xffff, v13  }
0x14d: {  	vm11 =	veq.s32 v27, v8;
	v15 =	vperm.xlane v16, v6;
	v16 =	vadd.s32 $0xFFFFFFFF, v11;
	v18, _, _ =	vpop (xrf0)  }
0x14e: {  	vm11 =	vmand vm12, vm11;
	v23 =	vsel vm8, $0x1, v1;
	v27 =	vadd.s32 v25, v14;
	v28, _, _ =	vpop (xrf0)  }
0x14f: {  	s24 =	sadd.s32 $0xFFFFFFA0, s21;
	v13 =	vadd.s32 v27, v26;
	v24 =	vshrl.u32 v24, $0x15;
	v14, _, _ =	vpop (xrf0)  }
0x150: {  	v11 =	vor.u32 s24, v0;
	[tilespmem:v22+s14+$0x0] =	vst.idx.msk vm14, v19;
	v22 =	vadd.s32 v12, v15;
	v12 =	vperm.xlane v18, v6  }
0x151: {  	v29 =	vsel vm11, $0x1, v1;
	v17 =	vadd.s32 v25, v17;
	[tilespmem:v21+s15+$0x0] =	vst.idx.msk vm15, v19;
	v21 =	vperm.xlane v28, v6;
	v25, _, _ =	vpop (xrf0)  }
0x152: {  	v30 =	vadd.s32 v22, v12;
	v12 =	vadd.s32 $0xFFFFFFFF, v17;
	v31 =	vperm.xlane v25, v6;
	v15, _, _ =	vpop (xrf0);
	(xrf0) =	vadd.scan.msk.s32 $0xffff, v29  }
0x153: {  	vm14 =	veq.s32 v24, v8;
	v29 =	vsel vm10, $0x1, v1;
	[tilespmem:v16+s14+$0x0] =	vst.idx.msk vm13, v11;
	v16 =	vadd.s32 v22, v18  }
.Ltmp5:
0x154: {  	vm12 =	vmand vm12, vm14;
	v19 =	vperm.xlane v15, v6;
	v17 =	vadd.s32 $0xFFFFFFFF, v16;
	(xrf0) =	vadd.scan.msk.s32 $0xffff, v29;
	(pc) =	sbr.rel @p0 .LBB2_12-.Ltmp5, $4  }
0x155: {  	vm13 =	vgt.u32 v24, v8;
	v18 =	vadd.s32 v30, v21;
	v16 =	vadd.s32 v30, v28;
	(xrf0) =	vadd.scan.msk.s32 $0xffff, v23  }
0x156: {  	v24 =	vsel vm12, $0x1, v1;
	v21 =	vsel vm13, $0x1, v1;
	v23 =	vperm.xlane v26, v6;
	(xrf0) =	vadd.scan.msk.s32 $0xffff, v20  }
0x157: {  	v22 =	vadd.s32 v18, v31;
	v16 =	vadd.s32 $0xFFFFFFFF, v16;
	v20 =	vadd.s32 v18, v25;
	(xrf0) =	vadd.scan.msk.s32 $0xffff, v21  }
0x158: {  	v21 =	vadd.s32 v27, v23;
	v23 =	vadd.s32 v22, v14;
	v18, _, _ =	vpop (xrf0);
	(xrf0) =	vadd.scan.msk.s32 $0xffff, v24  }
0x159: {  	_ = 	snop  }
0x15a: {  	v24, _, _ =	vpop (xrf0)  }
0x15b: {  	v14 =	vperm.xlane v14, v6;
	(v2sf) =	vpush v9, $0x0;
	v26, _, _ =	vpop (xrf0)  }
0x15c: {  	v19 =	vadd.s32 v21, v19;
	(v2sf) =	vpush v10, $0x0;
	v25 =	vperm.xlane v24, v6;
	v47, _, _ =	vpop (xrf0)  }
0x15d: {  	v27 =	vperm.xlane v18, v6;
	v14 =	vadd.s32 v22, v14;
	v29 =	vperm.xlane v26, v6;
	v28, _, _ =	vpop (xrf0)  }
0x15e: {  	v25 =	vadd.s32 v19, v25;
	v30 =	vperm.xlane v47, v6;
	v31, _, _ =	vpop (xrf0);
	v32 =	vperm.xlane v28, v6  }
0x15f: {  	v27 =	vadd.s32 v14, v27;
	v29 =	vadd.s32 v25, v29;
	v9 =	vperm.xlane v31, v6  }
0x160: {  	v10 =	vadd.s32 v27, v30;
	v48 =	vadd.s32 v29, v32  }
0x161: {  	(v2sf) =	vpush v48, $0x0;
	v9 =	vadd.s32 v10, v9  }
0x162: {  	(v2sf) =	vpush v9, $0x0  }
0x163: {  	v9 =	vadd.s32 $0xFFFFFFFF, v13  }
0x164: {  	v49 =	vadd.s32 v21, v15;
	s20 =	sadd.s32 $0xFFFFFFB0, s21;
	v50 =	vadd.s32 $0xFFFFFFFF, v20  }
0x165: {  	[tilespmem:v17+s15+$0x0] =	vst.idx.msk vm9, v11;
	v11 =	vadd.s32 $0xFFFFFFFF, v49;
	v51 =	vor.u32 s20, v0  }
0x166: {  	v52 =	vadd.s32 $0xFFFFFFFF, v23;
	s28 =	sadd.s32 $0xFFFFFFC0, s21;
	[tilespmem:v12+s14+$0x0] =	vst.idx.msk vm3, v51;
	v53 =	vadd.s32 v19, v24  }
0x167: {  	v54 =	vor.u32 s28, v0;
	v17 =	vadd.s32 $0xFFFFFFFF, v53;
	[tilespmem:v16+s15+$0x0] =	vst.idx.msk vm2, v51;
	v55 =	vadd.s32 v14, v18  }
0x168: {  	s29 =	sadd.s32 $0xFFFFFFD0, s21;
	v56 =	vadd.s32 v25, v26;
	[tilespmem:v9+s14+$0x0] =	vst.idx.msk vm4, v54;
	v9 =	vadd.s32 $0xFFFFFFFF, v55  }
0x169: {  	v58 =	vor.u32 s29, v0;
	v59 =	vadd.s32 v27, v47;
	v57 =	vadd.s32 $0xFFFFFFFF, v56;
	[tilespmem:v50+s15+$0x0] =	vst.idx.msk vm6, v54  }
0x16a: {  	s30 =	sadd.s32 $0xFFFFFFE0, s21;
	v60 =	vadd.s32 v29, v28;
	s20 =	spop (v2sf);
	[tilespmem:v11+s14+$0x0] =	vst.idx.msk vm7, v58;
	v11 =	vadd.s32 $0xFFFFFFFF, v59  }
0x16b: {  	v62 =	vor.u32 s30, v0;
	v61 =	vadd.s32 $0xFFFFFFFF, v60;
	v10 =	vadd.s32 v10, v31;
	s23 =	spop (v2sf);
	[tilespmem:v52+s15+$0x0] =	vst.idx.msk vm5, v58  }
0x16c: {  	s31 =	sadd.s32 $0xFFFFFFF0, s21;
	v10 =	vadd.s32 $0xFFFFFFFF, v10;
	s25 =	ssub.s32 s23, s20;
	[tilespmem:v17+s14+$0x0] =	vst.idx.msk vm10, v62  }
0x16d: {  	v63 =	vor.u32 s31, v0;
	p0 =	slt.s32 s25, $0x1791;
	[tilespmem:v9+s15+$0x0] =	vst.idx.msk vm11, v62  }
.Ltmp6:
0x16e: {  	[tilespmem:v57+s14+$0x0] =	vst.idx.msk vm8, v63;
	(pc) =	sbr.rel @!p0 .LBB2_55-.Ltmp6, $4  }
0x16f: {  	v9 =	vor.u32 s21, v0;
	[tilespmem:v11+s15+$0x0] =	vst.idx.msk vm1, v63  }
0x170: {  	[tilespmem:v61+s14+$0x0] =	vst.idx.msk vm13, v9;
	s21 =	spop (v2sf)  }
0x171: {  	[tilespmem:v10+s15+$0x0] =	vst.idx.msk vm12, v9;
	s24 =	spop (v2sf)  }
0x172: {  	s26 =	simm.s32 $0xFFFFFFF8;
	s23 =	ssub.s32 $0x12C, s20;
	[tilespmem:s24+$0x17500] =	vst v7;
	s24 =	simm.s32 $0x14EC0  }
0x173: {  	[tilespmem:s24+$0xFFFFFFC0] =	vst v1  }
0x174: {  	[tilespmem:s24+$0x30] =	vst v1  }
0x175: {  	[tilespmem:s24+$0x20] =	vst v1  }
0x176: {  	[tilespmem:s24+$0x10] =	vst v1  }
0x177: {  	[tilespmem:s24+$0x0] =	vst v1  }
0x178: {  	[tilespmem:s24+$0xFFFFFFF0] =	vst v1  }
0x179: {  	s26 =	sadd.s32 $0x8, s26;
	[tilespmem:s24+$0xFFFFFFE0] =	vst v1  }
.LBB2_15:
0x17a: {  	s26 =	sadd.s32 $0x8, s26;
	[tilespmem:s24+$0xFFFFFFD0] =	vst v1;
	s24 =	sadd.s32 $0x80, s24  }
0x17b: {  	[tilespmem:s24+$0xFFFFFFC0] =	vst v1;
	p0 =	slt.u32 s26, $0x78  }
0x17c: {  	[tilespmem:s24+$0x30] =	vst v1  }
.Ltmp7:
0x17d: {  	[tilespmem:s24+$0x20] =	vst v1;
	(pc) =	sbr.rel @p0 .LBB2_15-.Ltmp7, $4  }
0x17e: {  	[tilespmem:s24+$0x10] =	vst v1  }
0x17f: {  	[tilespmem:s24+$0x0] =	vst v1  }
0x180: {  	[tilespmem:s24+$0xFFFFFFF0] =	vst v1  }
0x181: {  	[tilespmem:s24+$0xFFFFFFE0] =	vst v1  }
0x182: {  	s30 =	sadd.s32 $0xF, s25  }
0x183: {  	s26 =	sand.u32 $0xF, s30  }
0x184: {  	p0 =	slt.s32 s25, $0xFFFFFFF2;
	s28 =	sshra.s32 s30, $0x1F;
	p1 =	sne.s32 s26, $0x0  }
0x185: {  	s31 =	sshrl.u32 s28, $0x1C;
	p0 =	por !p0, !p1  }
0x186: {  	[tilespmem:s24+$0xFFFFFFD0] =	vst v1;
	s26 =	simm.s32 $0x1;
	s24 =	sadd.s32 s31, s30;
	p0 =	por !p0, !p0  }
0x187: {  	s24 =	sshra.s32 s24, $0x4;
	s26 =	simm.s32 @!p0 $0x0  }
0x188: {  	s24 =	ssub.s32 s24, s26  }
0x189: {  	p0 =	slt.s32 s24, $0x1  }
.Ltmp8:
0x18a: {  	_ = 	snop;
	(pc) =	sbr.rel @p0 .LBB2_19-.Ltmp8, $2  }
0x18b: {  	_ =	sdelay $0x2  }
0x18c: {  	v8 =	vmov s25  }
0x18d: {  	s25 =	simm.s32 $0x17500;
	s26 =	simm.s32 $0x0;
	s28 =	smov.u32 s24  }
.LBB2_18:
0x18e: {  	v9 =	vld [tilespmem:s25+$0x0];
	_ =	sdelay $0x7  }
0x18f: {  	v9 =	vld.idx.msk [tilespmem:v9+s2+$0x0], $0xffff;
	_ =	sdelay $0x4  }
0x190: {  	v10 =	vor.u32 s26, v0;
	v11 =	vmul.u32 $0x80, v0;
	v9 =	vshrl.u32 v9, $0xE  }
0x191: {  	vm1 =	vlt.s32 v10, v8;
	v9 =	vand.u32 $0x7F, v9  }
0x192: {  	p1 =	sne.s32 s28, $0x1;
	v9 =	vor.u32 v11, v9  }
.Ltmp9:
0x193: {  	_ = 	snop;
	(pc) =	sbr.rel @p1 .LBB2_18-.Ltmp9, $2  }
0x194: {  	_ =	sdelay $0x2  }
0x195: {  	s25 =	sadd.s32 $0x10, s25;
	s26 =	sadd.s32 $0x10, s26;
	s28 =	sadd.s32 $0xFFFFFFFF, s28;
	[tilespmem:v9+s13+$0x0] =	vst.idx.add.s32.msk vm1, v3  }
.LBB2_19:
0x196: {  	s28 =	simm.s32 $0x15280  }
0x197: {  	v9 =	vld [tilespmem:s28+$0xFFFFFC10]  }
0x198: {  	v10 =	vld [tilespmem:s28+$0xFFFFFC90]  }
0x199: {  	v11 =	vld [tilespmem:s28+$0xFFFFFD10]  }
0x19a: {  	v12 =	vld [tilespmem:s28+$0xFFFFFD90]  }
0x19b: {  	v13 =	vld [tilespmem:s28+$0xFFFFFE10]  }
0x19c: {  	v14 =	vld [tilespmem:s28+$0xFFFFFE90]  }
0x19d: {  	v15 =	vld [tilespmem:s28+$0xFFFFFF10]  }
0x19e: {  	v16 =	vld [tilespmem:s28+$0xFFFFFF90]  }
0x19f: {  	v17 =	vld [tilespmem:s28+$0x10]  }
0x1a0: {  	v18 =	vld [tilespmem:s28+$0x90]  }
0x1a1: {  	v19 =	vld [tilespmem:s28+$0x110]  }
0x1a2: {  	v20 =	vld [tilespmem:s28+$0x190]  }
0x1a3: {  	v21 =	vld [tilespmem:s28+$0x210]  }
0x1a4: {  	v22 =	vld [tilespmem:s28+$0x290]  }
0x1a5: {  	v23 =	vld [tilespmem:s28+$0x310]  }
0x1a6: {  	v24 =	vld [tilespmem:s28+$0x390]  }
0x1a7: {  	v9 =	vadd.s32 v9, v10;
	v10 =	vld [tilespmem:s28+$0xFFFFFC80]  }
0x1a8: {  	v9 =	vadd.s32 v11, v9;
	v11 =	vld [tilespmem:s28+$0xFFFFFC00]  }
0x1a9: {  	v9 =	vadd.s32 v12, v9;
	v12 =	vld [tilespmem:s28+$0xFFFFFD00]  }
0x1aa: {  	v9 =	vadd.s32 v13, v9;
	v13 =	vld [tilespmem:s28+$0xFFFFFD80]  }
0x1ab: {  	v9 =	vadd.s32 v14, v9;
	v14 =	vld [tilespmem:s28+$0xFFFFFE00]  }
0x1ac: {  	v9 =	vadd.s32 v15, v9;
	v15 =	vld [tilespmem:s28+$0xFFFFFE80]  }
0x1ad: {  	v9 =	vadd.s32 v16, v9;
	v10 =	vadd.s32 v11, v10;
	v11 =	vld [tilespmem:s28+$0xFFFFFF00]  }
0x1ae: {  	v9 =	vadd.s32 v17, v9;
	v10 =	vadd.s32 v12, v10;
	v12 =	vld [tilespmem:s28+$0xFFFFFF80]  }
0x1af: {  	v9 =	vadd.s32 v18, v9;
	v10 =	vadd.s32 v13, v10;
	v13 =	vld [tilespmem:s28+$0x0]  }
0x1b0: {  	v9 =	vadd.s32 v19, v9;
	v10 =	vadd.s32 v14, v10;
	v14 =	vld [tilespmem:s28+$0x80]  }
0x1b1: {  	v9 =	vadd.s32 v20, v9;
	v10 =	vadd.s32 v15, v10;
	v15 =	vld [tilespmem:s28+$0x100]  }
0x1b2: {  	v63 =	vadd.s32 v21, v9;
	v10 =	vadd.s32 v11, v10;
	v9 =	vld [tilespmem:s28+$0x180]  }
0x1b3: {  	v11 =	vadd.s32 v22, v63;
	v12 =	vadd.s32 v12, v10;
	v10 =	vld [tilespmem:s28+$0x200]  }
0x1b4: {  	v16 =	vadd.s32 v23, v11;
	v12 =	vadd.s32 v13, v12;
	v11 =	vld [tilespmem:s28+$0x280]  }
0x1b5: {  	s25 =	simm.s32 $0x16E90;
	v13 =	vadd.s32 v24, v16;
	v14 =	vadd.s32 v14, v12;
	v12 =	vld [tilespmem:s28+$0x300]  }
0x1b6: {  	s26 =	simm.s32 $0x0;
	[tilespmem:s25+$0x0] =	vst v13;
	v14 =	vadd.s32 v15, v14;
	v13 =	vld [tilespmem:s28+$0x380];
	s28 =	simm.s32 $0x152A0  }
.LBB2_20:
0x1b7: {  	v15 =	vld [tilespmem:s28+$0xFFFFFC10];
	v9 =	vadd.s32 v9, v14  }
0x1b8: {  	s26 =	sadd.s32 $0x2, s26;
	v14 =	vld [tilespmem:s28+$0xFFFFFC90];
	v9 =	vadd.s32 v10, v9  }
0x1b9: {  	p1 =	slt.u32 s26, $0x6;
	v10 =	vld [tilespmem:s28+$0xFFFFFD10];
	v9 =	vadd.s32 v11, v9  }
0x1ba: {  	v11 =	vld [tilespmem:s28+$0xFFFFFD90];
	v9 =	vadd.s32 v12, v9  }
0x1bb: {  	v12 =	vld [tilespmem:s28+$0xFFFFFE10];
	v9 =	vadd.s32 v13, v9  }
0x1bc: {  	v13 =	vld [tilespmem:s28+$0xFFFFFE90];
	[tilespmem:s25+$0xFFFFFFF0] =	vst v9  }
0x1bd: {  	v9 =	vadd.s32 v15, v14;
	v14 =	vld [tilespmem:s28+$0xFFFFFF10]  }
0x1be: {  	v9 =	vadd.s32 v10, v9;
	v10 =	vld [tilespmem:s28+$0xFFFFFF90]  }
0x1bf: {  	v9 =	vadd.s32 v11, v9;
	v11 =	vld [tilespmem:s28+$0x10]  }
0x1c0: {  	v9 =	vadd.s32 v12, v9;
	v12 =	vld [tilespmem:s28+$0x90]  }
0x1c1: {  	v9 =	vadd.s32 v13, v9;
	v13 =	vld [tilespmem:s28+$0x110]  }
0x1c2: {  	v9 =	vadd.s32 v14, v9;
	v14 =	vld [tilespmem:s28+$0x190]  }
0x1c3: {  	v9 =	vadd.s32 v10, v9;
	v10 =	vld [tilespmem:s28+$0x210]  }
0x1c4: {  	v9 =	vadd.s32 v11, v9;
	v11 =	vld [tilespmem:s28+$0x290]  }
0x1c5: {  	v9 =	vadd.s32 v12, v9;
	v12 =	vld [tilespmem:s28+$0x310]  }
0x1c6: {  	v9 =	vadd.s32 v13, v9;
	v13 =	vld [tilespmem:s28+$0x390]  }
0x1c7: {  	v15 =	vld [tilespmem:s28+$0xFFFFFC80];
	v9 =	vadd.s32 v14, v9  }
0x1c8: {  	v14 =	vld [tilespmem:s28+$0xFFFFFC00];
	v9 =	vadd.s32 v10, v9  }
0x1c9: {  	v10 =	vld [tilespmem:s28+$0xFFFFFD00];
	v9 =	vadd.s32 v11, v9  }
0x1ca: {  	v11 =	vld [tilespmem:s28+$0xFFFFFD80];
	v9 =	vadd.s32 v12, v9  }
0x1cb: {  	s25 =	sadd.s32 $0x20, s25;
	v12 =	vld [tilespmem:s28+$0xFFFFFE00];
	v9 =	vadd.s32 v13, v9  }
0x1cc: {  	v13 =	vld [tilespmem:s28+$0xFFFFFE80];
	[tilespmem:s25+$0x0] =	vst v9  }
0x1cd: {  	v9 =	vadd.s32 v14, v15;
	v14 =	vld [tilespmem:s28+$0xFFFFFF00]  }
0x1ce: {  	v9 =	vadd.s32 v10, v9;
	v10 =	vld [tilespmem:s28+$0xFFFFFF80]  }
0x1cf: {  	v9 =	vadd.s32 v11, v9;
	v11 =	vld [tilespmem:s28+$0x0]  }
0x1d0: {  	v9 =	vadd.s32 v12, v9;
	v12 =	vld [tilespmem:s28+$0x80]  }
0x1d1: {  	v9 =	vadd.s32 v13, v9;
	v13 =	vld [tilespmem:s28+$0x100]  }
.Ltmp10:
0x1d2: {  	v14 =	vadd.s32 v14, v9;
	v9 =	vld [tilespmem:s28+$0x180];
	(pc) =	sbr.rel @p1 .LBB2_20-.Ltmp10, $4  }
0x1d3: {  	v14 =	vadd.s32 v10, v14;
	v10 =	vld [tilespmem:s28+$0x200]  }
0x1d4: {  	v14 =	vadd.s32 v11, v14;
	v11 =	vld [tilespmem:s28+$0x280]  }
0x1d5: {  	v14 =	vadd.s32 v12, v14;
	v12 =	vld [tilespmem:s28+$0x300]  }
0x1d6: {  	v14 =	vadd.s32 v13, v14;
	v13 =	vld [tilespmem:s28+$0x380];
	s28 =	sadd.s32 $0x20, s28  }
0x1d7: {  	v9 =	vadd.s32 v9, v14  }
0x1d8: {  	v9 =	vadd.s32 v10, v9  }
0x1d9: {  	v9 =	vadd.s32 v11, v9  }
0x1da: {  	v9 =	vadd.s32 v12, v9  }
0x1db: {  	v9 =	vadd.s32 v13, v9  }
0x1dc: {  	[tilespmem:s25+$0xFFFFFFF0] =	vst v9  }
0x1dd: {  	s28 =	simm.s32 $0x70;
	[tilespmem:$0x16F00] =	vst v1  }
0x1de: {  	v9 =	vld [tilespmem:s28+$0x16E80];
	_ =	sdelay $0x4  }
0x1df: {  	v9 =	vperm.xlane v9, v4;
	_ =	sdelay $0x1  }
0x1e0: {  	(xrf0) =	vadd.scan.msk.s32 $0xffff, v9;
	_ =	sdelay $0x5  }
0x1e1: {  	v9, _, _ =	vpop (xrf0)  }
0x1e2: {  	(v2sf) =	vpush v9, $0xF  }
0x1e3: {  	v9 =	vperm.xlane v9, v4  }
0x1e4: {  	s25 =	simm.s32 $0x0  }
0x1e5: {  	v9 =	vadd.s32 s25, v9  }
0x1e6: {  	s26 =	simm.s32 $0x60;
	[tilespmem:s28+$0x16E80] =	vst v9  }
0x1e7: {  	v9 =	vld [tilespmem:s26+$0x16E80];
	_ =	sdelay $0x4  }
0x1e8: {  	v9 =	vperm.xlane v9, v4;
	_ =	sdelay $0x1  }
0x1e9: {  	(xrf0) =	vadd.scan.msk.s32 $0xffff, v9;
	_ =	sdelay $0x2  }
0x1ea: {  	s28 =	simm.s32 $0x140;
	s29 =	spop (v2sf)  }
.LBB2_22:
0x1eb: {  	p1 =	seq.s32 s28, $0x0  }
0x1ec: {  	s25 =	sadd.s32 s25, s29;
	s29 =	smov.u32 s28;
	s28 =	sadd.s32 $0xFFFFFFC0, s28  }
0x1ed: {  	v9, _, _ =	vpop (xrf0)  }
0x1ee: {  	v10 =	vperm.xlane v9, v4;
	(v2sf) =	vpush v9, $0xF;
	_ =	sdelay $0x1  }
0x1ef: {  	v9 =	vadd.s32 s25, v10  }
0x1f0: {  	[tilespmem:s26+$0x16E80] =	vst v9;
	s26 =	sshra.s32 s29, $0x2  }
0x1f1: {  	v9 =	vld [tilespmem:s26+$0x16E80];
	_ =	sdelay $0x4  }
0x1f2: {  	v9 =	vperm.xlane v9, v4;
	_ =	sdelay $0x1  }
.Ltmp11:
0x1f3: {  	(xrf0) =	vadd.scan.msk.s32 $0xffff, v9;
	(pc) =	sbr.rel @!p1 .LBB2_22-.Ltmp11, $2  }
0x1f4: {  	_ =	sdelay $0x2  }
0x1f5: {  	s29 =	spop (v2sf)  }
0x1f6: {  	_ = 	snop  }
0x1f7: {  	v9, _, _ =	vpop (xrf0)  }
0x1f8: {  	(v2sf) =	vpush v9, $0xF;
	v9 =	vperm.xlane v9, v4  }
0x1f9: {  	s25 =	sadd.s32 s25, s29  }
0x1fa: {  	v9 =	vadd.s32 s25, v9  }
0x1fb: {  	s28 =	simm.s32 $0x16E80;
	[tilespmem:s26+$0x16E80] =	vst v9  }
0x1fc: {  	v10 =	vld [tilespmem:s28+$0x0];
	_ =	sdelay $0x3  }
0x1fd: {  	s31 =	simm.s32 $0x0;
	v9 =	vmov s23  }
0x1fe: {  	vm1 =	vlt.s32 v10, v9;
	v10 =	vor.u32 s31, v5  }
0x1ff: {  	v10 =	vsel vm1, $0x7FFFFFFF, v10  }
0x200: {  	(xrf0) =	vmax.scan.msk.u32 $0xffff, v10;
	_ =	sdelay $0x4  }
0x201: {  	s0 =	simm.s32 $0x16E90;
	s30 =	spop (v2sf)  }
0x202: {  	v11 =	vld [tilespmem:s0+$0x0];
	s30 =	simm.s32 $0x16EA0;
	v10, _, _ =	vpop (xrf0)  }
0x203: {  	(v2sf) =	vpush v10, $0xF;
	v10 =	vld [tilespmem:s30+$0x0];
	_ =	sdelay $0x2  }
0x204: {  	s31 =	simm.s32 $0x10  }
0x205: {  	s28 =	simm.s32 $0x20;
	vm1 =	vlt.s32 v11, v9;
	v11 =	vor.u32 s31, v5  }
0x206: {  	v11 =	vsel vm1, $0x7FFFFFFF, v11;
	vm1 =	vlt.s32 v10, v9;
	v10 =	vor.u32 s28, v5  }
0x207: {  	(xrf0) =	vmax.scan.msk.u32 $0xffff, v11;
	v10 =	vsel vm1, $0x7FFFFFFF, v10  }
0x208: {  	(xrf0) =	vmax.scan.msk.u32 $0xffff, v10;
	_ =	sdelay $0x3  }
0x209: {  	s0 =	simm.s32 $0x16EB0  }
0x20a: {  	v11 =	vld [tilespmem:s0+$0x0];
	v12, _, _ =	vpop (xrf0)  }
0x20b: {  	(v2sf) =	vpush v12, $0xF;
	v63, _, _ =	vpop (xrf0)  }
0x20c: {  	(v2sf) =	vpush v63, $0xF;
	_ =	sdelay $0x1  }
0x20d: {  	s31 =	simm.s32 $0x30;
	s30 =	simm.s32 $0x16EC0  }
0x20e: {  	vm1 =	vlt.s32 v11, v9;
	v11 =	vor.u32 s31, v5;
	v10 =	vld [tilespmem:s30+$0x0]  }
0x20f: {  	v11 =	vsel vm1, $0x7FFFFFFF, v11  }
0x210: {  	(xrf0) =	vmax.scan.msk.u32 $0xffff, v11;
	_ =	sdelay $0x1  }
0x211: {  	s25 =	simm.s32 $0xFFFFFFFF;
	s28 =	simm.s32 $0x40  }
0x212: {  	s26 =	simm.s32 $0x50;
	vm1 =	vlt.s32 v10, v9;
	v10 =	vor.u32 s28, v5;
	s28 =	simm.s32 $0x16ED0;
	s29 =	spop (v2sf)  }
.LBB2_24:
0x213: {  	s30 =	smov.u32 s25;
	p1 =	sne.s32 s26, $0x70  }
0x214: {  	v12 =	vsel vm1, $0x7FFFFFFF, v10;
	s25 =	sxor.u32 $0x80000000, s29;
	s29 =	smov.u32 s26;
	s26 =	sadd.s32 $0x10, s26;
	v11 =	vld [tilespmem:s28+$0x0]  }
.Ltmp12:
0x215: {  	p2 =	sgt.s32 s30, s25;
	(xrf0) =	vmax.scan.msk.u32 $0xffff, v12;
	v10, _, _ =	vpop (xrf0);
	(pc) =	sbr.rel @p1 .LBB2_24-.Ltmp12, $2  }
0x216: {  	s25 =	smov.u32 @p2 s30;
	(v2sf) =	vpush v10, $0xF;
	_ =	sdelay $0x2  }
0x217: {  	s28 =	sadd.s32 $0x10, s28;
	v10 =	vor.u32 s29, v5;
	vm1 =	vlt.s32 v11, v9;
	s29 =	spop (v2sf)  }
0x218: {  	v9 =	vsel vm1, $0x7FFFFFFF, v10  }
0x219: {  	(xrf0) =	vmax.scan.msk.u32 $0xffff, v9;
	_ =	sdelay $0x3  }
0x21a: {  	v9, _, _ =	vpop (xrf0)  }
0x21b: {  	(v2sf) =	vpush v9, $0xF  }
0x21c: {  	v9, _, _ =	vpop (xrf0)  }
0x21d: {  	(v2sf) =	vpush v9, $0xF;
	_ =	sdelay $0x7  }
0x21e: {  	s26 =	sxor.u32 $0x80000000, s29  }
0x21f: {  	s28 =	spop (v2sf);
	p1 =	sgt.s32 s25, s26  }
0x220: {  	s26 =	smov.u32 @p1 s25;
	s25 =	sxor.u32 $0x80000000, s28  }
0x221: {  	p1 =	sgt.s32 s26, s25;
	s28 =	spop (v2sf)  }
0x222: {  	s25 =	smov.u32 @p1 s26;
	s26 =	sxor.u32 $0x80000000, s28  }
0x223: {  	p1 =	sgt.s32 s25, s26;
	s28 =	spop (v2sf)  }
0x224: {  	s26 =	smov.u32 @p1 s25;
	s28 =	sxor.u32 $0x80000000, s28  }
0x225: {  	p1 =	sgt.s32 s26, s28;
	s31 =	spop (v2sf)  }
0x226: {  	s28 =	smov.u32 @p1 s26;
	s25 =	sxor.u32 $0x80000000, s31  }
0x227: {  	p1 =	sgt.s32 s28, s25  }
0x228: {  	s26 =	simm.s32 $0x14EC0;
	s25 =	smov.u32 @p1 s28  }
0x229: {  	v9 =	vld [tilespmem:s25+$0x16E81];
	[tilespmem:s26+$0xFFFFFFC0] =	vst v1  }
0x22a: {  	[tilespmem:s26+$0x30] =	vst v1  }
0x22b: {  	[tilespmem:s26+$0x20] =	vst v1  }
0x22c: {  	[tilespmem:s26+$0x10] =	vst v1  }
0x22d: {  	[tilespmem:s26+$0x0] =	vst v1  }
0x22e: {  	[tilespmem:s26+$0xFFFFFFF0] =	vst v1  }
0x22f: {  	s28 =	simm.s32 $0x0;
	[tilespmem:s26+$0xFFFFFFE0] =	vst v1  }
.LBB2_26:
0x230: {  	s28 =	sadd.s32 $0x8, s28;
	[tilespmem:s26+$0xFFFFFFD0] =	vst v1;
	s26 =	sadd.s32 $0x80, s26  }
0x231: {  	[tilespmem:s26+$0xFFFFFFC0] =	vst v1;
	p1 =	slt.u32 s28, $0x78  }
0x232: {  	[tilespmem:s26+$0x30] =	vst v1  }
.Ltmp13:
0x233: {  	[tilespmem:s26+$0x20] =	vst v1;
	(pc) =	sbr.rel @p1 .LBB2_26-.Ltmp13, $4  }
0x234: {  	[tilespmem:s26+$0x10] =	vst v1  }
0x235: {  	[tilespmem:s26+$0x0] =	vst v1  }
0x236: {  	[tilespmem:s26+$0xFFFFFFF0] =	vst v1  }
0x237: {  	[tilespmem:s26+$0xFFFFFFE0] =	vst v1  }
0x238: {  	(v2sf) =	vpush v9, $0x0;
	_ =	sdelay $0xa  }
.Ltmp14:
0x239: {  	_ = 	snop;
	(pc) =	sbr.rel @p0 .LBB2_30-.Ltmp14, $3  }
0x23a: {  	_ =	sdelay $0x1  }
0x23b: {  	s31 =	sshll.u32 s22, $0x7  }
0x23c: {  	[tilespmem:s26+$0xFFFFFFD0] =	vst v1;
	s26 =	sor.u32 s31, s25;
	s22 =	spop (v2sf)  }
0x23d: {  	v9 =	vmov s26;
	s25 =	simm.s32 $0x17500;
	s28 =	simm.s32 $0x0;
	s29 =	smov.u32 s24  }
.LBB2_29:
0x23e: {  	v10 =	vld [tilespmem:s25+$0x0];
	_ =	sdelay $0x7  }
0x23f: {  	v10 =	vld.idx.msk [tilespmem:v10+s2+$0x0], $0xffff;
	_ =	sdelay $0x3  }
0x240: {  	v11 =	vor.u32 s28, v0  }
0x241: {  	vm1 =	vlt.s32 v11, v8;
	v11 =	vshrl.u32 v10, $0xE  }
0x242: {  	v10 =	vshrl.u32 v10, $0x7;
	vm2 =	veq.s32 v11, v9;
	v11 =	vmul.u32 $0x80, v0  }
0x243: {  	v10 =	vand.u32 $0x7F, v10;
	vm1 =	vmand vm1, vm2  }
0x244: {  	p1 =	sne.s32 s29, $0x1;
	v10 =	vor.u32 v11, v10  }
.Ltmp15:
0x245: {  	_ = 	snop;
	(pc) =	sbr.rel @p1 .LBB2_29-.Ltmp15, $2  }
0x246: {  	_ =	sdelay $0x2  }
0x247: {  	s25 =	sadd.s32 $0x10, s25;
	s28 =	sadd.s32 $0x10, s28;
	s29 =	sadd.s32 $0xFFFFFFFF, s29;
	[tilespmem:v10+s13+$0x0] =	vst.idx.add.s32.msk vm1, v3  }
.LBB2_30:
0x248: {  	s29 =	simm.s32 $0x15280  }
0x249: {  	v9 =	vld [tilespmem:s29+$0xFFFFFC10]  }
0x24a: {  	v10 =	vld [tilespmem:s29+$0xFFFFFC90]  }
0x24b: {  	v11 =	vld [tilespmem:s29+$0xFFFFFD10]  }
0x24c: {  	v12 =	vld [tilespmem:s29+$0xFFFFFD90]  }
0x24d: {  	v13 =	vld [tilespmem:s29+$0xFFFFFE10]  }
0x24e: {  	v14 =	vld [tilespmem:s29+$0xFFFFFE90]  }
0x24f: {  	v15 =	vld [tilespmem:s29+$0xFFFFFF10]  }
0x250: {  	v16 =	vld [tilespmem:s29+$0xFFFFFF90]  }
0x251: {  	v17 =	vld [tilespmem:s29+$0x10]  }
0x252: {  	v18 =	vld [tilespmem:s29+$0x90]  }
0x253: {  	v19 =	vld [tilespmem:s29+$0x110]  }
0x254: {  	v20 =	vld [tilespmem:s29+$0x190]  }
0x255: {  	v21 =	vld [tilespmem:s29+$0x210]  }
0x256: {  	v22 =	vld [tilespmem:s29+$0x290]  }
0x257: {  	v23 =	vld [tilespmem:s29+$0x310]  }
0x258: {  	v24 =	vld [tilespmem:s29+$0x390]  }
0x259: {  	v9 =	vadd.s32 v9, v10;
	v10 =	vld [tilespmem:s29+$0xFFFFFC80]  }
0x25a: {  	v9 =	vadd.s32 v11, v9;
	v11 =	vld [tilespmem:s29+$0xFFFFFC00]  }
0x25b: {  	v9 =	vadd.s32 v12, v9;
	v12 =	vld [tilespmem:s29+$0xFFFFFD00]  }
0x25c: {  	v9 =	vadd.s32 v13, v9;
	v13 =	vld [tilespmem:s29+$0xFFFFFD80]  }
0x25d: {  	v9 =	vadd.s32 v14, v9;
	v14 =	vld [tilespmem:s29+$0xFFFFFE00]  }
0x25e: {  	v9 =	vadd.s32 v15, v9;
	v15 =	vld [tilespmem:s29+$0xFFFFFE80]  }
0x25f: {  	v9 =	vadd.s32 v16, v9;
	v10 =	vadd.s32 v11, v10;
	v11 =	vld [tilespmem:s29+$0xFFFFFF00]  }
0x260: {  	v9 =	vadd.s32 v17, v9;
	v10 =	vadd.s32 v12, v10;
	v12 =	vld [tilespmem:s29+$0xFFFFFF80]  }
0x261: {  	v9 =	vadd.s32 v18, v9;
	v10 =	vadd.s32 v13, v10;
	v13 =	vld [tilespmem:s29+$0x0]  }
0x262: {  	v9 =	vadd.s32 v19, v9;
	v10 =	vadd.s32 v14, v10;
	v14 =	vld [tilespmem:s29+$0x80]  }
0x263: {  	v9 =	vadd.s32 v20, v9;
	v10 =	vadd.s32 v15, v10;
	v15 =	vld [tilespmem:s29+$0x100]  }
0x264: {  	v63 =	vadd.s32 v21, v9;
	v10 =	vadd.s32 v11, v10;
	v9 =	vld [tilespmem:s29+$0x180]  }
0x265: {  	v11 =	vadd.s32 v22, v63;
	v12 =	vadd.s32 v12, v10;
	v10 =	vld [tilespmem:s29+$0x200]  }
0x266: {  	v16 =	vadd.s32 v23, v11;
	v12 =	vadd.s32 v13, v12;
	v11 =	vld [tilespmem:s29+$0x280]  }
0x267: {  	s28 =	simm.s32 $0x16E90;
	v13 =	vadd.s32 v24, v16;
	v14 =	vadd.s32 v14, v12;
	v12 =	vld [tilespmem:s29+$0x300]  }
0x268: {  	s25 =	ssub.s32 s23, s22;
	s23 =	simm.s32 $0x0;
	[tilespmem:s28+$0x0] =	vst v13;
	v14 =	vadd.s32 v15, v14;
	v13 =	vld [tilespmem:s29+$0x380];
	s29 =	simm.s32 $0x152A0  }
.LBB2_31:
0x269: {  	v15 =	vld [tilespmem:s29+$0xFFFFFC10];
	v9 =	vadd.s32 v9, v14  }
0x26a: {  	s23 =	sadd.s32 $0x2, s23;
	v14 =	vld [tilespmem:s29+$0xFFFFFC90];
	v9 =	vadd.s32 v10, v9  }
0x26b: {  	p1 =	slt.u32 s23, $0x6;
	v10 =	vld [tilespmem:s29+$0xFFFFFD10];
	v9 =	vadd.s32 v11, v9  }
0x26c: {  	v11 =	vld [tilespmem:s29+$0xFFFFFD90];
	v9 =	vadd.s32 v12, v9  }
0x26d: {  	v12 =	vld [tilespmem:s29+$0xFFFFFE10];
	v9 =	vadd.s32 v13, v9  }
0x26e: {  	v13 =	vld [tilespmem:s29+$0xFFFFFE90];
	[tilespmem:s28+$0xFFFFFFF0] =	vst v9  }
0x26f: {  	v9 =	vadd.s32 v15, v14;
	v14 =	vld [tilespmem:s29+$0xFFFFFF10]  }
0x270: {  	v9 =	vadd.s32 v10, v9;
	v10 =	vld [tilespmem:s29+$0xFFFFFF90]  }
0x271: {  	v9 =	vadd.s32 v11, v9;
	v11 =	vld [tilespmem:s29+$0x10]  }
0x272: {  	v9 =	vadd.s32 v12, v9;
	v12 =	vld [tilespmem:s29+$0x90]  }
0x273: {  	v9 =	vadd.s32 v13, v9;
	v13 =	vld [tilespmem:s29+$0x110]  }
0x274: {  	v9 =	vadd.s32 v14, v9;
	v14 =	vld [tilespmem:s29+$0x190]  }
0x275: {  	v9 =	vadd.s32 v10, v9;
	v10 =	vld [tilespmem:s29+$0x210]  }
0x276: {  	v9 =	vadd.s32 v11, v9;
	v11 =	vld [tilespmem:s29+$0x290]  }
0x277: {  	v9 =	vadd.s32 v12, v9;
	v12 =	vld [tilespmem:s29+$0x310]  }
0x278: {  	v9 =	vadd.s32 v13, v9;
	v13 =	vld [tilespmem:s29+$0x390]  }
0x279: {  	v15 =	vld [tilespmem:s29+$0xFFFFFC80];
	v9 =	vadd.s32 v14, v9  }
0x27a: {  	v14 =	vld [tilespmem:s29+$0xFFFFFC00];
	v9 =	vadd.s32 v10, v9  }
0x27b: {  	v10 =	vld [tilespmem:s29+$0xFFFFFD00];
	v9 =	vadd.s32 v11, v9  }
0x27c: {  	v11 =	vld [tilespmem:s29+$0xFFFFFD80];
	v9 =	vadd.s32 v12, v9  }
0x27d: {  	s28 =	sadd.s32 $0x20, s28;
	v12 =	vld [tilespmem:s29+$0xFFFFFE00];
	v9 =	vadd.s32 v13, v9  }
0x27e: {  	v13 =	vld [tilespmem:s29+$0xFFFFFE80];
	[tilespmem:s28+$0x0] =	vst v9  }
0x27f: {  	v9 =	vadd.s32 v14, v15;
	v14 =	vld [tilespmem:s29+$0xFFFFFF00]  }
0x280: {  	v9 =	vadd.s32 v10, v9;
	v10 =	vld [tilespmem:s29+$0xFFFFFF80]  }
0x281: {  	v9 =	vadd.s32 v11, v9;
	v11 =	vld [tilespmem:s29+$0x0]  }
0x282: {  	v9 =	vadd.s32 v12, v9;
	v12 =	vld [tilespmem:s29+$0x80]  }
0x283: {  	v9 =	vadd.s32 v13, v9;
	v13 =	vld [tilespmem:s29+$0x100]  }
.Ltmp16:
0x284: {  	v14 =	vadd.s32 v14, v9;
	v9 =	vld [tilespmem:s29+$0x180];
	(pc) =	sbr.rel @p1 .LBB2_31-.Ltmp16, $4  }
0x285: {  	v14 =	vadd.s32 v10, v14;
	v10 =	vld [tilespmem:s29+$0x200]  }
0x286: {  	v14 =	vadd.s32 v11, v14;
	v11 =	vld [tilespmem:s29+$0x280]  }
0x287: {  	v14 =	vadd.s32 v12, v14;
	v12 =	vld [tilespmem:s29+$0x300]  }
0x288: {  	v14 =	vadd.s32 v13, v14;
	v13 =	vld [tilespmem:s29+$0x380];
	s29 =	sadd.s32 $0x20, s29  }
0x289: {  	v9 =	vadd.s32 v9, v14  }
0x28a: {  	v9 =	vadd.s32 v10, v9  }
0x28b: {  	v9 =	vadd.s32 v11, v9  }
0x28c: {  	v9 =	vadd.s32 v12, v9  }
0x28d: {  	v9 =	vadd.s32 v13, v9  }
0x28e: {  	[tilespmem:s28+$0xFFFFFFF0] =	vst v9  }
0x28f: {  	s29 =	simm.s32 $0x70;
	[tilespmem:$0x16F00] =	vst v1  }
0x290: {  	v9 =	vld [tilespmem:s29+$0x16E80];
	_ =	sdelay $0x4  }
0x291: {  	v9 =	vperm.xlane v9, v4;
	_ =	sdelay $0x1  }
0x292: {  	(xrf0) =	vadd.scan.msk.s32 $0xffff, v9;
	_ =	sdelay $0x5  }
0x293: {  	v9, _, _ =	vpop (xrf0)  }
0x294: {  	(v2sf) =	vpush v9, $0xF  }
0x295: {  	v9 =	vperm.xlane v9, v4  }
0x296: {  	s23 =	simm.s32 $0x0  }
0x297: {  	v9 =	vadd.s32 s23, v9  }
0x298: {  	s28 =	simm.s32 $0x60;
	[tilespmem:s29+$0x16E80] =	vst v9  }
0x299: {  	v9 =	vld [tilespmem:s28+$0x16E80];
	_ =	sdelay $0x4  }
0x29a: {  	v9 =	vperm.xlane v9, v4;
	_ =	sdelay $0x1  }
0x29b: {  	(xrf0) =	vadd.scan.msk.s32 $0xffff, v9;
	_ =	sdelay $0x2  }
0x29c: {  	s29 =	simm.s32 $0x140;
	s30 =	spop (v2sf)  }
.LBB2_33:
0x29d: {  	p1 =	seq.s32 s29, $0x0  }
0x29e: {  	s23 =	sadd.s32 s23, s30;
	s30 =	smov.u32 s29;
	s29 =	sadd.s32 $0xFFFFFFC0, s29  }
0x29f: {  	v9, _, _ =	vpop (xrf0)  }
0x2a0: {  	v10 =	vperm.xlane v9, v4;
	(v2sf) =	vpush v9, $0xF;
	_ =	sdelay $0x1  }
0x2a1: {  	v9 =	vadd.s32 s23, v10  }
0x2a2: {  	[tilespmem:s28+$0x16E80] =	vst v9;
	s28 =	sshra.s32 s30, $0x2  }
0x2a3: {  	v9 =	vld [tilespmem:s28+$0x16E80];
	_ =	sdelay $0x4  }
0x2a4: {  	v9 =	vperm.xlane v9, v4;
	_ =	sdelay $0x1  }
.Ltmp17:
0x2a5: {  	(xrf0) =	vadd.scan.msk.s32 $0xffff, v9;
	(pc) =	sbr.rel @!p1 .LBB2_33-.Ltmp17, $2  }
0x2a6: {  	_ =	sdelay $0x2  }
0x2a7: {  	s30 =	spop (v2sf)  }
0x2a8: {  	_ = 	snop  }
0x2a9: {  	v9, _, _ =	vpop (xrf0)  }
0x2aa: {  	(v2sf) =	vpush v9, $0xF;
	v9 =	vperm.xlane v9, v4  }
0x2ab: {  	s23 =	sadd.s32 s23, s30  }
0x2ac: {  	v9 =	vadd.s32 s23, v9  }
0x2ad: {  	s29 =	simm.s32 $0x16E80;
	[tilespmem:s28+$0x16E80] =	vst v9  }
0x2ae: {  	v10 =	vld [tilespmem:s29+$0x0];
	_ =	sdelay $0x3  }
0x2af: {  	v9 =	vmov s25;
	s28 =	simm.s32 $0x0  }
0x2b0: {  	vm1 =	vlt.s32 v10, v9;
	v10 =	vor.u32 s28, v5  }
0x2b1: {  	v10 =	vsel vm1, $0x7FFFFFFF, v10  }
0x2b2: {  	(xrf0) =	vmax.scan.msk.u32 $0xffff, v10;
	_ =	sdelay $0x4  }
0x2b3: {  	s28 =	simm.s32 $0x16E90  }
0x2b4: {  	v11 =	vld [tilespmem:s28+$0x0];
	s28 =	simm.s32 $0x16EA0;
	v10, _, _ =	vpop (xrf0)  }
0x2b5: {  	(v2sf) =	vpush v10, $0xF;
	v10 =	vld [tilespmem:s28+$0x0];
	_ =	sdelay $0x2  }
0x2b6: {  	s28 =	simm.s32 $0x10  }
0x2b7: {  	s29 =	simm.s32 $0x20;
	vm1 =	vlt.s32 v11, v9;
	v11 =	vor.u32 s28, v5  }
0x2b8: {  	v11 =	vsel vm1, $0x7FFFFFFF, v11;
	vm1 =	vlt.s32 v10, v9;
	v10 =	vor.u32 s29, v5  }
0x2b9: {  	(xrf0) =	vmax.scan.msk.u32 $0xffff, v11;
	v10 =	vsel vm1, $0x7FFFFFFF, v10  }
0x2ba: {  	(xrf0) =	vmax.scan.msk.u32 $0xffff, v10;
	_ =	sdelay $0x3  }
0x2bb: {  	s28 =	simm.s32 $0x16EB0  }
0x2bc: {  	v11 =	vld [tilespmem:s28+$0x0];
	v12, _, _ =	vpop (xrf0)  }
0x2bd: {  	s31 =	spop (v2sf);
	(v2sf) =	vpush v12, $0xF;
	v63, _, _ =	vpop (xrf0)  }
0x2be: {  	(v2sf) =	vpush v63, $0xF  }
0x2bf: {  	s28 =	simm.s32 $0x16EC0  }
0x2c0: {  	v10 =	vld [tilespmem:s28+$0x0];
	s28 =	simm.s32 $0x30  }
0x2c1: {  	vm1 =	vlt.s32 v11, v9;
	v11 =	vor.u32 s28, v5  }
0x2c2: {  	v11 =	vsel vm1, $0x7FFFFFFF, v11  }
0x2c3: {  	(xrf0) =	vmax.scan.msk.u32 $0xffff, v11;
	_ =	sdelay $0x1  }
0x2c4: {  	s23 =	simm.s32 $0xFFFFFFFF;
	s29 =	simm.s32 $0x40  }
0x2c5: {  	s28 =	simm.s32 $0x50;
	vm1 =	vlt.s32 v10, v9;
	v10 =	vor.u32 s29, v5;
	s29 =	simm.s32 $0x16ED0;
	s30 =	spop (v2sf)  }
.LBB2_35:
0x2c6: {  	s31 =	smov.u32 s23;
	p1 =	sne.s32 s28, $0x70  }
0x2c7: {  	v12 =	vsel vm1, $0x7FFFFFFF, v10;
	s23 =	sxor.u32 $0x80000000, s30;
	s30 =	smov.u32 s28;
	s28 =	sadd.s32 $0x10, s28;
	v11 =	vld [tilespmem:s29+$0x0]  }
.Ltmp18:
0x2c8: {  	p2 =	sgt.s32 s31, s23;
	(xrf0) =	vmax.scan.msk.u32 $0xffff, v12;
	v10, _, _ =	vpop (xrf0);
	(pc) =	sbr.rel @p1 .LBB2_35-.Ltmp18, $2  }
0x2c9: {  	s23 =	smov.u32 @p2 s31;
	(v2sf) =	vpush v10, $0xF;
	_ =	sdelay $0x2  }
0x2ca: {  	s29 =	sadd.s32 $0x10, s29;
	v10 =	vor.u32 s30, v5;
	vm1 =	vlt.s32 v11, v9;
	s30 =	spop (v2sf)  }
0x2cb: {  	v9 =	vsel vm1, $0x7FFFFFFF, v10  }
0x2cc: {  	(xrf0) =	vmax.scan.msk.u32 $0xffff, v9;
	_ =	sdelay $0x3  }
0x2cd: {  	v9, _, _ =	vpop (xrf0)  }
0x2ce: {  	(v2sf) =	vpush v9, $0xF  }
0x2cf: {  	v9, _, _ =	vpop (xrf0)  }
0x2d0: {  	(v2sf) =	vpush v9, $0xF;
	_ =	sdelay $0x7  }
0x2d1: {  	s28 =	sxor.u32 $0x80000000, s30  }
0x2d2: {  	s29 =	spop (v2sf);
	p1 =	sgt.s32 s23, s28  }
0x2d3: {  	s28 =	smov.u32 @p1 s23;
	s23 =	sxor.u32 $0x80000000, s29  }
0x2d4: {  	p1 =	sgt.s32 s28, s23;
	s29 =	spop (v2sf)  }
0x2d5: {  	s23 =	smov.u32 @p1 s28;
	s28 =	sxor.u32 $0x80000000, s29  }
0x2d6: {  	p1 =	sgt.s32 s23, s28;
	s29 =	spop (v2sf)  }
0x2d7: {  	s28 =	smov.u32 @p1 s23;
	s23 =	sxor.u32 $0x80000000, s29  }
0x2d8: {  	p1 =	sgt.s32 s28, s23;
	s29 =	spop (v2sf)  }
0x2d9: {  	s23 =	smov.u32 @p1 s28;
	s28 =	sxor.u32 $0x80000000, s29  }
0x2da: {  	p1 =	sgt.s32 s23, s28  }
0x2db: {  	s28 =	smov.u32 @p1 s23;
	s23 =	simm.s32 $0x14EC0  }
0x2dc: {  	v9 =	vld [tilespmem:s28+$0x16E81];
	[tilespmem:s23+$0xFFFFFFC0] =	vst v1  }
0x2dd: {  	[tilespmem:s23+$0x30] =	vst v1  }
0x2de: {  	[tilespmem:s23+$0x20] =	vst v1  }
0x2df: {  	[tilespmem:s23+$0x10] =	vst v1  }
0x2e0: {  	[tilespmem:s23+$0x0] =	vst v1  }
0x2e1: {  	[tilespmem:s23+$0xFFFFFFF0] =	vst v1  }
0x2e2: {  	s29 =	simm.s32 $0x0;
	[tilespmem:s23+$0xFFFFFFE0] =	vst v1  }
.LBB2_37:
0x2e3: {  	s29 =	sadd.s32 $0x8, s29;
	[tilespmem:s23+$0xFFFFFFD0] =	vst v1;
	s23 =	sadd.s32 $0x80, s23  }
0x2e4: {  	[tilespmem:s23+$0xFFFFFFC0] =	vst v1;
	p1 =	slt.u32 s29, $0x78  }
0x2e5: {  	[tilespmem:s23+$0x30] =	vst v1  }
.Ltmp19:
0x2e6: {  	[tilespmem:s23+$0x20] =	vst v1;
	(pc) =	sbr.rel @p1 .LBB2_37-.Ltmp19, $4  }
0x2e7: {  	[tilespmem:s23+$0x10] =	vst v1  }
0x2e8: {  	[tilespmem:s23+$0x0] =	vst v1  }
0x2e9: {  	[tilespmem:s23+$0xFFFFFFF0] =	vst v1  }
0x2ea: {  	[tilespmem:s23+$0xFFFFFFE0] =	vst v1  }
0x2eb: {  	(v2sf) =	vpush v9, $0x0;
	_ =	sdelay $0xa  }
.Ltmp20:
0x2ec: {  	_ = 	snop;
	(pc) =	sbr.rel @p0 .LBB2_41-.Ltmp20, $3  }
0x2ed: {  	_ =	sdelay $0x1  }
0x2ee: {  	s26 =	sshll.u32 s26, $0x7  }
0x2ef: {  	[tilespmem:s23+$0xFFFFFFD0] =	vst v1;
	s26 =	sor.u32 s26, s28;
	s23 =	spop (v2sf)  }
0x2f0: {  	v9 =	vmov s26;
	s28 =	simm.s32 $0x17500;
	s29 =	simm.s32 $0x0;
	s30 =	smov.u32 s24  }
.LBB2_40:
0x2f1: {  	v10 =	vld [tilespmem:s28+$0x0];
	_ =	sdelay $0x7  }
0x2f2: {  	v10 =	vld.idx.msk [tilespmem:v10+s2+$0x0], $0xffff;
	_ =	sdelay $0x4  }
0x2f3: {  	v11 =	vor.u32 s29, v0;
	v12 =	vshrl.u32 v10, $0x7  }
0x2f4: {  	vm1 =	vlt.s32 v11, v8;
	v11 =	vmul.u32 $0x80, v0;
	vm2 =	veq.s32 v12, v9  }
0x2f5: {  	v10 =	vand.u32 $0x7F, v10;
	vm1 =	vmand vm1, vm2  }
0x2f6: {  	p1 =	sne.s32 s30, $0x1;
	v10 =	vor.u32 v11, v10  }
.Ltmp21:
0x2f7: {  	_ = 	snop;
	(pc) =	sbr.rel @p1 .LBB2_40-.Ltmp21, $2  }
0x2f8: {  	_ =	sdelay $0x2  }
0x2f9: {  	s28 =	sadd.s32 $0x10, s28;
	s29 =	sadd.s32 $0x10, s29;
	s30 =	sadd.s32 $0xFFFFFFFF, s30;
	[tilespmem:v10+s13+$0x0] =	vst.idx.add.s32.msk vm1, v3  }
.LBB2_41:
0x2fa: {  	s30 =	simm.s32 $0x15280  }
0x2fb: {  	v9 =	vld [tilespmem:s30+$0xFFFFFC10]  }
0x2fc: {  	v10 =	vld [tilespmem:s30+$0xFFFFFC90]  }
0x2fd: {  	v11 =	vld [tilespmem:s30+$0xFFFFFD10]  }
0x2fe: {  	v12 =	vld [tilespmem:s30+$0xFFFFFD90]  }
0x2ff: {  	v13 =	vld [tilespmem:s30+$0xFFFFFE10]  }
0x300: {  	v14 =	vld [tilespmem:s30+$0xFFFFFE90]  }
0x301: {  	v15 =	vld [tilespmem:s30+$0xFFFFFF10]  }
0x302: {  	v16 =	vld [tilespmem:s30+$0xFFFFFF90]  }
0x303: {  	v17 =	vld [tilespmem:s30+$0x10]  }
0x304: {  	v18 =	vld [tilespmem:s30+$0x90]  }
0x305: {  	v19 =	vld [tilespmem:s30+$0x110]  }
0x306: {  	v20 =	vld [tilespmem:s30+$0x190]  }
0x307: {  	v21 =	vld [tilespmem:s30+$0x210]  }
0x308: {  	v22 =	vld [tilespmem:s30+$0x290]  }
0x309: {  	v23 =	vld [tilespmem:s30+$0x310]  }
0x30a: {  	v24 =	vld [tilespmem:s30+$0x390]  }
0x30b: {  	v9 =	vadd.s32 v9, v10;
	v10 =	vld [tilespmem:s30+$0xFFFFFC80]  }
0x30c: {  	v9 =	vadd.s32 v11, v9;
	v11 =	vld [tilespmem:s30+$0xFFFFFC00]  }
0x30d: {  	v9 =	vadd.s32 v12, v9;
	v12 =	vld [tilespmem:s30+$0xFFFFFD00]  }
0x30e: {  	v9 =	vadd.s32 v13, v9;
	v13 =	vld [tilespmem:s30+$0xFFFFFD80]  }
0x30f: {  	v9 =	vadd.s32 v14, v9;
	v14 =	vld [tilespmem:s30+$0xFFFFFE00]  }
0x310: {  	v9 =	vadd.s32 v15, v9;
	v15 =	vld [tilespmem:s30+$0xFFFFFE80]  }
0x311: {  	v9 =	vadd.s32 v16, v9;
	v10 =	vadd.s32 v11, v10;
	v11 =	vld [tilespmem:s30+$0xFFFFFF00]  }
0x312: {  	v9 =	vadd.s32 v17, v9;
	v10 =	vadd.s32 v12, v10;
	v12 =	vld [tilespmem:s30+$0xFFFFFF80]  }
0x313: {  	v9 =	vadd.s32 v18, v9;
	v10 =	vadd.s32 v13, v10;
	v13 =	vld [tilespmem:s30+$0x0]  }
0x314: {  	v9 =	vadd.s32 v19, v9;
	v10 =	vadd.s32 v14, v10;
	v14 =	vld [tilespmem:s30+$0x80]  }
0x315: {  	v9 =	vadd.s32 v20, v9;
	v10 =	vadd.s32 v15, v10;
	v15 =	vld [tilespmem:s30+$0x100]  }
0x316: {  	v63 =	vadd.s32 v21, v9;
	v10 =	vadd.s32 v11, v10;
	v9 =	vld [tilespmem:s30+$0x180]  }
0x317: {  	v11 =	vadd.s32 v22, v63;
	v12 =	vadd.s32 v12, v10;
	v10 =	vld [tilespmem:s30+$0x200]  }
0x318: {  	v16 =	vadd.s32 v23, v11;
	v12 =	vadd.s32 v13, v12;
	v11 =	vld [tilespmem:s30+$0x280]  }
0x319: {  	s28 =	simm.s32 $0x16E90;
	v13 =	vadd.s32 v24, v16;
	v14 =	vadd.s32 v14, v12;
	v12 =	vld [tilespmem:s30+$0x300]  }
0x31a: {  	s25 =	ssub.s32 s25, s23;
	s29 =	simm.s32 $0x0;
	[tilespmem:s28+$0x0] =	vst v13;
	v14 =	vadd.s32 v15, v14;
	v13 =	vld [tilespmem:s30+$0x380];
	s30 =	simm.s32 $0x152A0  }
.LBB2_42:
0x31b: {  	v15 =	vld [tilespmem:s30+$0xFFFFFC10];
	v9 =	vadd.s32 v9, v14  }
0x31c: {  	s29 =	sadd.s32 $0x2, s29;
	v14 =	vld [tilespmem:s30+$0xFFFFFC90];
	v9 =	vadd.s32 v10, v9  }
0x31d: {  	p1 =	slt.u32 s29, $0x6;
	v10 =	vld [tilespmem:s30+$0xFFFFFD10];
	v9 =	vadd.s32 v11, v9  }
0x31e: {  	v11 =	vld [tilespmem:s30+$0xFFFFFD90];
	v9 =	vadd.s32 v12, v9  }
0x31f: {  	v12 =	vld [tilespmem:s30+$0xFFFFFE10];
	v9 =	vadd.s32 v13, v9  }
0x320: {  	v13 =	vld [tilespmem:s30+$0xFFFFFE90];
	[tilespmem:s28+$0xFFFFFFF0] =	vst v9  }
0x321: {  	v9 =	vadd.s32 v15, v14;
	v14 =	vld [tilespmem:s30+$0xFFFFFF10]  }
0x322: {  	v9 =	vadd.s32 v10, v9;
	v10 =	vld [tilespmem:s30+$0xFFFFFF90]  }
0x323: {  	v9 =	vadd.s32 v11, v9;
	v11 =	vld [tilespmem:s30+$0x10]  }
0x324: {  	v9 =	vadd.s32 v12, v9;
	v12 =	vld [tilespmem:s30+$0x90]  }
0x325: {  	v9 =	vadd.s32 v13, v9;
	v13 =	vld [tilespmem:s30+$0x110]  }
0x326: {  	v9 =	vadd.s32 v14, v9;
	v14 =	vld [tilespmem:s30+$0x190]  }
0x327: {  	v9 =	vadd.s32 v10, v9;
	v10 =	vld [tilespmem:s30+$0x210]  }
0x328: {  	v9 =	vadd.s32 v11, v9;
	v11 =	vld [tilespmem:s30+$0x290]  }
0x329: {  	v9 =	vadd.s32 v12, v9;
	v12 =	vld [tilespmem:s30+$0x310]  }
0x32a: {  	v9 =	vadd.s32 v13, v9;
	v13 =	vld [tilespmem:s30+$0x390]  }
0x32b: {  	v15 =	vld [tilespmem:s30+$0xFFFFFC80];
	v9 =	vadd.s32 v14, v9  }
0x32c: {  	v14 =	vld [tilespmem:s30+$0xFFFFFC00];
	v9 =	vadd.s32 v10, v9  }
0x32d: {  	v10 =	vld [tilespmem:s30+$0xFFFFFD00];
	v9 =	vadd.s32 v11, v9  }
0x32e: {  	v11 =	vld [tilespmem:s30+$0xFFFFFD80];
	v9 =	vadd.s32 v12, v9  }
0x32f: {  	s28 =	sadd.s32 $0x20, s28;
	v12 =	vld [tilespmem:s30+$0xFFFFFE00];
	v9 =	vadd.s32 v13, v9  }
0x330: {  	v13 =	vld [tilespmem:s30+$0xFFFFFE80];
	[tilespmem:s28+$0x0] =	vst v9  }
0x331: {  	v9 =	vadd.s32 v14, v15;
	v14 =	vld [tilespmem:s30+$0xFFFFFF00]  }
0x332: {  	v9 =	vadd.s32 v10, v9;
	v10 =	vld [tilespmem:s30+$0xFFFFFF80]  }
0x333: {  	v9 =	vadd.s32 v11, v9;
	v11 =	vld [tilespmem:s30+$0x0]  }
0x334: {  	v9 =	vadd.s32 v12, v9;
	v12 =	vld [tilespmem:s30+$0x80]  }
0x335: {  	v9 =	vadd.s32 v13, v9;
	v13 =	vld [tilespmem:s30+$0x100]  }
.Ltmp22:
0x336: {  	v14 =	vadd.s32 v14, v9;
	v9 =	vld [tilespmem:s30+$0x180];
	(pc) =	sbr.rel @p1 .LBB2_42-.Ltmp22, $4  }
0x337: {  	v14 =	vadd.s32 v10, v14;
	v10 =	vld [tilespmem:s30+$0x200]  }
0x338: {  	v14 =	vadd.s32 v11, v14;
	v11 =	vld [tilespmem:s30+$0x280]  }
0x339: {  	v14 =	vadd.s32 v12, v14;
	v12 =	vld [tilespmem:s30+$0x300]  }
0x33a: {  	v14 =	vadd.s32 v13, v14;
	v13 =	vld [tilespmem:s30+$0x380];
	s30 =	sadd.s32 $0x20, s30  }
0x33b: {  	v9 =	vadd.s32 v9, v14  }
0x33c: {  	v9 =	vadd.s32 v10, v9  }
0x33d: {  	v9 =	vadd.s32 v11, v9  }
0x33e: {  	v9 =	vadd.s32 v12, v9  }
0x33f: {  	v9 =	vadd.s32 v13, v9  }
0x340: {  	[tilespmem:s28+$0xFFFFFFF0] =	vst v9  }
0x341: {  	s30 =	simm.s32 $0x70;
	[tilespmem:$0x16F00] =	vst v1  }
0x342: {  	v9 =	vld [tilespmem:s30+$0x16E80];
	_ =	sdelay $0x4  }
0x343: {  	v9 =	vperm.xlane v9, v4;
	_ =	sdelay $0x1  }
0x344: {  	(xrf0) =	vadd.scan.msk.s32 $0xffff, v9;
	_ =	sdelay $0x5  }
0x345: {  	v9, _, _ =	vpop (xrf0)  }
0x346: {  	(v2sf) =	vpush v9, $0xF  }
0x347: {  	v9 =	vperm.xlane v9, v4  }
0x348: {  	s28 =	simm.s32 $0x0  }
0x349: {  	v9 =	vadd.s32 s28, v9  }
0x34a: {  	s29 =	simm.s32 $0x60;
	[tilespmem:s30+$0x16E80] =	vst v9  }
0x34b: {  	v9 =	vld [tilespmem:s29+$0x16E80];
	_ =	sdelay $0x4  }
0x34c: {  	v9 =	vperm.xlane v9, v4;
	_ =	sdelay $0x1  }
0x34d: {  	(xrf0) =	vadd.scan.msk.s32 $0xffff, v9;
	_ =	sdelay $0x2  }
0x34e: {  	s30 =	simm.s32 $0x140;
	s31 =	spop (v2sf)  }
.LBB2_44:
0x34f: {  	p1 =	seq.s32 s30, $0x0  }
0x350: {  	s28 =	sadd.s32 s28, s31;
	s31 =	smov.u32 s30;
	s30 =	sadd.s32 $0xFFFFFFC0, s30  }
0x351: {  	v9, _, _ =	vpop (xrf0)  }
0x352: {  	v10 =	vperm.xlane v9, v4;
	(v2sf) =	vpush v9, $0xF;
	_ =	sdelay $0x1  }
0x353: {  	v9 =	vadd.s32 s28, v10  }
0x354: {  	[tilespmem:s29+$0x16E80] =	vst v9;
	s29 =	sshra.s32 s31, $0x2  }
0x355: {  	v9 =	vld [tilespmem:s29+$0x16E80];
	_ =	sdelay $0x4  }
0x356: {  	v9 =	vperm.xlane v9, v4;
	_ =	sdelay $0x1  }
.Ltmp23:
0x357: {  	(xrf0) =	vadd.scan.msk.s32 $0xffff, v9;
	(pc) =	sbr.rel @!p1 .LBB2_44-.Ltmp23, $2  }
0x358: {  	_ =	sdelay $0x2  }
0x359: {  	s31 =	spop (v2sf)  }
0x35a: {  	_ = 	snop  }
0x35b: {  	v9, _, _ =	vpop (xrf0)  }
0x35c: {  	(v2sf) =	vpush v9, $0xF;
	_ =	sdelay $0x7  }
0x35d: {  	v9 =	vperm.xlane v9, v4  }
0x35e: {  	s28 =	sadd.s32 s28, s31  }
0x35f: {  	v9 =	vadd.s32 s28, v9  }
0x360: {  	[tilespmem:s29+$0x16E80] =	vst v9;
	s29 =	simm.s32 $0x16E80  }
0x361: {  	v10 =	vld [tilespmem:s29+$0x0];
	_ =	sdelay $0x2  }
0x362: {  	s28 =	spop (v2sf)  }
0x363: {  	v9 =	vmov s25;
	s28 =	simm.s32 $0x0  }
0x364: {  	vm1 =	vlt.s32 v10, v9;
	v10 =	vor.u32 s28, v5  }
0x365: {  	v10 =	vsel vm1, $0x7FFFFFFF, v10  }
0x366: {  	(xrf0) =	vmax.scan.msk.u32 $0xffff, v10;
	_ =	sdelay $0x4  }
0x367: {  	s28 =	simm.s32 $0x16E90  }
0x368: {  	v11 =	vld [tilespmem:s28+$0x0];
	s28 =	simm.s32 $0x16EA0;
	v10, _, _ =	vpop (xrf0)  }
0x369: {  	(v2sf) =	vpush v10, $0xF;
	v10 =	vld [tilespmem:s28+$0x0];
	_ =	sdelay $0x2  }
0x36a: {  	s28 =	simm.s32 $0x10  }
0x36b: {  	s29 =	simm.s32 $0x20;
	vm1 =	vlt.s32 v11, v9;
	v11 =	vor.u32 s28, v5  }
0x36c: {  	v11 =	vsel vm1, $0x7FFFFFFF, v11;
	vm1 =	vlt.s32 v10, v9;
	v10 =	vor.u32 s29, v5  }
0x36d: {  	(xrf0) =	vmax.scan.msk.u32 $0xffff, v11;
	v10 =	vsel vm1, $0x7FFFFFFF, v10  }
0x36e: {  	(xrf0) =	vmax.scan.msk.u32 $0xffff, v10;
	_ =	sdelay $0x3  }
0x36f: {  	s28 =	simm.s32 $0x16EB0  }
0x370: {  	v11 =	vld [tilespmem:s28+$0x0];
	v12, _, _ =	vpop (xrf0)  }
0x371: {  	(v2sf) =	vpush v12, $0xF;
	v63, _, _ =	vpop (xrf0)  }
0x372: {  	(v2sf) =	vpush v63, $0xF  }
0x373: {  	s28 =	simm.s32 $0x16EC0  }
0x374: {  	v10 =	vld [tilespmem:s28+$0x0];
	s28 =	simm.s32 $0x30  }
0x375: {  	vm1 =	vlt.s32 v11, v9;
	v11 =	vor.u32 s28, v5  }
0x376: {  	v11 =	vsel vm1, $0x7FFFFFFF, v11  }
0x377: {  	(xrf0) =	vmax.scan.msk.u32 $0xffff, v11;
	_ =	sdelay $0x1  }
0x378: {  	s25 =	simm.s32 $0xFFFFFFFF;
	s29 =	simm.s32 $0x40  }
0x379: {  	s28 =	simm.s32 $0x50;
	vm1 =	vlt.s32 v10, v9;
	v10 =	vor.u32 s29, v5;
	s29 =	simm.s32 $0x16ED0;
	s30 =	spop (v2sf)  }
.LBB2_46:
0x37a: {  	s31 =	smov.u32 s25;
	p1 =	sne.s32 s28, $0x70  }
0x37b: {  	v12 =	vsel vm1, $0x7FFFFFFF, v10;
	s25 =	sxor.u32 $0x80000000, s30;
	s30 =	smov.u32 s28;
	s28 =	sadd.s32 $0x10, s28;
	v11 =	vld [tilespmem:s29+$0x0]  }
.Ltmp24:
0x37c: {  	p2 =	sgt.s32 s31, s25;
	(xrf0) =	vmax.scan.msk.u32 $0xffff, v12;
	v10, _, _ =	vpop (xrf0);
	(pc) =	sbr.rel @p1 .LBB2_46-.Ltmp24, $2  }
0x37d: {  	s25 =	smov.u32 @p2 s31;
	(v2sf) =	vpush v10, $0xF;
	_ =	sdelay $0x2  }
0x37e: {  	s29 =	sadd.s32 $0x10, s29;
	v10 =	vor.u32 s30, v5;
	vm1 =	vlt.s32 v11, v9;
	s30 =	spop (v2sf)  }
0x37f: {  	v9 =	vsel vm1, $0x7FFFFFFF, v10  }
0x380: {  	(xrf0) =	vmax.scan.msk.u32 $0xffff, v9;
	_ =	sdelay $0x3  }
0x381: {  	v9, _, _ =	vpop (xrf0)  }
0x382: {  	(v2sf) =	vpush v9, $0xF  }
0x383: {  	v9, _, _ =	vpop (xrf0)  }
0x384: {  	(v2sf) =	vpush v9, $0xF;
	_ =	sdelay $0x7  }
0x385: {  	s28 =	sxor.u32 $0x80000000, s30  }
0x386: {  	s29 =	spop (v2sf);
	p1 =	sgt.s32 s25, s28  }
0x387: {  	s28 =	smov.u32 @p1 s25;
	s25 =	sxor.u32 $0x80000000, s29  }
0x388: {  	p1 =	sgt.s32 s28, s25;
	s0 =	spop (v2sf)  }
0x389: {  	s25 =	smov.u32 @p1 s28;
	s28 =	sxor.u32 $0x80000000, s0  }
0x38a: {  	p1 =	sgt.s32 s25, s28;
	s30 =	spop (v2sf)  }
0x38b: {  	s28 =	smov.u32 @p1 s25;
	s25 =	sxor.u32 $0x80000000, s30  }
0x38c: {  	p1 =	sgt.s32 s28, s25;
	s31 =	spop (v2sf)  }
0x38d: {  	s25 =	smov.u32 @p1 s28;
	s28 =	sxor.u32 $0x80000000, s31  }
0x38e: {  	p1 =	sgt.s32 s25, s28  }
0x38f: {  	s28 =	smov.u32 @p1 s25  }
0x390: {  	v9 =	vld [tilespmem:s28+$0x16E81];
	_ =	sdelay $0x4  }
0x391: {  	(v2sf) =	vpush v9, $0x0;
	_ =	sdelay $0xa  }
.Ltmp25:
0x392: {  	_ = 	snop;
	(pc) =	sbr.rel @p0 .LBB2_54-.Ltmp25, $2  }
0x393: {  	_ =	sdelay $0x2  }
0x394: {  	s25 =	spop (v2sf)  }
0x395: {  	p1 =	sne.s32 s24, $0x1  }
.Ltmp26:
0x396: {  	_ = 	snop;
	(pc) =	sbr.rel @!p1 .LBB2_49-.Ltmp26, $4  }
0x397: {  	_ = 	snop  }
0x398: {  	s26 =	sshll.u32 s26, $0x7  }
0x399: {  	s24 =	sadd.s32 $0xFFFFFFFF, s24;
	s26 =	sor.u32 s26, s28  }
0x39a: {  	p0 =	por $0x0, $0x0;
	s28 =	simm.s32 $0x17500;
	v9 =	vmov s26;
	s26 =	simm.s32 $0x0  }
0x39b: {  	v10 =	vld [tilespmem:s28+$0x0];
	_ =	sdelay $0x7  }
0x39c: {  	v11 =	vld.idx.msk [tilespmem:v10+s2+$0x0], $0xffff;
	_ =	sdelay $0x2  }
0x39d: {  	v12 =	vor.u32 s26, v0  }
0x39e: {  	p0 =	por $0x1, $0x1;
	vm2 =	vmmov vm0;
	vm1 =	vlt.s32 v12, v8  }
0x39f: {  	vm2 =	vmneg @p0 vm2;
	vm3 =	vlt.u32 v9, v11;
	vm4 =	veq.s32 v9, v11  }
0x3a0: {  	vm3 =	vmand vm1, vm3;
	vm2 =	vmand vm2, vm4  }
0x3a1: {  	vm1 =	vmand vm1, vm2;
	v11 =	vmpcnt.ones.xlane vm3  }
0x3a2: {  	p1 =	sne.s32 s24, $0x1;
	v63 =	vmpcnt.ones.xlane vm1  }
.Ltmp27:
0x3a3: {  	(v2sf) =	vpush v11, $0x0;
	(pc) =	sbr.rel @!p1 .LBB2_51-.Ltmp27, $3  }
0x3a4: {  	(v2sf) =	vpush v63, $0x0;
	_ =	sdelay $0x1  }
0x3a5: {  	s31 =	sadd.s32 $0xFFFFFFFF, s24;
	s28 =	simm.s32 $0x17510;
	s24 =	smov.u32 s21;
	[tilespmem:s21+$0x17100] =	vst.msk vm3, v10  }
0x3a6: {  	s29 =	simm.s32 $0x0;
	s30 =	simm.s32 $0x0;
	p0 =	por $0x1, $0x1;
	[tilespmem:s26+$0x17380] =	vst.msk vm1, v10  }
.LBB2_52:
0x3a7: {  	p1 =	sne.s32 s31, $0x1;
	v10 =	vld [tilespmem:s28+$0x0];
	_ =	sdelay $0x7  }
0x3a8: {  	v11 =	vld.idx.msk [tilespmem:v10+s2+$0x0], $0xffff;
	_ =	sdelay $0x1  }
0x3a9: {  	s0 =	spop (v2sf)  }
0x3aa: {  	s29 =	sadd.s32 $0x10, s29;
	s24 =	sadd.s32 s24, s0;
	s0 =	spop (v2sf)  }
0x3ab: {  	v12 =	vor.u32 s29, v0;
	s30 =	sadd.s32 s30, s0  }
0x3ac: {  	vm4 =	vmmov vm0;
	vm1 =	vlt.s32 v12, v8;
	p2 =	slt.s32 s30, $0x130  }
0x3ad: {  	vm2 =	vlt.u32 v9, v11;
	vm3 =	veq.s32 v9, v11;
	vm4 =	vmneg @p2 vm4  }
0x3ae: {  	vm2 =	vmand vm1, vm2;
	vm3 =	vmand vm4, vm3  }
0x3af: {  	v11 =	vmpcnt.ones.xlane vm2;
	vm1 =	vmand vm1, vm3;
	[tilespmem:s24+$0x17100] =	vst.msk vm2, v10  }
0x3b0: {  	[tilespmem:s30+$0x17380] =	vst.msk vm1, v10;
	v10 =	vmpcnt.ones.xlane vm1  }
.Ltmp28:
0x3b1: {  	(v2sf) =	vpush v11, $0x0;
	(pc) =	sbr.rel @p1 .LBB2_52-.Ltmp28, $2  }
0x3b2: {  	(v2sf) =	vpush v10, $0x0;
	_ =	sdelay $0x2  }
0x3b3: {  	s31 =	sadd.s32 $0xFFFFFFFF, s31;
	s28 =	sadd.s32 $0x10, s28  }
.LBB2_53:
0x3b4: {  	_ =	sdelay $0x1  }
0x3b5: {  	v10 =	vld [tilespmem:s28+$0x0];
	_ =	sdelay $0x7  }
0x3b6: {  	v11 =	vld.idx.msk [tilespmem:v10+s2+$0x0], $0xffff;
	s0 =	spop @p0 (v2sf)  }
0x3b7: {  	s28 =	sadd.s32 @p0 $0x10, s29;
	s31 =	simm.s32 $0x0;
	s29 =	spop @p0 (v2sf)  }
0x3b8: {  	s31 =	smov.u32 @p0 s28;
	s28 =	sadd.s32 @p0 s30, s29  }
0x3b9: {  	v12 =	vor.u32 s31, v0;
	s26 =	smov.u32 @p0 s28  }
0x3ba: {  	vm2 =	vmmov vm0;
	vm1 =	vlt.s32 v12, v8;
	p1 =	slt.s32 s26, $0x130  }
0x3bb: {  	vm3 =	vlt.u32 v9, v11;
	vm4 =	veq.s32 v9, v11;
	vm2 =	vmneg @p1 vm2  }
0x3bc: {  	vm3 =	vmand vm1, vm3;
	vm2 =	vmand vm2, vm4  }
0x3bd: {  	v8 =	vmpcnt.ones.xlane vm3;
	vm1 =	vmand vm1, vm2  }
0x3be: {  	v63 =	vmpcnt.ones.xlane vm1  }
0x3bf: {  	(v2sf) =	vpush v8, $0x0  }
0x3c0: {  	(v2sf) =	vpush v63, $0x0;
	_ =	sdelay $0xb  }
0x3c1: {  	s0 =	sadd.s32 @p0 s24, s0  }
0x3c2: {  	s21 =	smov.u32 @p0 s0  }
0x3c3: {  	[tilespmem:s21+$0x17100] =	vst.msk vm3, v10;
	s30 =	spop (v2sf)  }
0x3c4: {  	[tilespmem:s26+$0x17380] =	vst.msk vm1, v10;
	s31 =	spop (v2sf)  }
.LBB2_54:
.Ltmp29:
0x3c5: {  	(pc) =	sbr.rel .LBB2_88-.Ltmp29, $3  }
0x3c6: {  	_ =	sdelay $0x1  }
0x3c7: {  	s0 =	sadd.s32 s22, s23  }
0x3c8: {  	s21 =	sadd.s32 s25, s0  }
.LBB2_55:
0x3c9: {  	[tilespmem:s24+$0xFFFFFFC0] =	vst v1  }
0x3ca: {  	[tilespmem:s24+$0x30] =	vst v1  }
0x3cb: {  	[tilespmem:s24+$0x20] =	vst v1  }
0x3cc: {  	[tilespmem:s24+$0x10] =	vst v1  }
0x3cd: {  	[tilespmem:s24+$0x0] =	vst v1  }
0x3ce: {  	[tilespmem:s24+$0xFFFFFFF0] =	vst v1  }
0x3cf: {  	s25 =	sadd.s32 $0x8, s26;
	[tilespmem:s24+$0xFFFFFFE0] =	vst v1  }
.LBB2_56:
0x3d0: {  	s25 =	sadd.s32 $0x8, s25;
	[tilespmem:s24+$0xFFFFFFD0] =	vst v1;
	s24 =	sadd.s32 $0x80, s24  }
0x3d1: {  	[tilespmem:s24+$0xFFFFFFC0] =	vst v1;
	p0 =	slt.u32 s25, $0x78  }
0x3d2: {  	[tilespmem:s24+$0x30] =	vst v1  }
.Ltmp30:
0x3d3: {  	[tilespmem:s24+$0x20] =	vst v1;
	(pc) =	sbr.rel @p0 .LBB2_56-.Ltmp30, $4  }
0x3d4: {  	[tilespmem:s24+$0x10] =	vst v1  }
0x3d5: {  	[tilespmem:s24+$0x0] =	vst v1  }
0x3d6: {  	[tilespmem:s24+$0xFFFFFFF0] =	vst v1  }
0x3d7: {  	[tilespmem:s24+$0xFFFFFFE0] =	vst v1  }
0x3d8: {  	[tilespmem:s24+$0xFFFFFFD0] =	vst v1;
	s24 =	simm.s32 $0x0  }
.LBB2_58:
0x3d9: {  	s0 =	sshra.s32 s24, $0x2  }
0x3da: {  	v9 =	vld [tilespmem:s0+$0x0];
	_ =	sdelay $0x4  }
0x3db: {  	v10 =	vshrl.u32 v9, $0x15;
	v11 =	vshrl.u32 v9, $0xE;
	v9 =	vmul.u32 $0x80, v0  }
0x3dc: {  	vm1 =	veq.s32 v10, v8;
	v10 =	vand.u32 $0x7F, v11  }
0x3dd: {  	p0 =	sne.s32 s24, $0x4FFC0;
	v10 =	vor.u32 v9, v10  }
.Ltmp31:
0x3de: {  	_ = 	snop;
	(pc) =	sbr.rel @p0 .LBB2_58-.Ltmp31, $2  }
0x3df: {  	_ =	sdelay $0x2  }
0x3e0: {  	s24 =	sadd.s32 $0x40, s24;
	[tilespmem:v10+s13+$0x0] =	vst.idx.add.s32.msk vm1, v3  }
0x3e1: {  	s0 =	simm.s32 $0x15280  }
0x3e2: {  	v10 =	vld [tilespmem:s0+$0xFFFFFC10]  }
0x3e3: {  	v11 =	vld [tilespmem:s0+$0xFFFFFC90]  }
0x3e4: {  	v12 =	vld [tilespmem:s0+$0xFFFFFD10]  }
0x3e5: {  	v13 =	vld [tilespmem:s0+$0xFFFFFD90]  }
0x3e6: {  	v14 =	vld [tilespmem:s0+$0xFFFFFE10]  }
0x3e7: {  	v15 =	vld [tilespmem:s0+$0xFFFFFE90]  }
0x3e8: {  	v16 =	vld [tilespmem:s0+$0xFFFFFF10]  }
0x3e9: {  	v17 =	vld [tilespmem:s0+$0xFFFFFF90]  }
0x3ea: {  	v18 =	vld [tilespmem:s0+$0x10]  }
0x3eb: {  	v19 =	vld [tilespmem:s0+$0x90]  }
0x3ec: {  	v20 =	vld [tilespmem:s0+$0x110]  }
0x3ed: {  	v21 =	vld [tilespmem:s0+$0x190]  }
0x3ee: {  	v22 =	vld [tilespmem:s0+$0x210]  }
0x3ef: {  	v23 =	vld [tilespmem:s0+$0x290]  }
0x3f0: {  	v24 =	vld [tilespmem:s0+$0x310]  }
0x3f1: {  	v25 =	vld [tilespmem:s0+$0x390]  }
0x3f2: {  	v10 =	vadd.s32 v10, v11;
	v11 =	vld [tilespmem:s0+$0xFFFFFC80]  }
0x3f3: {  	v10 =	vadd.s32 v12, v10;
	v12 =	vld [tilespmem:s0+$0xFFFFFC00]  }
0x3f4: {  	v10 =	vadd.s32 v13, v10;
	v13 =	vld [tilespmem:s0+$0xFFFFFD00]  }
0x3f5: {  	v10 =	vadd.s32 v14, v10;
	v14 =	vld [tilespmem:s0+$0xFFFFFD80]  }
0x3f6: {  	v10 =	vadd.s32 v15, v10;
	v15 =	vld [tilespmem:s0+$0xFFFFFE00]  }
0x3f7: {  	v10 =	vadd.s32 v16, v10;
	v16 =	vld [tilespmem:s0+$0xFFFFFE80]  }
0x3f8: {  	v10 =	vadd.s32 v17, v10;
	v11 =	vadd.s32 v12, v11;
	v12 =	vld [tilespmem:s0+$0xFFFFFF00]  }
0x3f9: {  	v10 =	vadd.s32 v18, v10;
	v11 =	vadd.s32 v13, v11;
	v13 =	vld [tilespmem:s0+$0xFFFFFF80]  }
0x3fa: {  	v10 =	vadd.s32 v19, v10;
	v11 =	vadd.s32 v14, v11;
	v14 =	vld [tilespmem:s0+$0x0]  }
0x3fb: {  	v10 =	vadd.s32 v20, v10;
	v11 =	vadd.s32 v15, v11;
	v15 =	vld [tilespmem:s0+$0x80]  }
0x3fc: {  	v10 =	vadd.s32 v21, v10;
	v11 =	vadd.s32 v16, v11;
	v16 =	vld [tilespmem:s0+$0x100]  }
0x3fd: {  	v17 =	vadd.s32 v22, v10;
	v11 =	vadd.s32 v12, v11;
	v10 =	vld [tilespmem:s0+$0x180]  }
0x3fe: {  	v12 =	vadd.s32 v23, v17;
	v13 =	vadd.s32 v13, v11;
	v11 =	vld [tilespmem:s0+$0x200]  }
0x3ff: {  	v17 =	vadd.s32 v24, v12;
	v13 =	vadd.s32 v14, v13;
	v12 =	vld [tilespmem:s0+$0x280]  }
0x400: {  	s24 =	simm.s32 $0x16E90;
	v14 =	vadd.s32 v25, v17;
	v15 =	vadd.s32 v15, v13;
	v13 =	vld [tilespmem:s0+$0x300]  }
0x401: {  	s25 =	simm.s32 $0x0;
	s26 =	simm.s32 $0x152A0;
	[tilespmem:s24+$0x0] =	vst v14;
	v15 =	vadd.s32 v16, v15;
	v14 =	vld [tilespmem:s0+$0x380]  }
.LBB2_60:
0x402: {  	v16 =	vld [tilespmem:s26+$0xFFFFFC10];
	v10 =	vadd.s32 v10, v15  }
0x403: {  	s25 =	sadd.s32 $0x2, s25;
	v15 =	vld [tilespmem:s26+$0xFFFFFC90];
	v10 =	vadd.s32 v11, v10  }
0x404: {  	p0 =	slt.u32 s25, $0x6;
	v11 =	vld [tilespmem:s26+$0xFFFFFD10];
	v10 =	vadd.s32 v12, v10  }
0x405: {  	v12 =	vld [tilespmem:s26+$0xFFFFFD90];
	v10 =	vadd.s32 v13, v10  }
0x406: {  	v13 =	vld [tilespmem:s26+$0xFFFFFE10];
	v10 =	vadd.s32 v14, v10  }
0x407: {  	v14 =	vld [tilespmem:s26+$0xFFFFFE90];
	[tilespmem:s24+$0xFFFFFFF0] =	vst v10  }
0x408: {  	v10 =	vadd.s32 v16, v15;
	v15 =	vld [tilespmem:s26+$0xFFFFFF10]  }
0x409: {  	v10 =	vadd.s32 v11, v10;
	v11 =	vld [tilespmem:s26+$0xFFFFFF90]  }
0x40a: {  	v10 =	vadd.s32 v12, v10;
	v12 =	vld [tilespmem:s26+$0x10]  }
0x40b: {  	v10 =	vadd.s32 v13, v10;
	v13 =	vld [tilespmem:s26+$0x90]  }
0x40c: {  	v10 =	vadd.s32 v14, v10;
	v14 =	vld [tilespmem:s26+$0x110]  }
0x40d: {  	v10 =	vadd.s32 v15, v10;
	v15 =	vld [tilespmem:s26+$0x190]  }
0x40e: {  	v10 =	vadd.s32 v11, v10;
	v11 =	vld [tilespmem:s26+$0x210]  }
0x40f: {  	v10 =	vadd.s32 v12, v10;
	v12 =	vld [tilespmem:s26+$0x290]  }
0x410: {  	v10 =	vadd.s32 v13, v10;
	v13 =	vld [tilespmem:s26+$0x310]  }
0x411: {  	v10 =	vadd.s32 v14, v10;
	v14 =	vld [tilespmem:s26+$0x390]  }
0x412: {  	v16 =	vld [tilespmem:s26+$0xFFFFFC80];
	v10 =	vadd.s32 v15, v10  }
0x413: {  	v15 =	vld [tilespmem:s26+$0xFFFFFC00];
	v10 =	vadd.s32 v11, v10  }
0x414: {  	v11 =	vld [tilespmem:s26+$0xFFFFFD00];
	v10 =	vadd.s32 v12, v10  }
0x415: {  	v12 =	vld [tilespmem:s26+$0xFFFFFD80];
	v10 =	vadd.s32 v13, v10  }
0x416: {  	s24 =	sadd.s32 $0x20, s24;
	v13 =	vld [tilespmem:s26+$0xFFFFFE00];
	v10 =	vadd.s32 v14, v10  }
0x417: {  	v14 =	vld [tilespmem:s26+$0xFFFFFE80];
	[tilespmem:s24+$0x0] =	vst v10  }
0x418: {  	v10 =	vadd.s32 v15, v16;
	v15 =	vld [tilespmem:s26+$0xFFFFFF00]  }
0x419: {  	v10 =	vadd.s32 v11, v10;
	v11 =	vld [tilespmem:s26+$0xFFFFFF80]  }
0x41a: {  	v10 =	vadd.s32 v12, v10;
	v12 =	vld [tilespmem:s26+$0x0]  }
0x41b: {  	v10 =	vadd.s32 v13, v10;
	v13 =	vld [tilespmem:s26+$0x80]  }
0x41c: {  	v10 =	vadd.s32 v14, v10;
	v14 =	vld [tilespmem:s26+$0x100]  }
.Ltmp32:
0x41d: {  	v15 =	vadd.s32 v15, v10;
	v10 =	vld [tilespmem:s26+$0x180];
	(pc) =	sbr.rel @p0 .LBB2_60-.Ltmp32, $4  }
0x41e: {  	v15 =	vadd.s32 v11, v15;
	v11 =	vld [tilespmem:s26+$0x200]  }
0x41f: {  	v15 =	vadd.s32 v12, v15;
	v12 =	vld [tilespmem:s26+$0x280]  }
0x420: {  	v15 =	vadd.s32 v13, v15;
	v13 =	vld [tilespmem:s26+$0x300]  }
0x421: {  	v15 =	vadd.s32 v14, v15;
	v14 =	vld [tilespmem:s26+$0x380];
	s26 =	sadd.s32 $0x20, s26  }
0x422: {  	v10 =	vadd.s32 v10, v15  }
0x423: {  	v10 =	vadd.s32 v11, v10  }
0x424: {  	v10 =	vadd.s32 v12, v10  }
0x425: {  	v10 =	vadd.s32 v13, v10  }
0x426: {  	v10 =	vadd.s32 v14, v10  }
0x427: {  	[tilespmem:s24+$0xFFFFFFF0] =	vst v10  }
0x428: {  	s0 =	simm.s32 $0x70;
	[tilespmem:$0x16F00] =	vst v1  }
0x429: {  	v10 =	vld [tilespmem:s0+$0x16E80];
	_ =	sdelay $0x4  }
0x42a: {  	v10 =	vperm.xlane v10, v4;
	_ =	sdelay $0x1  }
0x42b: {  	(xrf0) =	vadd.scan.msk.s32 $0xffff, v10;
	_ =	sdelay $0x5  }
0x42c: {  	v10, _, _ =	vpop (xrf0)  }
0x42d: {  	(v2sf) =	vpush v10, $0xF  }
0x42e: {  	v10 =	vperm.xlane v10, v4  }
0x42f: {  	s24 =	simm.s32 $0x0  }
0x430: {  	v10 =	vadd.s32 s24, v10  }
0x431: {  	s25 =	simm.s32 $0x60;
	[tilespmem:s0+$0x16E80] =	vst v10  }
0x432: {  	v10 =	vld [tilespmem:s25+$0x16E80];
	_ =	sdelay $0x4  }
0x433: {  	v10 =	vperm.xlane v10, v4;
	_ =	sdelay $0x1  }
0x434: {  	(xrf0) =	vadd.scan.msk.s32 $0xffff, v10;
	_ =	sdelay $0x2  }
0x435: {  	s26 =	simm.s32 $0x140;
	s28 =	spop (v2sf)  }
.LBB2_62:
0x436: {  	p0 =	seq.s32 s26, $0x0  }
0x437: {  	s24 =	sadd.s32 s24, s28;
	s0 =	smov.u32 s26;
	s26 =	sadd.s32 $0xFFFFFFC0, s26  }
0x438: {  	v10, _, _ =	vpop (xrf0)  }
0x439: {  	v11 =	vperm.xlane v10, v4;
	(v2sf) =	vpush v10, $0xF;
	_ =	sdelay $0x1  }
0x43a: {  	v10 =	vadd.s32 s24, v11  }
0x43b: {  	[tilespmem:s25+$0x16E80] =	vst v10;
	s25 =	sshra.s32 s0, $0x2  }
0x43c: {  	v10 =	vld [tilespmem:s25+$0x16E80];
	_ =	sdelay $0x4  }
0x43d: {  	v10 =	vperm.xlane v10, v4;
	_ =	sdelay $0x1  }
.Ltmp33:
0x43e: {  	(xrf0) =	vadd.scan.msk.s32 $0xffff, v10;
	(pc) =	sbr.rel @!p0 .LBB2_62-.Ltmp33, $2  }
0x43f: {  	_ =	sdelay $0x2  }
0x440: {  	s28 =	spop (v2sf)  }
0x441: {  	_ = 	snop  }
0x442: {  	v10, _, _ =	vpop (xrf0)  }
0x443: {  	(v2sf) =	vpush v10, $0xF;
	v10 =	vperm.xlane v10, v4  }
0x444: {  	s0 =	sadd.s32 s24, s28  }
0x445: {  	v10 =	vadd.s32 s0, v10  }
0x446: {  	s26 =	simm.s32 $0x16E80;
	[tilespmem:s25+$0x16E80] =	vst v10  }
0x447: {  	v11 =	vld [tilespmem:s26+$0x0];
	_ =	sdelay $0x3  }
0x448: {  	s0 =	simm.s32 $0x0;
	v10 =	vmov s23  }
0x449: {  	vm1 =	vlt.s32 v11, v10;
	v11 =	vor.u32 s0, v5  }
0x44a: {  	v11 =	vsel vm1, $0x7FFFFFFF, v11  }
0x44b: {  	(xrf0) =	vmax.scan.msk.u32 $0xffff, v11;
	_ =	sdelay $0x4  }
0x44c: {  	s0 =	simm.s32 $0x16E90  }
0x44d: {  	s29 =	simm.s32 $0x16EA0;
	v12 =	vld [tilespmem:s0+$0x0];
	v11, _, _ =	vpop (xrf0)  }
0x44e: {  	(v2sf) =	vpush v11, $0xF;
	v11 =	vld [tilespmem:s29+$0x0];
	_ =	sdelay $0x2  }
0x44f: {  	s30 =	simm.s32 $0x10;
	s31 =	spop (v2sf)  }
0x450: {  	v60 =	vor.u32 s30, v5;
	vm1 =	vlt.s32 v12, v10;
	s31 =	simm.s32 $0x20  }
0x451: {  	v12 =	vsel vm1, $0x7FFFFFFF, v60;
	vm1 =	vlt.s32 v11, v10;
	v11 =	vor.u32 s31, v5  }
0x452: {  	(xrf0) =	vmax.scan.msk.u32 $0xffff, v12;
	v11 =	vsel vm1, $0x7FFFFFFF, v11  }
0x453: {  	(xrf0) =	vmax.scan.msk.u32 $0xffff, v11;
	_ =	sdelay $0x3  }
0x454: {  	s26 =	simm.s32 $0x16EB0  }
0x455: {  	v61 =	vld [tilespmem:s26+$0x0];
	v13, _, _ =	vpop (xrf0)  }
0x456: {  	(v2sf) =	vpush v13, $0xF;
	v63, _, _ =	vpop (xrf0)  }
0x457: {  	(v2sf) =	vpush v63, $0xF;
	_ =	sdelay $0x1  }
0x458: {  	s30 =	simm.s32 $0x30;
	s29 =	simm.s32 $0x16EC0  }
0x459: {  	v62 =	vor.u32 s30, v5;
	vm1 =	vlt.s32 v61, v10;
	v11 =	vld [tilespmem:s29+$0x0]  }
0x45a: {  	v12 =	vsel vm1, $0x7FFFFFFF, v62  }
0x45b: {  	(xrf0) =	vmax.scan.msk.u32 $0xffff, v12;
	_ =	sdelay $0x1  }
0x45c: {  	s24 =	simm.s32 $0xFFFFFFFF;
	s31 =	simm.s32 $0x40  }
0x45d: {  	s25 =	simm.s32 $0x50;
	s26 =	simm.s32 $0x16ED0;
	vm1 =	vlt.s32 v11, v10;
	v11 =	vor.u32 s31, v5;
	s28 =	spop (v2sf)  }
.LBB2_64:
0x45e: {  	s0 =	smov.u32 s24;
	p0 =	sne.s32 s25, $0x70  }
0x45f: {  	v13 =	vsel vm1, $0x7FFFFFFF, v11;
	s24 =	sxor.u32 $0x80000000, s28;
	s28 =	smov.u32 s25;
	s25 =	sadd.s32 $0x10, s25;
	v12 =	vld [tilespmem:s26+$0x0]  }
.Ltmp34:
0x460: {  	p1 =	sgt.s32 s0, s24;
	(xrf0) =	vmax.scan.msk.u32 $0xffff, v13;
	v11, _, _ =	vpop (xrf0);
	(pc) =	sbr.rel @p0 .LBB2_64-.Ltmp34, $2  }
0x461: {  	s24 =	smov.u32 @p1 s0;
	(v2sf) =	vpush v11, $0xF;
	_ =	sdelay $0x2  }
0x462: {  	s26 =	sadd.s32 $0x10, s26;
	v11 =	vor.u32 s28, v5;
	vm1 =	vlt.s32 v12, v10;
	s28 =	spop (v2sf)  }
0x463: {  	v10 =	vsel vm1, $0x7FFFFFFF, v11  }
0x464: {  	(xrf0) =	vmax.scan.msk.u32 $0xffff, v10;
	_ =	sdelay $0x3  }
0x465: {  	v10, _, _ =	vpop (xrf0)  }
0x466: {  	(v2sf) =	vpush v10, $0xF  }
0x467: {  	v10, _, _ =	vpop (xrf0)  }
0x468: {  	(v2sf) =	vpush v10, $0xF;
	_ =	sdelay $0x7  }
0x469: {  	s0 =	sxor.u32 $0x80000000, s28  }
0x46a: {  	s25 =	spop (v2sf);
	p0 =	sgt.s32 s24, s0  }
0x46b: {  	s0 =	smov.u32 @p0 s24;
	s24 =	sxor.u32 $0x80000000, s25  }
0x46c: {  	p0 =	sgt.s32 s0, s24;
	s29 =	spop (v2sf)  }
0x46d: {  	s24 =	smov.u32 @p0 s0;
	s0 =	sxor.u32 $0x80000000, s29  }
0x46e: {  	p0 =	sgt.s32 s24, s0;
	s30 =	spop (v2sf)  }
0x46f: {  	s0 =	smov.u32 @p0 s24;
	s25 =	sxor.u32 $0x80000000, s30  }
0x470: {  	p0 =	sgt.s32 s0, s25;
	s31 =	spop (v2sf)  }
0x471: {  	s25 =	smov.u32 @p0 s0;
	s24 =	sxor.u32 $0x80000000, s31  }
0x472: {  	p0 =	sgt.s32 s25, s24  }
0x473: {  	s24 =	smov.u32 @p0 s25;
	s25 =	simm.s32 $0x14EC0  }
0x474: {  	v10 =	vld [tilespmem:s24+$0x16E81];
	[tilespmem:s25+$0xFFFFFFC0] =	vst v1  }
0x475: {  	[tilespmem:s25+$0x30] =	vst v1  }
0x476: {  	[tilespmem:s25+$0x20] =	vst v1  }
0x477: {  	[tilespmem:s25+$0x10] =	vst v1  }
0x478: {  	[tilespmem:s25+$0x0] =	vst v1  }
0x479: {  	[tilespmem:s25+$0xFFFFFFF0] =	vst v1  }
0x47a: {  	s26 =	simm.s32 $0x0;
	[tilespmem:s25+$0xFFFFFFE0] =	vst v1  }
.LBB2_66:
0x47b: {  	s26 =	sadd.s32 $0x8, s26;
	[tilespmem:s25+$0xFFFFFFD0] =	vst v1;
	s25 =	sadd.s32 $0x80, s25  }
0x47c: {  	[tilespmem:s25+$0xFFFFFFC0] =	vst v1;
	p0 =	slt.u32 s26, $0x78  }
0x47d: {  	[tilespmem:s25+$0x30] =	vst v1  }
.Ltmp35:
0x47e: {  	[tilespmem:s25+$0x20] =	vst v1;
	(pc) =	sbr.rel @p0 .LBB2_66-.Ltmp35, $4  }
0x47f: {  	[tilespmem:s25+$0x10] =	vst v1  }
0x480: {  	[tilespmem:s25+$0x0] =	vst v1  }
0x481: {  	[tilespmem:s25+$0xFFFFFFF0] =	vst v1  }
0x482: {  	[tilespmem:s25+$0xFFFFFFE0] =	vst v1  }
0x483: {  	s0 =	sshll.u32 s22, $0x7  }
0x484: {  	s24 =	sor.u32 s0, s24  }
0x485: {  	[tilespmem:s25+$0xFFFFFFD0] =	vst v1;
	s22 =	simm.s32 $0x0;
	v11 =	vmov s24  }
.LBB2_68:
0x486: {  	s0 =	sshra.s32 s22, $0x2  }
0x487: {  	v12 =	vld [tilespmem:s0+$0x0];
	_ =	sdelay $0x4  }
0x488: {  	v13 =	vshrl.u32 v12, $0xE;
	v12 =	vshrl.u32 v12, $0x7  }
0x489: {  	vm1 =	veq.s32 v13, v11;
	v12 =	vand.u32 $0x7F, v12  }
0x48a: {  	p0 =	sne.s32 s22, $0x4FFC0;
	v12 =	vor.u32 v9, v12  }
.Ltmp36:
0x48b: {  	_ = 	snop;
	(pc) =	sbr.rel @p0 .LBB2_68-.Ltmp36, $2  }
0x48c: {  	_ =	sdelay $0x2  }
0x48d: {  	s22 =	sadd.s32 $0x40, s22;
	[tilespmem:v12+s13+$0x0] =	vst.idx.add.s32.msk vm1, v3  }
0x48e: {  	s0 =	simm.s32 $0x15280  }
0x48f: {  	v11 =	vld [tilespmem:s0+$0xFFFFFC10]  }
0x490: {  	v12 =	vld [tilespmem:s0+$0xFFFFFC90]  }
0x491: {  	v13 =	vld [tilespmem:s0+$0xFFFFFD10]  }
0x492: {  	v14 =	vld [tilespmem:s0+$0xFFFFFD90]  }
0x493: {  	v15 =	vld [tilespmem:s0+$0xFFFFFE10]  }
0x494: {  	v16 =	vld [tilespmem:s0+$0xFFFFFE90]  }
0x495: {  	v17 =	vld [tilespmem:s0+$0xFFFFFF10]  }
0x496: {  	v18 =	vld [tilespmem:s0+$0xFFFFFF90]  }
0x497: {  	v19 =	vld [tilespmem:s0+$0x10]  }
0x498: {  	v20 =	vld [tilespmem:s0+$0x90]  }
0x499: {  	v21 =	vld [tilespmem:s0+$0x110]  }
0x49a: {  	v22 =	vld [tilespmem:s0+$0x190]  }
0x49b: {  	v23 =	vld [tilespmem:s0+$0x210]  }
0x49c: {  	v24 =	vld [tilespmem:s0+$0x290]  }
0x49d: {  	v25 =	vld [tilespmem:s0+$0x310]  }
0x49e: {  	v26 =	vld [tilespmem:s0+$0x390]  }
0x49f: {  	v11 =	vadd.s32 v11, v12;
	v12 =	vld [tilespmem:s0+$0xFFFFFC80]  }
0x4a0: {  	v11 =	vadd.s32 v13, v11;
	v13 =	vld [tilespmem:s0+$0xFFFFFC00]  }
0x4a1: {  	v11 =	vadd.s32 v14, v11;
	v14 =	vld [tilespmem:s0+$0xFFFFFD00]  }
0x4a2: {  	v11 =	vadd.s32 v15, v11;
	v15 =	vld [tilespmem:s0+$0xFFFFFD80]  }
0x4a3: {  	v11 =	vadd.s32 v16, v11;
	v16 =	vld [tilespmem:s0+$0xFFFFFE00]  }
0x4a4: {  	v11 =	vadd.s32 v17, v11;
	v17 =	vld [tilespmem:s0+$0xFFFFFE80]  }
0x4a5: {  	v11 =	vadd.s32 v18, v11;
	v12 =	vadd.s32 v13, v12;
	v13 =	vld [tilespmem:s0+$0xFFFFFF00]  }
0x4a6: {  	v11 =	vadd.s32 v19, v11;
	v12 =	vadd.s32 v14, v12;
	v14 =	vld [tilespmem:s0+$0xFFFFFF80]  }
0x4a7: {  	v11 =	vadd.s32 v20, v11;
	v12 =	vadd.s32 v15, v12;
	v15 =	vld [tilespmem:s0+$0x0]  }
0x4a8: {  	v11 =	vadd.s32 v21, v11;
	v12 =	vadd.s32 v16, v12;
	v16 =	vld [tilespmem:s0+$0x80]  }
0x4a9: {  	v11 =	vadd.s32 v22, v11;
	v12 =	vadd.s32 v17, v12;
	v17 =	vld [tilespmem:s0+$0x100]  }
0x4aa: {  	v18 =	vadd.s32 v23, v11;
	v12 =	vadd.s32 v13, v12;
	v11 =	vld [tilespmem:s0+$0x180]  }
0x4ab: {  	v13 =	vadd.s32 v24, v18;
	v14 =	vadd.s32 v14, v12;
	v12 =	vld [tilespmem:s0+$0x200]  }
0x4ac: {  	v18 =	vadd.s32 v25, v13;
	v14 =	vadd.s32 v15, v14;
	v13 =	vld [tilespmem:s0+$0x280]  }
0x4ad: {  	s22 =	simm.s32 $0x16E90;
	v15 =	vadd.s32 v26, v18;
	v16 =	vadd.s32 v16, v14;
	v14 =	vld [tilespmem:s0+$0x300]  }
0x4ae: {  	s25 =	simm.s32 $0x0;
	s26 =	simm.s32 $0x152A0;
	[tilespmem:s22+$0x0] =	vst v15;
	v16 =	vadd.s32 v17, v16;
	v15 =	vld [tilespmem:s0+$0x380]  }
.LBB2_70:
0x4af: {  	v17 =	vld [tilespmem:s26+$0xFFFFFC10];
	v11 =	vadd.s32 v11, v16  }
0x4b0: {  	s25 =	sadd.s32 $0x2, s25;
	v16 =	vld [tilespmem:s26+$0xFFFFFC90];
	v11 =	vadd.s32 v12, v11  }
0x4b1: {  	p0 =	slt.u32 s25, $0x6;
	v12 =	vld [tilespmem:s26+$0xFFFFFD10];
	v11 =	vadd.s32 v13, v11  }
0x4b2: {  	v13 =	vld [tilespmem:s26+$0xFFFFFD90];
	v11 =	vadd.s32 v14, v11  }
0x4b3: {  	v14 =	vld [tilespmem:s26+$0xFFFFFE10];
	v11 =	vadd.s32 v15, v11  }
0x4b4: {  	v15 =	vld [tilespmem:s26+$0xFFFFFE90];
	[tilespmem:s22+$0xFFFFFFF0] =	vst v11  }
0x4b5: {  	v11 =	vadd.s32 v17, v16;
	v16 =	vld [tilespmem:s26+$0xFFFFFF10]  }
0x4b6: {  	v11 =	vadd.s32 v12, v11;
	v12 =	vld [tilespmem:s26+$0xFFFFFF90]  }
0x4b7: {  	v11 =	vadd.s32 v13, v11;
	v13 =	vld [tilespmem:s26+$0x10]  }
0x4b8: {  	v11 =	vadd.s32 v14, v11;
	v14 =	vld [tilespmem:s26+$0x90]  }
0x4b9: {  	v11 =	vadd.s32 v15, v11;
	v15 =	vld [tilespmem:s26+$0x110]  }
0x4ba: {  	v11 =	vadd.s32 v16, v11;
	v16 =	vld [tilespmem:s26+$0x190]  }
0x4bb: {  	v11 =	vadd.s32 v12, v11;
	v12 =	vld [tilespmem:s26+$0x210]  }
0x4bc: {  	v11 =	vadd.s32 v13, v11;
	v13 =	vld [tilespmem:s26+$0x290]  }
0x4bd: {  	v11 =	vadd.s32 v14, v11;
	v14 =	vld [tilespmem:s26+$0x310]  }
0x4be: {  	v11 =	vadd.s32 v15, v11;
	v15 =	vld [tilespmem:s26+$0x390]  }
0x4bf: {  	v17 =	vld [tilespmem:s26+$0xFFFFFC80];
	v11 =	vadd.s32 v16, v11  }
0x4c0: {  	v16 =	vld [tilespmem:s26+$0xFFFFFC00];
	v11 =	vadd.s32 v12, v11  }
0x4c1: {  	v12 =	vld [tilespmem:s26+$0xFFFFFD00];
	v11 =	vadd.s32 v13, v11  }
0x4c2: {  	v13 =	vld [tilespmem:s26+$0xFFFFFD80];
	v11 =	vadd.s32 v14, v11  }
0x4c3: {  	s22 =	sadd.s32 $0x20, s22;
	v14 =	vld [tilespmem:s26+$0xFFFFFE00];
	v11 =	vadd.s32 v15, v11  }
0x4c4: {  	v15 =	vld [tilespmem:s26+$0xFFFFFE80];
	[tilespmem:s22+$0x0] =	vst v11  }
0x4c5: {  	v11 =	vadd.s32 v16, v17;
	v16 =	vld [tilespmem:s26+$0xFFFFFF00]  }
0x4c6: {  	v11 =	vadd.s32 v12, v11;
	v12 =	vld [tilespmem:s26+$0xFFFFFF80]  }
0x4c7: {  	v11 =	vadd.s32 v13, v11;
	v13 =	vld [tilespmem:s26+$0x0]  }
0x4c8: {  	v11 =	vadd.s32 v14, v11;
	v14 =	vld [tilespmem:s26+$0x80]  }
0x4c9: {  	v11 =	vadd.s32 v15, v11;
	v15 =	vld [tilespmem:s26+$0x100]  }
.Ltmp37:
0x4ca: {  	v16 =	vadd.s32 v16, v11;
	v11 =	vld [tilespmem:s26+$0x180];
	(pc) =	sbr.rel @p0 .LBB2_70-.Ltmp37, $4  }
0x4cb: {  	v16 =	vadd.s32 v12, v16;
	v12 =	vld [tilespmem:s26+$0x200]  }
0x4cc: {  	v16 =	vadd.s32 v13, v16;
	v13 =	vld [tilespmem:s26+$0x280]  }
0x4cd: {  	v16 =	vadd.s32 v14, v16;
	v14 =	vld [tilespmem:s26+$0x300]  }
0x4ce: {  	v16 =	vadd.s32 v15, v16;
	v15 =	vld [tilespmem:s26+$0x380];
	s26 =	sadd.s32 $0x20, s26  }
0x4cf: {  	v11 =	vadd.s32 v11, v16  }
0x4d0: {  	v11 =	vadd.s32 v12, v11  }
0x4d1: {  	v11 =	vadd.s32 v13, v11  }
0x4d2: {  	v11 =	vadd.s32 v14, v11  }
0x4d3: {  	v11 =	vadd.s32 v15, v11  }
0x4d4: {  	[tilespmem:s22+$0xFFFFFFF0] =	vst v11  }
0x4d5: {  	s0 =	simm.s32 $0x70;
	[tilespmem:$0x16F00] =	vst v1  }
0x4d6: {  	v11 =	vld [tilespmem:s0+$0x16E80];
	_ =	sdelay $0x4  }
0x4d7: {  	v11 =	vperm.xlane v11, v4;
	_ =	sdelay $0x1  }
0x4d8: {  	(xrf0) =	vadd.scan.msk.s32 $0xffff, v11;
	_ =	sdelay $0x5  }
0x4d9: {  	v11, _, _ =	vpop (xrf0)  }
0x4da: {  	(v2sf) =	vpush v11, $0xF  }
0x4db: {  	v11 =	vperm.xlane v11, v4  }
0x4dc: {  	s22 =	simm.s32 $0x0  }
0x4dd: {  	v11 =	vadd.s32 s22, v11  }
0x4de: {  	s25 =	simm.s32 $0x60;
	[tilespmem:s0+$0x16E80] =	vst v11  }
0x4df: {  	v11 =	vld [tilespmem:s25+$0x16E80];
	_ =	sdelay $0x4  }
0x4e0: {  	v11 =	vperm.xlane v11, v4;
	_ =	sdelay $0x1  }
0x4e1: {  	(xrf0) =	vadd.scan.msk.s32 $0xffff, v11;
	_ =	sdelay $0x2  }
0x4e2: {  	s26 =	simm.s32 $0x140;
	s28 =	spop (v2sf)  }
.LBB2_72:
0x4e3: {  	p0 =	seq.s32 s26, $0x0  }
0x4e4: {  	s22 =	sadd.s32 s22, s28;
	s0 =	smov.u32 s26;
	s26 =	sadd.s32 $0xFFFFFFC0, s26  }
0x4e5: {  	v11, _, _ =	vpop (xrf0)  }
0x4e6: {  	v12 =	vperm.xlane v11, v4;
	(v2sf) =	vpush v11, $0xF;
	_ =	sdelay $0x1  }
0x4e7: {  	v11 =	vadd.s32 s22, v12  }
0x4e8: {  	[tilespmem:s25+$0x16E80] =	vst v11;
	s25 =	sshra.s32 s0, $0x2  }
0x4e9: {  	v11 =	vld [tilespmem:s25+$0x16E80];
	_ =	sdelay $0x4  }
0x4ea: {  	v11 =	vperm.xlane v11, v4;
	_ =	sdelay $0x1  }
.Ltmp38:
0x4eb: {  	(xrf0) =	vadd.scan.msk.s32 $0xffff, v11;
	(pc) =	sbr.rel @!p0 .LBB2_72-.Ltmp38, $2  }
0x4ec: {  	_ =	sdelay $0x2  }
0x4ed: {  	s28 =	spop (v2sf)  }
0x4ee: {  	_ = 	snop  }
0x4ef: {  	v11, _, _ =	vpop (xrf0)  }
0x4f0: {  	(v2sf) =	vpush v11, $0xF  }
0x4f1: {  	(v2sf) =	vpush v10, $0x0;
	_ =	sdelay $0x8  }
0x4f2: {  	v11 =	vperm.xlane v11, v4  }
0x4f3: {  	s0 =	sadd.s32 s22, s28  }
0x4f4: {  	v11 =	vadd.s32 s0, v11  }
0x4f5: {  	s28 =	simm.s32 $0x16E80;
	[tilespmem:s25+$0x16E80] =	vst v11  }
0x4f6: {  	v11 =	vld [tilespmem:s28+$0x0]  }
0x4f7: {  	s30 =	spop (v2sf)  }
0x4f8: {  	s22 =	spop (v2sf)  }
0x4f9: {  	s23 =	ssub.s32 s23, s22  }
0x4fa: {  	s26 =	simm.s32 $0x0;
	v10 =	vmov s23  }
0x4fb: {  	vm1 =	vlt.s32 v11, v10;
	v11 =	vor.u32 s26, v5  }
0x4fc: {  	v11 =	vsel vm1, $0x7FFFFFFF, v11  }
0x4fd: {  	(xrf0) =	vmax.scan.msk.u32 $0xffff, v11;
	_ =	sdelay $0x4  }
0x4fe: {  	s0 =	simm.s32 $0x16E90  }
0x4ff: {  	s31 =	simm.s32 $0x16EA0;
	v12 =	vld [tilespmem:s0+$0x0];
	v11, _, _ =	vpop (xrf0)  }
0x500: {  	(v2sf) =	vpush v11, $0xF;
	v11 =	vld [tilespmem:s31+$0x0];
	_ =	sdelay $0x2  }
0x501: {  	s26 =	simm.s32 $0x10  }
0x502: {  	s30 =	simm.s32 $0x20;
	vm1 =	vlt.s32 v12, v10;
	v60 =	vor.u32 s26, v5  }
0x503: {  	v12 =	vsel vm1, $0x7FFFFFFF, v60;
	vm1 =	vlt.s32 v11, v10;
	v11 =	vor.u32 s30, v5  }
0x504: {  	(xrf0) =	vmax.scan.msk.u32 $0xffff, v12;
	v11 =	vsel vm1, $0x7FFFFFFF, v11  }
0x505: {  	(xrf0) =	vmax.scan.msk.u32 $0xffff, v11;
	_ =	sdelay $0x3  }
0x506: {  	s31 =	simm.s32 $0x16EB0  }
0x507: {  	v13, _, _ =	vpop (xrf0);
	v61 =	vld [tilespmem:s31+$0x0]  }
0x508: {  	(v2sf) =	vpush v13, $0xF;
	v63, _, _ =	vpop (xrf0)  }
0x509: {  	(v2sf) =	vpush v63, $0xF;
	_ =	sdelay $0x1  }
0x50a: {  	s26 =	simm.s32 $0x16EC0;
	s30 =	simm.s32 $0x30  }
0x50b: {  	vm1 =	vlt.s32 v61, v10;
	v62 =	vor.u32 s30, v5;
	v11 =	vld [tilespmem:s26+$0x0]  }
0x50c: {  	v12 =	vsel vm1, $0x7FFFFFFF, v62  }
0x50d: {  	(xrf0) =	vmax.scan.msk.u32 $0xffff, v12;
	_ =	sdelay $0x1  }
0x50e: {  	s25 =	simm.s32 $0xFFFFFFFF;
	s31 =	simm.s32 $0x40  }
0x50f: {  	s28 =	simm.s32 $0x16ED0;
	s26 =	simm.s32 $0x50;
	vm1 =	vlt.s32 v11, v10;
	v11 =	vor.u32 s31, v5;
	s29 =	spop (v2sf)  }
.LBB2_74:
0x510: {  	s0 =	smov.u32 s25;
	p0 =	sne.s32 s26, $0x70  }
0x511: {  	v13 =	vsel vm1, $0x7FFFFFFF, v11;
	s25 =	sxor.u32 $0x80000000, s29;
	s29 =	smov.u32 s26;
	s26 =	sadd.s32 $0x10, s26;
	v12 =	vld [tilespmem:s28+$0x0]  }
.Ltmp39:
0x512: {  	p1 =	sgt.s32 s0, s25;
	(xrf0) =	vmax.scan.msk.u32 $0xffff, v13;
	v11, _, _ =	vpop (xrf0);
	(pc) =	sbr.rel @p0 .LBB2_74-.Ltmp39, $2  }
0x513: {  	s25 =	smov.u32 @p1 s0;
	(v2sf) =	vpush v11, $0xF;
	_ =	sdelay $0x2  }
0x514: {  	s28 =	sadd.s32 $0x10, s28;
	v11 =	vor.u32 s29, v5;
	vm1 =	vlt.s32 v12, v10;
	s29 =	spop (v2sf)  }
0x515: {  	v10 =	vsel vm1, $0x7FFFFFFF, v11  }
0x516: {  	(xrf0) =	vmax.scan.msk.u32 $0xffff, v10;
	_ =	sdelay $0x3  }
0x517: {  	v10, _, _ =	vpop (xrf0)  }
0x518: {  	(v2sf) =	vpush v10, $0xF  }
0x519: {  	v10, _, _ =	vpop (xrf0)  }
0x51a: {  	(v2sf) =	vpush v10, $0xF;
	_ =	sdelay $0x7  }
0x51b: {  	s0 =	sxor.u32 $0x80000000, s29  }
0x51c: {  	s26 =	spop (v2sf);
	p0 =	sgt.s32 s25, s0  }
0x51d: {  	s0 =	smov.u32 @p0 s25;
	s25 =	sxor.u32 $0x80000000, s26  }
0x51e: {  	p0 =	sgt.s32 s0, s25;
	s29 =	spop (v2sf)  }
0x51f: {  	s25 =	smov.u32 @p0 s0;
	s0 =	sxor.u32 $0x80000000, s29  }
0x520: {  	p0 =	sgt.s32 s25, s0;
	s30 =	spop (v2sf)  }
0x521: {  	s0 =	smov.u32 @p0 s25;
	s26 =	sxor.u32 $0x80000000, s30  }
0x522: {  	p0 =	sgt.s32 s0, s26;
	s31 =	spop (v2sf)  }
0x523: {  	s26 =	smov.u32 @p0 s0;
	s25 =	sxor.u32 $0x80000000, s31  }
0x524: {  	p0 =	sgt.s32 s26, s25  }
0x525: {  	s25 =	smov.u32 @p0 s26;
	s26 =	simm.s32 $0x14EC0  }
0x526: {  	v10 =	vld [tilespmem:s25+$0x16E81];
	[tilespmem:s26+$0xFFFFFFC0] =	vst v1  }
0x527: {  	[tilespmem:s26+$0x30] =	vst v1  }
0x528: {  	[tilespmem:s26+$0x20] =	vst v1  }
0x529: {  	[tilespmem:s26+$0x10] =	vst v1  }
0x52a: {  	[tilespmem:s26+$0x0] =	vst v1  }
0x52b: {  	[tilespmem:s26+$0xFFFFFFF0] =	vst v1  }
0x52c: {  	s28 =	simm.s32 $0x0;
	[tilespmem:s26+$0xFFFFFFE0] =	vst v1  }
.LBB2_76:
0x52d: {  	s28 =	sadd.s32 $0x8, s28;
	[tilespmem:s26+$0xFFFFFFD0] =	vst v1;
	s26 =	sadd.s32 $0x80, s26  }
0x52e: {  	[tilespmem:s26+$0xFFFFFFC0] =	vst v1;
	p0 =	slt.u32 s28, $0x78  }
0x52f: {  	[tilespmem:s26+$0x30] =	vst v1  }
.Ltmp40:
0x530: {  	[tilespmem:s26+$0x20] =	vst v1;
	(pc) =	sbr.rel @p0 .LBB2_76-.Ltmp40, $4  }
0x531: {  	[tilespmem:s26+$0x10] =	vst v1  }
0x532: {  	[tilespmem:s26+$0x0] =	vst v1  }
0x533: {  	[tilespmem:s26+$0xFFFFFFF0] =	vst v1  }
0x534: {  	[tilespmem:s26+$0xFFFFFFE0] =	vst v1  }
0x535: {  	s0 =	sshll.u32 s24, $0x7  }
0x536: {  	s24 =	sor.u32 s0, s25  }
0x537: {  	[tilespmem:s26+$0xFFFFFFD0] =	vst v1;
	s25 =	simm.s32 $0x0;
	v11 =	vmov s24  }
.LBB2_78:
0x538: {  	s0 =	sshra.s32 s25, $0x2  }
0x539: {  	v12 =	vld [tilespmem:s0+$0x0];
	_ =	sdelay $0x4  }
0x53a: {  	v13 =	vshrl.u32 v12, $0x7  }
0x53b: {  	v12 =	vand.u32 $0x7F, v12;
	vm1 =	veq.s32 v13, v11  }
0x53c: {  	p0 =	sne.s32 s25, $0x4FFC0;
	v12 =	vor.u32 v9, v12  }
.Ltmp41:
0x53d: {  	_ = 	snop;
	(pc) =	sbr.rel @p0 .LBB2_78-.Ltmp41, $2  }
0x53e: {  	_ =	sdelay $0x2  }
0x53f: {  	s25 =	sadd.s32 $0x40, s25;
	[tilespmem:v12+s13+$0x0] =	vst.idx.add.s32.msk vm1, v3  }
0x540: {  	s0 =	simm.s32 $0x15280  }
0x541: {  	v9 =	vld [tilespmem:s0+$0xFFFFFC10]  }
0x542: {  	v11 =	vld [tilespmem:s0+$0xFFFFFC90]  }
0x543: {  	v12 =	vld [tilespmem:s0+$0xFFFFFD10]  }
0x544: {  	v13 =	vld [tilespmem:s0+$0xFFFFFD90]  }
0x545: {  	v14 =	vld [tilespmem:s0+$0xFFFFFE10]  }
0x546: {  	v15 =	vld [tilespmem:s0+$0xFFFFFE90]  }
0x547: {  	v16 =	vld [tilespmem:s0+$0xFFFFFF10]  }
0x548: {  	v17 =	vld [tilespmem:s0+$0xFFFFFF90]  }
0x549: {  	v18 =	vld [tilespmem:s0+$0x10]  }
0x54a: {  	v19 =	vld [tilespmem:s0+$0x90]  }
0x54b: {  	v20 =	vld [tilespmem:s0+$0x110]  }
0x54c: {  	v21 =	vld [tilespmem:s0+$0x190]  }
0x54d: {  	v22 =	vld [tilespmem:s0+$0x210]  }
0x54e: {  	v23 =	vld [tilespmem:s0+$0x290]  }
0x54f: {  	v24 =	vld [tilespmem:s0+$0x310]  }
0x550: {  	v25 =	vld [tilespmem:s0+$0x390]  }
0x551: {  	v9 =	vadd.s32 v9, v11;
	v11 =	vld [tilespmem:s0+$0xFFFFFC80]  }
0x552: {  	v9 =	vadd.s32 v12, v9;
	v12 =	vld [tilespmem:s0+$0xFFFFFC00]  }
0x553: {  	v9 =	vadd.s32 v13, v9;
	v13 =	vld [tilespmem:s0+$0xFFFFFD00]  }
0x554: {  	v9 =	vadd.s32 v14, v9;
	v14 =	vld [tilespmem:s0+$0xFFFFFD80]  }
0x555: {  	v9 =	vadd.s32 v15, v9;
	v15 =	vld [tilespmem:s0+$0xFFFFFE00]  }
0x556: {  	v9 =	vadd.s32 v16, v9;
	v16 =	vld [tilespmem:s0+$0xFFFFFE80]  }
0x557: {  	v9 =	vadd.s32 v17, v9;
	v11 =	vadd.s32 v12, v11;
	v12 =	vld [tilespmem:s0+$0xFFFFFF00]  }
0x558: {  	v9 =	vadd.s32 v18, v9;
	v11 =	vadd.s32 v13, v11;
	v13 =	vld [tilespmem:s0+$0xFFFFFF80]  }
0x559: {  	v9 =	vadd.s32 v19, v9;
	v11 =	vadd.s32 v14, v11;
	v14 =	vld [tilespmem:s0+$0x0]  }
0x55a: {  	v9 =	vadd.s32 v20, v9;
	v11 =	vadd.s32 v15, v11;
	v15 =	vld [tilespmem:s0+$0x80]  }
0x55b: {  	v9 =	vadd.s32 v21, v9;
	v11 =	vadd.s32 v16, v11;
	v16 =	vld [tilespmem:s0+$0x100]  }
0x55c: {  	v17 =	vadd.s32 v22, v9;
	v11 =	vadd.s32 v12, v11;
	v9 =	vld [tilespmem:s0+$0x180]  }
0x55d: {  	v12 =	vadd.s32 v23, v17;
	v13 =	vadd.s32 v13, v11;
	v11 =	vld [tilespmem:s0+$0x200]  }
0x55e: {  	v17 =	vadd.s32 v24, v12;
	v13 =	vadd.s32 v14, v13;
	v12 =	vld [tilespmem:s0+$0x280]  }
0x55f: {  	s25 =	simm.s32 $0x16E90;
	v14 =	vadd.s32 v25, v17;
	v15 =	vadd.s32 v15, v13;
	v13 =	vld [tilespmem:s0+$0x300]  }
0x560: {  	s26 =	simm.s32 $0x0;
	s28 =	simm.s32 $0x152A0;
	[tilespmem:s25+$0x0] =	vst v14;
	v15 =	vadd.s32 v16, v15;
	v14 =	vld [tilespmem:s0+$0x380]  }
.LBB2_80:
0x561: {  	v16 =	vld [tilespmem:s28+$0xFFFFFC10];
	v9 =	vadd.s32 v9, v15  }
0x562: {  	s26 =	sadd.s32 $0x2, s26;
	v15 =	vld [tilespmem:s28+$0xFFFFFC90];
	v9 =	vadd.s32 v11, v9  }
0x563: {  	p0 =	slt.u32 s26, $0x6;
	v11 =	vld [tilespmem:s28+$0xFFFFFD10];
	v9 =	vadd.s32 v12, v9  }
0x564: {  	v12 =	vld [tilespmem:s28+$0xFFFFFD90];
	v9 =	vadd.s32 v13, v9  }
0x565: {  	v13 =	vld [tilespmem:s28+$0xFFFFFE10];
	v9 =	vadd.s32 v14, v9  }
0x566: {  	v14 =	vld [tilespmem:s28+$0xFFFFFE90];
	[tilespmem:s25+$0xFFFFFFF0] =	vst v9  }
0x567: {  	v9 =	vadd.s32 v16, v15;
	v15 =	vld [tilespmem:s28+$0xFFFFFF10]  }
0x568: {  	v9 =	vadd.s32 v11, v9;
	v11 =	vld [tilespmem:s28+$0xFFFFFF90]  }
0x569: {  	v9 =	vadd.s32 v12, v9;
	v12 =	vld [tilespmem:s28+$0x10]  }
0x56a: {  	v9 =	vadd.s32 v13, v9;
	v13 =	vld [tilespmem:s28+$0x90]  }
0x56b: {  	v9 =	vadd.s32 v14, v9;
	v14 =	vld [tilespmem:s28+$0x110]  }
0x56c: {  	v9 =	vadd.s32 v15, v9;
	v15 =	vld [tilespmem:s28+$0x190]  }
0x56d: {  	v9 =	vadd.s32 v11, v9;
	v11 =	vld [tilespmem:s28+$0x210]  }
0x56e: {  	v9 =	vadd.s32 v12, v9;
	v12 =	vld [tilespmem:s28+$0x290]  }
0x56f: {  	v9 =	vadd.s32 v13, v9;
	v13 =	vld [tilespmem:s28+$0x310]  }
0x570: {  	v9 =	vadd.s32 v14, v9;
	v14 =	vld [tilespmem:s28+$0x390]  }
0x571: {  	v16 =	vld [tilespmem:s28+$0xFFFFFC80];
	v9 =	vadd.s32 v15, v9  }
0x572: {  	v15 =	vld [tilespmem:s28+$0xFFFFFC00];
	v9 =	vadd.s32 v11, v9  }
0x573: {  	v11 =	vld [tilespmem:s28+$0xFFFFFD00];
	v9 =	vadd.s32 v12, v9  }
0x574: {  	v12 =	vld [tilespmem:s28+$0xFFFFFD80];
	v9 =	vadd.s32 v13, v9  }
0x575: {  	s25 =	sadd.s32 $0x20, s25;
	v13 =	vld [tilespmem:s28+$0xFFFFFE00];
	v9 =	vadd.s32 v14, v9  }
0x576: {  	v14 =	vld [tilespmem:s28+$0xFFFFFE80];
	[tilespmem:s25+$0x0] =	vst v9  }
0x577: {  	v9 =	vadd.s32 v15, v16;
	v15 =	vld [tilespmem:s28+$0xFFFFFF00]  }
0x578: {  	v9 =	vadd.s32 v11, v9;
	v11 =	vld [tilespmem:s28+$0xFFFFFF80]  }
0x579: {  	v9 =	vadd.s32 v12, v9;
	v12 =	vld [tilespmem:s28+$0x0]  }
0x57a: {  	v9 =	vadd.s32 v13, v9;
	v13 =	vld [tilespmem:s28+$0x80]  }
0x57b: {  	v9 =	vadd.s32 v14, v9;
	v14 =	vld [tilespmem:s28+$0x100]  }
.Ltmp42:
0x57c: {  	v15 =	vadd.s32 v15, v9;
	v9 =	vld [tilespmem:s28+$0x180];
	(pc) =	sbr.rel @p0 .LBB2_80-.Ltmp42, $4  }
0x57d: {  	v15 =	vadd.s32 v11, v15;
	v11 =	vld [tilespmem:s28+$0x200]  }
0x57e: {  	v15 =	vadd.s32 v12, v15;
	v12 =	vld [tilespmem:s28+$0x280]  }
0x57f: {  	v15 =	vadd.s32 v13, v15;
	v13 =	vld [tilespmem:s28+$0x300]  }
0x580: {  	v15 =	vadd.s32 v14, v15;
	v14 =	vld [tilespmem:s28+$0x380];
	s28 =	sadd.s32 $0x20, s28  }
0x581: {  	v9 =	vadd.s32 v9, v15  }
0x582: {  	v9 =	vadd.s32 v11, v9  }
0x583: {  	v9 =	vadd.s32 v12, v9  }
0x584: {  	v9 =	vadd.s32 v13, v9  }
0x585: {  	v9 =	vadd.s32 v14, v9  }
0x586: {  	[tilespmem:s25+$0xFFFFFFF0] =	vst v9  }
0x587: {  	s0 =	simm.s32 $0x70;
	[tilespmem:$0x16F00] =	vst v1  }
0x588: {  	v9 =	vld [tilespmem:s0+$0x16E80];
	_ =	sdelay $0x4  }
0x589: {  	v9 =	vperm.xlane v9, v4;
	_ =	sdelay $0x1  }
0x58a: {  	(xrf0) =	vadd.scan.msk.s32 $0xffff, v9;
	_ =	sdelay $0x5  }
0x58b: {  	v9, _, _ =	vpop (xrf0)  }
0x58c: {  	(v2sf) =	vpush v9, $0xF  }
0x58d: {  	v9 =	vperm.xlane v9, v4  }
0x58e: {  	s25 =	simm.s32 $0x0  }
0x58f: {  	v9 =	vadd.s32 s25, v9  }
0x590: {  	s26 =	simm.s32 $0x60;
	[tilespmem:s0+$0x16E80] =	vst v9  }
0x591: {  	v9 =	vld [tilespmem:s26+$0x16E80];
	_ =	sdelay $0x4  }
0x592: {  	v9 =	vperm.xlane v9, v4;
	_ =	sdelay $0x1  }
0x593: {  	(xrf0) =	vadd.scan.msk.s32 $0xffff, v9;
	_ =	sdelay $0x2  }
0x594: {  	s28 =	simm.s32 $0x140;
	s29 =	spop (v2sf)  }
.LBB2_82:
0x595: {  	p0 =	seq.s32 s28, $0x0  }
0x596: {  	s25 =	sadd.s32 s25, s29;
	s0 =	smov.u32 s28;
	s28 =	sadd.s32 $0xFFFFFFC0, s28  }
0x597: {  	v9, _, _ =	vpop (xrf0)  }
0x598: {  	v11 =	vperm.xlane v9, v4;
	(v2sf) =	vpush v9, $0xF;
	_ =	sdelay $0x1  }
0x599: {  	v9 =	vadd.s32 s25, v11  }
0x59a: {  	[tilespmem:s26+$0x16E80] =	vst v9;
	s26 =	sshra.s32 s0, $0x2  }
0x59b: {  	v9 =	vld [tilespmem:s26+$0x16E80];
	_ =	sdelay $0x4  }
0x59c: {  	v9 =	vperm.xlane v9, v4;
	_ =	sdelay $0x1  }
.Ltmp43:
0x59d: {  	(xrf0) =	vadd.scan.msk.s32 $0xffff, v9;
	(pc) =	sbr.rel @!p0 .LBB2_82-.Ltmp43, $2  }
0x59e: {  	_ =	sdelay $0x2  }
0x59f: {  	s29 =	spop (v2sf)  }
0x5a0: {  	_ = 	snop  }
0x5a1: {  	v9, _, _ =	vpop (xrf0)  }
0x5a2: {  	(v2sf) =	vpush v9, $0xF  }
0x5a3: {  	(v2sf) =	vpush v10, $0x0;
	_ =	sdelay $0x8  }
0x5a4: {  	v9 =	vperm.xlane v9, v4  }
0x5a5: {  	s0 =	sadd.s32 s25, s29  }
0x5a6: {  	v9 =	vadd.s32 s0, v9  }
0x5a7: {  	s28 =	simm.s32 $0x16E80;
	[tilespmem:s26+$0x16E80] =	vst v9  }
0x5a8: {  	v10 =	vld [tilespmem:s28+$0x0]  }
0x5a9: {  	s31 =	spop (v2sf)  }
0x5aa: {  	s25 =	spop (v2sf)  }
0x5ab: {  	s0 =	ssub.s32 s23, s25  }
0x5ac: {  	v9 =	vmov s0;
	s0 =	simm.s32 $0x0  }
0x5ad: {  	vm1 =	vlt.s32 v10, v9;
	v10 =	vor.u32 s0, v5  }
0x5ae: {  	v10 =	vsel vm1, $0x7FFFFFFF, v10  }
0x5af: {  	(xrf0) =	vmax.scan.msk.u32 $0xffff, v10;
	_ =	sdelay $0x4  }
0x5b0: {  	s30 =	simm.s32 $0x16E90  }
0x5b1: {  	v11 =	vld [tilespmem:s30+$0x0];
	s31 =	simm.s32 $0x16EA0;
	v10, _, _ =	vpop (xrf0)  }
0x5b2: {  	(v2sf) =	vpush v10, $0xF;
	v10 =	vld [tilespmem:s31+$0x0];
	_ =	sdelay $0x2  }
0x5b3: {  	s26 =	simm.s32 $0x10  }
0x5b4: {  	s30 =	simm.s32 $0x20;
	vm1 =	vlt.s32 v11, v9;
	v11 =	vor.u32 s26, v5  }
0x5b5: {  	v11 =	vsel vm1, $0x7FFFFFFF, v11;
	vm1 =	vlt.s32 v10, v9;
	v10 =	vor.u32 s30, v5  }
0x5b6: {  	(xrf0) =	vmax.scan.msk.u32 $0xffff, v11;
	v10 =	vsel vm1, $0x7FFFFFFF, v10  }
0x5b7: {  	(xrf0) =	vmax.scan.msk.u32 $0xffff, v10;
	_ =	sdelay $0x3  }
0x5b8: {  	s31 =	simm.s32 $0x16EB0  }
0x5b9: {  	v12, _, _ =	vpop (xrf0);
	v11 =	vld [tilespmem:s31+$0x0]  }
0x5ba: {  	(v2sf) =	vpush v12, $0xF;
	v63, _, _ =	vpop (xrf0)  }
0x5bb: {  	(v2sf) =	vpush v63, $0xF;
	_ =	sdelay $0x1  }
0x5bc: {  	s26 =	simm.s32 $0x16EC0;
	s30 =	simm.s32 $0x30  }
0x5bd: {  	vm1 =	vlt.s32 v11, v9;
	v11 =	vor.u32 s30, v5;
	v10 =	vld [tilespmem:s26+$0x0]  }
0x5be: {  	v11 =	vsel vm1, $0x7FFFFFFF, v11  }
0x5bf: {  	(xrf0) =	vmax.scan.msk.u32 $0xffff, v11;
	_ =	sdelay $0x1  }
0x5c0: {  	s28 =	simm.s32 $0x16ED0;
	s31 =	simm.s32 $0x40  }
0x5c1: {  	s23 =	simm.s32 $0xFFFFFFFF;
	s26 =	simm.s32 $0x50;
	vm1 =	vlt.s32 v10, v9;
	v10 =	vor.u32 s31, v5;
	s29 =	spop (v2sf)  }
.LBB2_84:
0x5c2: {  	s0 =	smov.u32 s23;
	p0 =	sne.s32 s26, $0x70  }
0x5c3: {  	v12 =	vsel vm1, $0x7FFFFFFF, v10;
	s23 =	sxor.u32 $0x80000000, s29;
	s29 =	smov.u32 s26;
	s26 =	sadd.s32 $0x10, s26;
	v11 =	vld [tilespmem:s28+$0x0]  }
.Ltmp44:
0x5c4: {  	p1 =	sgt.s32 s0, s23;
	(xrf0) =	vmax.scan.msk.u32 $0xffff, v12;
	v10, _, _ =	vpop (xrf0);
	(pc) =	sbr.rel @p0 .LBB2_84-.Ltmp44, $2  }
0x5c5: {  	s23 =	smov.u32 @p1 s0;
	(v2sf) =	vpush v10, $0xF;
	_ =	sdelay $0x2  }
0x5c6: {  	s28 =	sadd.s32 $0x10, s28;
	v10 =	vor.u32 s29, v5;
	vm1 =	vlt.s32 v11, v9;
	s29 =	spop (v2sf)  }
0x5c7: {  	v9 =	vsel vm1, $0x7FFFFFFF, v10  }
0x5c8: {  	(xrf0) =	vmax.scan.msk.u32 $0xffff, v9;
	_ =	sdelay $0x3  }
0x5c9: {  	v9, _, _ =	vpop (xrf0)  }
0x5ca: {  	(v2sf) =	vpush v9, $0xF  }
0x5cb: {  	v9, _, _ =	vpop (xrf0)  }
0x5cc: {  	(v2sf) =	vpush v9, $0xF;
	_ =	sdelay $0x6  }
0x5cd: {  	s0 =	sxor.u32 $0x80000000, s29  }
0x5ce: {  	s26 =	spop (v2sf);
	p0 =	sgt.s32 s23, s0  }
0x5cf: {  	s0 =	smov.u32 @p0 s23;
	s23 =	sxor.u32 $0x80000000, s26  }
0x5d0: {  	p0 =	sgt.s32 s0, s23;
	s30 =	spop (v2sf)  }
0x5d1: {  	s23 =	smov.u32 @p0 s0;
	s0 =	sxor.u32 $0x80000000, s30  }
0x5d2: {  	p0 =	sgt.s32 s23, s0  }
0x5d3: {  	s0 =	smov.u32 @p0 s23;
	s23 =	simm.s32 $0x0;
	s31 =	spop (v2sf)  }
0x5d4: {  	v10 =	vld [tilespmem:s23+$0x0];
	s26 =	sxor.u32 $0x80000000, s31  }
0x5d5: {  	p0 =	sgt.s32 s0, s26;
	s28 =	spop (v2sf)  }
0x5d6: {  	s26 =	smov.u32 @p0 s0;
	s0 =	sxor.u32 $0x80000000, s28  }
0x5d7: {  	p0 =	sgt.s32 s26, s0  }
0x5d8: {  	s24 =	sshll.u32 s24, $0x7;
	s0 =	smov.u32 @p0 s26  }
0x5d9: {  	v11 =	vshrl.u32 v10, $0x15;
	s24 =	sor.u32 s24, s0  }
0x5da: {  	vm3 =	vmmov vm0;
	vm1 =	veq.s32 v11, v8;
	p0 =	por $0x1, $0x1;
	v9 =	vmov s24  }
0x5db: {  	vm3 =	vmneg @p0 vm3;
	vm2 =	vgt.u32 v10, v9;
	vm4 =	veq.s32 v10, v9  }
0x5dc: {  	vm2 =	vmand vm2, vm1;
	vm3 =	vmand vm3, vm4  }
0x5dd: {  	v11 =	vmpcnt.ones.xlane vm2;
	vm1 =	vmand vm3, vm1  }
0x5de: {  	v12 =	vmpcnt.ones.xlane vm1  }
0x5df: {  	(v2sf) =	vpush v11, $0x0  }
0x5e0: {  	(v2sf) =	vpush v12, $0x0;
	_ =	sdelay $0x8  }
0x5e1: {  	v11 =	vor.u32 s23, v0  }
0x5e2: {  	v10 =	vld [tilespmem:s0+$0x16E81];
	[tilespmem:s21+$0x17100] =	vst.msk vm2, v11  }
0x5e3: {  	s24 =	simm.s32 $0x10;
	[tilespmem:s23+$0x17380] =	vst.msk vm1, v11  }
0x5e4: {  	v11 =	vld [tilespmem:s24+$0x0];
	_ =	sdelay $0x1  }
0x5e5: {  	s28 =	simm.s32 $0x10;
	s26 =	simm.s32 $0x20;
	s29 =	spop (v2sf)  }
.LBB2_86:
0x5e6: {  	p0 =	sne.s32 s26, $0x13FF0;
	s21 =	sadd.s32 s21, s29;
	s0 =	spop (v2sf)  }
0x5e7: {  	s23 =	sadd.s32 s23, s0;
	s0 =	smov.u32 s26;
	s26 =	sadd.s32 $0x10, s26  }
0x5e8: {  	vm4 =	vmmov vm0;
	v12 =	vshrl.u32 v11, $0x15;
	vm1 =	veq.s32 v11, v9;
	p1 =	slt.s32 s23, $0x130  }
0x5e9: {  	vm3 =	vgt.u32 v11, v9;
	vm2 =	veq.s32 v12, v8;
	vm4 =	vmneg @p1 vm4  }
0x5ea: {  	v11 =	vor.u32 s24, v0;
	s24 =	smov.u32 s0;
	vm3 =	vmand vm3, vm2;
	vm1 =	vmand vm4, vm1  }
0x5eb: {  	vm1 =	vmand vm1, vm2;
	[tilespmem:s21+$0x17100] =	vst.msk vm3, v11;
	v12 =	vmpcnt.ones.xlane vm3  }
0x5ec: {  	[tilespmem:s23+$0x17380] =	vst.msk vm1, v11;
	v11 =	vmpcnt.ones.xlane vm1  }
0x5ed: {  	(v2sf) =	vpush v12, $0x0  }
0x5ee: {  	(v2sf) =	vpush v11, $0x0;
	_ =	sdelay $0x9  }
.Ltmp45:
0x5ef: {  	(pc) =	sbr.rel @p0 .LBB2_86-.Ltmp45, $3  }
0x5f0: {  	s28 =	sadd.s32 $0x10, s28  }
0x5f1: {  	v11 =	vld [tilespmem:s28+$0x0];
	_ =	sdelay $0x1  }
0x5f2: {  	s29 =	spop (v2sf)  }
0x5f3: {  	s0 =	spop (v2sf)  }
0x5f4: {  	s0 =	sadd.s32 s23, s0  }
0x5f5: {  	vm2 =	vmmov vm0;
	v12 =	vshrl.u32 v11, $0x15;
	p0 =	slt.s32 s0, $0x130;
	vm3 =	veq.s32 v11, v9  }
0x5f6: {  	vm4 =	vgt.u32 v11, v9;
	vm1 =	veq.s32 v12, v8;
	vm2 =	vmneg @p0 vm2  }
0x5f7: {  	vm4 =	vmand vm4, vm1;
	vm2 =	vmand vm2, vm3  }
0x5f8: {  	vm1 =	vmand vm2, vm1;
	v8 =	vmpcnt.ones.xlane vm4  }
0x5f9: {  	v63 =	vmpcnt.ones.xlane vm1  }
0x5fa: {  	(v2sf) =	vpush v8, $0x0  }
0x5fb: {  	(v2sf) =	vpush v63, $0x0  }
0x5fc: {  	(v2sf) =	vpush v10, $0x0;
	_ =	sdelay $0xc  }
0x5fd: {  	s28 =	spop (v2sf)  }
0x5fe: {  	s21 =	sadd.s32 s21, s29;
	v8 =	vor.u32 s24, v0;
	s30 =	spop (v2sf)  }
0x5ff: {  	s22 =	sadd.s32 s22, s25;
	[tilespmem:s21+$0x17100] =	vst.msk vm4, v8;
	s31 =	spop (v2sf)  }
0x600: {  	[tilespmem:s0+$0x17380] =	vst.msk vm1, v8;
	s21 =	sadd.s32 s31, s22  }
.LBB2_88:
0x601: {  	s0 =	sadd.s32 s21, s20  }
0x602: {  	s20 =	simm.s32 $0x0;
	s0 =	sadd.s32 $0x17100, s0  }
0x603: {  	s21 =	simm.s32 $0x40;
	v9 =	vld [tilespmem:s20+$0x17380];
	v8 =	vmov s0  }
.LBB2_89:
0x604: {  	p0 =	sne.s32 s21, $0x480  }
.Ltmp46:
0x605: {  	_ = 	snop;
	(pc) =	sbr.rel @p0 .LBB2_89-.Ltmp46, $3  }
0x606: {  	_ =	sdelay $0x1  }
0x607: {  	[tilespmem:v8+s20+$0x0 ss:$0x1] =	vst.idx.msk $0xffff, v9;
	s20 =	sshra.s32 s21, $0x2;
	s21 =	sadd.s32 $0x40, s21  }
0x608: {  	v9 =	vld [tilespmem:s20+$0x17380]  }
0x609: {  	_ =	sdelay $0x3  }
0x60a: {  	[tilespmem:v8+s20+$0x0 ss:$0x1] =	vst.idx.msk $0xffff, v9;
	v8 =	vadd.s32 $0x13FEC, v0  }
0x60b: {  	s21 =	simm.s32 $0x0;
	[tilespmem:$0x1722C] =	vst v8  }
0x60c: {  	v8 =	vld [tilespmem:s21+$0x17100];
	_ =	sdelay $0x6  }
0x60d: {  	s20 =	simm.s32 $0x0  }
0x60e: {  	v9 =	vld.idx.msk [tilespmem:v8+s20+$0x0], $0xffff;
	_ =	sdelay $0x4  }
0x60f: {  	(v2sf) =	vpush v9, $0x0  }
0x610: {  	(v2sf) =	vpush v8, $0x0  }
0x611: {  	(v2sf) =	vpush v9, $0x1  }
0x612: {  	(v2sf) =	vpush v8, $0x1  }
0x613: {  	(v2sf) =	vpush v9, $0x2  }
0x614: {  	(v2sf) =	vpush v8, $0x2  }
0x615: {  	(v2sf) =	vpush v9, $0x3  }
0x616: {  	(v2sf) =	vpush v8, $0x3  }
0x617: {  	(v2sf) =	vpush v9, $0x4  }
0x618: {  	(v2sf) =	vpush v8, $0x4  }
0x619: {  	(v2sf) =	vpush v9, $0x5  }
0x61a: {  	(v2sf) =	vpush v8, $0x5  }
0x61b: {  	(v2sf) =	vpush v9, $0x6  }
0x61c: {  	(v2sf) =	vpush v8, $0x6  }
0x61d: {  	(v2sf) =	vpush v9, $0x7  }
0x61e: {  	s0 =	spop (v2sf);
	(v2sf) =	vpush v8, $0x7  }
0x61f: {  	s22 =	simm.s32 $0x40;
	[smem:s21] =	sst s0;
	s23 =	spop (v2sf);
	(v2sf) =	vpush v9, $0x8  }
.LBB2_91:
0x620: {  	p0 =	sne.s32 s22, $0x480;
	[smem:s21+$0x180] =	sst s23;
	s0 =	spop (v2sf);
	(v2sf) =	vpush v8, $0x8  }
0x621: {  	s23 =	sshra.s32 s22, $0x2;
	[smem:s21+$0x1] =	sst s0;
	s0 =	spop (v2sf);
	(v2sf) =	vpush v9, $0x9  }
0x622: {  	v10 =	vld [tilespmem:s23+$0x17100];
	[smem:s21+$0x181] =	sst s0;
	s0 =	spop (v2sf);
	(v2sf) =	vpush v8, $0x9  }
0x623: {  	[smem:s21+$0x2] =	sst s0;
	s0 =	spop (v2sf);
	(v2sf) =	vpush v9, $0xA  }
0x624: {  	[smem:s21+$0x182] =	sst s0;
	s0 =	spop (v2sf);
	(v2sf) =	vpush v8, $0xA  }
0x625: {  	[smem:s21+$0x3] =	sst s0;
	s0 =	spop (v2sf);
	(v2sf) =	vpush v9, $0xB  }
0x626: {  	[smem:s21+$0x183] =	sst s0;
	s0 =	spop (v2sf);
	(v2sf) =	vpush v8, $0xB  }
0x627: {  	[smem:s21+$0x4] =	sst s0;
	s0 =	spop (v2sf);
	(v2sf) =	vpush v9, $0xC  }
0x628: {  	[smem:s21+$0x184] =	sst s0;
	s0 =	spop (v2sf);
	(v2sf) =	vpush v8, $0xC  }
0x629: {  	[smem:s21+$0x5] =	sst s0;
	s0 =	spop (v2sf);
	(v2sf) =	vpush v9, $0xD  }
0x62a: {  	v11 =	vld.idx.msk [tilespmem:v10+s20+$0x0], $0xffff;
	[smem:s21+$0x185] =	sst s0;
	s0 =	spop (v2sf);
	(v2sf) =	vpush v8, $0xD  }
0x62b: {  	[smem:s21+$0x6] =	sst s0;
	s0 =	spop (v2sf);
	(v2sf) =	vpush v9, $0xE  }
0x62c: {  	[smem:s21+$0x186] =	sst s0;
	s0 =	spop (v2sf);
	(v2sf) =	vpush v8, $0xE  }
0x62d: {  	[smem:s21+$0x7] =	sst s0;
	s0 =	spop (v2sf);
	(v2sf) =	vpush v9, $0xF  }
0x62e: {  	[smem:s21+$0x187] =	sst s0;
	s0 =	spop (v2sf);
	(v2sf) =	vpush v8, $0xF;
	v8 =	vmov v10  }
0x62f: {  	[smem:s21+$0x8] =	sst s0;
	s0 =	spop (v2sf)  }
0x630: {  	v9 =	vmov v11;
	(v2sf) =	vpush v11, $0x0;
	[smem:s21+$0x188] =	sst s0;
	s0 =	spop (v2sf)  }
0x631: {  	(v2sf) =	vpush v8, $0x0;
	[smem:s21+$0x9] =	sst s0;
	s0 =	spop (v2sf)  }
0x632: {  	(v2sf) =	vpush v9, $0x1;
	[smem:s21+$0x189] =	sst s0;
	s0 =	spop (v2sf)  }
0x633: {  	(v2sf) =	vpush v8, $0x1;
	[smem:s21+$0xA] =	sst s0;
	s0 =	spop (v2sf)  }
0x634: {  	(v2sf) =	vpush v9, $0x2;
	[smem:s21+$0x18A] =	sst s0;
	s0 =	spop (v2sf)  }
0x635: {  	(v2sf) =	vpush v8, $0x2;
	[smem:s21+$0xB] =	sst s0;
	s0 =	spop (v2sf)  }
0x636: {  	(v2sf) =	vpush v9, $0x3;
	[smem:s21+$0x18B] =	sst s0;
	s0 =	spop (v2sf)  }
0x637: {  	(v2sf) =	vpush v8, $0x3;
	[smem:s21+$0xC] =	sst s0;
	s0 =	spop (v2sf)  }
0x638: {  	(v2sf) =	vpush v9, $0x4;
	[smem:s21+$0x18C] =	sst s0;
	s0 =	spop (v2sf)  }
0x639: {  	(v2sf) =	vpush v8, $0x4;
	[smem:s21+$0xD] =	sst s0;
	s0 =	spop (v2sf)  }
0x63a: {  	(v2sf) =	vpush v9, $0x5;
	[smem:s21+$0x18D] =	sst s0;
	s0 =	spop (v2sf)  }
0x63b: {  	(v2sf) =	vpush v8, $0x5;
	[smem:s21+$0xE] =	sst s0;
	s0 =	spop (v2sf)  }
0x63c: {  	[smem:s21+$0x18E] =	sst s0  }
.Ltmp47:
0x63d: {  	(v2sf) =	vpush v9, $0x6;
	s0 =	spop (v2sf);
	(pc) =	sbr.rel @p0 .LBB2_91-.Ltmp47, $4  }
0x63e: {  	(v2sf) =	vpush v8, $0x6;
	[smem:s21+$0xF] =	sst s0;
	s0 =	spop (v2sf)  }
0x63f: {  	(v2sf) =	vpush v9, $0x7;
	[smem:s21+$0x18F] =	sst s0;
	s21 =	smov.u32 s23  }
0x640: {  	s0 =	spop (v2sf);
	(v2sf) =	vpush v8, $0x7  }
0x641: {  	s22 =	sadd.s32 $0x40, s22;
	[smem:s21] =	sst s0;
	s23 =	spop (v2sf);
	(v2sf) =	vpush v9, $0x8  }
0x642: {  	[smem:s21+$0x180] =	sst s23;
	s0 =	spop (v2sf);
	(v2sf) =	vpush v8, $0x8  }
0x643: {  	[smem:s21+$0x1] =	sst s0;
	s30 =	spop (v2sf);
	(v2sf) =	vpush v9, $0x9  }
0x644: {  	[smem:s21+$0x181] =	sst s30;
	s31 =	spop (v2sf);
	(v2sf) =	vpush v8, $0x9  }
0x645: {  	[smem:s21+$0x2] =	sst s31;
	s22 =	spop (v2sf);
	(v2sf) =	vpush v9, $0xA  }
0x646: {  	[smem:s21+$0x182] =	sst s22;
	s23 =	spop (v2sf);
	(v2sf) =	vpush v8, $0xA  }
0x647: {  	[smem:s21+$0x3] =	sst s23;
	s24 =	spop (v2sf);
	(v2sf) =	vpush v9, $0xB  }
0x648: {  	[smem:s21+$0x183] =	sst s24;
	s25 =	spop (v2sf);
	(v2sf) =	vpush v8, $0xB  }
0x649: {  	[smem:s21+$0x4] =	sst s25;
	s26 =	spop (v2sf);
	(v2sf) =	vpush v9, $0xC  }
0x64a: {  	[smem:s21+$0x184] =	sst s26;
	s28 =	spop (v2sf);
	(v2sf) =	vpush v8, $0xC  }
0x64b: {  	[smem:s21+$0x5] =	sst s28;
	s29 =	spop (v2sf);
	(v2sf) =	vpush v9, $0xD  }
0x64c: {  	[smem:s21+$0x185] =	sst s29;
	s30 =	spop (v2sf);
	(v2sf) =	vpush v8, $0xD  }
0x64d: {  	[smem:s21+$0x6] =	sst s30;
	s31 =	spop (v2sf);
	(v2sf) =	vpush v9, $0xE  }
0x64e: {  	[smem:s21+$0x186] =	sst s31;
	s22 =	spop (v2sf);
	(v2sf) =	vpush v8, $0xE  }
0x64f: {  	[smem:s21+$0x7] =	sst s22;
	s23 =	spop (v2sf);
	(v2sf) =	vpush v9, $0xF  }
0x650: {  	[smem:s21+$0x187] =	sst s23;
	s24 =	spop (v2sf);
	(v2sf) =	vpush v8, $0xF  }
0x651: {  	[smem:s21+$0x8] =	sst s24;
	s25 =	spop (v2sf)  }
0x652: {  	[smem:s21+$0x188] =	sst s25;
	s26 =	spop (v2sf)  }
0x653: {  	[smem:s21+$0x9] =	sst s26;
	s28 =	spop (v2sf)  }
0x654: {  	[smem:s21+$0x189] =	sst s28;
	s29 =	spop (v2sf)  }
0x655: {  	[smem:s21+$0xA] =	sst s29;
	s30 =	spop (v2sf)  }
0x656: {  	[smem:s21+$0x18A] =	sst s30;
	s31 =	spop (v2sf)  }
0x657: {  	[smem:s21+$0xB] =	sst s31;
	s22 =	spop (v2sf)  }
0x658: {  	[smem:s21+$0x18B] =	sst s22;
	s23 =	spop (v2sf)  }
0x659: {  	[smem:s21+$0xC] =	sst s23;
	s24 =	spop (v2sf)  }
0x65a: {  	[smem:s21+$0x18C] =	sst s24;
	s25 =	spop (v2sf)  }
0x65b: {  	[smem:s21+$0xD] =	sst s25;
	s26 =	spop (v2sf)  }
0x65c: {  	[smem:s21+$0x18D] =	sst s26;
	s28 =	spop (v2sf)  }
0x65d: {  	[smem:s21+$0xE] =	sst s28;
	s29 =	spop (v2sf)  }
0x65e: {  	[smem:s21+$0x18E] =	sst s29;
	s30 =	spop (v2sf)  }
0x65f: {  	[smem:s21+$0xF] =	sst s30;
	s31 =	spop (v2sf)  }
0x660: {  	[smem:s21+$0x18F] =	sst s31  }
.LBB2_93:
0x661: {  	s0 =	sshll.u32 s20, $0x4  }
0x662: {  	s0 =	sand.u32 $0x3FFFFFF0, s0  }
0x663: {  	v8 =	vld [tilespmem:s0+$0x17100];
	_ =	sdelay $0x6  }
0x664: {  	s31 =	simm.s32 $0x0  }
0x665: {  	v9 =	vld.idx.msk [tilespmem:v8+s31+$0x0], $0xffff;
	s0 =	sld [smem:$0x3]  }
0x666: {  	s21 =	sld [smem:$0x183]  }
0x667: {  	s28 =	sld [smem:$0x2]  }
0x668: {  	s22 =	sld [smem:$0x182]  }
0x669: {  	s23 =	sld [smem:$0x1]  }
0x66a: {  	s24 =	sld [smem:$0x181]  }
0x66b: {  	s25 =	sld [smem:$0x0]  }
0x66c: {  	v10 =	vimm.s32 $0x0;
	s26 =	sld [smem:$0x180]  }
0x66d: {  	v12 =	vmov s0;
	v13 =	vmov s21;
	s21 =	simm.s32 $0x10;
	v11 =	vmov s28  }
.LBB2_94:
0x66e: {  	p0 =	sne.s32 s21, $0x4B0;
	v14 =	vmov s23;
	v15 =	vmov s24;
	v16 =	vmov s22  }
0x66f: {  	v17 =	vmov s25;
	vm1 =	vgt.s32 v12, v9;
	v18 =	vmov s26  }
0x670: {  	s0 =	sshra.s32 s21, $0x2;
	vm2 =	vgt.s32 v11, v9;
	vm3 =	veq.s32 v12, v9;
	vm4 =	vlt.s32 v13, v8  }
0x671: {  	vm6 =	veq.s32 v11, v9;
	vm5 =	vgt.s32 v14, v9;
	vm7 =	vlt.s32 v16, v8;
	s28 =	sld [smem:s0+$0x3]  }
0x672: {  	vm8 =	vgt.s32 v17, v9;
	vm9 =	veq.s32 v17, v9;
	vm10 =	vlt.s32 v18, v8;
	s29 =	sld [smem:s0+$0x183]  }
0x673: {  	vm11 =	vlt.s32 v15, v8;
	vm9 =	vmand vm9, vm10;
	vm10 =	veq.s32 v14, v9;
	s30 =	sld [smem:s0+$0x2]  }
0x674: {  	vm3 =	vmand vm3, vm4;
	vm8 =	vmor vm8, vm9;
	vm9 =	vmand vm10, vm11;
	s22 =	sld [smem:s0+$0x182]  }
.Ltmp48:
0x675: {  	v11 =	vsel vm8, $0x1, v1;
	vm4 =	vmor vm5, vm9;
	vm5 =	vmand vm6, vm7;
	s23 =	sld [smem:s0+$0x1];
	(pc) =	sbr.rel @p0 .LBB2_94-.Ltmp48, $4  }
0x676: {  	v10 =	vadd.s32 v11, v10;
	v11 =	vsel vm4, $0x1, v1;
	vm2 =	vmor vm2, vm5;
	s24 =	sld [smem:s0+$0x181]  }
0x677: {  	vm1 =	vmor vm1, vm3;
	v10 =	vadd.s32 v11, v10;
	v11 =	vsel vm2, $0x1, v1;
	s25 =	sld [smem:s0+$0x0]  }
0x678: {  	v14 =	vsel vm1, $0x1, v1;
	v12 =	vmov s28;
	v10 =	vadd.s32 v11, v10;
	s26 =	sld [smem:s0+$0x180]  }
0x679: {  	s21 =	sadd.s32 $0x10, s21;
	v13 =	vmov s29;
	v11 =	vmov s30;
	v10 =	vadd.s32 v14, v10  }
0x67a: {  	v14 =	vmov s23;
	v15 =	vmov s24  }
0x67b: {  	v16 =	vmov s22;
	v17 =	vmov s25;
	vm1 =	vgt.s32 v12, v9  }
0x67c: {  	vm2 =	vgt.s32 v11, v9;
	vm3 =	veq.s32 v12, v9;
	vm4 =	vlt.s32 v13, v8  }
0x67d: {  	v51 =	vcvt.s32.f32 v8;
	vm12 =	veq.s32 v11, v9;
	v18 =	vmov s26  }
0x67e: {  	vm5 =	veq.s32 v17, v9;
	vm7 =	vgt.s32 v14, v9;
	vm8 =	vlt.s32 v16, v8  }
0x67f: {  	vm9 =	vgt.s32 v17, v9;
	vm10 =	veq.s32 v14, v9;
	vm11 =	vlt.s32 v15, v8  }
0x680: {  	vm3 =	vmand vm3, vm4;
	vm6 =	vlt.s32 v18, v8;
	v52 =	vadd.f32 $5.000000000e-01, v51  }
0x681: {  	vm13 =	vmand vm10, vm11;
	vm15 =	vmand vm12, vm8;
	vm5 =	vmand vm5, vm6  }
0x682: {  	vm1 =	vmor vm1, vm3;
	vm5 =	vmor vm9, vm5;
	v11 =	vmul.f32 $1.098901130e-02, v52  }
0x683: {  	vm14 =	vmor vm7, vm13;
	vm2 =	vmor vm2, vm15;
	v53 =	vsel vm5, $0x1, v1  }
0x684: {  	v54 =	vsel vm14, $0x1, v1;
	v10 =	vadd.s32 v53, v10;
	v11 =	vtrunc.f32 v11  }
0x685: {  	v55 =	vsel vm2, $0x1, v1;
	v10 =	vadd.s32 v54, v10;
	v11 =	vcvt.f32.s32 v11  }
0x686: {  	v56 =	vsel vm1, $0x1, v1;
	v10 =	vadd.s32 v55, v10  }
0x687: {  	v10 =	vadd.s32 v56, v10;
	vm1 =	vlt.s32 v11, $0x383  }
0x688: {  	v11 =	vnsel vm1, $0x383, v11  }
0x689: {  	v57 =	vshll.u32 v11, $0x2  }
0x68a: {  	v11 =	vmul.u32 $0xFFFFFFA5, v11;
	_ =	sdelay $0x1  }
0x68b: {  	v8 =	vadd.s32 v8, v11;
	[tilespmem:v10+s16+$0x0] =	vst.idx.msk $0xffff, v9  }
0x68c: {  	[tilespmem:v10+s17+$0x0] =	vst.idx.msk $0xffff, v8  }
0x68d: {  	v8 =	vld.idx.msk [tilespmem:v57+s12+$0x0], $0xffff  }
0x68e: {  	v58 =	vor.u32 $0x1, v57;
	_ =	sdelay $0x3  }
0x68f: {  	[tilespmem:v10+s18+$0x0] =	vst.idx.msk $0xffff, v8  }
0x690: {  	v59 =	vadd.s32 $0x130, v10;
	v8 =	vld.idx.msk [tilespmem:v58+s12+$0x0], $0xffff  }
0x691: {  	v60 =	vor.u32 $0x2, v57;
	_ =	sdelay $0x3  }
0x692: {  	[tilespmem:v59+s18+$0x0] =	vst.idx.msk $0xffff, v8  }
0x693: {  	v61 =	vadd.s32 $0x260, v10;
	v8 =	vld.idx.msk [tilespmem:v60+s12+$0x0], $0xffff  }
0x694: {  	v62 =	vor.u32 $0x3, v57;
	_ =	sdelay $0x3  }
0x695: {  	s20 =	sadd.s32 $0x1, s20;
	[tilespmem:v61+s18+$0x0] =	vst.idx.msk $0xffff, v8  }
0x696: {  	p0 =	sne.s32 s20, $0x13;
	v63 =	vadd.s32 $0x390, v10;
	v8 =	vld.idx.msk [tilespmem:v62+s12+$0x0], $0xffff  }
.Ltmp49:
0x697: {  	_ = 	snop;
	(pc) =	sbr.rel @p0 .LBB2_93-.Ltmp49, $2  }
0x698: {  	_ =	sdelay $0x2  }
0x699: {  	[tilespmem:v63+s18+$0x0] =	vst.idx.msk $0xffff, v8  }
0x69a: {  	[hbm4b:s5+s10] =	stream.strided.scatter [tilespmem:s16], [sflag:$0x1], $0x180, s11, s10, $0x38;
	[tilespmem:$0x19580] =	vst v63  }
0x69b: {  	_ =	swait.ge [sflag:s9], $0x180  }
0x69c: {  	[sflag:s9] =	ssyncset.done $0x0  }
0x69d: {  	[sflag:s9] =	ssyncadd.s32 $0xFFFFFE80  }
0x69e: {  	[hbm4b:s6+s10] =	stream.strided.scatter [tilespmem:s17], [sflag:$0x1], $0x180, s11, s10, $0x38;
	[tilespmem:$0x19580] =	vst v63  }
0x69f: {  	_ =	swait.ge [sflag:s9], $0x180  }
0x6a0: {  	s19 =	sadd.s32 $0x1, s19;
	[sflag:s9] =	ssyncset.done $0x0  }
0x6a1: {  	p0 =	sne.s32 s19, s8;
	[sflag:s9] =	ssyncadd.s32 $0xFFFFFE80  }
0x6a2: {  	[hbm4b:s7+s10] =	stream.strided.scatter [tilespmem:s18], [sflag:$0x1], $0x500, s11, s10, $0x38;
	[tilespmem:$0x19580] =	vst v63  }
.Ltmp50:
0x6a3: {  	_ = 	snop;
	(pc) =	sbr.rel @p0 .LBB2_1-.Ltmp50, $4  }
.Ltmp51:
0x6a4: {  	_ = 	snop;
	(pc) =	sbr.rel @!p0 .LBB2_97-.Ltmp51, $4  }
0x6a5: {  	_ =	swait.ge [sflag:s9], $0x500  }
0x6a6: {  	[sflag:s9] =	ssyncset.done $0x0  }
0x6a7: {  	[sflag:s9] =	ssyncadd.s32 $0xFFFFFB00  }
0x6a8: {  	_ = 	snop  }
.LBB2_49:
.Ltmp52:
0x6a9: {  	(pc) =	sbr.rel .LBB2_53-.Ltmp52, $2  }
0x6aa: {  	_ =	sdelay $0x2  }
0x6ab: {  	s24 =	smov.u32 s21;
	s29 =	simm.s32 $0x0;
	s30 =	simm.s32 $0x0  }
.LBB2_51:
.Ltmp53:
0x6ac: {  	(pc) =	sbr.rel .LBB2_53-.Ltmp53, $2  }
0x6ad: {  	_ =	sdelay $0x2  }
0x6ae: {  	s24 =	smov.u32 s21;
	s29 =	simm.s32 $0x0;
	s30 =	simm.s32 $0x0  }
.LBB2_97:
0x6af: {  	_ =	sfence.sel $0x180000  }
0x6b0: {  	[bflag:$0x0] =	sbarrier.arrive $0xFFFF  }
0x6b1: {  	_ =	strace $0x90000047  }
0x6b2: {  	[bflag:$0x2] =	sbarrier.arrive $0xFFFF  }
0x6b3: {  	p0 =	sne.s32 s1, $0x0;
	s0 =	rddreg [dreg:$0x4]  }
0x6b4: {  	s0 =	sadd.s32 @!p0 $0x100000, s0  }
0x6b5: {  	[sflag:s0] =	ssyncadd.tile.s32 @!p0 $0x1;
	_ =	shalt  }
.Lfunc_end2:
_tile_overlayer_lowered:
.L_overlay_start_2:
0x6b6: {  	(tag) =	ssettag $0x2  }
0x6b7: {  	s0 =	rddreg [dreg:$0x0];
	s2 =	stileid.u32  }
0x6b8: {  	s1 =	rddreg [dreg:$0x1];
	p0 =	sne.s32 s2, $0x0  }
0x6b9: {  	s3 =	rddreg [dreg:$0x2];
	[bflag:$0x3] =	sbarrier.arrive $0xFFFF;
	s2 =	simm.s32 @!p0 $0x1C01  }
0x6ba: {  	[timem:s3], [sflag:s2] =	dma.local @!p0 [hbm:s0], s1  }
0x6bb: {  	s0 =	simm.s32 @!p0 $0x1  }
0x6bc: {  	_ =	swait.ge @!p0 [sflag:s0], s1  }
0x6bd: {  	s1 =	ssub.s32 @!p0 $0x0, s1;
	[sflag:s0] =	ssyncset.done @!p0 $0x0  }
0x6be: {  	[sflag:s0] =	ssyncadd.s32 @!p0 s1  }
0x6bf: {  	[bflag:$0x3] =	sbarrier.arrive $0xFFFF  }
0x6c0: {  	_ =	shalt  }

</sc_bundles>
